<compile_context>
chip_gen: v7x
topology: tpu7x:2x2x1
jax: 0.10.2.dev20260603
libtpu: 0.0.44.dev20260713+nightly
codegen_flags: <defaults>
</compile_context>

<pallas_src>
import functools

import jax
import jax.numpy as jnp
from jax import lax
from jax.experimental import pallas as pl
from jax.experimental.pallas import tpu as pltpu
from jax.experimental.pallas import tpu_sc as plsc

_NC = 2
_NS = 16
_LANES = 128
_F0 = 0.75


@functools.lru_cache(maxsize=None)
def _make_deg_pass(nch, n_pad_deg):
  mesh = plsc.VectorSubcoreMesh(core_axis_name="c", subcore_axis_name="s")
  dpt = n_pad_deg // _NS

  def body(dst_hbm, deg_out, dst_v, ones_v, dzero, deg_sh):
    c = lax.axis_index("c")
    s = lax.axis_index("s")
    w = s * _NC + c

    for k in range(_LANES // 16):
      ones_v[pl.ds(16 * k, 16)] = jnp.ones((16,), jnp.float32)
    for k in range(dpt // 16):
      dzero[pl.ds(16 * k, 16)] = jnp.zeros((16,), jnp.float32)
    pltpu.sync_copy(dzero, deg_sh.at[pl.ds(s * dpt, dpt)])
    plsc.subcore_barrier()

    pltpu.sync_copy(dst_hbm.at[pl.ds(pl.multiple_of(w * nch, 8), nch)], dst_v)

    def step(j, carry):
      pltpu.sync_copy(ones_v, deg_sh.at[dst_v.at[j]], add=True)
      return carry
    lax.fori_loop(0, nch, step, 0)

    plsc.subcore_barrier()
    pltpu.sync_copy(deg_sh.at[pl.ds(s * dpt, dpt)],
                    deg_out.at[pl.ds(c * n_pad_deg + s * dpt, dpt)])

  return pl.kernel(
      body,
      out_type=jax.ShapeDtypeStruct((_NC * n_pad_deg,), jnp.float32),
      mesh=mesh,
      scratch_types=[
          pltpu.VMEM((nch, _LANES), jnp.int32),
          pltpu.VMEM((_LANES,), jnp.float32),
          pltpu.VMEM((dpt,), jnp.float32),
          pltpu.VMEM_SHARED((n_pad_deg,), jnp.float32),
      ],
  )


@functools.lru_cache(maxsize=None)
def _make_sc_pass(nch0, nch1, n_pad):
  mesh = plsc.VectorSubcoreMesh(core_axis_name="c", subcore_axis_name="s")
  rpt = n_pad // _NS
  grp = 8
  tot = nch0 + nch1
  nmax = max(nch0, nch1)

  def body(x_hbm, src_hbm, dst_hbm, part_out, src_v, dst_g, rows0, rows1,
           acc_sh, sem0, sem1, ssem0, ssem1):
    c = lax.axis_index("c")
    s = lax.axis_index("s")
    base = pl.multiple_of(s * tot + c * nch0, 8)

    def zrow(i, carry):
      for k in range(128 // 16):
        rows0[i, pl.ds(16 * k, 16)] = jnp.zeros((16,), jnp.float32)
      return carry
    lax.fori_loop(0, _LANES, zrow, 0)

    off = s * rpt
    nfull = rpt // _LANES
    rem = rpt - nfull * _LANES
    for t in range(nfull):
      pltpu.sync_copy(rows0, acc_sh.at[pl.ds(off + t * _LANES, _LANES)])
    if rem:
      pltpu.sync_copy(rows0.at[pl.ds(0, rem)],
                      acc_sh.at[pl.ds(off + nfull * _LANES, rem)])

    plsc.subcore_barrier()

    pltpu.sync_copy(src_hbm.at[pl.ds(base, nmax)], src_v)
    pltpu.sync_copy(dst_hbm.at[pl.ds(base, grp)], dst_g)
    pltpu.async_copy(x_hbm.at[src_v.at[0]], rows0, sem0)
    pltpu.async_copy(x_hbm.at[src_v.at[1]], rows1, sem1)

    def run(cnt):
      def pair(jj, carry):
        j0 = 2 * jj
        j1 = j0 + 1

        @pl.when(jnp.logical_and(lax.rem(j0, grp) == 0, jj != 0))
        def _():
          g = lax.div(j0, grp)
          pltpu.sync_copy(
              dst_hbm.at[pl.ds(pl.multiple_of(base + g * grp, 8), grp)],
              dst_g)

        r0 = lax.rem(j0, grp)
        pltpu.make_async_copy(x_hbm.at[src_v.at[j0]], rows0, sem0).wait()
        pltpu.async_copy(rows0, acc_sh.at[dst_g.at[r0]], ssem0, add=True)
        pltpu.make_async_copy(x_hbm.at[src_v.at[j1]], rows1, sem1).wait()
        pltpu.async_copy(rows1, acc_sh.at[dst_g.at[r0 + 1]], ssem1,
                         add=True)
        jn0 = jnp.minimum(j0 + 2, cnt - 1)
        jn1 = jnp.minimum(j1 + 2, cnt - 1)
        pltpu.make_async_copy(rows0, acc_sh.at[dst_g.at[r0]], ssem0).wait()
        pltpu.async_copy(x_hbm.at[src_v.at[jn0]], rows0, sem0)
        pltpu.make_async_copy(rows1, acc_sh.at[dst_g.at[r0 + 1]],
                              ssem1).wait()
        pltpu.async_copy(x_hbm.at[src_v.at[jn1]], rows1, sem1)
        return carry
      lax.fori_loop(0, cnt // 2, pair, 0)

      pltpu.make_async_copy(x_hbm.at[src_v.at[cnt - 1]], rows0, sem0).wait()
      pltpu.make_async_copy(x_hbm.at[src_v.at[cnt - 1]], rows1, sem1).wait()

    @pl.when(c == 0)
    def _():
      run(nch0)

    @pl.when(c == 1)
    def _():
      run(nch1)

    plsc.subcore_barrier()

    pltpu.sync_copy(acc_sh.at[pl.ds(s * rpt, rpt)],
                    part_out.at[c, pl.ds(s * rpt, rpt)])

  return pl.kernel(
      body,
      out_type=jax.ShapeDtypeStruct((_NC, n_pad, 128), jnp.float32),
      mesh=mesh,
      scratch_types=[
          pltpu.VMEM((nmax, _LANES), jnp.int32),
          pltpu.VMEM((grp, _LANES), jnp.int32),
          pltpu.VMEM((_LANES, 128), jnp.float32),
          pltpu.VMEM((_LANES, 128), jnp.float32),
          pltpu.VMEM_SHARED((n_pad, 128), jnp.float32),
          pltpu.SemaphoreType.DMA,
          pltpu.SemaphoreType.DMA,
          pltpu.SemaphoreType.DMA,
          pltpu.SemaphoreType.DMA,
      ],
  )


@functools.lru_cache(maxsize=None)
def _make_tc_stage(n, blk, residual):
  grid = (n // blk,)

  def body(part_ref, degp_ref, w_ref, b_ref, *rest):
    if residual:
      x_ref, out_ref = rest
    else:
      (out_ref,) = rest
    p = part_ref[0] + part_ref[1]
    deg = degp_ref[0] + degp_ref[1]
    dinv = 1.0 / jnp.maximum(deg, 1.0)
    h = jnp.dot(p * dinv, w_ref[...],
                preferred_element_type=jnp.float32) + b_ref[...]
    if residual:
      h = h + x_ref[...]
    out_ref[...] = jnp.maximum(h, 0.0)

  in_specs = [
      pl.BlockSpec((_NC, blk, 128), lambda i: (0, i, 0)),
      pl.BlockSpec((_NC, blk, 1), lambda i: (0, i, 0)),
      pl.BlockSpec((128, 128), lambda i: (0, 0)),
      pl.BlockSpec((1, 128), lambda i: (0, 0)),
  ]
  if residual:
    in_specs.append(pl.BlockSpec((blk, 128), lambda i: (i, 0)))

  return pl.pallas_call(
      body,
      grid=grid,
      in_specs=in_specs,
      out_specs=pl.BlockSpec((blk, 128), lambda i: (i, 0)),
      out_shape=jax.ShapeDtypeStruct((n, 128), jnp.float32),
  )


def kernel(x, edge_index, W1_0, b1_0, W2_0, b2_0, W1_1, b1_1, W2_1, b2_1):
  n, d = x.shape
  e = edge_index.shape[1]
  assert d == 128

  tot = 16 * (-(-e // (_NS * _LANES * 16)))
  nch0 = 8 * int(round(tot * _F0 / 8))
  nch0 = min(max(nch0, 8), tot - 8)
  nch1 = tot - nch0
  rows_needed = (_NS - 1) * tot + nch0 + max(nch0, nch1)
  e_pad = max(_NS * tot, rows_needed) * _LANES
  n_pad = 128 * (-(-(n + 1) // 128))
  n_pad_deg = _NS * (16 * (-(-(n_pad // _NS) // 16)))
  nch_deg = tot // 2

  pad = e_pad - e
  src = jnp.concatenate(
      [edge_index[0], jnp.zeros((pad,), jnp.int32)]).reshape(-1, _LANES)
  dst = jnp.concatenate(
      [edge_index[1], jnp.full((pad,), n, jnp.int32)]).reshape(-1, _LANES)

  sc_deg = _make_deg_pass(nch_deg, n_pad_deg)
  sc_seg = _make_sc_pass(nch0, nch1, n_pad)

  blk = 2000 if n % 2000 == 0 else (1000 if n % 1000 == 0 else 8 * (n // 8))
  tc_mid = _make_tc_stage(n, blk, False)
  tc_res = _make_tc_stage(n, blk, True)

  degp = sc_deg(dst)
  degp3 = degp.reshape(_NC, n_pad_deg, 1)

  part1 = sc_seg(x, src, dst)
  h = tc_mid(part1, degp3, W1_0, b1_0.reshape(1, 128))
  part2 = sc_seg(h, src, dst)
  x1 = tc_res(part2, degp3, W2_0, b2_0.reshape(1, 128), x)

  part3 = sc_seg(x1, src, dst)
  h2 = tc_mid(part3, degp3, W1_1, b1_1.reshape(1, 128))
  part4 = sc_seg(h2, src, dst)
  x2 = tc_res(part4, degp3, W2_1, b2_1.reshape(1, 128), x1)

  return (x2, edge_index)

# --- scband reference (transcript-rebuilt; emitter-appended) ---
"""Pipeline reference for scband-gem-encoder-block-77713138253980 (READ-ONLY COPY).

The authoritative reference and input builder live on the scoring server;
editing this copy changes nothing except your own understanding.
"""

import jax, jax.numpy as jnp
import numpy as np

N = 10000
E = 320000
D = 128


def setup_inputs(seed: int = 0) -> dict:
    key = jax.random.key(seed)
    ks = jax.random.split(key, 10)
    x = jax.random.normal(ks[0], (N, D), dtype=jnp.float32)
    rng = np.random.default_rng(0)
    edge_index = jnp.asarray(rng.integers(0, N, size=(2, E)), dtype=jnp.int32)
    s = 1.0 / np.sqrt(D)
    inp = {"x": x, "edge_index": edge_index}
    for i in range(2):
        inp[f"W1_{i}"] = jax.random.normal(ks[1 + 4 * i], (D, D), dtype=jnp.float32) * s
        inp[f"b1_{i}"] = jnp.zeros((D,), dtype=jnp.float32)
        inp[f"W2_{i}"] = jax.random.normal(ks[2 + 4 * i], (D, D), dtype=jnp.float32) * s
        inp[f"b2_{i}"] = jnp.zeros((D,), dtype=jnp.float32)
    return inp


def _gem_resnet_block(x, src, dst, deg_inv, W1, b1, W2, b2):
    # conv1: gather source node features, scatter-add to dst, degree-normalize, linear, relu
    h = jax.ops.segment_sum(jnp.take(x, src, axis=0), dst, num_segments=x.shape[0])
    h = jax.nn.relu((h * deg_inv) @ W1 + b1)
    # conv2: second message-passing step
    h2 = jax.ops.segment_sum(jnp.take(h, src, axis=0), dst, num_segments=x.shape[0])
    h2 = (h2 * deg_inv) @ W2 + b2
    # residual connection (ch_in == ch_out, identity skip)
    return jax.nn.relu(h2 + x)


def reference(x, edge_index, W1_0, b1_0, W2_0, b2_0, W1_1, b1_1, W2_1, b2_1):
    src = edge_index[0]
    dst = edge_index[1]
    n = x.shape[0]
    deg = jax.ops.segment_sum(jnp.ones((src.shape[0],), dtype=jnp.float32), dst, num_segments=n)
    deg_inv = (1.0 / jnp.clip(deg, 1.0))[:, None]
    x = _gem_resnet_block(x, src, dst, deg_inv, W1_0, b1_0, W2_0, b2_0)
    x = _gem_resnet_block(x, src, dst, deg_inv, W1_1, b1_1, W2_1, b2_1)
    return (x, edge_index)

if __name__ == "__main__":
    import jax
    _d = setup_inputs()
    print(jax.jit(kernel)(*tuple(_d.values())))

</pallas_src>

<mosaic_0001>
#map = affine_map<(d0, d1) -> (0, 0)>
#map1 = affine_map<(d0, d1) -> (0, 0, 0)>
module attributes {stable_mosaic.version = 14 : i64} {
  func.func @body(%arg0: i32, %arg1: i32, %arg2: memref<10000x128xf32, #tpu.memory_space<hbm>>, %arg3: memref<2640x128xi32, #tpu.memory_space<hbm>>, %arg4: memref<2640x128xi32, #tpu.memory_space<hbm>>, %arg5: memref<2x10112x128xf32, #tpu.memory_space<hbm>>, %arg6: memref<120x128xi32, #tpu.memory_space<vmem>>, %arg7: memref<8x128xi32, #tpu.memory_space<vmem>>, %arg8: memref<128x128xf32, #tpu.memory_space<vmem>>, %arg9: memref<128x128xf32, #tpu.memory_space<vmem>>, %arg10: memref<10112x128xf32, #tpu.memory_space<vmem_shared>>, %arg11: memref<!tpu.dma_semaphore, #tpu.memory_space<semaphore_mem>>, %arg12: memref<!tpu.dma_semaphore, #tpu.memory_space<semaphore_mem>>, %arg13: memref<!tpu.dma_semaphore, #tpu.memory_space<semaphore_mem>>, %arg14: memref<!tpu.dma_semaphore, #tpu.memory_space<semaphore_mem>>) attributes {dimension_semantics = [#tpu.dimension_semantics<core_parallel>, #tpu.dimension_semantics<subcore_parallel>], iteration_bounds = array<i64: 2, 16>, scalar_prefetch = 0 : i64, scratch_operands = 9 : i64, tpu.core_type = #tpu.core_type<sc_vector_subcore>, window_params = [{transform_indices = #map}, {transform_indices = #map}, {transform_indices = #map}, {transform_indices = #map1}]} {
    %mul3A = arith.constant 160 : i32
    %mul3A_0 = arith.muli %arg1, %mul3A : i32
    %mul3A_1 = arith.constant 120 : i32
    %mul3A_2 = arith.muli %arg0, %mul3A_1 : i32
    %add3A = arith.addi %mul3A_0, %mul3A_2 : i32
    %multiple_of3A = tpu.assume_multiple %add3A, 8 : i32
    %scan3A = arith.constant 0 : i32
    %scan3A_3 = arith.constant 0 : i32
    %scan3A_4 = arith.constant 128 : i32
    %scan3A_5 = arith.addi %scan3A_3, %scan3A_4 : i32
    %scan3A_6 = arith.constant 1 : i32
    scf.for %scan3A_45 = %scan3A_3 to %scan3A_5 step %scan3A_6  : i32 {
      %broadcast_in_dim3A = arith.constant 0.000000e+00 : f32
      %broadcast_in_dim3A_46 = vector.broadcast %broadcast_in_dim3A : f32 to vector<16xf32>
      %swap3A = arith.index_cast %scan3A_45 : i32 to index
      %swap3A_47 = arith.constant 0 : index
      %swap3A_48 = tpu.vector_load %arg8[%swap3A, %swap3A_47] {strides = array<i32>} : memref<128x128xf32, #tpu.memory_space<vmem>>, vector<1x16xf32>,
      %swap3A_49 = vector.shape_cast %swap3A_48 : vector<1x16xf32> to vector<16xf32>
      %swap3A_50 = vector.shape_cast %broadcast_in_dim3A_46 : vector<16xf32> to vector<1x16xf32>
      tpu.vector_store %arg8[%swap3A, %swap3A_47], %swap3A_50 {strides = array<i32>} : memref<128x128xf32, #tpu.memory_space<vmem>>, vector<1x16xf32>,
      %broadcast_in_dim3A_51 = arith.constant 0.000000e+00 : f32
      %broadcast_in_dim3A_52 = vector.broadcast %broadcast_in_dim3A_51 : f32 to vector<16xf32>
      %swap3A_53 = arith.index_cast %scan3A_45 : i32 to index
      %swap3A_54 = arith.constant 16 : index
      %swap3A_55 = tpu.vector_load %arg8[%swap3A_53, %swap3A_54] {strides = array<i32>} : memref<128x128xf32, #tpu.memory_space<vmem>>, vector<1x16xf32>,
      %swap3A_56 = vector.shape_cast %swap3A_55 : vector<1x16xf32> to vector<16xf32>
      %swap3A_57 = vector.shape_cast %broadcast_in_dim3A_52 : vector<16xf32> to vector<1x16xf32>
      tpu.vector_store %arg8[%swap3A_53, %swap3A_54], %swap3A_57 {strides = array<i32>} : memref<128x128xf32, #tpu.memory_space<vmem>>, vector<1x16xf32>,
      %broadcast_in_dim3A_58 = arith.constant 0.000000e+00 : f32
      %broadcast_in_dim3A_59 = vector.broadcast %broadcast_in_dim3A_58 : f32 to vector<16xf32>
      %swap3A_60 = arith.index_cast %scan3A_45 : i32 to index
      %swap3A_61 = arith.constant 32 : index
      %swap3A_62 = tpu.vector_load %arg8[%swap3A_60, %swap3A_61] {strides = array<i32>} : memref<128x128xf32, #tpu.memory_space<vmem>>, vector<1x16xf32>,
      %swap3A_63 = vector.shape_cast %swap3A_62 : vector<1x16xf32> to vector<16xf32>
      %swap3A_64 = vector.shape_cast %broadcast_in_dim3A_59 : vector<16xf32> to vector<1x16xf32>
      tpu.vector_store %arg8[%swap3A_60, %swap3A_61], %swap3A_64 {strides = array<i32>} : memref<128x128xf32, #tpu.memory_space<vmem>>, vector<1x16xf32>,
      %broadcast_in_dim3A_65 = arith.constant 0.000000e+00 : f32
      %broadcast_in_dim3A_66 = vector.broadcast %broadcast_in_dim3A_65 : f32 to vector<16xf32>
      %swap3A_67 = arith.index_cast %scan3A_45 : i32 to index
      %swap3A_68 = arith.constant 48 : index
      %swap3A_69 = tpu.vector_load %arg8[%swap3A_67, %swap3A_68] {strides = array<i32>} : memref<128x128xf32, #tpu.memory_space<vmem>>, vector<1x16xf32>,
      %swap3A_70 = vector.shape_cast %swap3A_69 : vector<1x16xf32> to vector<16xf32>
      %swap3A_71 = vector.shape_cast %broadcast_in_dim3A_66 : vector<16xf32> to vector<1x16xf32>
      tpu.vector_store %arg8[%swap3A_67, %swap3A_68], %swap3A_71 {strides = array<i32>} : memref<128x128xf32, #tpu.memory_space<vmem>>, vector<1x16xf32>,
      %broadcast_in_dim3A_72 = arith.constant 0.000000e+00 : f32
      %broadcast_in_dim3A_73 = vector.broadcast %broadcast_in_dim3A_72 : f32 to vector<16xf32>
      %swap3A_74 = arith.index_cast %scan3A_45 : i32 to index
      %swap3A_75 = arith.constant 64 : index
      %swap3A_76 = tpu.vector_load %arg8[%swap3A_74, %swap3A_75] {strides = array<i32>} : memref<128x128xf32, #tpu.memory_space<vmem>>, vector<1x16xf32>,
      %swap3A_77 = vector.shape_cast %swap3A_76 : vector<1x16xf32> to vector<16xf32>
      %swap3A_78 = vector.shape_cast %broadcast_in_dim3A_73 : vector<16xf32> to vector<1x16xf32>
      tpu.vector_store %arg8[%swap3A_74, %swap3A_75], %swap3A_78 {strides = array<i32>} : memref<128x128xf32, #tpu.memory_space<vmem>>, vector<1x16xf32>,
      %broadcast_in_dim3A_79 = arith.constant 0.000000e+00 : f32
      %broadcast_in_dim3A_80 = vector.broadcast %broadcast_in_dim3A_79 : f32 to vector<16xf32>
      %swap3A_81 = arith.index_cast %scan3A_45 : i32 to index
      %swap3A_82 = arith.constant 80 : index
      %swap3A_83 = tpu.vector_load %arg8[%swap3A_81, %swap3A_82] {strides = array<i32>} : memref<128x128xf32, #tpu.memory_space<vmem>>, vector<1x16xf32>,
      %swap3A_84 = vector.shape_cast %swap3A_83 : vector<1x16xf32> to vector<16xf32>
      %swap3A_85 = vector.shape_cast %broadcast_in_dim3A_80 : vector<16xf32> to vector<1x16xf32>
      tpu.vector_store %arg8[%swap3A_81, %swap3A_82], %swap3A_85 {strides = array<i32>} : memref<128x128xf32, #tpu.memory_space<vmem>>, vector<1x16xf32>,
      %broadcast_in_dim3A_86 = arith.constant 0.000000e+00 : f32
      %broadcast_in_dim3A_87 = vector.broadcast %broadcast_in_dim3A_86 : f32 to vector<16xf32>
      %swap3A_88 = arith.index_cast %scan3A_45 : i32 to index
      %swap3A_89 = arith.constant 96 : index
      %swap3A_90 = tpu.vector_load %arg8[%swap3A_88, %swap3A_89] {strides = array<i32>} : memref<128x128xf32, #tpu.memory_space<vmem>>, vector<1x16xf32>,
      %swap3A_91 = vector.shape_cast %swap3A_90 : vector<1x16xf32> to vector<16xf32>
      %swap3A_92 = vector.shape_cast %broadcast_in_dim3A_87 : vector<16xf32> to vector<1x16xf32>
      tpu.vector_store %arg8[%swap3A_88, %swap3A_89], %swap3A_92 {strides = array<i32>} : memref<128x128xf32, #tpu.memory_space<vmem>>, vector<1x16xf32>,
      %broadcast_in_dim3A_93 = arith.constant 0.000000e+00 : f32
      %broadcast_in_dim3A_94 = vector.broadcast %broadcast_in_dim3A_93 : f32 to vector<16xf32>
      %swap3A_95 = arith.index_cast %scan3A_45 : i32 to index
      %swap3A_96 = arith.constant 112 : index
      %swap3A_97 = tpu.vector_load %arg8[%swap3A_95, %swap3A_96] {strides = array<i32>} : memref<128x128xf32, #tpu.memory_space<vmem>>, vector<1x16xf32>,
      %swap3A_98 = vector.shape_cast %swap3A_97 : vector<1x16xf32> to vector<16xf32>
      %swap3A_99 = vector.shape_cast %broadcast_in_dim3A_94 : vector<16xf32> to vector<1x16xf32>
      tpu.vector_store %arg8[%swap3A_95, %swap3A_96], %swap3A_99 {strides = array<i32>} : memref<128x128xf32, #tpu.memory_space<vmem>>, vector<1x16xf32>,
    }
    %scan3A_7 = arith.constant 128 : i32
    %mul3A_8 = arith.constant 632 : i32
    %mul3A_9 = arith.muli %arg1, %mul3A_8 : i32
    %add3A_10 = arith.constant 0 : i32
    %add3A_11 = arith.addi %mul3A_9, %add3A_10 : i32
    "tpu.region"() ({
      %run_scoped3A = tpu.sem_alloc : memref<!tpu.dma_semaphore, #tpu.memory_space<semaphore_mem>>
      %dma_start3A_45 = arith.constant 0 : i32
      %dma_start3A_46 = tpu.memref_slice %arg10[%add3A_11, %dma_start3A_45] : memref<10112x128xf32, #tpu.memory_space<vmem_shared>> -> memref<128x128xf32, #tpu.memory_space<vmem_shared>>
      %dma_start3A_47 = arith.constant 0 : i32
      %dma_start3A_48 = tpu.memref_slice %arg10[%add3A_11, %dma_start3A_47] : memref<10112x128xf32, #tpu.memory_space<vmem_shared>> -> memref<128x128xf32, #tpu.memory_space<vmem_shared>>
      tpu.enqueue_dma source(%arg8 : memref<128x128xf32, #tpu.memory_space<vmem>>) target(%dma_start3A_48 : memref<128x128xf32, #tpu.memory_space<vmem_shared>>) target_semaphore(%run_scoped3A : memref<!tpu.dma_semaphore, #tpu.memory_space<semaphore_mem>>)
      %dma_wait3A = arith.constant 0 : i32
      %dma_wait3A_49 = tpu.memref_slice %arg10[%add3A_11, %dma_wait3A] : memref<10112x128xf32, #tpu.memory_space<vmem_shared>> -> memref<128x128xf32, #tpu.memory_space<vmem_shared>>
      %dma_wait3A_50 = arith.constant 0 : i32
      %dma_wait3A_51 = tpu.memref_slice %arg10[%add3A_11, %dma_wait3A_50] : memref<10112x128xf32, #tpu.memory_space<vmem_shared>> -> memref<128x128xf32, #tpu.memory_space<vmem_shared>>
      tpu.wait_dma2 semaphore(%run_scoped3A : memref<!tpu.dma_semaphore, #tpu.memory_space<semaphore_mem>>) src(%arg8 : memref<128x128xf32, #tpu.memory_space<vmem>>) dst(%dma_wait3A_51 : memref<128x128xf32, #tpu.memory_space<vmem_shared>>)
      tpu.yield
    }) : () -> ()
    %add3A_12 = arith.constant 128 : i32
    %add3A_13 = arith.addi %mul3A_9, %add3A_12 : i32
    "tpu.region"() ({
      %run_scoped3A = tpu.sem_alloc : memref<!tpu.dma_semaphore, #tpu.memory_space<semaphore_mem>>
      %dma_start3A_45 = arith.constant 0 : i32
      %dma_start3A_46 = tpu.memref_slice %arg10[%add3A_13, %dma_start3A_45] : memref<10112x128xf32, #tpu.memory_space<vmem_shared>> -> memref<128x128xf32, #tpu.memory_space<vmem_shared>>
      %dma_start3A_47 = arith.constant 0 : i32
      %dma_start3A_48 = tpu.memref_slice %arg10[%add3A_13, %dma_start3A_47] : memref<10112x128xf32, #tpu.memory_space<vmem_shared>> -> memref<128x128xf32, #tpu.memory_space<vmem_shared>>
      tpu.enqueue_dma source(%arg8 : memref<128x128xf32, #tpu.memory_space<vmem>>) target(%dma_start3A_48 : memref<128x128xf32, #tpu.memory_space<vmem_shared>>) target_semaphore(%run_scoped3A : memref<!tpu.dma_semaphore, #tpu.memory_space<semaphore_mem>>)
      %dma_wait3A = arith.constant 0 : i32
      %dma_wait3A_49 = tpu.memref_slice %arg10[%add3A_13, %dma_wait3A] : memref<10112x128xf32, #tpu.memory_space<vmem_shared>> -> memref<128x128xf32, #tpu.memory_space<vmem_shared>>
      %dma_wait3A_50 = arith.constant 0 : i32
      %dma_wait3A_51 = tpu.memref_slice %arg10[%add3A_13, %dma_wait3A_50] : memref<10112x128xf32, #tpu.memory_space<vmem_shared>> -> memref<128x128xf32, #tpu.memory_space<vmem_shared>>
      tpu.wait_dma2 semaphore(%run_scoped3A : memref<!tpu.dma_semaphore, #tpu.memory_space<semaphore_mem>>) src(%arg8 : memref<128x128xf32, #tpu.memory_space<vmem>>) dst(%dma_wait3A_51 : memref<128x128xf32, #tpu.memory_space<vmem_shared>>)
      tpu.yield
    }) : () -> ()
    %add3A_14 = arith.constant 256 : i32
    %add3A_15 = arith.addi %mul3A_9, %add3A_14 : i32
    "tpu.region"() ({
      %run_scoped3A = tpu.sem_alloc : memref<!tpu.dma_semaphore, #tpu.memory_space<semaphore_mem>>
      %dma_start3A_45 = arith.constant 0 : i32
      %dma_start3A_46 = tpu.memref_slice %arg10[%add3A_15, %dma_start3A_45] : memref<10112x128xf32, #tpu.memory_space<vmem_shared>> -> memref<128x128xf32, #tpu.memory_space<vmem_shared>>
      %dma_start3A_47 = arith.constant 0 : i32
      %dma_start3A_48 = tpu.memref_slice %arg10[%add3A_15, %dma_start3A_47] : memref<10112x128xf32, #tpu.memory_space<vmem_shared>> -> memref<128x128xf32, #tpu.memory_space<vmem_shared>>
      tpu.enqueue_dma source(%arg8 : memref<128x128xf32, #tpu.memory_space<vmem>>) target(%dma_start3A_48 : memref<128x128xf32, #tpu.memory_space<vmem_shared>>) target_semaphore(%run_scoped3A : memref<!tpu.dma_semaphore, #tpu.memory_space<semaphore_mem>>)
      %dma_wait3A = arith.constant 0 : i32
      %dma_wait3A_49 = tpu.memref_slice %arg10[%add3A_15, %dma_wait3A] : memref<10112x128xf32, #tpu.memory_space<vmem_shared>> -> memref<128x128xf32, #tpu.memory_space<vmem_shared>>
      %dma_wait3A_50 = arith.constant 0 : i32
      %dma_wait3A_51 = tpu.memref_slice %arg10[%add3A_15, %dma_wait3A_50] : memref<10112x128xf32, #tpu.memory_space<vmem_shared>> -> memref<128x128xf32, #tpu.memory_space<vmem_shared>>
      tpu.wait_dma2 semaphore(%run_scoped3A : memref<!tpu.dma_semaphore, #tpu.memory_space<semaphore_mem>>) src(%arg8 : memref<128x128xf32, #tpu.memory_space<vmem>>) dst(%dma_wait3A_51 : memref<128x128xf32, #tpu.memory_space<vmem_shared>>)
      tpu.yield
    }) : () -> ()
    %add3A_16 = arith.constant 384 : i32
    %add3A_17 = arith.addi %mul3A_9, %add3A_16 : i32
    "tpu.region"() ({
      %run_scoped3A = tpu.sem_alloc : memref<!tpu.dma_semaphore, #tpu.memory_space<semaphore_mem>>
      %dma_start3A_45 = arith.constant 0 : i32
      %dma_start3A_46 = tpu.memref_slice %arg10[%add3A_17, %dma_start3A_45] : memref<10112x128xf32, #tpu.memory_space<vmem_shared>> -> memref<128x128xf32, #tpu.memory_space<vmem_shared>>
      %dma_start3A_47 = arith.constant 0 : i32
      %dma_start3A_48 = tpu.memref_slice %arg10[%add3A_17, %dma_start3A_47] : memref<10112x128xf32, #tpu.memory_space<vmem_shared>> -> memref<128x128xf32, #tpu.memory_space<vmem_shared>>
      tpu.enqueue_dma source(%arg8 : memref<128x128xf32, #tpu.memory_space<vmem>>) target(%dma_start3A_48 : memref<128x128xf32, #tpu.memory_space<vmem_shared>>) target_semaphore(%run_scoped3A : memref<!tpu.dma_semaphore, #tpu.memory_space<semaphore_mem>>)
      %dma_wait3A = arith.constant 0 : i32
      %dma_wait3A_49 = tpu.memref_slice %arg10[%add3A_17, %dma_wait3A] : memref<10112x128xf32, #tpu.memory_space<vmem_shared>> -> memref<128x128xf32, #tpu.memory_space<vmem_shared>>
      %dma_wait3A_50 = arith.constant 0 : i32
      %dma_wait3A_51 = tpu.memref_slice %arg10[%add3A_17, %dma_wait3A_50] : memref<10112x128xf32, #tpu.memory_space<vmem_shared>> -> memref<128x128xf32, #tpu.memory_space<vmem_shared>>
      tpu.wait_dma2 semaphore(%run_scoped3A : memref<!tpu.dma_semaphore, #tpu.memory_space<semaphore_mem>>) src(%arg8 : memref<128x128xf32, #tpu.memory_space<vmem>>) dst(%dma_wait3A_51 : memref<128x128xf32, #tpu.memory_space<vmem_shared>>)
      tpu.yield
    }) : () -> ()
    %add3A_18 = arith.constant 512 : i32
    %add3A_19 = arith.addi %mul3A_9, %add3A_18 : i32
    "tpu.region"() ({
      %run_scoped3A = tpu.sem_alloc : memref<!tpu.dma_semaphore, #tpu.memory_space<semaphore_mem>>
      %dma_start3A_45 = arith.constant 0 : i32
      %dma_start3A_46 = arith.constant 0 : i32
      %dma_start3A_47 = tpu.memref_slice %arg8[%dma_start3A_45, %dma_start3A_46] : memref<128x128xf32, #tpu.memory_space<vmem>> -> memref<120x128xf32, #tpu.memory_space<vmem>>
      %dma_start3A_48 = arith.constant 0 : i32
      %dma_start3A_49 = tpu.memref_slice %arg10[%add3A_19, %dma_start3A_48] : memref<10112x128xf32, #tpu.memory_space<vmem_shared>> -> memref<120x128xf32, #tpu.memory_space<vmem_shared>>
      %dma_start3A_50 = arith.constant 0 : i32
      %dma_start3A_51 = tpu.memref_slice %arg10[%add3A_19, %dma_start3A_50] : memref<10112x128xf32, #tpu.memory_space<vmem_shared>> -> memref<120x128xf32, #tpu.memory_space<vmem_shared>>
      %dma_start3A_52 = arith.constant 0 : i32
      %dma_start3A_53 = arith.constant 0 : i32
      %dma_start3A_54 = tpu.memref_slice %arg8[%dma_start3A_52, %dma_start3A_53] : memref<128x128xf32, #tpu.memory_space<vmem>> -> memref<120x128xf32, #tpu.memory_space<vmem>>
      tpu.enqueue_dma source(%dma_start3A_54 : memref<120x128xf32, #tpu.memory_space<vmem>>) target(%dma_start3A_51 : memref<120x128xf32, #tpu.memory_space<vmem_shared>>) target_semaphore(%run_scoped3A : memref<!tpu.dma_semaphore, #tpu.memory_space<semaphore_mem>>)
      %dma_wait3A = arith.constant 0 : i32
      %dma_wait3A_55 = arith.constant 0 : i32
      %dma_wait3A_56 = tpu.memref_slice %arg8[%dma_wait3A, %dma_wait3A_55] : memref<128x128xf32, #tpu.memory_space<vmem>> -> memref<120x128xf32, #tpu.memory_space<vmem>>
      %dma_wait3A_57 = arith.constant 0 : i32
      %dma_wait3A_58 = tpu.memref_slice %arg10[%add3A_19, %dma_wait3A_57] : memref<10112x128xf32, #tpu.memory_space<vmem_shared>> -> memref<120x128xf32, #tpu.memory_space<vmem_shared>>
      %dma_wait3A_59 = arith.constant 0 : i32
      %dma_wait3A_60 = tpu.memref_slice %arg10[%add3A_19, %dma_wait3A_59] : memref<10112x128xf32, #tpu.memory_space<vmem_shared>> -> memref<120x128xf32, #tpu.memory_space<vmem_shared>>
      %dma_wait3A_61 = arith.constant 0 : i32
      %dma_wait3A_62 = arith.constant 0 : i32
      %dma_wait3A_63 = tpu.memref_slice %arg8[%dma_wait3A_61, %dma_wait3A_62] : memref<128x128xf32, #tpu.memory_space<vmem>> -> memref<120x128xf32, #tpu.memory_space<vmem>>
      tpu.wait_dma2 semaphore(%run_scoped3A : memref<!tpu.dma_semaphore, #tpu.memory_space<semaphore_mem>>) src(%dma_wait3A_63 : memref<120x128xf32, #tpu.memory_space<vmem>>) dst(%dma_wait3A_60 : memref<120x128xf32, #tpu.memory_space<vmem_shared>>)
      tpu.yield
    }) : () -> ()
    %barrier3A = arith.constant 0 : index
    tpu.barrier barrier_id(%barrier3A)
    "tpu.region"() ({
      %run_scoped3A = tpu.sem_alloc : memref<!tpu.dma_semaphore, #tpu.memory_space<semaphore_mem>>
      %dma_start3A_45 = arith.constant 0 : i32
      %dma_start3A_46 = tpu.memref_slice %arg3[%multiple_of3A, %dma_start3A_45] : memref<2640x128xi32, #tpu.memory_space<hbm>> -> memref<120x128xi32, #tpu.memory_space<hbm>>
      %dma_start3A_47 = arith.constant 0 : i32
      %dma_start3A_48 = tpu.memref_slice %arg3[%multiple_of3A, %dma_start3A_47] : memref<2640x128xi32, #tpu.memory_space<hbm>> -> memref<120x128xi32, #tpu.memory_space<hbm>>
      tpu.enqueue_dma source(%dma_start3A_48 : memref<120x128xi32, #tpu.memory_space<hbm>>) target(%arg6 : memref<120x128xi32, #tpu.memory_space<vmem>>) target_semaphore(%run_scoped3A : memref<!tpu.dma_semaphore, #tpu.memory_space<semaphore_mem>>)
      %dma_wait3A = arith.constant 0 : i32
      %dma_wait3A_49 = tpu.memref_slice %arg3[%multiple_of3A, %dma_wait3A] : memref<2640x128xi32, #tpu.memory_space<hbm>> -> memref<120x128xi32, #tpu.memory_space<hbm>>
      %dma_wait3A_50 = arith.constant 0 : i32
      %dma_wait3A_51 = tpu.memref_slice %arg3[%multiple_of3A, %dma_wait3A_50] : memref<2640x128xi32, #tpu.memory_space<hbm>> -> memref<120x128xi32, #tpu.memory_space<hbm>>
      tpu.wait_dma2 semaphore(%run_scoped3A : memref<!tpu.dma_semaphore, #tpu.memory_space<semaphore_mem>>) src(%dma_wait3A_51 : memref<120x128xi32, #tpu.memory_space<hbm>>) dst(%arg6 : memref<120x128xi32, #tpu.memory_space<vmem>>)
      tpu.yield
    }) : () -> ()
    "tpu.region"() ({
      %run_scoped3A = tpu.sem_alloc : memref<!tpu.dma_semaphore, #tpu.memory_space<semaphore_mem>>
      %dma_start3A_45 = arith.constant 0 : i32
      %dma_start3A_46 = tpu.memref_slice %arg4[%multiple_of3A, %dma_start3A_45] : memref<2640x128xi32, #tpu.memory_space<hbm>> -> memref<8x128xi32, #tpu.memory_space<hbm>>
      %dma_start3A_47 = arith.constant 0 : i32
      %dma_start3A_48 = tpu.memref_slice %arg4[%multiple_of3A, %dma_start3A_47] : memref<2640x128xi32, #tpu.memory_space<hbm>> -> memref<8x128xi32, #tpu.memory_space<hbm>>
      tpu.enqueue_dma source(%dma_start3A_48 : memref<8x128xi32, #tpu.memory_space<hbm>>) target(%arg7 : memref<8x128xi32, #tpu.memory_space<vmem>>) target_semaphore(%run_scoped3A : memref<!tpu.dma_semaphore, #tpu.memory_space<semaphore_mem>>)
      %dma_wait3A = arith.constant 0 : i32
      %dma_wait3A_49 = tpu.memref_slice %arg4[%multiple_of3A, %dma_wait3A] : memref<2640x128xi32, #tpu.memory_space<hbm>> -> memref<8x128xi32, #tpu.memory_space<hbm>>
      %dma_wait3A_50 = arith.constant 0 : i32
      %dma_wait3A_51 = tpu.memref_slice %arg4[%multiple_of3A, %dma_wait3A_50] : memref<2640x128xi32, #tpu.memory_space<hbm>> -> memref<8x128xi32, #tpu.memory_space<hbm>>
      tpu.wait_dma2 semaphore(%run_scoped3A : memref<!tpu.dma_semaphore, #tpu.memory_space<semaphore_mem>>) src(%dma_wait3A_51 : memref<8x128xi32, #tpu.memory_space<hbm>>) dst(%arg7 : memref<8x128xi32, #tpu.memory_space<vmem>>)
      tpu.yield
    }) : () -> ()
    %dma_start3A = arith.constant 0 : i32
    %dma_start3A_20 = arith.constant 0 : i32
    %dma_start3A_21 = tpu.memref_slice %arg6[%dma_start3A, %dma_start3A_20] : memref<120x128xi32, #tpu.memory_space<vmem>> -> memref<1x128xi32, #tpu.memory_space<vmem>>
    %dma_start3A_22 = tpu.memref_squeeze %dma_start3A_21 : memref<1x128xi32, #tpu.memory_space<vmem>> -> memref<128xi32, #tpu.memory_space<vmem>>
    %dma_start3A_23 = arith.constant 0 : i32
    %dma_start3A_24 = arith.constant 0 : i32
    %dma_start3A_25 = tpu.memref_slice %arg2[%dma_start3A_23, %dma_start3A_24] : memref<10000x128xf32, #tpu.memory_space<hbm>> -> memref<10000x128xf32, #tpu.memory_space<hbm>>
    tpu.enqueue_indirect_dma source(%dma_start3A_25 : memref<10000x128xf32, #tpu.memory_space<hbm>>) target(%arg8 : memref<128x128xf32, #tpu.memory_space<vmem>>) offsets(%dma_start3A_22 : memref<128xi32, #tpu.memory_space<vmem>>) semaphore(%arg11 : memref<!tpu.dma_semaphore, #tpu.memory_space<semaphore_mem>>)
    %dma_start3A_26 = arith.constant 1 : i32
    %dma_start3A_27 = arith.constant 0 : i32
    %dma_start3A_28 = tpu.memref_slice %arg6[%dma_start3A_26, %dma_start3A_27] : memref<120x128xi32, #tpu.memory_space<vmem>> -> memref<1x128xi32, #tpu.memory_space<vmem>>
    %dma_start3A_29 = tpu.memref_squeeze %dma_start3A_28 : memref<1x128xi32, #tpu.memory_space<vmem>> -> memref<128xi32, #tpu.memory_space<vmem>>
    %dma_start3A_30 = arith.constant 0 : i32
    %dma_start3A_31 = arith.constant 0 : i32
    %dma_start3A_32 = tpu.memref_slice %arg2[%dma_start3A_30, %dma_start3A_31] : memref<10000x128xf32, #tpu.memory_space<hbm>> -> memref<10000x128xf32, #tpu.memory_space<hbm>>
    tpu.enqueue_indirect_dma source(%dma_start3A_32 : memref<10000x128xf32, #tpu.memory_space<hbm>>) target(%arg9 : memref<128x128xf32, #tpu.memory_space<vmem>>) offsets(%dma_start3A_29 : memref<128xi32, #tpu.memory_space<vmem>>) semaphore(%arg12 : memref<!tpu.dma_semaphore, #tpu.memory_space<semaphore_mem>>)
    %eq3A = arith.constant 0 : i32
    %eq3A_33 = arith.cmpi eq, %arg0, %eq3A : i32
    %convert_element_type3A = arith.extui %eq3A_33 : i1 to i32
    %cond3A = arith.constant 0 : i32
    %cond3A_34 = arith.cmpi ne, %convert_element_type3A, %cond3A : i32
    scf.if %cond3A_34 {
      %scan3A_45 = arith.constant 0 : i32
      %scan3A_46 = arith.constant 0 : i32
      %scan3A_47 = arith.constant 60 : i32
      %scan3A_48 = arith.addi %scan3A_46, %scan3A_47 : i32
      %scan3A_49 = arith.constant 1 : i32
      scf.for %scan3A_64 = %scan3A_46 to %scan3A_48 step %scan3A_49  : i32 {
        %mul3A_65 = arith.constant 2 : i32
        %mul3A_66 = arith.muli %mul3A_65, %scan3A_64 : i32
        %add3A_67 = arith.constant 1 : i32
        %add3A_68 = arith.addi %mul3A_66, %add3A_67 : i32
        %rem3A = arith.constant 8 : i32
        %rem3A_69 = arith.remsi %mul3A_66, %rem3A : i32
        %eq3A_70 = arith.constant 0 : i32
        %eq3A_71 = arith.cmpi eq, %rem3A_69, %eq3A_70 : i32
        %ne3A = arith.constant 0 : i32
        %ne3A_72 = arith.cmpi ne, %scan3A_64, %ne3A : i32
        %and3A = arith.andi %eq3A_71, %ne3A_72 : i1
        %convert_element_type3A_73 = arith.extui %and3A : i1 to i32
        %cond3A_74 = arith.constant 0 : i32
        %cond3A_75 = arith.cmpi ne, %convert_element_type3A_73, %cond3A_74 : i32
        scf.if %cond3A_75 {
          %div3A = arith.constant 8 : i32
          %div3A_137 = arith.divsi %mul3A_66, %div3A : i32
          %mul3A_138 = arith.constant 8 : i32
          %mul3A_139 = arith.muli %div3A_137, %mul3A_138 : i32
          %add3A_140 = arith.addi %multiple_of3A, %mul3A_139 : i32
          %multiple_of3A_141 = tpu.assume_multiple %add3A_140, 8 : i32
          "tpu.region"() ({
            %run_scoped3A = tpu.sem_alloc : memref<!tpu.dma_semaphore, #tpu.memory_space<semaphore_mem>>
            %dma_start3A_142 = arith.constant 0 : i32
            %dma_start3A_143 = tpu.memref_slice %arg4[%multiple_of3A_141, %dma_start3A_142] : memref<2640x128xi32, #tpu.memory_space<hbm>> -> memref<8x128xi32, #tpu.memory_space<hbm>>
            %dma_start3A_144 = arith.constant 0 : i32
            %dma_start3A_145 = tpu.memref_slice %arg4[%multiple_of3A_141, %dma_start3A_144] : memref<2640x128xi32, #tpu.memory_space<hbm>> -> memref<8x128xi32, #tpu.memory_space<hbm>>
            tpu.enqueue_dma source(%dma_start3A_145 : memref<8x128xi32, #tpu.memory_space<hbm>>) target(%arg7 : memref<8x128xi32, #tpu.memory_space<vmem>>) target_semaphore(%run_scoped3A : memref<!tpu.dma_semaphore, #tpu.memory_space<semaphore_mem>>)
            %dma_wait3A_146 = arith.constant 0 : i32
            %dma_wait3A_147 = tpu.memref_slice %arg4[%multiple_of3A_141, %dma_wait3A_146] : memref<2640x128xi32, #tpu.memory_space<hbm>> -> memref<8x128xi32, #tpu.memory_space<hbm>>
            %dma_wait3A_148 = arith.constant 0 : i32
            %dma_wait3A_149 = tpu.memref_slice %arg4[%multiple_of3A_141, %dma_wait3A_148] : memref<2640x128xi32, #tpu.memory_space<hbm>> -> memref<8x128xi32, #tpu.memory_space<hbm>>
            tpu.wait_dma2 semaphore(%run_scoped3A : memref<!tpu.dma_semaphore, #tpu.memory_space<semaphore_mem>>) src(%dma_wait3A_149 : memref<8x128xi32, #tpu.memory_space<hbm>>) dst(%arg7 : memref<8x128xi32, #tpu.memory_space<vmem>>)
            tpu.yield
          }) : () -> ()
        } else {
        }
        %rem3A_76 = arith.constant 8 : i32
        %rem3A_77 = arith.remsi %mul3A_66, %rem3A_76 : i32
        %dma_wait3A_78 = arith.constant 0 : i32
        %dma_wait3A_79 = tpu.memref_slice %arg6[%mul3A_66, %dma_wait3A_78] : memref<120x128xi32, #tpu.memory_space<vmem>> -> memref<1x128xi32, #tpu.memory_space<vmem>>
        %dma_wait3A_80 = tpu.memref_squeeze %dma_wait3A_79 : memref<1x128xi32, #tpu.memory_space<vmem>> -> memref<128xi32, #tpu.memory_space<vmem>>
        %dma_wait3A_81 = arith.constant 0 : i32
        %dma_wait3A_82 = arith.constant 0 : i32
        %dma_wait3A_83 = tpu.memref_slice %arg2[%dma_wait3A_81, %dma_wait3A_82] : memref<10000x128xf32, #tpu.memory_space<hbm>> -> memref<10000x128xf32, #tpu.memory_space<hbm>>
        tpu.wait_indirect_dma semaphore(%arg11 : memref<!tpu.dma_semaphore, #tpu.memory_space<semaphore_mem>>) src(%dma_wait3A_83 : memref<10000x128xf32, #tpu.memory_space<hbm>>) dst(%arg8 : memref<128x128xf32, #tpu.memory_space<vmem>>)
        %dma_start3A_84 = arith.constant 0 : i32
        %dma_start3A_85 = tpu.memref_slice %arg7[%rem3A_77, %dma_start3A_84] : memref<8x128xi32, #tpu.memory_space<vmem>> -> memref<1x128xi32, #tpu.memory_space<vmem>>
        %dma_start3A_86 = tpu.memref_squeeze %dma_start3A_85 : memref<1x128xi32, #tpu.memory_space<vmem>> -> memref<128xi32, #tpu.memory_space<vmem>>
        %dma_start3A_87 = arith.constant 0 : i32
        %dma_start3A_88 = arith.constant 0 : i32
        %dma_start3A_89 = tpu.memref_slice %arg10[%dma_start3A_87, %dma_start3A_88] : memref<10112x128xf32, #tpu.memory_space<vmem_shared>> -> memref<10112x128xf32, #tpu.memory_space<vmem_shared>>
        tpu.enqueue_indirect_dma source(%arg8 : memref<128x128xf32, #tpu.memory_space<vmem>>) target(%dma_start3A_89 : memref<10112x128xf32, #tpu.memory_space<vmem_shared>>) offsets(%dma_start3A_86 : memref<128xi32, #tpu.memory_space<vmem>>) semaphore(%arg13 : memref<!tpu.dma_semaphore, #tpu.memory_space<semaphore_mem>>) {add = true}
        %dma_wait3A_90 = arith.constant 0 : i32
        %dma_wait3A_91 = tpu.memref_slice %arg6[%add3A_68, %dma_wait3A_90] : memref<120x128xi32, #tpu.memory_space<vmem>> -> memref<1x128xi32, #tpu.memory_space<vmem>>
        %dma_wait3A_92 = tpu.memref_squeeze %dma_wait3A_91 : memref<1x128xi32, #tpu.memory_space<vmem>> -> memref<128xi32, #tpu.memory_space<vmem>>
        %dma_wait3A_93 = arith.constant 0 : i32
        %dma_wait3A_94 = arith.constant 0 : i32
        %dma_wait3A_95 = tpu.memref_slice %arg2[%dma_wait3A_93, %dma_wait3A_94] : memref<10000x128xf32, #tpu.memory_space<hbm>> -> memref<10000x128xf32, #tpu.memory_space<hbm>>
        tpu.wait_indirect_dma semaphore(%arg12 : memref<!tpu.dma_semaphore, #tpu.memory_space<semaphore_mem>>) src(%dma_wait3A_95 : memref<10000x128xf32, #tpu.memory_space<hbm>>) dst(%arg9 : memref<128x128xf32, #tpu.memory_space<vmem>>)
        %add3A_96 = arith.constant 1 : i32
        %add3A_97 = arith.addi %rem3A_77, %add3A_96 : i32
        %dma_start3A_98 = arith.constant 0 : i32
        %dma_start3A_99 = tpu.memref_slice %arg7[%add3A_97, %dma_start3A_98] : memref<8x128xi32, #tpu.memory_space<vmem>> -> memref<1x128xi32, #tpu.memory_space<vmem>>
        %dma_start3A_100 = tpu.memref_squeeze %dma_start3A_99 : memref<1x128xi32, #tpu.memory_space<vmem>> -> memref<128xi32, #tpu.memory_space<vmem>>
        %dma_start3A_101 = arith.constant 0 : i32
        %dma_start3A_102 = arith.constant 0 : i32
        %dma_start3A_103 = tpu.memref_slice %arg10[%dma_start3A_101, %dma_start3A_102] : memref<10112x128xf32, #tpu.memory_space<vmem_shared>> -> memref<10112x128xf32, #tpu.memory_space<vmem_shared>>
        tpu.enqueue_indirect_dma source(%arg9 : memref<128x128xf32, #tpu.memory_space<vmem>>) target(%dma_start3A_103 : memref<10112x128xf32, #tpu.memory_space<vmem_shared>>) offsets(%dma_start3A_100 : memref<128xi32, #tpu.memory_space<vmem>>) semaphore(%arg14 : memref<!tpu.dma_semaphore, #tpu.memory_space<semaphore_mem>>) {add = true}
        %add3A_104 = arith.constant 2 : i32
        %add3A_105 = arith.addi %mul3A_66, %add3A_104 : i32
        %min3A = arith.constant 119 : i32
        %min3A_106 = arith.minsi %add3A_105, %min3A : i32
        %add3A_107 = arith.constant 2 : i32
        %add3A_108 = arith.addi %add3A_68, %add3A_107 : i32
        %min3A_109 = arith.constant 119 : i32
        %min3A_110 = arith.minsi %add3A_108, %min3A_109 : i32
        %dma_wait3A_111 = arith.constant 0 : i32
        %dma_wait3A_112 = tpu.memref_slice %arg7[%rem3A_77, %dma_wait3A_111] : memref<8x128xi32, #tpu.memory_space<vmem>> -> memref<1x128xi32, #tpu.memory_space<vmem>>
        %dma_wait3A_113 = tpu.memref_squeeze %dma_wait3A_112 : memref<1x128xi32, #tpu.memory_space<vmem>> -> memref<128xi32, #tpu.memory_space<vmem>>
        %dma_wait3A_114 = arith.constant 0 : i32
        %dma_wait3A_115 = arith.constant 0 : i32
        %dma_wait3A_116 = tpu.memref_slice %arg10[%dma_wait3A_114, %dma_wait3A_115] : memref<10112x128xf32, #tpu.memory_space<vmem_shared>> -> memref<10112x128xf32, #tpu.memory_space<vmem_shared>>
        tpu.wait_indirect_dma semaphore(%arg13 : memref<!tpu.dma_semaphore, #tpu.memory_space<semaphore_mem>>) src(%arg8 : memref<128x128xf32, #tpu.memory_space<vmem>>) dst(%dma_wait3A_116 : memref<10112x128xf32, #tpu.memory_space<vmem_shared>>)
        %dma_start3A_117 = arith.constant 0 : i32
        %dma_start3A_118 = tpu.memref_slice %arg6[%min3A_106, %dma_start3A_117] : memref<120x128xi32, #tpu.memory_space<vmem>> -> memref<1x128xi32, #tpu.memory_space<vmem>>
        %dma_start3A_119 = tpu.memref_squeeze %dma_start3A_118 : memref<1x128xi32, #tpu.memory_space<vmem>> -> memref<128xi32, #tpu.memory_space<vmem>>
        %dma_start3A_120 = arith.constant 0 : i32
        %dma_start3A_121 = arith.constant 0 : i32
        %dma_start3A_122 = tpu.memref_slice %arg2[%dma_start3A_120, %dma_start3A_121] : memref<10000x128xf32, #tpu.memory_space<hbm>> -> memref<10000x128xf32, #tpu.memory_space<hbm>>
        tpu.enqueue_indirect_dma source(%dma_start3A_122 : memref<10000x128xf32, #tpu.memory_space<hbm>>) target(%arg8 : memref<128x128xf32, #tpu.memory_space<vmem>>) offsets(%dma_start3A_119 : memref<128xi32, #tpu.memory_space<vmem>>) semaphore(%arg11 : memref<!tpu.dma_semaphore, #tpu.memory_space<semaphore_mem>>)
        %add3A_123 = arith.constant 1 : i32
        %add3A_124 = arith.addi %rem3A_77, %add3A_123 : i32
        %dma_wait3A_125 = arith.constant 0 : i32
        %dma_wait3A_126 = tpu.memref_slice %arg7[%add3A_124, %dma_wait3A_125] : memref<8x128xi32, #tpu.memory_space<vmem>> -> memref<1x128xi32, #tpu.memory_space<vmem>>
        %dma_wait3A_127 = tpu.memref_squeeze %dma_wait3A_126 : memref<1x128xi32, #tpu.memory_space<vmem>> -> memref<128xi32, #tpu.memory_space<vmem>>
        %dma_wait3A_128 = arith.constant 0 : i32
        %dma_wait3A_129 = arith.constant 0 : i32
        %dma_wait3A_130 = tpu.memref_slice %arg10[%dma_wait3A_128, %dma_wait3A_129] : memref<10112x128xf32, #tpu.memory_space<vmem_shared>> -> memref<10112x128xf32, #tpu.memory_space<vmem_shared>>
        tpu.wait_indirect_dma semaphore(%arg14 : memref<!tpu.dma_semaphore, #tpu.memory_space<semaphore_mem>>) src(%arg9 : memref<128x128xf32, #tpu.memory_space<vmem>>) dst(%dma_wait3A_130 : memref<10112x128xf32, #tpu.memory_space<vmem_shared>>)
        %dma_start3A_131 = arith.constant 0 : i32
        %dma_start3A_132 = tpu.memref_slice %arg6[%min3A_110, %dma_start3A_131] : memref<120x128xi32, #tpu.memory_space<vmem>> -> memref<1x128xi32, #tpu.memory_space<vmem>>
        %dma_start3A_133 = tpu.memref_squeeze %dma_start3A_132 : memref<1x128xi32, #tpu.memory_space<vmem>> -> memref<128xi32, #tpu.memory_space<vmem>>
        %dma_start3A_134 = arith.constant 0 : i32
        %dma_start3A_135 = arith.constant 0 : i32
        %dma_start3A_136 = tpu.memref_slice %arg2[%dma_start3A_134, %dma_start3A_135] : memref<10000x128xf32, #tpu.memory_space<hbm>> -> memref<10000x128xf32, #tpu.memory_space<hbm>>
        tpu.enqueue_indirect_dma source(%dma_start3A_136 : memref<10000x128xf32, #tpu.memory_space<hbm>>) target(%arg9 : memref<128x128xf32, #tpu.memory_space<vmem>>) offsets(%dma_start3A_133 : memref<128xi32, #tpu.memory_space<vmem>>) semaphore(%arg12 : memref<!tpu.dma_semaphore, #tpu.memory_space<semaphore_mem>>)
      }
      %scan3A_50 = arith.constant 60 : i32
      %dma_wait3A = arith.constant 119 : i32
      %dma_wait3A_51 = arith.constant 0 : i32
      %dma_wait3A_52 = tpu.memref_slice %arg6[%dma_wait3A, %dma_wait3A_51] : memref<120x128xi32, #tpu.memory_space<vmem>> -> memref<1x128xi32, #tpu.memory_space<vmem>>
      %dma_wait3A_53 = tpu.memref_squeeze %dma_wait3A_52 : memref<1x128xi32, #tpu.memory_space<vmem>> -> memref<128xi32, #tpu.memory_space<vmem>>
      %dma_wait3A_54 = arith.constant 0 : i32
      %dma_wait3A_55 = arith.constant 0 : i32
      %dma_wait3A_56 = tpu.memref_slice %arg2[%dma_wait3A_54, %dma_wait3A_55] : memref<10000x128xf32, #tpu.memory_space<hbm>> -> memref<10000x128xf32, #tpu.memory_space<hbm>>
      tpu.wait_indirect_dma semaphore(%arg11 : memref<!tpu.dma_semaphore, #tpu.memory_space<semaphore_mem>>) src(%dma_wait3A_56 : memref<10000x128xf32, #tpu.memory_space<hbm>>) dst(%arg8 : memref<128x128xf32, #tpu.memory_space<vmem>>)
      %dma_wait3A_57 = arith.constant 119 : i32
      %dma_wait3A_58 = arith.constant 0 : i32
      %dma_wait3A_59 = tpu.memref_slice %arg6[%dma_wait3A_57, %dma_wait3A_58] : memref<120x128xi32, #tpu.memory_space<vmem>> -> memref<1x128xi32, #tpu.memory_space<vmem>>
      %dma_wait3A_60 = tpu.memref_squeeze %dma_wait3A_59 : memref<1x128xi32, #tpu.memory_space<vmem>> -> memref<128xi32, #tpu.memory_space<vmem>>
      %dma_wait3A_61 = arith.constant 0 : i32
      %dma_wait3A_62 = arith.constant 0 : i32
      %dma_wait3A_63 = tpu.memref_slice %arg2[%dma_wait3A_61, %dma_wait3A_62] : memref<10000x128xf32, #tpu.memory_space<hbm>> -> memref<10000x128xf32, #tpu.memory_space<hbm>>
      tpu.wait_indirect_dma semaphore(%arg12 : memref<!tpu.dma_semaphore, #tpu.memory_space<semaphore_mem>>) src(%dma_wait3A_63 : memref<10000x128xf32, #tpu.memory_space<hbm>>) dst(%arg9 : memref<128x128xf32, #tpu.memory_space<vmem>>)
    } else {
    }
    %eq3A_35 = arith.constant 1 : i32
    %eq3A_36 = arith.cmpi eq, %arg0, %eq3A_35 : i32
    %convert_element_type3A_37 = arith.extui %eq3A_36 : i1 to i32
    %cond3A_38 = arith.constant 0 : i32
    %cond3A_39 = arith.cmpi ne, %convert_element_type3A_37, %cond3A_38 : i32
    scf.if %cond3A_39 {
      %scan3A_45 = arith.constant 0 : i32
      %scan3A_46 = arith.constant 0 : i32
      %scan3A_47 = arith.constant 20 : i32
      %scan3A_48 = arith.addi %scan3A_46, %scan3A_47 : i32
      %scan3A_49 = arith.constant 1 : i32
      scf.for %scan3A_64 = %scan3A_46 to %scan3A_48 step %scan3A_49  : i32 {
        %mul3A_65 = arith.constant 2 : i32
        %mul3A_66 = arith.muli %mul3A_65, %scan3A_64 : i32
        %add3A_67 = arith.constant 1 : i32
        %add3A_68 = arith.addi %mul3A_66, %add3A_67 : i32
        %rem3A = arith.constant 8 : i32
        %rem3A_69 = arith.remsi %mul3A_66, %rem3A : i32
        %eq3A_70 = arith.constant 0 : i32
        %eq3A_71 = arith.cmpi eq, %rem3A_69, %eq3A_70 : i32
        %ne3A = arith.constant 0 : i32
        %ne3A_72 = arith.cmpi ne, %scan3A_64, %ne3A : i32
        %and3A = arith.andi %eq3A_71, %ne3A_72 : i1
        %convert_element_type3A_73 = arith.extui %and3A : i1 to i32
        %cond3A_74 = arith.constant 0 : i32
        %cond3A_75 = arith.cmpi ne, %convert_element_type3A_73, %cond3A_74 : i32
        scf.if %cond3A_75 {
          %div3A = arith.constant 8 : i32
          %div3A_137 = arith.divsi %mul3A_66, %div3A : i32
          %mul3A_138 = arith.constant 8 : i32
          %mul3A_139 = arith.muli %div3A_137, %mul3A_138 : i32
          %add3A_140 = arith.addi %multiple_of3A, %mul3A_139 : i32
          %multiple_of3A_141 = tpu.assume_multiple %add3A_140, 8 : i32
          "tpu.region"() ({
            %run_scoped3A = tpu.sem_alloc : memref<!tpu.dma_semaphore, #tpu.memory_space<semaphore_mem>>
            %dma_start3A_142 = arith.constant 0 : i32
            %dma_start3A_143 = tpu.memref_slice %arg4[%multiple_of3A_141, %dma_start3A_142] : memref<2640x128xi32, #tpu.memory_space<hbm>> -> memref<8x128xi32, #tpu.memory_space<hbm>>
            %dma_start3A_144 = arith.constant 0 : i32
            %dma_start3A_145 = tpu.memref_slice %arg4[%multiple_of3A_141, %dma_start3A_144] : memref<2640x128xi32, #tpu.memory_space<hbm>> -> memref<8x128xi32, #tpu.memory_space<hbm>>
            tpu.enqueue_dma source(%dma_start3A_145 : memref<8x128xi32, #tpu.memory_space<hbm>>) target(%arg7 : memref<8x128xi32, #tpu.memory_space<vmem>>) target_semaphore(%run_scoped3A : memref<!tpu.dma_semaphore, #tpu.memory_space<semaphore_mem>>)
            %dma_wait3A_146 = arith.constant 0 : i32
            %dma_wait3A_147 = tpu.memref_slice %arg4[%multiple_of3A_141, %dma_wait3A_146] : memref<2640x128xi32, #tpu.memory_space<hbm>> -> memref<8x128xi32, #tpu.memory_space<hbm>>
            %dma_wait3A_148 = arith.constant 0 : i32
            %dma_wait3A_149 = tpu.memref_slice %arg4[%multiple_of3A_141, %dma_wait3A_148] : memref<2640x128xi32, #tpu.memory_space<hbm>> -> memref<8x128xi32, #tpu.memory_space<hbm>>
            tpu.wait_dma2 semaphore(%run_scoped3A : memref<!tpu.dma_semaphore, #tpu.memory_space<semaphore_mem>>) src(%dma_wait3A_149 : memref<8x128xi32, #tpu.memory_space<hbm>>) dst(%arg7 : memref<8x128xi32, #tpu.memory_space<vmem>>)
            tpu.yield
          }) : () -> ()
        } else {
        }
        %rem3A_76 = arith.constant 8 : i32
        %rem3A_77 = arith.remsi %mul3A_66, %rem3A_76 : i32
        %dma_wait3A_78 = arith.constant 0 : i32
        %dma_wait3A_79 = tpu.memref_slice %arg6[%mul3A_66, %dma_wait3A_78] : memref<120x128xi32, #tpu.memory_space<vmem>> -> memref<1x128xi32, #tpu.memory_space<vmem>>
        %dma_wait3A_80 = tpu.memref_squeeze %dma_wait3A_79 : memref<1x128xi32, #tpu.memory_space<vmem>> -> memref<128xi32, #tpu.memory_space<vmem>>
        %dma_wait3A_81 = arith.constant 0 : i32
        %dma_wait3A_82 = arith.constant 0 : i32
        %dma_wait3A_83 = tpu.memref_slice %arg2[%dma_wait3A_81, %dma_wait3A_82] : memref<10000x128xf32, #tpu.memory_space<hbm>> -> memref<10000x128xf32, #tpu.memory_space<hbm>>
        tpu.wait_indirect_dma semaphore(%arg11 : memref<!tpu.dma_semaphore, #tpu.memory_space<semaphore_mem>>) src(%dma_wait3A_83 : memref<10000x128xf32, #tpu.memory_space<hbm>>) dst(%arg8 : memref<128x128xf32, #tpu.memory_space<vmem>>)
        %dma_start3A_84 = arith.constant 0 : i32
        %dma_start3A_85 = tpu.memref_slice %arg7[%rem3A_77, %dma_start3A_84] : memref<8x128xi32, #tpu.memory_space<vmem>> -> memref<1x128xi32, #tpu.memory_space<vmem>>
        %dma_start3A_86 = tpu.memref_squeeze %dma_start3A_85 : memref<1x128xi32, #tpu.memory_space<vmem>> -> memref<128xi32, #tpu.memory_space<vmem>>
        %dma_start3A_87 = arith.constant 0 : i32
        %dma_start3A_88 = arith.constant 0 : i32
        %dma_start3A_89 = tpu.memref_slice %arg10[%dma_start3A_87, %dma_start3A_88] : memref<10112x128xf32, #tpu.memory_space<vmem_shared>> -> memref<10112x128xf32, #tpu.memory_space<vmem_shared>>
        tpu.enqueue_indirect_dma source(%arg8 : memref<128x128xf32, #tpu.memory_space<vmem>>) target(%dma_start3A_89 : memref<10112x128xf32, #tpu.memory_space<vmem_shared>>) offsets(%dma_start3A_86 : memref<128xi32, #tpu.memory_space<vmem>>) semaphore(%arg13 : memref<!tpu.dma_semaphore, #tpu.memory_space<semaphore_mem>>) {add = true}
        %dma_wait3A_90 = arith.constant 0 : i32
        %dma_wait3A_91 = tpu.memref_slice %arg6[%add3A_68, %dma_wait3A_90] : memref<120x128xi32, #tpu.memory_space<vmem>> -> memref<1x128xi32, #tpu.memory_space<vmem>>
        %dma_wait3A_92 = tpu.memref_squeeze %dma_wait3A_91 : memref<1x128xi32, #tpu.memory_space<vmem>> -> memref<128xi32, #tpu.memory_space<vmem>>
        %dma_wait3A_93 = arith.constant 0 : i32
        %dma_wait3A_94 = arith.constant 0 : i32
        %dma_wait3A_95 = tpu.memref_slice %arg2[%dma_wait3A_93, %dma_wait3A_94] : memref<10000x128xf32, #tpu.memory_space<hbm>> -> memref<10000x128xf32, #tpu.memory_space<hbm>>
        tpu.wait_indirect_dma semaphore(%arg12 : memref<!tpu.dma_semaphore, #tpu.memory_space<semaphore_mem>>) src(%dma_wait3A_95 : memref<10000x128xf32, #tpu.memory_space<hbm>>) dst(%arg9 : memref<128x128xf32, #tpu.memory_space<vmem>>)
        %add3A_96 = arith.constant 1 : i32
        %add3A_97 = arith.addi %rem3A_77, %add3A_96 : i32
        %dma_start3A_98 = arith.constant 0 : i32
        %dma_start3A_99 = tpu.memref_slice %arg7[%add3A_97, %dma_start3A_98] : memref<8x128xi32, #tpu.memory_space<vmem>> -> memref<1x128xi32, #tpu.memory_space<vmem>>
        %dma_start3A_100 = tpu.memref_squeeze %dma_start3A_99 : memref<1x128xi32, #tpu.memory_space<vmem>> -> memref<128xi32, #tpu.memory_space<vmem>>
        %dma_start3A_101 = arith.constant 0 : i32
        %dma_start3A_102 = arith.constant 0 : i32
        %dma_start3A_103 = tpu.memref_slice %arg10[%dma_start3A_101, %dma_start3A_102] : memref<10112x128xf32, #tpu.memory_space<vmem_shared>> -> memref<10112x128xf32, #tpu.memory_space<vmem_shared>>
        tpu.enqueue_indirect_dma source(%arg9 : memref<128x128xf32, #tpu.memory_space<vmem>>) target(%dma_start3A_103 : memref<10112x128xf32, #tpu.memory_space<vmem_shared>>) offsets(%dma_start3A_100 : memref<128xi32, #tpu.memory_space<vmem>>) semaphore(%arg14 : memref<!tpu.dma_semaphore, #tpu.memory_space<semaphore_mem>>) {add = true}
        %add3A_104 = arith.constant 2 : i32
        %add3A_105 = arith.addi %mul3A_66, %add3A_104 : i32
        %min3A = arith.constant 39 : i32
        %min3A_106 = arith.minsi %add3A_105, %min3A : i32
        %add3A_107 = arith.constant 2 : i32
        %add3A_108 = arith.addi %add3A_68, %add3A_107 : i32
        %min3A_109 = arith.constant 39 : i32
        %min3A_110 = arith.minsi %add3A_108, %min3A_109 : i32
        %dma_wait3A_111 = arith.constant 0 : i32
        %dma_wait3A_112 = tpu.memref_slice %arg7[%rem3A_77, %dma_wait3A_111] : memref<8x128xi32, #tpu.memory_space<vmem>> -> memref<1x128xi32, #tpu.memory_space<vmem>>
        %dma_wait3A_113 = tpu.memref_squeeze %dma_wait3A_112 : memref<1x128xi32, #tpu.memory_space<vmem>> -> memref<128xi32, #tpu.memory_space<vmem>>
        %dma_wait3A_114 = arith.constant 0 : i32
        %dma_wait3A_115 = arith.constant 0 : i32
        %dma_wait3A_116 = tpu.memref_slice %arg10[%dma_wait3A_114, %dma_wait3A_115] : memref<10112x128xf32, #tpu.memory_space<vmem_shared>> -> memref<10112x128xf32, #tpu.memory_space<vmem_shared>>
        tpu.wait_indirect_dma semaphore(%arg13 : memref<!tpu.dma_semaphore, #tpu.memory_space<semaphore_mem>>) src(%arg8 : memref<128x128xf32, #tpu.memory_space<vmem>>) dst(%dma_wait3A_116 : memref<10112x128xf32, #tpu.memory_space<vmem_shared>>)
        %dma_start3A_117 = arith.constant 0 : i32
        %dma_start3A_118 = tpu.memref_slice %arg6[%min3A_106, %dma_start3A_117] : memref<120x128xi32, #tpu.memory_space<vmem>> -> memref<1x128xi32, #tpu.memory_space<vmem>>
        %dma_start3A_119 = tpu.memref_squeeze %dma_start3A_118 : memref<1x128xi32, #tpu.memory_space<vmem>> -> memref<128xi32, #tpu.memory_space<vmem>>
        %dma_start3A_120 = arith.constant 0 : i32
        %dma_start3A_121 = arith.constant 0 : i32
        %dma_start3A_122 = tpu.memref_slice %arg2[%dma_start3A_120, %dma_start3A_121] : memref<10000x128xf32, #tpu.memory_space<hbm>> -> memref<10000x128xf32, #tpu.memory_space<hbm>>
        tpu.enqueue_indirect_dma source(%dma_start3A_122 : memref<10000x128xf32, #tpu.memory_space<hbm>>) target(%arg8 : memref<128x128xf32, #tpu.memory_space<vmem>>) offsets(%dma_start3A_119 : memref<128xi32, #tpu.memory_space<vmem>>) semaphore(%arg11 : memref<!tpu.dma_semaphore, #tpu.memory_space<semaphore_mem>>)
        %add3A_123 = arith.constant 1 : i32
        %add3A_124 = arith.addi %rem3A_77, %add3A_123 : i32
        %dma_wait3A_125 = arith.constant 0 : i32
        %dma_wait3A_126 = tpu.memref_slice %arg7[%add3A_124, %dma_wait3A_125] : memref<8x128xi32, #tpu.memory_space<vmem>> -> memref<1x128xi32, #tpu.memory_space<vmem>>
        %dma_wait3A_127 = tpu.memref_squeeze %dma_wait3A_126 : memref<1x128xi32, #tpu.memory_space<vmem>> -> memref<128xi32, #tpu.memory_space<vmem>>
        %dma_wait3A_128 = arith.constant 0 : i32
        %dma_wait3A_129 = arith.constant 0 : i32
        %dma_wait3A_130 = tpu.memref_slice %arg10[%dma_wait3A_128, %dma_wait3A_129] : memref<10112x128xf32, #tpu.memory_space<vmem_shared>> -> memref<10112x128xf32, #tpu.memory_space<vmem_shared>>
        tpu.wait_indirect_dma semaphore(%arg14 : memref<!tpu.dma_semaphore, #tpu.memory_space<semaphore_mem>>) src(%arg9 : memref<128x128xf32, #tpu.memory_space<vmem>>) dst(%dma_wait3A_130 : memref<10112x128xf32, #tpu.memory_space<vmem_shared>>)
        %dma_start3A_131 = arith.constant 0 : i32
        %dma_start3A_132 = tpu.memref_slice %arg6[%min3A_110, %dma_start3A_131] : memref<120x128xi32, #tpu.memory_space<vmem>> -> memref<1x128xi32, #tpu.memory_space<vmem>>
        %dma_start3A_133 = tpu.memref_squeeze %dma_start3A_132 : memref<1x128xi32, #tpu.memory_space<vmem>> -> memref<128xi32, #tpu.memory_space<vmem>>
        %dma_start3A_134 = arith.constant 0 : i32
        %dma_start3A_135 = arith.constant 0 : i32
        %dma_start3A_136 = tpu.memref_slice %arg2[%dma_start3A_134, %dma_start3A_135] : memref<10000x128xf32, #tpu.memory_space<hbm>> -> memref<10000x128xf32, #tpu.memory_space<hbm>>
        tpu.enqueue_indirect_dma source(%dma_start3A_136 : memref<10000x128xf32, #tpu.memory_space<hbm>>) target(%arg9 : memref<128x128xf32, #tpu.memory_space<vmem>>) offsets(%dma_start3A_133 : memref<128xi32, #tpu.memory_space<vmem>>) semaphore(%arg12 : memref<!tpu.dma_semaphore, #tpu.memory_space<semaphore_mem>>)
      }
      %scan3A_50 = arith.constant 20 : i32
      %dma_wait3A = arith.constant 39 : i32
      %dma_wait3A_51 = arith.constant 0 : i32
      %dma_wait3A_52 = tpu.memref_slice %arg6[%dma_wait3A, %dma_wait3A_51] : memref<120x128xi32, #tpu.memory_space<vmem>> -> memref<1x128xi32, #tpu.memory_space<vmem>>
      %dma_wait3A_53 = tpu.memref_squeeze %dma_wait3A_52 : memref<1x128xi32, #tpu.memory_space<vmem>> -> memref<128xi32, #tpu.memory_space<vmem>>
      %dma_wait3A_54 = arith.constant 0 : i32
      %dma_wait3A_55 = arith.constant 0 : i32
      %dma_wait3A_56 = tpu.memref_slice %arg2[%dma_wait3A_54, %dma_wait3A_55] : memref<10000x128xf32, #tpu.memory_space<hbm>> -> memref<10000x128xf32, #tpu.memory_space<hbm>>
      tpu.wait_indirect_dma semaphore(%arg11 : memref<!tpu.dma_semaphore, #tpu.memory_space<semaphore_mem>>) src(%dma_wait3A_56 : memref<10000x128xf32, #tpu.memory_space<hbm>>) dst(%arg8 : memref<128x128xf32, #tpu.memory_space<vmem>>)
      %dma_wait3A_57 = arith.constant 39 : i32
      %dma_wait3A_58 = arith.constant 0 : i32
      %dma_wait3A_59 = tpu.memref_slice %arg6[%dma_wait3A_57, %dma_wait3A_58] : memref<120x128xi32, #tpu.memory_space<vmem>> -> memref<1x128xi32, #tpu.memory_space<vmem>>
      %dma_wait3A_60 = tpu.memref_squeeze %dma_wait3A_59 : memref<1x128xi32, #tpu.memory_space<vmem>> -> memref<128xi32, #tpu.memory_space<vmem>>
      %dma_wait3A_61 = arith.constant 0 : i32
      %dma_wait3A_62 = arith.constant 0 : i32
      %dma_wait3A_63 = tpu.memref_slice %arg2[%dma_wait3A_61, %dma_wait3A_62] : memref<10000x128xf32, #tpu.memory_space<hbm>> -> memref<10000x128xf32, #tpu.memory_space<hbm>>
      tpu.wait_indirect_dma semaphore(%arg12 : memref<!tpu.dma_semaphore, #tpu.memory_space<semaphore_mem>>) src(%dma_wait3A_63 : memref<10000x128xf32, #tpu.memory_space<hbm>>) dst(%arg9 : memref<128x128xf32, #tpu.memory_space<vmem>>)
    } else {
    }
    %barrier3A_40 = arith.constant 0 : index
    tpu.barrier barrier_id(%barrier3A_40)
    %mul3A_41 = arith.constant 632 : i32
    %mul3A_42 = arith.muli %arg1, %mul3A_41 : i32
    %mul3A_43 = arith.constant 632 : i32
    %mul3A_44 = arith.muli %arg1, %mul3A_43 : i32
    "tpu.region"() ({
      %run_scoped3A = tpu.sem_alloc : memref<!tpu.dma_semaphore, #tpu.memory_space<semaphore_mem>>
      %dma_start3A_45 = arith.constant 0 : i32
      %dma_start3A_46 = tpu.memref_slice %arg5[%arg0, %mul3A_44, %dma_start3A_45] : memref<2x10112x128xf32, #tpu.memory_space<hbm>> -> memref<1x632x128xf32, #tpu.memory_space<hbm>>
      %dma_start3A_47 = tpu.memref_squeeze %dma_start3A_46 : memref<1x632x128xf32, #tpu.memory_space<hbm>> -> memref<632x128xf32, #tpu.memory_space<hbm>>
      %dma_start3A_48 = arith.constant 0 : i32
      %dma_start3A_49 = tpu.memref_slice %arg10[%mul3A_42, %dma_start3A_48] : memref<10112x128xf32, #tpu.memory_space<vmem_shared>> -> memref<632x128xf32, #tpu.memory_space<vmem_shared>>
      tpu.enqueue_dma source(%dma_start3A_49 : memref<632x128xf32, #tpu.memory_space<vmem_shared>>) target(%dma_start3A_47 : memref<632x128xf32, #tpu.memory_space<hbm>>) target_semaphore(%run_scoped3A : memref<!tpu.dma_semaphore, #tpu.memory_space<semaphore_mem>>)
      %dma_wait3A = arith.constant 0 : i32
      %dma_wait3A_50 = tpu.memref_slice %arg5[%arg0, %mul3A_44, %dma_wait3A] : memref<2x10112x128xf32, #tpu.memory_space<hbm>> -> memref<1x632x128xf32, #tpu.memory_space<hbm>>
      %dma_wait3A_51 = tpu.memref_squeeze %dma_wait3A_50 : memref<1x632x128xf32, #tpu.memory_space<hbm>> -> memref<632x128xf32, #tpu.memory_space<hbm>>
      %dma_wait3A_52 = arith.constant 0 : i32
      %dma_wait3A_53 = tpu.memref_slice %arg10[%mul3A_42, %dma_wait3A_52] : memref<10112x128xf32, #tpu.memory_space<vmem_shared>> -> memref<632x128xf32, #tpu.memory_space<vmem_shared>>
      tpu.wait_dma2 semaphore(%run_scoped3A : memref<!tpu.dma_semaphore, #tpu.memory_space<semaphore_mem>>) src(%dma_wait3A_53 : memref<632x128xf32, #tpu.memory_space<vmem_shared>>) dst(%dma_wait3A_51 : memref<632x128xf32, #tpu.memory_space<hbm>>)
      tpu.yield
    }) : () -> ()
    return
  }
}

#map = affine_map<(d0, d1) -> (0, 0)>
#map1 = affine_map<(d0, d1) -> (0, 0, 0)>
module attributes {stable_mosaic.version = 14 : i64} {
  func.func @body(%arg0: i32, %arg1: i32, %arg2: memref<10000x128xf32, #tpu.memory_space<hbm>>, %arg3: memref<2640x128xi32, #tpu.memory_space<hbm>>, %arg4: memref<2640x128xi32, #tpu.memory_space<hbm>>, %arg5: memref<2x10112x128xf32, #tpu.memory_space<hbm>>, %arg6: memref<120x128xi32, #tpu.memory_space<vmem>>, %arg7: memref<8x128xi32, #tpu.memory_space<vmem>>, %arg8: memref<128x128xf32, #tpu.memory_space<vmem>>, %arg9: memref<128x128xf32, #tpu.memory_space<vmem>>, %arg10: memref<10112x128xf32, #tpu.memory_space<vmem_shared>>, %arg11: memref<!tpu.dma_semaphore, #tpu.memory_space<semaphore_mem>>, %arg12: memref<!tpu.dma_semaphore, #tpu.memory_space<semaphore_mem>>, %arg13: memref<!tpu.dma_semaphore, #tpu.memory_space<semaphore_mem>>, %arg14: memref<!tpu.dma_semaphore, #tpu.memory_space<semaphore_mem>>) attributes {dimension_semantics = [#tpu.dimension_semantics<core_parallel>, #tpu.dimension_semantics<subcore_parallel>], iteration_bounds = array<i64: 2, 16>, scalar_prefetch = 0 : i64, scratch_operands = 9 : i64, tpu.core_type = #tpu.core_type<sc_vector_subcore>, window_params = [{transform_indices = #map}, {transform_indices = #map}, {transform_indices = #map}, {transform_indices = #map1}]} {
    %mul3A = arith.constant 160 : i32
    %mul3A_0 = arith.muli %arg1, %mul3A : i32
    %mul3A_1 = arith.constant 120 : i32
    %mul3A_2 = arith.muli %arg0, %mul3A_1 : i32
    %add3A = arith.addi %mul3A_0, %mul3A_2 : i32
    %multiple_of3A = tpu.assume_multiple %add3A, 8 : i32
    %scan3A = arith.constant 0 : i32
    %scan3A_3 = arith.constant 0 : i32
    %scan3A_4 = arith.constant 128 : i32
    %scan3A_5 = arith.addi %scan3A_3, %scan3A_4 : i32
    %scan3A_6 = arith.constant 1 : i32
    scf.for %scan3A_45 = %scan3A_3 to %scan3A_5 step %scan3A_6  : i32 {
      %broadcast_in_dim3A = arith.constant 0.000000e+00 : f32
      %broadcast_in_dim3A_46 = vector.broadcast %broadcast_in_dim3A : f32 to vector<16xf32>
      %swap3A = arith.index_cast %scan3A_45 : i32 to index
      %swap3A_47 = arith.constant 0 : index
      %swap3A_48 = tpu.vector_load %arg8[%swap3A, %swap3A_47] {strides = array<i32>} : memref<128x128xf32, #tpu.memory_space<vmem>>, vector<1x16xf32>,
      %swap3A_49 = vector.shape_cast %swap3A_48 : vector<1x16xf32> to vector<16xf32>
      %swap3A_50 = vector.shape_cast %broadcast_in_dim3A_46 : vector<16xf32> to vector<1x16xf32>
      tpu.vector_store %arg8[%swap3A, %swap3A_47], %swap3A_50 {strides = array<i32>} : memref<128x128xf32, #tpu.memory_space<vmem>>, vector<1x16xf32>,
      %broadcast_in_dim3A_51 = arith.constant 0.000000e+00 : f32
      %broadcast_in_dim3A_52 = vector.broadcast %broadcast_in_dim3A_51 : f32 to vector<16xf32>
      %swap3A_53 = arith.index_cast %scan3A_45 : i32 to index
      %swap3A_54 = arith.constant 16 : index
      %swap3A_55 = tpu.vector_load %arg8[%swap3A_53, %swap3A_54] {strides = array<i32>} : memref<128x128xf32, #tpu.memory_space<vmem>>, vector<1x16xf32>,
      %swap3A_56 = vector.shape_cast %swap3A_55 : vector<1x16xf32> to vector<16xf32>
      %swap3A_57 = vector.shape_cast %broadcast_in_dim3A_52 : vector<16xf32> to vector<1x16xf32>
      tpu.vector_store %arg8[%swap3A_53, %swap3A_54], %swap3A_57 {strides = array<i32>} : memref<128x128xf32, #tpu.memory_space<vmem>>, vector<1x16xf32>,
      %broadcast_in_dim3A_58 = arith.constant 0.000000e+00 : f32
      %broadcast_in_dim3A_59 = vector.broadcast %broadcast_in_dim3A_58 : f32 to vector<16xf32>
      %swap3A_60 = arith.index_cast %scan3A_45 : i32 to index
      %swap3A_61 = arith.constant 32 : index
      %swap3A_62 = tpu.vector_load %arg8[%swap3A_60, %swap3A_61] {strides = array<i32>} : memref<128x128xf32, #tpu.memory_space<vmem>>, vector<1x16xf32>,
      %swap3A_63 = vector.shape_cast %swap3A_62 : vector<1x16xf32> to vector<16xf32>
      %swap3A_64 = vector.shape_cast %broadcast_in_dim3A_59 : vector<16xf32> to vector<1x16xf32>
      tpu.vector_store %arg8[%swap3A_60, %swap3A_61], %swap3A_64 {strides = array<i32>} : memref<128x128xf32, #tpu.memory_space<vmem>>, vector<1x16xf32>,
      %broadcast_in_dim3A_65 = arith.constant 0.000000e+00 : f32
      %broadcast_in_dim3A_66 = vector.broadcast %broadcast_in_dim3A_65 : f32 to vector<16xf32>
      %swap3A_67 = arith.index_cast %scan3A_45 : i32 to index
      %swap3A_68 = arith.constant 48 : index
      %swap3A_69 = tpu.vector_load %arg8[%swap3A_67, %swap3A_68] {strides = array<i32>} : memref<128x128xf32, #tpu.memory_space<vmem>>, vector<1x16xf32>,
      %swap3A_70 = vector.shape_cast %swap3A_69 : vector<1x16xf32> to vector<16xf32>
      %swap3A_71 = vector.shape_cast %broadcast_in_dim3A_66 : vector<16xf32> to vector<1x16xf32>
      tpu.vector_store %arg8[%swap3A_67, %swap3A_68], %swap3A_71 {strides = array<i32>} : memref<128x128xf32, #tpu.memory_space<vmem>>, vector<1x16xf32>,
      %broadcast_in_dim3A_72 = arith.constant 0.000000e+00 : f32
      %broadcast_in_dim3A_73 = vector.broadcast %broadcast_in_dim3A_72 : f32 to vector<16xf32>
      %swap3A_74 = arith.index_cast %scan3A_45 : i32 to index
      %swap3A_75 = arith.constant 64 : index
      %swap3A_76 = tpu.vector_load %arg8[%swap3A_74, %swap3A_75] {strides = array<i32>} : memref<128x128xf32, #tpu.memory_space<vmem>>, vector<1x16xf32>,
      %swap3A_77 = vector.shape_cast %swap3A_76 : vector<1x16xf32> to vector<16xf32>
      %swap3A_78 = vector.shape_cast %broadcast_in_dim3A_73 : vector<16xf32> to vector<1x16xf32>
      tpu.vector_store %arg8[%swap3A_74, %swap3A_75], %swap3A_78 {strides = array<i32>} : memref<128x128xf32, #tpu.memory_space<vmem>>, vector<1x16xf32>,
      %broadcast_in_dim3A_79 = arith.constant 0.000000e+00 : f32
      %broadcast_in_dim3A_80 = vector.broadcast %broadcast_in_dim3A_79 : f32 to vector<16xf32>
      %swap3A_81 = arith.index_cast %scan3A_45 : i32 to index
      %swap3A_82 = arith.constant 80 : index
      %swap3A_83 = tpu.vector_load %arg8[%swap3A_81, %swap3A_82] {strides = array<i32>} : memref<128x128xf32, #tpu.memory_space<vmem>>, vector<1x16xf32>,
      %swap3A_84 = vector.shape_cast %swap3A_83 : vector<1x16xf32> to vector<16xf32>
      %swap3A_85 = vector.shape_cast %broadcast_in_dim3A_80 : vector<16xf32> to vector<1x16xf32>
      tpu.vector_store %arg8[%swap3A_81, %swap3A_82], %swap3A_85 {strides = array<i32>} : memref<128x128xf32, #tpu.memory_space<vmem>>, vector<1x16xf32>,
      %broadcast_in_dim3A_86 = arith.constant 0.000000e+00 : f32
      %broadcast_in_dim3A_87 = vector.broadcast %broadcast_in_dim3A_86 : f32 to vector<16xf32>
      %swap3A_88 = arith.index_cast %scan3A_45 : i32 to index
      %swap3A_89 = arith.constant 96 : index
      %swap3A_90 = tpu.vector_load %arg8[%swap3A_88, %swap3A_89] {strides = array<i32>} : memref<128x128xf32, #tpu.memory_space<vmem>>, vector<1x16xf32>,
      %swap3A_91 = vector.shape_cast %swap3A_90 : vector<1x16xf32> to vector<16xf32>
      %swap3A_92 = vector.shape_cast %broadcast_in_dim3A_87 : vector<16xf32> to vector<1x16xf32>
      tpu.vector_store %arg8[%swap3A_88, %swap3A_89], %swap3A_92 {strides = array<i32>} : memref<128x128xf32, #tpu.memory_space<vmem>>, vector<1x16xf32>,
      %broadcast_in_dim3A_93 = arith.constant 0.000000e+00 : f32
      %broadcast_in_dim3A_94 = vector.broadcast %broadcast_in_dim3A_93 : f32 to vector<16xf32>
      %swap3A_95 = arith.index_cast %scan3A_45 : i32 to index
      %swap3A_96 = arith.constant 112 : index
      %swap3A_97 = tpu.vector_load %arg8[%swap3A_95, %swap3A_96] {strides = array<i32>} : memref<128x128xf32, #tpu.memory_space<vmem>>, vector<1x16xf32>,
      %swap3A_98 = vector.shape_cast %swap3A_97 : vector<1x16xf32> to vector<16xf32>
      %swap3A_99 = vector.shape_cast %broadcast_in_dim3A_94 : vector<16xf32> to vector<1x16xf32>
      tpu.vector_store %arg8[%swap3A_95, %swap3A_96], %swap3A_99 {strides = array<i32>} : memref<128x128xf32, #tpu.memory_space<vmem>>, vector<1x16xf32>,
    }
    %scan3A_7 = arith.constant 128 : i32
    %mul3A_8 = arith.constant 632 : i32
    %mul3A_9 = arith.muli %arg1, %mul3A_8 : i32
    %add3A_10 = arith.constant 0 : i32
    %add3A_11 = arith.addi %mul3A_9, %add3A_10 : i32
    "tpu.region"() ({
      %run_scoped3A = tpu.sem_alloc : memref<!tpu.dma_semaphore, #tpu.memory_space<semaphore_mem>>
      %dma_start3A_45 = arith.constant 0 : i32
      %dma_start3A_46 = tpu.memref_slice %arg10[%add3A_11, %dma_start3A_45] : memref<10112x128xf32, #tpu.memory_space<vmem_shared>> -> memref<128x128xf32, #tpu.memory_space<vmem_shared>>
      %dma_start3A_47 = arith.constant 0 : i32
      %dma_start3A_48 = tpu.memref_slice %arg10[%add3A_11, %dma_start3A_47] : memref<10112x128xf32, #tpu.memory_space<vmem_shared>> -> memref<128x128xf32, #tpu.memory_space<vmem_shared>>
      tpu.enqueue_dma source(%arg8 : memref<128x128xf32, #tpu.memory_space<vmem>>) target(%dma_start3A_48 : memref<128x128xf32, #tpu.memory_space<vmem_shared>>) target_semaphore(%run_scoped3A : memref<!tpu.dma_semaphore, #tpu.memory_space<semaphore_mem>>)
      %dma_wait3A = arith.constant 0 : i32
      %dma_wait3A_49 = tpu.memref_slice %arg10[%add3A_11, %dma_wait3A] : memref<10112x128xf32, #tpu.memory_space<vmem_shared>> -> memref<128x128xf32, #tpu.memory_space<vmem_shared>>
      %dma_wait3A_50 = arith.constant 0 : i32
      %dma_wait3A_51 = tpu.memref_slice %arg10[%add3A_11, %dma_wait3A_50] : memref<10112x128xf32, #tpu.memory_space<vmem_shared>> -> memref<128x128xf32, #tpu.memory_space<vmem_shared>>
      tpu.wait_dma2 semaphore(%run_scoped3A : memref<!tpu.dma_semaphore, #tpu.memory_space<semaphore_mem>>) src(%arg8 : memref<128x128xf32, #tpu.memory_space<vmem>>) dst(%dma_wait3A_51 : memref<128x128xf32, #tpu.memory_space<vmem_shared>>)
      tpu.yield
    }) : () -> ()
    %add3A_12 = arith.constant 128 : i32
    %add3A_13 = arith.addi %mul3A_9, %add3A_12 : i32
    "tpu.region"() ({
      %run_scoped3A = tpu.sem_alloc : memref<!tpu.dma_semaphore, #tpu.memory_space<semaphore_mem>>
      %dma_start3A_45 = arith.constant 0 : i32
      %dma_start3A_46 = tpu.memref_slice %arg10[%add3A_13, %dma_start3A_45] : memref<10112x128xf32, #tpu.memory_space<vmem_shared>> -> memref<128x128xf32, #tpu.memory_space<vmem_shared>>
      %dma_start3A_47 = arith.constant 0 : i32
      %dma_start3A_48 = tpu.memref_slice %arg10[%add3A_13, %dma_start3A_47] : memref<10112x128xf32, #tpu.memory_space<vmem_shared>> -> memref<128x128xf32, #tpu.memory_space<vmem_shared>>
      tpu.enqueue_dma source(%arg8 : memref<128x128xf32, #tpu.memory_space<vmem>>) target(%dma_start3A_48 : memref<128x128xf32, #tpu.memory_space<vmem_shared>>) target_semaphore(%run_scoped3A : memref<!tpu.dma_semaphore, #tpu.memory_space<semaphore_mem>>)
      %dma_wait3A = arith.constant 0 : i32
      %dma_wait3A_49 = tpu.memref_slice %arg10[%add3A_13, %dma_wait3A] : memref<10112x128xf32, #tpu.memory_space<vmem_shared>> -> memref<128x128xf32, #tpu.memory_space<vmem_shared>>
      %dma_wait3A_50 = arith.constant 0 : i32
      %dma_wait3A_51 = tpu.memref_slice %arg10[%add3A_13, %dma_wait3A_50] : memref<10112x128xf32, #tpu.memory_space<vmem_shared>> -> memref<128x128xf32, #tpu.memory_space<vmem_shared>>
      tpu.wait_dma2 semaphore(%run_scoped3A : memref<!tpu.dma_semaphore, #tpu.memory_space<semaphore_mem>>) src(%arg8 : memref<128x128xf32, #tpu.memory_space<vmem>>) dst(%dma_wait3A_51 : memref<128x128xf32, #tpu.memory_space<vmem_shared>>)
      tpu.yield
    }) : () -> ()
    %add3A_14 = arith.constant 256 : i32
    %add3A_15 = arith.addi %mul3A_9, %add3A_14 : i32
    "tpu.region"() ({
      %run_scoped3A = tpu.sem_alloc : memref<!tpu.dma_semaphore, #tpu.memory_space<semaphore_mem>>
      %dma_start3A_45 = arith.constant 0 : i32
      %dma_start3A_46 = tpu.memref_slice %arg10[%add3A_15, %dma_start3A_45] : memref<10112x128xf32, #tpu.memory_space<vmem_shared>> -> memref<128x128xf32, #tpu.memory_space<vmem_shared>>
      %dma_start3A_47 = arith.constant 0 : i32
      %dma_start3A_48 = tpu.memref_slice %arg10[%add3A_15, %dma_start3A_47] : memref<10112x128xf32, #tpu.memory_space<vmem_shared>> -> memref<128x128xf32, #tpu.memory_space<vmem_shared>>
      tpu.enqueue_dma source(%arg8 : memref<128x128xf32, #tpu.memory_space<vmem>>) target(%dma_start3A_48 : memref<128x128xf32, #tpu.memory_space<vmem_shared>>) target_semaphore(%run_scoped3A : memref<!tpu.dma_semaphore, #tpu.memory_space<semaphore_mem>>)
      %dma_wait3A = arith.constant 0 : i32
      %dma_wait3A_49 = tpu.memref_slice %arg10[%add3A_15, %dma_wait3A] : memref<10112x128xf32, #tpu.memory_space<vmem_shared>> -> memref<128x128xf32, #tpu.memory_space<vmem_shared>>
      %dma_wait3A_50 = arith.constant 0 : i32
      %dma_wait3A_51 = tpu.memref_slice %arg10[%add3A_15, %dma_wait3A_50] : memref<10112x128xf32, #tpu.memory_space<vmem_shared>> -> memref<128x128xf32, #tpu.memory_space<vmem_shared>>
      tpu.wait_dma2 semaphore(%run_scoped3A : memref<!tpu.dma_semaphore, #tpu.memory_space<semaphore_mem>>) src(%arg8 : memref<128x128xf32, #tpu.memory_space<vmem>>) dst(%dma_wait3A_51 : memref<128x128xf32, #tpu.memory_space<vmem_shared>>)
      tpu.yield
    }) : () -> ()
    %add3A_16 = arith.constant 384 : i32
    %add3A_17 = arith.addi %mul3A_9, %add3A_16 : i32
    "tpu.region"() ({
      %run_scoped3A = tpu.sem_alloc : memref<!tpu.dma_semaphore, #tpu.memory_space<semaphore_mem>>
      %dma_start3A_45 = arith.constant 0 : i32
      %dma_start3A_46 = tpu.memref_slice %arg10[%add3A_17, %dma_start3A_45] : memref<10112x128xf32, #tpu.memory_space<vmem_shared>> -> memref<128x128xf32, #tpu.memory_space<vmem_shared>>
      %dma_start3A_47 = arith.constant 0 : i32
      %dma_start3A_48 = tpu.memref_slice %arg10[%add3A_17, %dma_start3A_47] : memref<10112x128xf32, #tpu.memory_space<vmem_shared>> -> memref<128x128xf32, #tpu.memory_space<vmem_shared>>
      tpu.enqueue_dma source(%arg8 : memref<128x128xf32, #tpu.memory_space<vmem>>) target(%dma_start3A_48 : memref<128x128xf32, #tpu.memory_space<vmem_shared>>) target_semaphore(%run_scoped3A : memref<!tpu.dma_semaphore, #tpu.memory_space<semaphore_mem>>)
      %dma_wait3A = arith.constant 0 : i32
      %dma_wait3A_49 = tpu.memref_slice %arg10[%add3A_17, %dma_wait3A] : memref<10112x128xf32, #tpu.memory_space<vmem_shared>> -> memref<128x128xf32, #tpu.memory_space<vmem_shared>>
      %dma_wait3A_50 = arith.constant 0 : i32
      %dma_wait3A_51 = tpu.memref_slice %arg10[%add3A_17, %dma_wait3A_50] : memref<10112x128xf32, #tpu.memory_space<vmem_shared>> -> memref<128x128xf32, #tpu.memory_space<vmem_shared>>
      tpu.wait_dma2 semaphore(%run_scoped3A : memref<!tpu.dma_semaphore, #tpu.memory_space<semaphore_mem>>) src(%arg8 : memref<128x128xf32, #tpu.memory_space<vmem>>) dst(%dma_wait3A_51 : memref<128x128xf32, #tpu.memory_space<vmem_shared>>)
      tpu.yield
    }) : () -> ()
    %add3A_18 = arith.constant 512 : i32
    %add3A_19 = arith.addi %mul3A_9, %add3A_18 : i32
    "tpu.region"() ({
      %run_scoped3A = tpu.sem_alloc : memref<!tpu.dma_semaphore, #tpu.memory_space<semaphore_mem>>
      %dma_start3A_45 = arith.constant 0 : i32
      %dma_start3A_46 = arith.constant 0 : i32
      %dma_start3A_47 = tpu.memref_slice %arg8[%dma_start3A_45, %dma_start3A_46] : memref<128x128xf32, #tpu.memory_space<vmem>> -> memref<120x128xf32, #tpu.memory_space<vmem>>
      %dma_start3A_48 = arith.constant 0 : i32
      %dma_start3A_49 = tpu.memref_slice %arg10[%add3A_19, %dma_start3A_48] : memref<10112x128xf32, #tpu.memory_space<vmem_shared>> -> memref<120x128xf32, #tpu.memory_space<vmem_shared>>
      %dma_start3A_50 = arith.constant 0 : i32
      %dma_start3A_51 = tpu.memref_slice %arg10[%add3A_19, %dma_start3A_50] : memref<10112x128xf32, #tpu.memory_space<vmem_shared>> -> memref<120x128xf32, #tpu.memory_space<vmem_shared>>
      %dma_start3A_52 = arith.constant 0 : i32
      %dma_start3A_53 = arith.constant 0 : i32
      %dma_start3A_54 = tpu.memref_slice %arg8[%dma_start3A_52, %dma_start3A_53] : memref<128x128xf32, #tpu.memory_space<vmem>> -> memref<120x128xf32, #tpu.memory_space<vmem>>
      tpu.enqueue_dma source(%dma_start3A_54 : memref<120x128xf32, #tpu.memory_space<vmem>>) target(%dma_start3A_51 : memref<120x128xf32, #tpu.memory_space<vmem_shared>>) target_semaphore(%run_scoped3A : memref<!tpu.dma_semaphore, #tpu.memory_space<semaphore_mem>>)
      %dma_wait3A = arith.constant 0 : i32
      %dma_wait3A_55 = arith.constant 0 : i32
      %dma_wait3A_56 = tpu.memref_slice %arg8[%dma_wait3A, %dma_wait3A_55] : memref<128x128xf32, #tpu.memory_space<vmem>> -> memref<120x128xf32, #tpu.memory_space<vmem>>
      %dma_wait3A_57 = arith.constant 0 : i32
      %dma_wait3A_58 = tpu.memref_slice %arg10[%add3A_19, %dma_wait3A_57] : memref<10112x128xf32, #tpu.memory_space<vmem_shared>> -> memref<120x128xf32, #tpu.memory_space<vmem_shared>>
      %dma_wait3A_59 = arith.constant 0 : i32
      %dma_wait3A_60 = tpu.memref_slice %arg10[%add3A_19, %dma_wait3A_59] : memref<10112x128xf32, #tpu.memory_space<vmem_shared>> -> memref<120x128xf32, #tpu.memory_space<vmem_shared>>
      %dma_wait3A_61 = arith.constant 0 : i32
      %dma_wait3A_62 = arith.constant 0 : i32
      %dma_wait3A_63 = tpu.memref_slice %arg8[%dma_wait3A_61, %dma_wait3A_62] : memref<128x128xf32, #tpu.memory_space<vmem>> -> memref<120x128xf32, #tpu.memory_space<vmem>>
      tpu.wait_dma2 semaphore(%run_scoped3A : memref<!tpu.dma_semaphore, #tpu.memory_space<semaphore_mem>>) src(%dma_wait3A_63 : memref<120x128xf32, #tpu.memory_space<vmem>>) dst(%dma_wait3A_60 : memref<120x128xf32, #tpu.memory_space<vmem_shared>>)
      tpu.yield
    }) : () -> ()
    %barrier3A = arith.constant 0 : index
    tpu.barrier barrier_id(%barrier3A)
    "tpu.region"() ({
      %run_scoped3A = tpu.sem_alloc : memref<!tpu.dma_semaphore, #tpu.memory_space<semaphore_mem>>
      %dma_start3A_45 = arith.constant 0 : i32
      %dma_start3A_46 = tpu.memref_slice %arg3[%multiple_of3A, %dma_start3A_45] : memref<2640x128xi32, #tpu.memory_space<hbm>> -> memref<120x128xi32, #tpu.memory_space<hbm>>
      %dma_start3A_47 = arith.constant 0 : i32
      %dma_start3A_48 = tpu.memref_slice %arg3[%multiple_of3A, %dma_start3A_47] : memref<2640x128xi32, #tpu.memory_space<hbm>> -> memref<120x128xi32, #tpu.memory_space<hbm>>
      tpu.enqueue_dma source(%dma_start3A_48 : memref<120x128xi32, #tpu.memory_space<hbm>>) target(%arg6 : memref<120x128xi32, #tpu.memory_space<vmem>>) target_semaphore(%run_scoped3A : memref<!tpu.dma_semaphore, #tpu.memory_space<semaphore_mem>>)
      %dma_wait3A = arith.constant 0 : i32
      %dma_wait3A_49 = tpu.memref_slice %arg3[%multiple_of3A, %dma_wait3A] : memref<2640x128xi32, #tpu.memory_space<hbm>> -> memref<120x128xi32, #tpu.memory_space<hbm>>
      %dma_wait3A_50 = arith.constant 0 : i32
      %dma_wait3A_51 = tpu.memref_slice %arg3[%multiple_of3A, %dma_wait3A_50] : memref<2640x128xi32, #tpu.memory_space<hbm>> -> memref<120x128xi32, #tpu.memory_space<hbm>>
      tpu.wait_dma2 semaphore(%run_scoped3A : memref<!tpu.dma_semaphore, #tpu.memory_space<semaphore_mem>>) src(%dma_wait3A_51 : memref<120x128xi32, #tpu.memory_space<hbm>>) dst(%arg6 : memref<120x128xi32, #tpu.memory_space<vmem>>)
      tpu.yield
    }) : () -> ()
    "tpu.region"() ({
      %run_scoped3A = tpu.sem_alloc : memref<!tpu.dma_semaphore, #tpu.memory_space<semaphore_mem>>
      %dma_start3A_45 = arith.constant 0 : i32
      %dma_start3A_46 = tpu.memref_slice %arg4[%multiple_of3A, %dma_start3A_45] : memref<2640x128xi32, #tpu.memory_space<hbm>> -> memref<8x128xi32, #tpu.memory_space<hbm>>
      %dma_start3A_47 = arith.constant 0 : i32
      %dma_start3A_48 = tpu.memref_slice %arg4[%multiple_of3A, %dma_start3A_47] : memref<2640x128xi32, #tpu.memory_space<hbm>> -> memref<8x128xi32, #tpu.memory_space<hbm>>
      tpu.enqueue_dma source(%dma_start3A_48 : memref<8x128xi32, #tpu.memory_space<hbm>>) target(%arg7 : memref<8x128xi32, #tpu.memory_space<vmem>>) target_semaphore(%run_scoped3A : memref<!tpu.dma_semaphore, #tpu.memory_space<semaphore_mem>>)
      %dma_wait3A = arith.constant 0 : i32
      %dma_wait3A_49 = tpu.memref_slice %arg4[%multiple_of3A, %dma_wait3A] : memref<2640x128xi32, #tpu.memory_space<hbm>> -> memref<8x128xi32, #tpu.memory_space<hbm>>
      %dma_wait3A_50 = arith.constant 0 : i32
      %dma_wait3A_51 = tpu.memref_slice %arg4[%multiple_of3A, %dma_wait3A_50] : memref<2640x128xi32, #tpu.memory_space<hbm>> -> memref<8x128xi32, #tpu.memory_space<hbm>>
      tpu.wait_dma2 semaphore(%run_scoped3A : memref<!tpu.dma_semaphore, #tpu.memory_space<semaphore_mem>>) src(%dma_wait3A_51 : memref<8x128xi32, #tpu.memory_space<hbm>>) dst(%arg7 : memref<8x128xi32, #tpu.memory_space<vmem>>)
      tpu.yield
    }) : () -> ()
    %dma_start3A = arith.constant 0 : i32
    %dma_start3A_20 = arith.constant 0 : i32
    %dma_start3A_21 = tpu.memref_slice %arg6[%dma_start3A, %dma_start3A_20] : memref<120x128xi32, #tpu.memory_space<vmem>> -> memref<1x128xi32, #tpu.memory_space<vmem>>
    %dma_start3A_22 = tpu.memref_squeeze %dma_start3A_21 : memref<1x128xi32, #tpu.memory_space<vmem>> -> memref<128xi32, #tpu.memory_space<vmem>>
    %dma_start3A_23 = arith.constant 0 : i32
    %dma_start3A_24 = arith.constant 0 : i32
    %dma_start3A_25 = tpu.memref_slice %arg2[%dma_start3A_23, %dma_start3A_24] : memref<10000x128xf32, #tpu.memory_space<hbm>> -> memref<10000x128xf32, #tpu.memory_space<hbm>>
    tpu.enqueue_indirect_dma source(%dma_start3A_25 : memref<10000x128xf32, #tpu.memory_space<hbm>>) target(%arg8 : memref<128x128xf32, #tpu.memory_space<vmem>>) offsets(%dma_start3A_22 : memref<128xi32, #tpu.memory_space<vmem>>) semaphore(%arg11 : memref<!tpu.dma_semaphore, #tpu.memory_space<semaphore_mem>>)
    %dma_start3A_26 = arith.constant 1 : i32
    %dma_start3A_27 = arith.constant 0 : i32
    %dma_start3A_28 = tpu.memref_slice %arg6[%dma_start3A_26, %dma_start3A_27] : memref<120x128xi32, #tpu.memory_space<vmem>> -> memref<1x128xi32, #tpu.memory_space<vmem>>
    %dma_start3A_29 = tpu.memref_squeeze %dma_start3A_28 : memref<1x128xi32, #tpu.memory_space<vmem>> -> memref<128xi32, #tpu.memory_space<vmem>>
    %dma_start3A_30 = arith.constant 0 : i32
    %dma_start3A_31 = arith.constant 0 : i32
    %dma_start3A_32 = tpu.memref_slice %arg2[%dma_start3A_30, %dma_start3A_31] : memref<10000x128xf32, #tpu.memory_space<hbm>> -> memref<10000x128xf32, #tpu.memory_space<hbm>>
    tpu.enqueue_indirect_dma source(%dma_start3A_32 : memref<10000x128xf32, #tpu.memory_space<hbm>>) target(%arg9 : memref<128x128xf32, #tpu.memory_space<vmem>>) offsets(%dma_start3A_29 : memref<128xi32, #tpu.memory_space<vmem>>) semaphore(%arg12 : memref<!tpu.dma_semaphore, #tpu.memory_space<semaphore_mem>>)
    %eq3A = arith.constant 0 : i32
    %eq3A_33 = arith.cmpi eq, %arg0, %eq3A : i32
    %convert_element_type3A = arith.extui %eq3A_33 : i1 to i32
    %cond3A = arith.constant 0 : i32
    %cond3A_34 = arith.cmpi ne, %convert_element_type3A, %cond3A : i32
    scf.if %cond3A_34 {
      %scan3A_45 = arith.constant 0 : i32
      %scan3A_46 = arith.constant 0 : i32
      %scan3A_47 = arith.constant 60 : i32
      %scan3A_48 = arith.addi %scan3A_46, %scan3A_47 : i32
      %scan3A_49 = arith.constant 1 : i32
      scf.for %scan3A_64 = %scan3A_46 to %scan3A_48 step %scan3A_49  : i32 {
        %mul3A_65 = arith.constant 2 : i32
        %mul3A_66 = arith.muli %mul3A_65, %scan3A_64 : i32
        %add3A_67 = arith.constant 1 : i32
        %add3A_68 = arith.addi %mul3A_66, %add3A_67 : i32
        %rem3A = arith.constant 8 : i32
        %rem3A_69 = arith.remsi %mul3A_66, %rem3A : i32
        %eq3A_70 = arith.constant 0 : i32
        %eq3A_71 = arith.cmpi eq, %rem3A_69, %eq3A_70 : i32
        %ne3A = arith.constant 0 : i32
        %ne3A_72 = arith.cmpi ne, %scan3A_64, %ne3A : i32
        %and3A = arith.andi %eq3A_71, %ne3A_72 : i1
        %convert_element_type3A_73 = arith.extui %and3A : i1 to i32
        %cond3A_74 = arith.constant 0 : i32
        %cond3A_75 = arith.cmpi ne, %convert_element_type3A_73, %cond3A_74 : i32
        scf.if %cond3A_75 {
          %div3A = arith.constant 8 : i32
          %div3A_137 = arith.divsi %mul3A_66, %div3A : i32
          %mul3A_138 = arith.constant 8 : i32
          %mul3A_139 = arith.muli %div3A_137, %mul3A_138 : i32
          %add3A_140 = arith.addi %multiple_of3A, %mul3A_139 : i32
          %multiple_of3A_141 = tpu.assume_multiple %add3A_140, 8 : i32
          "tpu.region"() ({
            %run_scoped3A = tpu.sem_alloc : memref<!tpu.dma_semaphore, #tpu.memory_space<semaphore_mem>>
            %dma_start3A_142 = arith.constant 0 : i32
            %dma_start3A_143 = tpu.memref_slice %arg4[%multiple_of3A_141, %dma_start3A_142] : memref<2640x128xi32, #tpu.memory_space<hbm>> -> memref<8x128xi32, #tpu.memory_space<hbm>>
            %dma_start3A_144 = arith.constant 0 : i32
            %dma_start3A_145 = tpu.memref_slice %arg4[%multiple_of3A_141, %dma_start3A_144] : memref<2640x128xi32, #tpu.memory_space<hbm>> -> memref<8x128xi32, #tpu.memory_space<hbm>>
            tpu.enqueue_dma source(%dma_start3A_145 : memref<8x128xi32, #tpu.memory_space<hbm>>) target(%arg7 : memref<8x128xi32, #tpu.memory_space<vmem>>) target_semaphore(%run_scoped3A : memref<!tpu.dma_semaphore, #tpu.memory_space<semaphore_mem>>)
            %dma_wait3A_146 = arith.constant 0 : i32
            %dma_wait3A_147 = tpu.memref_slice %arg4[%multiple_of3A_141, %dma_wait3A_146] : memref<2640x128xi32, #tpu.memory_space<hbm>> -> memref<8x128xi32, #tpu.memory_space<hbm>>
            %dma_wait3A_148 = arith.constant 0 : i32
            %dma_wait3A_149 = tpu.memref_slice %arg4[%multiple_of3A_141, %dma_wait3A_148] : memref<2640x128xi32, #tpu.memory_space<hbm>> -> memref<8x128xi32, #tpu.memory_space<hbm>>
            tpu.wait_dma2 semaphore(%run_scoped3A : memref<!tpu.dma_semaphore, #tpu.memory_space<semaphore_mem>>) src(%dma_wait3A_149 : memref<8x128xi32, #tpu.memory_space<hbm>>) dst(%arg7 : memref<8x128xi32, #tpu.memory_space<vmem>>)
            tpu.yield
          }) : () -> ()
        } else {
        }
        %rem3A_76 = arith.constant 8 : i32
        %rem3A_77 = arith.remsi %mul3A_66, %rem3A_76 : i32
        %dma_wait3A_78 = arith.constant 0 : i32
        %dma_wait3A_79 = tpu.memref_slice %arg6[%mul3A_66, %dma_wait3A_78] : memref<120x128xi32, #tpu.memory_space<vmem>> -> memref<1x128xi32, #tpu.memory_space<vmem>>
        %dma_wait3A_80 = tpu.memref_squeeze %dma_wait3A_79 : memref<1x128xi32, #tpu.memory_space<vmem>> -> memref<128xi32, #tpu.memory_space<vmem>>
        %dma_wait3A_81 = arith.constant 0 : i32
        %dma_wait3A_82 = arith.constant 0 : i32
        %dma_wait3A_83 = tpu.memref_slice %arg2[%dma_wait3A_81, %dma_wait3A_82] : memref<10000x128xf32, #tpu.memory_space<hbm>> -> memref<10000x128xf32, #tpu.memory_space<hbm>>
        tpu.wait_indirect_dma semaphore(%arg11 : memref<!tpu.dma_semaphore, #tpu.memory_space<semaphore_mem>>) src(%dma_wait3A_83 : memref<10000x128xf32, #tpu.memory_space<hbm>>) dst(%arg8 : memref<128x128xf32, #tpu.memory_space<vmem>>)
        %dma_start3A_84 = arith.constant 0 : i32
        %dma_start3A_85 = tpu.memref_slice %arg7[%rem3A_77, %dma_start3A_84] : memref<8x128xi32, #tpu.memory_space<vmem>> -> memref<1x128xi32, #tpu.memory_space<vmem>>
        %dma_start3A_86 = tpu.memref_squeeze %dma_start3A_85 : memref<1x128xi32, #tpu.memory_space<vmem>> -> memref<128xi32, #tpu.memory_space<vmem>>
        %dma_start3A_87 = arith.constant 0 : i32
        %dma_start3A_88 = arith.constant 0 : i32
        %dma_start3A_89 = tpu.memref_slice %arg10[%dma_start3A_87, %dma_start3A_88] : memref<10112x128xf32, #tpu.memory_space<vmem_shared>> -> memref<10112x128xf32, #tpu.memory_space<vmem_shared>>
        tpu.enqueue_indirect_dma source(%arg8 : memref<128x128xf32, #tpu.memory_space<vmem>>) target(%dma_start3A_89 : memref<10112x128xf32, #tpu.memory_space<vmem_shared>>) offsets(%dma_start3A_86 : memref<128xi32, #tpu.memory_space<vmem>>) semaphore(%arg13 : memref<!tpu.dma_semaphore, #tpu.memory_space<semaphore_mem>>) {add = true}
        %dma_wait3A_90 = arith.constant 0 : i32
        %dma_wait3A_91 = tpu.memref_slice %arg6[%add3A_68, %dma_wait3A_90] : memref<120x128xi32, #tpu.memory_space<vmem>> -> memref<1x128xi32, #tpu.memory_space<vmem>>
        %dma_wait3A_92 = tpu.memref_squeeze %dma_wait3A_91 : memref<1x128xi32, #tpu.memory_space<vmem>> -> memref<128xi32, #tpu.memory_space<vmem>>
        %dma_wait3A_93 = arith.constant 0 : i32
        %dma_wait3A_94 = arith.constant 0 : i32
        %dma_wait3A_95 = tpu.memref_slice %arg2[%dma_wait3A_93, %dma_wait3A_94] : memref<10000x128xf32, #tpu.memory_space<hbm>> -> memref<10000x128xf32, #tpu.memory_space<hbm>>
        tpu.wait_indirect_dma semaphore(%arg12 : memref<!tpu.dma_semaphore, #tpu.memory_space<semaphore_mem>>) src(%dma_wait3A_95 : memref<10000x128xf32, #tpu.memory_space<hbm>>) dst(%arg9 : memref<128x128xf32, #tpu.memory_space<vmem>>)
        %add3A_96 = arith.constant 1 : i32
        %add3A_97 = arith.addi %rem3A_77, %add3A_96 : i32
        %dma_start3A_98 = arith.constant 0 : i32
        %dma_start3A_99 = tpu.memref_slice %arg7[%add3A_97, %dma_start3A_98] : memref<8x128xi32, #tpu.memory_space<vmem>> -> memref<1x128xi32, #tpu.memory_space<vmem>>
        %dma_start3A_100 = tpu.memref_squeeze %dma_start3A_99 : memref<1x128xi32, #tpu.memory_space<vmem>> -> memref<128xi32, #tpu.memory_space<vmem>>
        %dma_start3A_101 = arith.constant 0 : i32
        %dma_start3A_102 = arith.constant 0 : i32
        %dma_start3A_103 = tpu.memref_slice %arg10[%dma_start3A_101, %dma_start3A_102] : memref<10112x128xf32, #tpu.memory_space<vmem_shared>> -> memref<10112x128xf32, #tpu.memory_space<vmem_shared>>
        tpu.enqueue_indirect_dma source(%arg9 : memref<128x128xf32, #tpu.memory_space<vmem>>) target(%dma_start3A_103 : memref<10112x128xf32, #tpu.memory_space<vmem_shared>>) offsets(%dma_start3A_100 : memref<128xi32, #tpu.memory_space<vmem>>) semaphore(%arg14 : memref<!tpu.dma_semaphore, #tpu.memory_space<semaphore_mem>>) {add = true}
        %add3A_104 = arith.constant 2 : i32
        %add3A_105 = arith.addi %mul3A_66, %add3A_104 : i32
        %min3A = arith.constant 119 : i32
        %min3A_106 = arith.minsi %add3A_105, %min3A : i32
        %add3A_107 = arith.constant 2 : i32
        %add3A_108 = arith.addi %add3A_68, %add3A_107 : i32
        %min3A_109 = arith.constant 119 : i32
        %min3A_110 = arith.minsi %add3A_108, %min3A_109 : i32
        %dma_wait3A_111 = arith.constant 0 : i32
        %dma_wait3A_112 = tpu.memref_slice %arg7[%rem3A_77, %dma_wait3A_111] : memref<8x128xi32, #tpu.memory_space<vmem>> -> memref<1x128xi32, #tpu.memory_space<vmem>>
        %dma_wait3A_113 = tpu.memref_squeeze %dma_wait3A_112 : memref<1x128xi32, #tpu.memory_space<vmem>> -> memref<128xi32, #tpu.memory_space<vmem>>
        %dma_wait3A_114 = arith.constant 0 : i32
        %dma_wait3A_115 = arith.constant 0 : i32
        %dma_wait3A_116 = tpu.memref_slice %arg10[%dma_wait3A_114, %dma_wait3A_115] : memref<10112x128xf32, #tpu.memory_space<vmem_shared>> -> memref<10112x128xf32, #tpu.memory_space<vmem_shared>>
        tpu.wait_indirect_dma semaphore(%arg13 : memref<!tpu.dma_semaphore, #tpu.memory_space<semaphore_mem>>) src(%arg8 : memref<128x128xf32, #tpu.memory_space<vmem>>) dst(%dma_wait3A_116 : memref<10112x128xf32, #tpu.memory_space<vmem_shared>>)
        %dma_start3A_117 = arith.constant 0 : i32
        %dma_start3A_118 = tpu.memref_slice %arg6[%min3A_106, %dma_start3A_117] : memref<120x128xi32, #tpu.memory_space<vmem>> -> memref<1x128xi32, #tpu.memory_space<vmem>>
        %dma_start3A_119 = tpu.memref_squeeze %dma_start3A_118 : memref<1x128xi32, #tpu.memory_space<vmem>> -> memref<128xi32, #tpu.memory_space<vmem>>
        %dma_start3A_120 = arith.constant 0 : i32
        %dma_start3A_121 = arith.constant 0 : i32
        %dma_start3A_122 = tpu.memref_slice %arg2[%dma_start3A_120, %dma_start3A_121] : memref<10000x128xf32, #tpu.memory_space<hbm>> -> memref<10000x128xf32, #tpu.memory_space<hbm>>
        tpu.enqueue_indirect_dma source(%dma_start3A_122 : memref<10000x128xf32, #tpu.memory_space<hbm>>) target(%arg8 : memref<128x128xf32, #tpu.memory_space<vmem>>) offsets(%dma_start3A_119 : memref<128xi32, #tpu.memory_space<vmem>>) semaphore(%arg11 : memref<!tpu.dma_semaphore, #tpu.memory_space<semaphore_mem>>)
        %add3A_123 = arith.constant 1 : i32
        %add3A_124 = arith.addi %rem3A_77, %add3A_123 : i32
        %dma_wait3A_125 = arith.constant 0 : i32
        %dma_wait3A_126 = tpu.memref_slice %arg7[%add3A_124, %dma_wait3A_125] : memref<8x128xi32, #tpu.memory_space<vmem>> -> memref<1x128xi32, #tpu.memory_space<vmem>>
        %dma_wait3A_127 = tpu.memref_squeeze %dma_wait3A_126 : memref<1x128xi32, #tpu.memory_space<vmem>> -> memref<128xi32, #tpu.memory_space<vmem>>
        %dma_wait3A_128 = arith.constant 0 : i32
        %dma_wait3A_129 = arith.constant 0 : i32
        %dma_wait3A_130 = tpu.memref_slice %arg10[%dma_wait3A_128, %dma_wait3A_129] : memref<10112x128xf32, #tpu.memory_space<vmem_shared>> -> memref<10112x128xf32, #tpu.memory_space<vmem_shared>>
        tpu.wait_indirect_dma semaphore(%arg14 : memref<!tpu.dma_semaphore, #tpu.memory_space<semaphore_mem>>) src(%arg9 : memref<128x128xf32, #tpu.memory_space<vmem>>) dst(%dma_wait3A_130 : memref<10112x128xf32, #tpu.memory_space<vmem_shared>>)
        %dma_start3A_131 = arith.constant 0 : i32
        %dma_start3A_132 = tpu.memref_slice %arg6[%min3A_110, %dma_start3A_131] : memref<120x128xi32, #tpu.memory_space<vmem>> -> memref<1x128xi32, #tpu.memory_space<vmem>>
        %dma_start3A_133 = tpu.memref_squeeze %dma_start3A_132 : memref<1x128xi32, #tpu.memory_space<vmem>> -> memref<128xi32, #tpu.memory_space<vmem>>
        %dma_start3A_134 = arith.constant 0 : i32
        %dma_start3A_135 = arith.constant 0 : i32
        %dma_start3A_136 = tpu.memref_slice %arg2[%dma_start3A_134, %dma_start3A_135] : memref<10000x128xf32, #tpu.memory_space<hbm>> -> memref<10000x128xf32, #tpu.memory_space<hbm>>
        tpu.enqueue_indirect_dma source(%dma_start3A_136 : memref<10000x128xf32, #tpu.memory_space<hbm>>) target(%arg9 : memref<128x128xf32, #tpu.memory_space<vmem>>) offsets(%dma_start3A_133 : memref<128xi32, #tpu.memory_space<vmem>>) semaphore(%arg12 : memref<!tpu.dma_semaphore, #tpu.memory_space<semaphore_mem>>)
      }
      %scan3A_50 = arith.constant 60 : i32
      %dma_wait3A = arith.constant 119 : i32
      %dma_wait3A_51 = arith.constant 0 : i32
      %dma_wait3A_52 = tpu.memref_slice %arg6[%dma_wait3A, %dma_wait3A_51] : memref<120x128xi32, #tpu.memory_space<vmem>> -> memref<1x128xi32, #tpu.memory_space<vmem>>
      %dma_wait3A_53 = tpu.memref_squeeze %dma_wait3A_52 : memref<1x128xi32, #tpu.memory_space<vmem>> -> memref<128xi32, #tpu.memory_space<vmem>>
      %dma_wait3A_54 = arith.constant 0 : i32
      %dma_wait3A_55 = arith.constant 0 : i32
      %dma_wait3A_56 = tpu.memref_slice %arg2[%dma_wait3A_54, %dma_wait3A_55] : memref<10000x128xf32, #tpu.memory_space<hbm>> -> memref<10000x128xf32, #tpu.memory_space<hbm>>
      tpu.wait_indirect_dma semaphore(%arg11 : memref<!tpu.dma_semaphore, #tpu.memory_space<semaphore_mem>>) src(%dma_wait3A_56 : memref<10000x128xf32, #tpu.memory_space<hbm>>) dst(%arg8 : memref<128x128xf32, #tpu.memory_space<vmem>>)
      %dma_wait3A_57 = arith.constant 119 : i32
      %dma_wait3A_58 = arith.constant 0 : i32
      %dma_wait3A_59 = tpu.memref_slice %arg6[%dma_wait3A_57, %dma_wait3A_58] : memref<120x128xi32, #tpu.memory_space<vmem>> -> memref<1x128xi32, #tpu.memory_space<vmem>>
      %dma_wait3A_60 = tpu.memref_squeeze %dma_wait3A_59 : memref<1x128xi32, #tpu.memory_space<vmem>> -> memref<128xi32, #tpu.memory_space<vmem>>
      %dma_wait3A_61 = arith.constant 0 : i32
      %dma_wait3A_62 = arith.constant 0 : i32
      %dma_wait3A_63 = tpu.memref_slice %arg2[%dma_wait3A_61, %dma_wait3A_62] : memref<10000x128xf32, #tpu.memory_space<hbm>> -> memref<10000x128xf32, #tpu.memory_space<hbm>>
      tpu.wait_indirect_dma semaphore(%arg12 : memref<!tpu.dma_semaphore, #tpu.memory_space<semaphore_mem>>) src(%dma_wait3A_63 : memref<10000x128xf32, #tpu.memory_space<hbm>>) dst(%arg9 : memref<128x128xf32, #tpu.memory_space<vmem>>)
    } else {
    }
    %eq3A_35 = arith.constant 1 : i32
    %eq3A_36 = arith.cmpi eq, %arg0, %eq3A_35 : i32
    %convert_element_type3A_37 = arith.extui %eq3A_36 : i1 to i32
    %cond3A_38 = arith.constant 0 : i32
    %cond3A_39 = arith.cmpi ne, %convert_element_type3A_37, %cond3A_38 : i32
    scf.if %cond3A_39 {
      %scan3A_45 = arith.constant 0 : i32
      %scan3A_46 = arith.constant 0 : i32
      %scan3A_47 = arith.constant 20 : i32
      %scan3A_48 = arith.addi %scan3A_46, %scan3A_47 : i32
      %scan3A_49 = arith.constant 1 : i32
      scf.for %scan3A_64 = %scan3A_46 to %scan3A_48 step %scan3A_49  : i32 {
        %mul3A_65 = arith.constant 2 : i32
        %mul3A_66 = arith.muli %mul3A_65, %scan3A_64 : i32
        %add3A_67 = arith.constant 1 : i32
        %add3A_68 = arith.addi %mul3A_66, %add3A_67 : i32
        %rem3A = arith.constant 8 : i32
        %rem3A_69 = arith.remsi %mul3A_66, %rem3A : i32
        %eq3A_70 = arith.constant 0 : i32
        %eq3A_71 = arith.cmpi eq, %rem3A_69, %eq3A_70 : i32
        %ne3A = arith.constant 0 : i32
        %ne3A_72 = arith.cmpi ne, %scan3A_64, %ne3A : i32
        %and3A = arith.andi %eq3A_71, %ne3A_72 : i1
        %convert_element_type3A_73 = arith.extui %and3A : i1 to i32
        %cond3A_74 = arith.constant 0 : i32
        %cond3A_75 = arith.cmpi ne, %convert_element_type3A_73, %cond3A_74 : i32
        scf.if %cond3A_75 {
          %div3A = arith.constant 8 : i32
          %div3A_137 = arith.divsi %mul3A_66, %div3A : i32
          %mul3A_138 = arith.constant 8 : i32
          %mul3A_139 = arith.muli %div3A_137, %mul3A_138 : i32
          %add3A_140 = arith.addi %multiple_of3A, %mul3A_139 : i32
          %multiple_of3A_141 = tpu.assume_multiple %add3A_140, 8 : i32
          "tpu.region"() ({
            %run_scoped3A = tpu.sem_alloc : memref<!tpu.dma_semaphore, #tpu.memory_space<semaphore_mem>>
            %dma_start3A_142 = arith.constant 0 : i32
            %dma_start3A_143 = tpu.memref_slice %arg4[%multiple_of3A_141, %dma_start3A_142] : memref<2640x128xi32, #tpu.memory_space<hbm>> -> memref<8x128xi32, #tpu.memory_space<hbm>>
            %dma_start3A_144 = arith.constant 0 : i32
            %dma_start3A_145 = tpu.memref_slice %arg4[%multiple_of3A_141, %dma_start3A_144] : memref<2640x128xi32, #tpu.memory_space<hbm>> -> memref<8x128xi32, #tpu.memory_space<hbm>>
            tpu.enqueue_dma source(%dma_start3A_145 : memref<8x128xi32, #tpu.memory_space<hbm>>) target(%arg7 : memref<8x128xi32, #tpu.memory_space<vmem>>) target_semaphore(%run_scoped3A : memref<!tpu.dma_semaphore, #tpu.memory_space<semaphore_mem>>)
            %dma_wait3A_146 = arith.constant 0 : i32
            %dma_wait3A_147 = tpu.memref_slice %arg4[%multiple_of3A_141, %dma_wait3A_146] : memref<2640x128xi32, #tpu.memory_space<hbm>> -> memref<8x128xi32, #tpu.memory_space<hbm>>
            %dma_wait3A_148 = arith.constant 0 : i32
            %dma_wait3A_149 = tpu.memref_slice %arg4[%multiple_of3A_141, %dma_wait3A_148] : memref<2640x128xi32, #tpu.memory_space<hbm>> -> memref<8x128xi32, #tpu.memory_space<hbm>>
            tpu.wait_dma2 semaphore(%run_scoped3A : memref<!tpu.dma_semaphore, #tpu.memory_space<semaphore_mem>>) src(%dma_wait3A_149 : memref<8x128xi32, #tpu.memory_space<hbm>>) dst(%arg7 : memref<8x128xi32, #tpu.memory_space<vmem>>)
            tpu.yield
          }) : () -> ()
        } else {
        }
        %rem3A_76 = arith.constant 8 : i32
        %rem3A_77 = arith.remsi %mul3A_66, %rem3A_76 : i32
        %dma_wait3A_78 = arith.constant 0 : i32
        %dma_wait3A_79 = tpu.memref_slice %arg6[%mul3A_66, %dma_wait3A_78] : memref<120x128xi32, #tpu.memory_space<vmem>> -> memref<1x128xi32, #tpu.memory_space<vmem>>
        %dma_wait3A_80 = tpu.memref_squeeze %dma_wait3A_79 : memref<1x128xi32, #tpu.memory_space<vmem>> -> memref<128xi32, #tpu.memory_space<vmem>>
        %dma_wait3A_81 = arith.constant 0 : i32
        %dma_wait3A_82 = arith.constant 0 : i32
        %dma_wait3A_83 = tpu.memref_slice %arg2[%dma_wait3A_81, %dma_wait3A_82] : memref<10000x128xf32, #tpu.memory_space<hbm>> -> memref<10000x128xf32, #tpu.memory_space<hbm>>
        tpu.wait_indirect_dma semaphore(%arg11 : memref<!tpu.dma_semaphore, #tpu.memory_space<semaphore_mem>>) src(%dma_wait3A_83 : memref<10000x128xf32, #tpu.memory_space<hbm>>) dst(%arg8 : memref<128x128xf32, #tpu.memory_space<vmem>>)
        %dma_start3A_84 = arith.constant 0 : i32
        %dma_start3A_85 = tpu.memref_slice %arg7[%rem3A_77, %dma_start3A_84] : memref<8x128xi32, #tpu.memory_space<vmem>> -> memref<1x128xi32, #tpu.memory_space<vmem>>
        %dma_start3A_86 = tpu.memref_squeeze %dma_start3A_85 : memref<1x128xi32, #tpu.memory_space<vmem>> -> memref<128xi32, #tpu.memory_space<vmem>>
        %dma_start3A_87 = arith.constant 0 : i32
        %dma_start3A_88 = arith.constant 0 : i32
        %dma_start3A_89 = tpu.memref_slice %arg10[%dma_start3A_87, %dma_start3A_88] : memref<10112x128xf32, #tpu.memory_space<vmem_shared>> -> memref<10112x128xf32, #tpu.memory_space<vmem_shared>>
        tpu.enqueue_indirect_dma source(%arg8 : memref<128x128xf32, #tpu.memory_space<vmem>>) target(%dma_start3A_89 : memref<10112x128xf32, #tpu.memory_space<vmem_shared>>) offsets(%dma_start3A_86 : memref<128xi32, #tpu.memory_space<vmem>>) semaphore(%arg13 : memref<!tpu.dma_semaphore, #tpu.memory_space<semaphore_mem>>) {add = true}
        %dma_wait3A_90 = arith.constant 0 : i32
        %dma_wait3A_91 = tpu.memref_slice %arg6[%add3A_68, %dma_wait3A_90] : memref<120x128xi32, #tpu.memory_space<vmem>> -> memref<1x128xi32, #tpu.memory_space<vmem>>
        %dma_wait3A_92 = tpu.memref_squeeze %dma_wait3A_91 : memref<1x128xi32, #tpu.memory_space<vmem>> -> memref<128xi32, #tpu.memory_space<vmem>>
        %dma_wait3A_93 = arith.constant 0 : i32
        %dma_wait3A_94 = arith.constant 0 : i32
        %dma_wait3A_95 = tpu.memref_slice %arg2[%dma_wait3A_93, %dma_wait3A_94] : memref<10000x128xf32, #tpu.memory_space<hbm>> -> memref<10000x128xf32, #tpu.memory_space<hbm>>
        tpu.wait_indirect_dma semaphore(%arg12 : memref<!tpu.dma_semaphore, #tpu.memory_space<semaphore_mem>>) src(%dma_wait3A_95 : memref<10000x128xf32, #tpu.memory_space<hbm>>) dst(%arg9 : memref<128x128xf32, #tpu.memory_space<vmem>>)
        %add3A_96 = arith.constant 1 : i32
        %add3A_97 = arith.addi %rem3A_77, %add3A_96 : i32
        %dma_start3A_98 = arith.constant 0 : i32
        %dma_start3A_99 = tpu.memref_slice %arg7[%add3A_97, %dma_start3A_98] : memref<8x128xi32, #tpu.memory_space<vmem>> -> memref<1x128xi32, #tpu.memory_space<vmem>>
        %dma_start3A_100 = tpu.memref_squeeze %dma_start3A_99 : memref<1x128xi32, #tpu.memory_space<vmem>> -> memref<128xi32, #tpu.memory_space<vmem>>
        %dma_start3A_101 = arith.constant 0 : i32
        %dma_start3A_102 = arith.constant 0 : i32
        %dma_start3A_103 = tpu.memref_slice %arg10[%dma_start3A_101, %dma_start3A_102] : memref<10112x128xf32, #tpu.memory_space<vmem_shared>> -> memref<10112x128xf32, #tpu.memory_space<vmem_shared>>
        tpu.enqueue_indirect_dma source(%arg9 : memref<128x128xf32, #tpu.memory_space<vmem>>) target(%dma_start3A_103 : memref<10112x128xf32, #tpu.memory_space<vmem_shared>>) offsets(%dma_start3A_100 : memref<128xi32, #tpu.memory_space<vmem>>) semaphore(%arg14 : memref<!tpu.dma_semaphore, #tpu.memory_space<semaphore_mem>>) {add = true}
        %add3A_104 = arith.constant 2 : i32
        %add3A_105 = arith.addi %mul3A_66, %add3A_104 : i32
        %min3A = arith.constant 39 : i32
        %min3A_106 = arith.minsi %add3A_105, %min3A : i32
        %add3A_107 = arith.constant 2 : i32
        %add3A_108 = arith.addi %add3A_68, %add3A_107 : i32
        %min3A_109 = arith.constant 39 : i32
        %min3A_110 = arith.minsi %add3A_108, %min3A_109 : i32
        %dma_wait3A_111 = arith.constant 0 : i32
        %dma_wait3A_112 = tpu.memref_slice %arg7[%rem3A_77, %dma_wait3A_111] : memref<8x128xi32, #tpu.memory_space<vmem>> -> memref<1x128xi32, #tpu.memory_space<vmem>>
        %dma_wait3A_113 = tpu.memref_squeeze %dma_wait3A_112 : memref<1x128xi32, #tpu.memory_space<vmem>> -> memref<128xi32, #tpu.memory_space<vmem>>
        %dma_wait3A_114 = arith.constant 0 : i32
        %dma_wait3A_115 = arith.constant 0 : i32
        %dma_wait3A_116 = tpu.memref_slice %arg10[%dma_wait3A_114, %dma_wait3A_115] : memref<10112x128xf32, #tpu.memory_space<vmem_shared>> -> memref<10112x128xf32, #tpu.memory_space<vmem_shared>>
        tpu.wait_indirect_dma semaphore(%arg13 : memref<!tpu.dma_semaphore, #tpu.memory_space<semaphore_mem>>) src(%arg8 : memref<128x128xf32, #tpu.memory_space<vmem>>) dst(%dma_wait3A_116 : memref<10112x128xf32, #tpu.memory_space<vmem_shared>>)
        %dma_start3A_117 = arith.constant 0 : i32
        %dma_start3A_118 = tpu.memref_slice %arg6[%min3A_106, %dma_start3A_117] : memref<120x128xi32, #tpu.memory_space<vmem>> -> memref<1x128xi32, #tpu.memory_space<vmem>>
        %dma_start3A_119 = tpu.memref_squeeze %dma_start3A_118 : memref<1x128xi32, #tpu.memory_space<vmem>> -> memref<128xi32, #tpu.memory_space<vmem>>
        %dma_start3A_120 = arith.constant 0 : i32
        %dma_start3A_121 = arith.constant 0 : i32
        %dma_start3A_122 = tpu.memref_slice %arg2[%dma_start3A_120, %dma_start3A_121] : memref<10000x128xf32, #tpu.memory_space<hbm>> -> memref<10000x128xf32, #tpu.memory_space<hbm>>
        tpu.enqueue_indirect_dma source(%dma_start3A_122 : memref<10000x128xf32, #tpu.memory_space<hbm>>) target(%arg8 : memref<128x128xf32, #tpu.memory_space<vmem>>) offsets(%dma_start3A_119 : memref<128xi32, #tpu.memory_space<vmem>>) semaphore(%arg11 : memref<!tpu.dma_semaphore, #tpu.memory_space<semaphore_mem>>)
        %add3A_123 = arith.constant 1 : i32
        %add3A_124 = arith.addi %rem3A_77, %add3A_123 : i32
        %dma_wait3A_125 = arith.constant 0 : i32
        %dma_wait3A_126 = tpu.memref_slice %arg7[%add3A_124, %dma_wait3A_125] : memref<8x128xi32, #tpu.memory_space<vmem>> -> memref<1x128xi32, #tpu.memory_space<vmem>>
        %dma_wait3A_127 = tpu.memref_squeeze %dma_wait3A_126 : memref<1x128xi32, #tpu.memory_space<vmem>> -> memref<128xi32, #tpu.memory_space<vmem>>
        %dma_wait3A_128 = arith.constant 0 : i32
        %dma_wait3A_129 = arith.constant 0 : i32
        %dma_wait3A_130 = tpu.memref_slice %arg10[%dma_wait3A_128, %dma_wait3A_129] : memref<10112x128xf32, #tpu.memory_space<vmem_shared>> -> memref<10112x128xf32, #tpu.memory_space<vmem_shared>>
        tpu.wait_indirect_dma semaphore(%arg14 : memref<!tpu.dma_semaphore, #tpu.memory_space<semaphore_mem>>) src(%arg9 : memref<128x128xf32, #tpu.memory_space<vmem>>) dst(%dma_wait3A_130 : memref<10112x128xf32, #tpu.memory_space<vmem_shared>>)
        %dma_start3A_131 = arith.constant 0 : i32
        %dma_start3A_132 = tpu.memref_slice %arg6[%min3A_110, %dma_start3A_131] : memref<120x128xi32, #tpu.memory_space<vmem>> -> memref<1x128xi32, #tpu.memory_space<vmem>>
        %dma_start3A_133 = tpu.memref_squeeze %dma_start3A_132 : memref<1x128xi32, #tpu.memory_space<vmem>> -> memref<128xi32, #tpu.memory_space<vmem>>
        %dma_start3A_134 = arith.constant 0 : i32
        %dma_start3A_135 = arith.constant 0 : i32
        %dma_start3A_136 = tpu.memref_slice %arg2[%dma_start3A_134, %dma_start3A_135] : memref<10000x128xf32, #tpu.memory_space<hbm>> -> memref<10000x128xf32, #tpu.memory_space<hbm>>
        tpu.enqueue_indirect_dma source(%dma_start3A_136 : memref<10000x128xf32, #tpu.memory_space<hbm>>) target(%arg9 : memref<128x128xf32, #tpu.memory_space<vmem>>) offsets(%dma_start3A_133 : memref<128xi32, #tpu.memory_space<vmem>>) semaphore(%arg12 : memref<!tpu.dma_semaphore, #tpu.memory_space<semaphore_mem>>)
      }
      %scan3A_50 = arith.constant 20 : i32
      %dma_wait3A = arith.constant 39 : i32
      %dma_wait3A_51 = arith.constant 0 : i32
      %dma_wait3A_52 = tpu.memref_slice %arg6[%dma_wait3A, %dma_wait3A_51] : memref<120x128xi32, #tpu.memory_space<vmem>> -> memref<1x128xi32, #tpu.memory_space<vmem>>
      %dma_wait3A_53 = tpu.memref_squeeze %dma_wait3A_52 : memref<1x128xi32, #tpu.memory_space<vmem>> -> memref<128xi32, #tpu.memory_space<vmem>>
      %dma_wait3A_54 = arith.constant 0 : i32
      %dma_wait3A_55 = arith.constant 0 : i32
      %dma_wait3A_56 = tpu.memref_slice %arg2[%dma_wait3A_54, %dma_wait3A_55] : memref<10000x128xf32, #tpu.memory_space<hbm>> -> memref<10000x128xf32, #tpu.memory_space<hbm>>
      tpu.wait_indirect_dma semaphore(%arg11 : memref<!tpu.dma_semaphore, #tpu.memory_space<semaphore_mem>>) src(%dma_wait3A_56 : memref<10000x128xf32, #tpu.memory_space<hbm>>) dst(%arg8 : memref<128x128xf32, #tpu.memory_space<vmem>>)
      %dma_wait3A_57 = arith.constant 39 : i32
      %dma_wait3A_58 = arith.constant 0 : i32
      %dma_wait3A_59 = tpu.memref_slice %arg6[%dma_wait3A_57, %dma_wait3A_58] : memref<120x128xi32, #tpu.memory_space<vmem>> -> memref<1x128xi32, #tpu.memory_space<vmem>>
      %dma_wait3A_60 = tpu.memref_squeeze %dma_wait3A_59 : memref<1x128xi32, #tpu.memory_space<vmem>> -> memref<128xi32, #tpu.memory_space<vmem>>
      %dma_wait3A_61 = arith.constant 0 : i32
      %dma_wait3A_62 = arith.constant 0 : i32
      %dma_wait3A_63 = tpu.memref_slice %arg2[%dma_wait3A_61, %dma_wait3A_62] : memref<10000x128xf32, #tpu.memory_space<hbm>> -> memref<10000x128xf32, #tpu.memory_space<hbm>>
      tpu.wait_indirect_dma semaphore(%arg12 : memref<!tpu.dma_semaphore, #tpu.memory_space<semaphore_mem>>) src(%dma_wait3A_63 : memref<10000x128xf32, #tpu.memory_space<hbm>>) dst(%arg9 : memref<128x128xf32, #tpu.memory_space<vmem>>)
    } else {
    }
    %barrier3A_40 = arith.constant 0 : index
    tpu.barrier barrier_id(%barrier3A_40)
    %mul3A_41 = arith.constant 632 : i32
    %mul3A_42 = arith.muli %arg1, %mul3A_41 : i32
    %mul3A_43 = arith.constant 632 : i32
    %mul3A_44 = arith.muli %arg1, %mul3A_43 : i32
    "tpu.region"() ({
      %run_scoped3A = tpu.sem_alloc : memref<!tpu.dma_semaphore, #tpu.memory_space<semaphore_mem>>
      %dma_start3A_45 = arith.constant 0 : i32
      %dma_start3A_46 = tpu.memref_slice %arg5[%arg0, %mul3A_44, %dma_start3A_45] : memref<2x10112x128xf32, #tpu.memory_space<hbm>> -> memref<1x632x128xf32, #tpu.memory_space<hbm>>
      %dma_start3A_47 = tpu.memref_squeeze %dma_start3A_46 : memref<1x632x128xf32, #tpu.memory_space<hbm>> -> memref<632x128xf32, #tpu.memory_space<hbm>>
      %dma_start3A_48 = arith.constant 0 : i32
      %dma_start3A_49 = tpu.memref_slice %arg10[%mul3A_42, %dma_start3A_48] : memref<10112x128xf32, #tpu.memory_space<vmem_shared>> -> memref<632x128xf32, #tpu.memory_space<vmem_shared>>
      tpu.enqueue_dma source(%dma_start3A_49 : memref<632x128xf32, #tpu.memory_space<vmem_shared>>) target(%dma_start3A_47 : memref<632x128xf32, #tpu.memory_space<hbm>>) target_semaphore(%run_scoped3A : memref<!tpu.dma_semaphore, #tpu.memory_space<semaphore_mem>>)
      %dma_wait3A = arith.constant 0 : i32
      %dma_wait3A_50 = tpu.memref_slice %arg5[%arg0, %mul3A_44, %dma_wait3A] : memref<2x10112x128xf32, #tpu.memory_space<hbm>> -> memref<1x632x128xf32, #tpu.memory_space<hbm>>
      %dma_wait3A_51 = tpu.memref_squeeze %dma_wait3A_50 : memref<1x632x128xf32, #tpu.memory_space<hbm>> -> memref<632x128xf32, #tpu.memory_space<hbm>>
      %dma_wait3A_52 = arith.constant 0 : i32
      %dma_wait3A_53 = tpu.memref_slice %arg10[%mul3A_42, %dma_wait3A_52] : memref<10112x128xf32, #tpu.memory_space<vmem_shared>> -> memref<632x128xf32, #tpu.memory_space<vmem_shared>>
      tpu.wait_dma2 semaphore(%run_scoped3A : memref<!tpu.dma_semaphore, #tpu.memory_space<semaphore_mem>>) src(%dma_wait3A_53 : memref<632x128xf32, #tpu.memory_space<vmem_shared>>) dst(%dma_wait3A_51 : memref<632x128xf32, #tpu.memory_space<hbm>>)
      tpu.yield
    }) : () -> ()
    return
  }
}

#map = affine_map<(d0, d1) -> (0, 0)>
#map1 = affine_map<(d0, d1) -> (0)>
module attributes {stable_mosaic.version = 14 : i64} {
  func.func @body(%arg0: i32, %arg1: i32, %arg2: memref<2640x128xi32, #tpu.memory_space<hbm>>, %arg3: memref<20480xf32, #tpu.memory_space<hbm>>, %arg4: memref<80x128xi32, #tpu.memory_space<vmem>>, %arg5: memref<128xf32, #tpu.memory_space<vmem>>, %arg6: memref<640xf32, #tpu.memory_space<vmem>>, %arg7: memref<10240xf32, #tpu.memory_space<vmem_shared>>) attributes {dimension_semantics = [#tpu.dimension_semantics<core_parallel>, #tpu.dimension_semantics<subcore_parallel>], iteration_bounds = array<i64: 2, 16>, scalar_prefetch = 0 : i64, scratch_operands = 4 : i64, tpu.core_type = #tpu.core_type<sc_vector_subcore>, window_params = [{transform_indices = #map}, {transform_indices = #map1}]} {
    %mul3A = arith.constant 2 : i32
    %mul3A_0 = arith.muli %arg1, %mul3A : i32
    %add3A = arith.addi %mul3A_0, %arg0 : i32
    %broadcast_in_dim3A = arith.constant 1.000000e+00 : f32
    %broadcast_in_dim3A_1 = vector.broadcast %broadcast_in_dim3A : f32 to vector<16xf32>
    %swap3A = arith.constant 0 : index
    %swap3A_2 = tpu.vector_load %arg5[%swap3A] {strides = array<i32>} : memref<128xf32, #tpu.memory_space<vmem>>, vector<16xf32>,
    %swap3A_3 = vector.shape_cast %swap3A_2 : vector<16xf32> to vector<16xf32>
    %swap3A_4 = vector.shape_cast %broadcast_in_dim3A_1 : vector<16xf32> to vector<16xf32>
    tpu.vector_store %arg5[%swap3A], %swap3A_4 {strides = array<i32>} : memref<128xf32, #tpu.memory_space<vmem>>, vector<16xf32>,
    %broadcast_in_dim3A_5 = arith.constant 1.000000e+00 : f32
    %broadcast_in_dim3A_6 = vector.broadcast %broadcast_in_dim3A_5 : f32 to vector<16xf32>
    %swap3A_7 = arith.constant 16 : index
    %swap3A_8 = tpu.vector_load %arg5[%swap3A_7] {strides = array<i32>} : memref<128xf32, #tpu.memory_space<vmem>>, vector<16xf32>,
    %swap3A_9 = vector.shape_cast %swap3A_8 : vector<16xf32> to vector<16xf32>
    %swap3A_10 = vector.shape_cast %broadcast_in_dim3A_6 : vector<16xf32> to vector<16xf32>
    tpu.vector_store %arg5[%swap3A_7], %swap3A_10 {strides = array<i32>} : memref<128xf32, #tpu.memory_space<vmem>>, vector<16xf32>,
    %broadcast_in_dim3A_11 = arith.constant 1.000000e+00 : f32
    %broadcast_in_dim3A_12 = vector.broadcast %broadcast_in_dim3A_11 : f32 to vector<16xf32>
    %swap3A_13 = arith.constant 32 : index
    %swap3A_14 = tpu.vector_load %arg5[%swap3A_13] {strides = array<i32>} : memref<128xf32, #tpu.memory_space<vmem>>, vector<16xf32>,
    %swap3A_15 = vector.shape_cast %swap3A_14 : vector<16xf32> to vector<16xf32>
    %swap3A_16 = vector.shape_cast %broadcast_in_dim3A_12 : vector<16xf32> to vector<16xf32>
    tpu.vector_store %arg5[%swap3A_13], %swap3A_16 {strides = array<i32>} : memref<128xf32, #tpu.memory_space<vmem>>, vector<16xf32>,
    %broadcast_in_dim3A_17 = arith.constant 1.000000e+00 : f32
    %broadcast_in_dim3A_18 = vector.broadcast %broadcast_in_dim3A_17 : f32 to vector<16xf32>
    %swap3A_19 = arith.constant 48 : index
    %swap3A_20 = tpu.vector_load %arg5[%swap3A_19] {strides = array<i32>} : memref<128xf32, #tpu.memory_space<vmem>>, vector<16xf32>,
    %swap3A_21 = vector.shape_cast %swap3A_20 : vector<16xf32> to vector<16xf32>
    %swap3A_22 = vector.shape_cast %broadcast_in_dim3A_18 : vector<16xf32> to vector<16xf32>
    tpu.vector_store %arg5[%swap3A_19], %swap3A_22 {strides = array<i32>} : memref<128xf32, #tpu.memory_space<vmem>>, vector<16xf32>,
    %broadcast_in_dim3A_23 = arith.constant 1.000000e+00 : f32
    %broadcast_in_dim3A_24 = vector.broadcast %broadcast_in_dim3A_23 : f32 to vector<16xf32>
    %swap3A_25 = arith.constant 64 : index
    %swap3A_26 = tpu.vector_load %arg5[%swap3A_25] {strides = array<i32>} : memref<128xf32, #tpu.memory_space<vmem>>, vector<16xf32>,
    %swap3A_27 = vector.shape_cast %swap3A_26 : vector<16xf32> to vector<16xf32>
    %swap3A_28 = vector.shape_cast %broadcast_in_dim3A_24 : vector<16xf32> to vector<16xf32>
    tpu.vector_store %arg5[%swap3A_25], %swap3A_28 {strides = array<i32>} : memref<128xf32, #tpu.memory_space<vmem>>, vector<16xf32>,
    %broadcast_in_dim3A_29 = arith.constant 1.000000e+00 : f32
    %broadcast_in_dim3A_30 = vector.broadcast %broadcast_in_dim3A_29 : f32 to vector<16xf32>
    %swap3A_31 = arith.constant 80 : index
    %swap3A_32 = tpu.vector_load %arg5[%swap3A_31] {strides = array<i32>} : memref<128xf32, #tpu.memory_space<vmem>>, vector<16xf32>,
    %swap3A_33 = vector.shape_cast %swap3A_32 : vector<16xf32> to vector<16xf32>
    %swap3A_34 = vector.shape_cast %broadcast_in_dim3A_30 : vector<16xf32> to vector<16xf32>
    tpu.vector_store %arg5[%swap3A_31], %swap3A_34 {strides = array<i32>} : memref<128xf32, #tpu.memory_space<vmem>>, vector<16xf32>,
    %broadcast_in_dim3A_35 = arith.constant 1.000000e+00 : f32
    %broadcast_in_dim3A_36 = vector.broadcast %broadcast_in_dim3A_35 : f32 to vector<16xf32>
    %swap3A_37 = arith.constant 96 : index
    %swap3A_38 = tpu.vector_load %arg5[%swap3A_37] {strides = array<i32>} : memref<128xf32, #tpu.memory_space<vmem>>, vector<16xf32>,
    %swap3A_39 = vector.shape_cast %swap3A_38 : vector<16xf32> to vector<16xf32>
    %swap3A_40 = vector.shape_cast %broadcast_in_dim3A_36 : vector<16xf32> to vector<16xf32>
    tpu.vector_store %arg5[%swap3A_37], %swap3A_40 {strides = array<i32>} : memref<128xf32, #tpu.memory_space<vmem>>, vector<16xf32>,
    %broadcast_in_dim3A_41 = arith.constant 1.000000e+00 : f32
    %broadcast_in_dim3A_42 = vector.broadcast %broadcast_in_dim3A_41 : f32 to vector<16xf32>
    %swap3A_43 = arith.constant 112 : index
    %swap3A_44 = tpu.vector_load %arg5[%swap3A_43] {strides = array<i32>} : memref<128xf32, #tpu.memory_space<vmem>>, vector<16xf32>,
    %swap3A_45 = vector.shape_cast %swap3A_44 : vector<16xf32> to vector<16xf32>
    %swap3A_46 = vector.shape_cast %broadcast_in_dim3A_42 : vector<16xf32> to vector<16xf32>
    tpu.vector_store %arg5[%swap3A_43], %swap3A_46 {strides = array<i32>} : memref<128xf32, #tpu.memory_space<vmem>>, vector<16xf32>,
    %broadcast_in_dim3A_47 = arith.constant 0.000000e+00 : f32
    %broadcast_in_dim3A_48 = vector.broadcast %broadcast_in_dim3A_47 : f32 to vector<16xf32>
    %swap3A_49 = arith.constant 0 : index
    %swap3A_50 = tpu.vector_load %arg6[%swap3A_49] {strides = array<i32>} : memref<640xf32, #tpu.memory_space<vmem>>, vector<16xf32>,
    %swap3A_51 = vector.shape_cast %swap3A_50 : vector<16xf32> to vector<16xf32>
    %swap3A_52 = vector.shape_cast %broadcast_in_dim3A_48 : vector<16xf32> to vector<16xf32>
    tpu.vector_store %arg6[%swap3A_49], %swap3A_52 {strides = array<i32>} : memref<640xf32, #tpu.memory_space<vmem>>, vector<16xf32>,
    %broadcast_in_dim3A_53 = arith.constant 0.000000e+00 : f32
    %broadcast_in_dim3A_54 = vector.broadcast %broadcast_in_dim3A_53 : f32 to vector<16xf32>
    %swap3A_55 = arith.constant 16 : index
    %swap3A_56 = tpu.vector_load %arg6[%swap3A_55] {strides = array<i32>} : memref<640xf32, #tpu.memory_space<vmem>>, vector<16xf32>,
    %swap3A_57 = vector.shape_cast %swap3A_56 : vector<16xf32> to vector<16xf32>
    %swap3A_58 = vector.shape_cast %broadcast_in_dim3A_54 : vector<16xf32> to vector<16xf32>
    tpu.vector_store %arg6[%swap3A_55], %swap3A_58 {strides = array<i32>} : memref<640xf32, #tpu.memory_space<vmem>>, vector<16xf32>,
    %broadcast_in_dim3A_59 = arith.constant 0.000000e+00 : f32
    %broadcast_in_dim3A_60 = vector.broadcast %broadcast_in_dim3A_59 : f32 to vector<16xf32>
    %swap3A_61 = arith.constant 32 : index
    %swap3A_62 = tpu.vector_load %arg6[%swap3A_61] {strides = array<i32>} : memref<640xf32, #tpu.memory_space<vmem>>, vector<16xf32>,
    %swap3A_63 = vector.shape_cast %swap3A_62 : vector<16xf32> to vector<16xf32>
    %swap3A_64 = vector.shape_cast %broadcast_in_dim3A_60 : vector<16xf32> to vector<16xf32>
    tpu.vector_store %arg6[%swap3A_61], %swap3A_64 {strides = array<i32>} : memref<640xf32, #tpu.memory_space<vmem>>, vector<16xf32>,
    %broadcast_in_dim3A_65 = arith.constant 0.000000e+00 : f32
    %broadcast_in_dim3A_66 = vector.broadcast %broadcast_in_dim3A_65 : f32 to vector<16xf32>
    %swap3A_67 = arith.constant 48 : index
    %swap3A_68 = tpu.vector_load %arg6[%swap3A_67] {strides = array<i32>} : memref<640xf32, #tpu.memory_space<vmem>>, vector<16xf32>,
    %swap3A_69 = vector.shape_cast %swap3A_68 : vector<16xf32> to vector<16xf32>
    %swap3A_70 = vector.shape_cast %broadcast_in_dim3A_66 : vector<16xf32> to vector<16xf32>
    tpu.vector_store %arg6[%swap3A_67], %swap3A_70 {strides = array<i32>} : memref<640xf32, #tpu.memory_space<vmem>>, vector<16xf32>,
    %broadcast_in_dim3A_71 = arith.constant 0.000000e+00 : f32
    %broadcast_in_dim3A_72 = vector.broadcast %broadcast_in_dim3A_71 : f32 to vector<16xf32>
    %swap3A_73 = arith.constant 64 : index
    %swap3A_74 = tpu.vector_load %arg6[%swap3A_73] {strides = array<i32>} : memref<640xf32, #tpu.memory_space<vmem>>, vector<16xf32>,
    %swap3A_75 = vector.shape_cast %swap3A_74 : vector<16xf32> to vector<16xf32>
    %swap3A_76 = vector.shape_cast %broadcast_in_dim3A_72 : vector<16xf32> to vector<16xf32>
    tpu.vector_store %arg6[%swap3A_73], %swap3A_76 {strides = array<i32>} : memref<640xf32, #tpu.memory_space<vmem>>, vector<16xf32>,
    %broadcast_in_dim3A_77 = arith.constant 0.000000e+00 : f32
    %broadcast_in_dim3A_78 = vector.broadcast %broadcast_in_dim3A_77 : f32 to vector<16xf32>
    %swap3A_79 = arith.constant 80 : index
    %swap3A_80 = tpu.vector_load %arg6[%swap3A_79] {strides = array<i32>} : memref<640xf32, #tpu.memory_space<vmem>>, vector<16xf32>,
    %swap3A_81 = vector.shape_cast %swap3A_80 : vector<16xf32> to vector<16xf32>
    %swap3A_82 = vector.shape_cast %broadcast_in_dim3A_78 : vector<16xf32> to vector<16xf32>
    tpu.vector_store %arg6[%swap3A_79], %swap3A_82 {strides = array<i32>} : memref<640xf32, #tpu.memory_space<vmem>>, vector<16xf32>,
    %broadcast_in_dim3A_83 = arith.constant 0.000000e+00 : f32
    %broadcast_in_dim3A_84 = vector.broadcast %broadcast_in_dim3A_83 : f32 to vector<16xf32>
    %swap3A_85 = arith.constant 96 : index
    %swap3A_86 = tpu.vector_load %arg6[%swap3A_85] {strides = array<i32>} : memref<640xf32, #tpu.memory_space<vmem>>, vector<16xf32>,
    %swap3A_87 = vector.shape_cast %swap3A_86 : vector<16xf32> to vector<16xf32>
    %swap3A_88 = vector.shape_cast %broadcast_in_dim3A_84 : vector<16xf32> to vector<16xf32>
    tpu.vector_store %arg6[%swap3A_85], %swap3A_88 {strides = array<i32>} : memref<640xf32, #tpu.memory_space<vmem>>, vector<16xf32>,
    %broadcast_in_dim3A_89 = arith.constant 0.000000e+00 : f32
    %broadcast_in_dim3A_90 = vector.broadcast %broadcast_in_dim3A_89 : f32 to vector<16xf32>
    %swap3A_91 = arith.constant 112 : index
    %swap3A_92 = tpu.vector_load %arg6[%swap3A_91] {strides = array<i32>} : memref<640xf32, #tpu.memory_space<vmem>>, vector<16xf32>,
    %swap3A_93 = vector.shape_cast %swap3A_92 : vector<16xf32> to vector<16xf32>
    %swap3A_94 = vector.shape_cast %broadcast_in_dim3A_90 : vector<16xf32> to vector<16xf32>
    tpu.vector_store %arg6[%swap3A_91], %swap3A_94 {strides = array<i32>} : memref<640xf32, #tpu.memory_space<vmem>>, vector<16xf32>,
    %broadcast_in_dim3A_95 = arith.constant 0.000000e+00 : f32
    %broadcast_in_dim3A_96 = vector.broadcast %broadcast_in_dim3A_95 : f32 to vector<16xf32>
    %swap3A_97 = arith.constant 128 : index
    %swap3A_98 = tpu.vector_load %arg6[%swap3A_97] {strides = array<i32>} : memref<640xf32, #tpu.memory_space<vmem>>, vector<16xf32>,
    %swap3A_99 = vector.shape_cast %swap3A_98 : vector<16xf32> to vector<16xf32>
    %swap3A_100 = vector.shape_cast %broadcast_in_dim3A_96 : vector<16xf32> to vector<16xf32>
    tpu.vector_store %arg6[%swap3A_97], %swap3A_100 {strides = array<i32>} : memref<640xf32, #tpu.memory_space<vmem>>, vector<16xf32>,
    %broadcast_in_dim3A_101 = arith.constant 0.000000e+00 : f32
    %broadcast_in_dim3A_102 = vector.broadcast %broadcast_in_dim3A_101 : f32 to vector<16xf32>
    %swap3A_103 = arith.constant 144 : index
    %swap3A_104 = tpu.vector_load %arg6[%swap3A_103] {strides = array<i32>} : memref<640xf32, #tpu.memory_space<vmem>>, vector<16xf32>,
    %swap3A_105 = vector.shape_cast %swap3A_104 : vector<16xf32> to vector<16xf32>
    %swap3A_106 = vector.shape_cast %broadcast_in_dim3A_102 : vector<16xf32> to vector<16xf32>
    tpu.vector_store %arg6[%swap3A_103], %swap3A_106 {strides = array<i32>} : memref<640xf32, #tpu.memory_space<vmem>>, vector<16xf32>,
    %broadcast_in_dim3A_107 = arith.constant 0.000000e+00 : f32
    %broadcast_in_dim3A_108 = vector.broadcast %broadcast_in_dim3A_107 : f32 to vector<16xf32>
    %swap3A_109 = arith.constant 160 : index
    %swap3A_110 = tpu.vector_load %arg6[%swap3A_109] {strides = array<i32>} : memref<640xf32, #tpu.memory_space<vmem>>, vector<16xf32>,
    %swap3A_111 = vector.shape_cast %swap3A_110 : vector<16xf32> to vector<16xf32>
    %swap3A_112 = vector.shape_cast %broadcast_in_dim3A_108 : vector<16xf32> to vector<16xf32>
    tpu.vector_store %arg6[%swap3A_109], %swap3A_112 {strides = array<i32>} : memref<640xf32, #tpu.memory_space<vmem>>, vector<16xf32>,
    %broadcast_in_dim3A_113 = arith.constant 0.000000e+00 : f32
    %broadcast_in_dim3A_114 = vector.broadcast %broadcast_in_dim3A_113 : f32 to vector<16xf32>
    %swap3A_115 = arith.constant 176 : index
    %swap3A_116 = tpu.vector_load %arg6[%swap3A_115] {strides = array<i32>} : memref<640xf32, #tpu.memory_space<vmem>>, vector<16xf32>,
    %swap3A_117 = vector.shape_cast %swap3A_116 : vector<16xf32> to vector<16xf32>
    %swap3A_118 = vector.shape_cast %broadcast_in_dim3A_114 : vector<16xf32> to vector<16xf32>
    tpu.vector_store %arg6[%swap3A_115], %swap3A_118 {strides = array<i32>} : memref<640xf32, #tpu.memory_space<vmem>>, vector<16xf32>,
    %broadcast_in_dim3A_119 = arith.constant 0.000000e+00 : f32
    %broadcast_in_dim3A_120 = vector.broadcast %broadcast_in_dim3A_119 : f32 to vector<16xf32>
    %swap3A_121 = arith.constant 192 : index
    %swap3A_122 = tpu.vector_load %arg6[%swap3A_121] {strides = array<i32>} : memref<640xf32, #tpu.memory_space<vmem>>, vector<16xf32>,
    %swap3A_123 = vector.shape_cast %swap3A_122 : vector<16xf32> to vector<16xf32>
    %swap3A_124 = vector.shape_cast %broadcast_in_dim3A_120 : vector<16xf32> to vector<16xf32>
    tpu.vector_store %arg6[%swap3A_121], %swap3A_124 {strides = array<i32>} : memref<640xf32, #tpu.memory_space<vmem>>, vector<16xf32>,
    %broadcast_in_dim3A_125 = arith.constant 0.000000e+00 : f32
    %broadcast_in_dim3A_126 = vector.broadcast %broadcast_in_dim3A_125 : f32 to vector<16xf32>
    %swap3A_127 = arith.constant 208 : index
    %swap3A_128 = tpu.vector_load %arg6[%swap3A_127] {strides = array<i32>} : memref<640xf32, #tpu.memory_space<vmem>>, vector<16xf32>,
    %swap3A_129 = vector.shape_cast %swap3A_128 : vector<16xf32> to vector<16xf32>
    %swap3A_130 = vector.shape_cast %broadcast_in_dim3A_126 : vector<16xf32> to vector<16xf32>
    tpu.vector_store %arg6[%swap3A_127], %swap3A_130 {strides = array<i32>} : memref<640xf32, #tpu.memory_space<vmem>>, vector<16xf32>,
    %broadcast_in_dim3A_131 = arith.constant 0.000000e+00 : f32
    %broadcast_in_dim3A_132 = vector.broadcast %broadcast_in_dim3A_131 : f32 to vector<16xf32>
    %swap3A_133 = arith.constant 224 : index
    %swap3A_134 = tpu.vector_load %arg6[%swap3A_133] {strides = array<i32>} : memref<640xf32, #tpu.memory_space<vmem>>, vector<16xf32>,
    %swap3A_135 = vector.shape_cast %swap3A_134 : vector<16xf32> to vector<16xf32>
    %swap3A_136 = vector.shape_cast %broadcast_in_dim3A_132 : vector<16xf32> to vector<16xf32>
    tpu.vector_store %arg6[%swap3A_133], %swap3A_136 {strides = array<i32>} : memref<640xf32, #tpu.memory_space<vmem>>, vector<16xf32>,
    %broadcast_in_dim3A_137 = arith.constant 0.000000e+00 : f32
    %broadcast_in_dim3A_138 = vector.broadcast %broadcast_in_dim3A_137 : f32 to vector<16xf32>
    %swap3A_139 = arith.constant 240 : index
    %swap3A_140 = tpu.vector_load %arg6[%swap3A_139] {strides = array<i32>} : memref<640xf32, #tpu.memory_space<vmem>>, vector<16xf32>,
    %swap3A_141 = vector.shape_cast %swap3A_140 : vector<16xf32> to vector<16xf32>
    %swap3A_142 = vector.shape_cast %broadcast_in_dim3A_138 : vector<16xf32> to vector<16xf32>
    tpu.vector_store %arg6[%swap3A_139], %swap3A_142 {strides = array<i32>} : memref<640xf32, #tpu.memory_space<vmem>>, vector<16xf32>,
    %broadcast_in_dim3A_143 = arith.constant 0.000000e+00 : f32
    %broadcast_in_dim3A_144 = vector.broadcast %broadcast_in_dim3A_143 : f32 to vector<16xf32>
    %swap3A_145 = arith.constant 256 : index
    %swap3A_146 = tpu.vector_load %arg6[%swap3A_145] {strides = array<i32>} : memref<640xf32, #tpu.memory_space<vmem>>, vector<16xf32>,
    %swap3A_147 = vector.shape_cast %swap3A_146 : vector<16xf32> to vector<16xf32>
    %swap3A_148 = vector.shape_cast %broadcast_in_dim3A_144 : vector<16xf32> to vector<16xf32>
    tpu.vector_store %arg6[%swap3A_145], %swap3A_148 {strides = array<i32>} : memref<640xf32, #tpu.memory_space<vmem>>, vector<16xf32>,
    %broadcast_in_dim3A_149 = arith.constant 0.000000e+00 : f32
    %broadcast_in_dim3A_150 = vector.broadcast %broadcast_in_dim3A_149 : f32 to vector<16xf32>
    %swap3A_151 = arith.constant 272 : index
    %swap3A_152 = tpu.vector_load %arg6[%swap3A_151] {strides = array<i32>} : memref<640xf32, #tpu.memory_space<vmem>>, vector<16xf32>,
    %swap3A_153 = vector.shape_cast %swap3A_152 : vector<16xf32> to vector<16xf32>
    %swap3A_154 = vector.shape_cast %broadcast_in_dim3A_150 : vector<16xf32> to vector<16xf32>
    tpu.vector_store %arg6[%swap3A_151], %swap3A_154 {strides = array<i32>} : memref<640xf32, #tpu.memory_space<vmem>>, vector<16xf32>,
    %broadcast_in_dim3A_155 = arith.constant 0.000000e+00 : f32
    %broadcast_in_dim3A_156 = vector.broadcast %broadcast_in_dim3A_155 : f32 to vector<16xf32>
    %swap3A_157 = arith.constant 288 : index
    %swap3A_158 = tpu.vector_load %arg6[%swap3A_157] {strides = array<i32>} : memref<640xf32, #tpu.memory_space<vmem>>, vector<16xf32>,
    %swap3A_159 = vector.shape_cast %swap3A_158 : vector<16xf32> to vector<16xf32>
    %swap3A_160 = vector.shape_cast %broadcast_in_dim3A_156 : vector<16xf32> to vector<16xf32>
    tpu.vector_store %arg6[%swap3A_157], %swap3A_160 {strides = array<i32>} : memref<640xf32, #tpu.memory_space<vmem>>, vector<16xf32>,
    %broadcast_in_dim3A_161 = arith.constant 0.000000e+00 : f32
    %broadcast_in_dim3A_162 = vector.broadcast %broadcast_in_dim3A_161 : f32 to vector<16xf32>
    %swap3A_163 = arith.constant 304 : index
    %swap3A_164 = tpu.vector_load %arg6[%swap3A_163] {strides = array<i32>} : memref<640xf32, #tpu.memory_space<vmem>>, vector<16xf32>,
    %swap3A_165 = vector.shape_cast %swap3A_164 : vector<16xf32> to vector<16xf32>
    %swap3A_166 = vector.shape_cast %broadcast_in_dim3A_162 : vector<16xf32> to vector<16xf32>
    tpu.vector_store %arg6[%swap3A_163], %swap3A_166 {strides = array<i32>} : memref<640xf32, #tpu.memory_space<vmem>>, vector<16xf32>,
    %broadcast_in_dim3A_167 = arith.constant 0.000000e+00 : f32
    %broadcast_in_dim3A_168 = vector.broadcast %broadcast_in_dim3A_167 : f32 to vector<16xf32>
    %swap3A_169 = arith.constant 320 : index
    %swap3A_170 = tpu.vector_load %arg6[%swap3A_169] {strides = array<i32>} : memref<640xf32, #tpu.memory_space<vmem>>, vector<16xf32>,
    %swap3A_171 = vector.shape_cast %swap3A_170 : vector<16xf32> to vector<16xf32>
    %swap3A_172 = vector.shape_cast %broadcast_in_dim3A_168 : vector<16xf32> to vector<16xf32>
    tpu.vector_store %arg6[%swap3A_169], %swap3A_172 {strides = array<i32>} : memref<640xf32, #tpu.memory_space<vmem>>, vector<16xf32>,
    %broadcast_in_dim3A_173 = arith.constant 0.000000e+00 : f32
    %broadcast_in_dim3A_174 = vector.broadcast %broadcast_in_dim3A_173 : f32 to vector<16xf32>
    %swap3A_175 = arith.constant 336 : index
    %swap3A_176 = tpu.vector_load %arg6[%swap3A_175] {strides = array<i32>} : memref<640xf32, #tpu.memory_space<vmem>>, vector<16xf32>,
    %swap3A_177 = vector.shape_cast %swap3A_176 : vector<16xf32> to vector<16xf32>
    %swap3A_178 = vector.shape_cast %broadcast_in_dim3A_174 : vector<16xf32> to vector<16xf32>
    tpu.vector_store %arg6[%swap3A_175], %swap3A_178 {strides = array<i32>} : memref<640xf32, #tpu.memory_space<vmem>>, vector<16xf32>,
    %broadcast_in_dim3A_179 = arith.constant 0.000000e+00 : f32
    %broadcast_in_dim3A_180 = vector.broadcast %broadcast_in_dim3A_179 : f32 to vector<16xf32>
    %swap3A_181 = arith.constant 352 : index
    %swap3A_182 = tpu.vector_load %arg6[%swap3A_181] {strides = array<i32>} : memref<640xf32, #tpu.memory_space<vmem>>, vector<16xf32>,
    %swap3A_183 = vector.shape_cast %swap3A_182 : vector<16xf32> to vector<16xf32>
    %swap3A_184 = vector.shape_cast %broadcast_in_dim3A_180 : vector<16xf32> to vector<16xf32>
    tpu.vector_store %arg6[%swap3A_181], %swap3A_184 {strides = array<i32>} : memref<640xf32, #tpu.memory_space<vmem>>, vector<16xf32>,
    %broadcast_in_dim3A_185 = arith.constant 0.000000e+00 : f32
    %broadcast_in_dim3A_186 = vector.broadcast %broadcast_in_dim3A_185 : f32 to vector<16xf32>
    %swap3A_187 = arith.constant 368 : index
    %swap3A_188 = tpu.vector_load %arg6[%swap3A_187] {strides = array<i32>} : memref<640xf32, #tpu.memory_space<vmem>>, vector<16xf32>,
    %swap3A_189 = vector.shape_cast %swap3A_188 : vector<16xf32> to vector<16xf32>
    %swap3A_190 = vector.shape_cast %broadcast_in_dim3A_186 : vector<16xf32> to vector<16xf32>
    tpu.vector_store %arg6[%swap3A_187], %swap3A_190 {strides = array<i32>} : memref<640xf32, #tpu.memory_space<vmem>>, vector<16xf32>,
    %broadcast_in_dim3A_191 = arith.constant 0.000000e+00 : f32
    %broadcast_in_dim3A_192 = vector.broadcast %broadcast_in_dim3A_191 : f32 to vector<16xf32>
    %swap3A_193 = arith.constant 384 : index
    %swap3A_194 = tpu.vector_load %arg6[%swap3A_193] {strides = array<i32>} : memref<640xf32, #tpu.memory_space<vmem>>, vector<16xf32>,
    %swap3A_195 = vector.shape_cast %swap3A_194 : vector<16xf32> to vector<16xf32>
    %swap3A_196 = vector.shape_cast %broadcast_in_dim3A_192 : vector<16xf32> to vector<16xf32>
    tpu.vector_store %arg6[%swap3A_193], %swap3A_196 {strides = array<i32>} : memref<640xf32, #tpu.memory_space<vmem>>, vector<16xf32>,
    %broadcast_in_dim3A_197 = arith.constant 0.000000e+00 : f32
    %broadcast_in_dim3A_198 = vector.broadcast %broadcast_in_dim3A_197 : f32 to vector<16xf32>
    %swap3A_199 = arith.constant 400 : index
    %swap3A_200 = tpu.vector_load %arg6[%swap3A_199] {strides = array<i32>} : memref<640xf32, #tpu.memory_space<vmem>>, vector<16xf32>,
    %swap3A_201 = vector.shape_cast %swap3A_200 : vector<16xf32> to vector<16xf32>
    %swap3A_202 = vector.shape_cast %broadcast_in_dim3A_198 : vector<16xf32> to vector<16xf32>
    tpu.vector_store %arg6[%swap3A_199], %swap3A_202 {strides = array<i32>} : memref<640xf32, #tpu.memory_space<vmem>>, vector<16xf32>,
    %broadcast_in_dim3A_203 = arith.constant 0.000000e+00 : f32
    %broadcast_in_dim3A_204 = vector.broadcast %broadcast_in_dim3A_203 : f32 to vector<16xf32>
    %swap3A_205 = arith.constant 416 : index
    %swap3A_206 = tpu.vector_load %arg6[%swap3A_205] {strides = array<i32>} : memref<640xf32, #tpu.memory_space<vmem>>, vector<16xf32>,
    %swap3A_207 = vector.shape_cast %swap3A_206 : vector<16xf32> to vector<16xf32>
    %swap3A_208 = vector.shape_cast %broadcast_in_dim3A_204 : vector<16xf32> to vector<16xf32>
    tpu.vector_store %arg6[%swap3A_205], %swap3A_208 {strides = array<i32>} : memref<640xf32, #tpu.memory_space<vmem>>, vector<16xf32>,
    %broadcast_in_dim3A_209 = arith.constant 0.000000e+00 : f32
    %broadcast_in_dim3A_210 = vector.broadcast %broadcast_in_dim3A_209 : f32 to vector<16xf32>
    %swap3A_211 = arith.constant 432 : index
    %swap3A_212 = tpu.vector_load %arg6[%swap3A_211] {strides = array<i32>} : memref<640xf32, #tpu.memory_space<vmem>>, vector<16xf32>,
    %swap3A_213 = vector.shape_cast %swap3A_212 : vector<16xf32> to vector<16xf32>
    %swap3A_214 = vector.shape_cast %broadcast_in_dim3A_210 : vector<16xf32> to vector<16xf32>
    tpu.vector_store %arg6[%swap3A_211], %swap3A_214 {strides = array<i32>} : memref<640xf32, #tpu.memory_space<vmem>>, vector<16xf32>,
    %broadcast_in_dim3A_215 = arith.constant 0.000000e+00 : f32
    %broadcast_in_dim3A_216 = vector.broadcast %broadcast_in_dim3A_215 : f32 to vector<16xf32>
    %swap3A_217 = arith.constant 448 : index
    %swap3A_218 = tpu.vector_load %arg6[%swap3A_217] {strides = array<i32>} : memref<640xf32, #tpu.memory_space<vmem>>, vector<16xf32>,
    %swap3A_219 = vector.shape_cast %swap3A_218 : vector<16xf32> to vector<16xf32>
    %swap3A_220 = vector.shape_cast %broadcast_in_dim3A_216 : vector<16xf32> to vector<16xf32>
    tpu.vector_store %arg6[%swap3A_217], %swap3A_220 {strides = array<i32>} : memref<640xf32, #tpu.memory_space<vmem>>, vector<16xf32>,
    %broadcast_in_dim3A_221 = arith.constant 0.000000e+00 : f32
    %broadcast_in_dim3A_222 = vector.broadcast %broadcast_in_dim3A_221 : f32 to vector<16xf32>
    %swap3A_223 = arith.constant 464 : index
    %swap3A_224 = tpu.vector_load %arg6[%swap3A_223] {strides = array<i32>} : memref<640xf32, #tpu.memory_space<vmem>>, vector<16xf32>,
    %swap3A_225 = vector.shape_cast %swap3A_224 : vector<16xf32> to vector<16xf32>
    %swap3A_226 = vector.shape_cast %broadcast_in_dim3A_222 : vector<16xf32> to vector<16xf32>
    tpu.vector_store %arg6[%swap3A_223], %swap3A_226 {strides = array<i32>} : memref<640xf32, #tpu.memory_space<vmem>>, vector<16xf32>,
    %broadcast_in_dim3A_227 = arith.constant 0.000000e+00 : f32
    %broadcast_in_dim3A_228 = vector.broadcast %broadcast_in_dim3A_227 : f32 to vector<16xf32>
    %swap3A_229 = arith.constant 480 : index
    %swap3A_230 = tpu.vector_load %arg6[%swap3A_229] {strides = array<i32>} : memref<640xf32, #tpu.memory_space<vmem>>, vector<16xf32>,
    %swap3A_231 = vector.shape_cast %swap3A_230 : vector<16xf32> to vector<16xf32>
    %swap3A_232 = vector.shape_cast %broadcast_in_dim3A_228 : vector<16xf32> to vector<16xf32>
    tpu.vector_store %arg6[%swap3A_229], %swap3A_232 {strides = array<i32>} : memref<640xf32, #tpu.memory_space<vmem>>, vector<16xf32>,
    %broadcast_in_dim3A_233 = arith.constant 0.000000e+00 : f32
    %broadcast_in_dim3A_234 = vector.broadcast %broadcast_in_dim3A_233 : f32 to vector<16xf32>
    %swap3A_235 = arith.constant 496 : index
    %swap3A_236 = tpu.vector_load %arg6[%swap3A_235] {strides = array<i32>} : memref<640xf32, #tpu.memory_space<vmem>>, vector<16xf32>,
    %swap3A_237 = vector.shape_cast %swap3A_236 : vector<16xf32> to vector<16xf32>
    %swap3A_238 = vector.shape_cast %broadcast_in_dim3A_234 : vector<16xf32> to vector<16xf32>
    tpu.vector_store %arg6[%swap3A_235], %swap3A_238 {strides = array<i32>} : memref<640xf32, #tpu.memory_space<vmem>>, vector<16xf32>,
    %broadcast_in_dim3A_239 = arith.constant 0.000000e+00 : f32
    %broadcast_in_dim3A_240 = vector.broadcast %broadcast_in_dim3A_239 : f32 to vector<16xf32>
    %swap3A_241 = arith.constant 512 : index
    %swap3A_242 = tpu.vector_load %arg6[%swap3A_241] {strides = array<i32>} : memref<640xf32, #tpu.memory_space<vmem>>, vector<16xf32>,
    %swap3A_243 = vector.shape_cast %swap3A_242 : vector<16xf32> to vector<16xf32>
    %swap3A_244 = vector.shape_cast %broadcast_in_dim3A_240 : vector<16xf32> to vector<16xf32>
    tpu.vector_store %arg6[%swap3A_241], %swap3A_244 {strides = array<i32>} : memref<640xf32, #tpu.memory_space<vmem>>, vector<16xf32>,
    %broadcast_in_dim3A_245 = arith.constant 0.000000e+00 : f32
    %broadcast_in_dim3A_246 = vector.broadcast %broadcast_in_dim3A_245 : f32 to vector<16xf32>
    %swap3A_247 = arith.constant 528 : index
    %swap3A_248 = tpu.vector_load %arg6[%swap3A_247] {strides = array<i32>} : memref<640xf32, #tpu.memory_space<vmem>>, vector<16xf32>,
    %swap3A_249 = vector.shape_cast %swap3A_248 : vector<16xf32> to vector<16xf32>
    %swap3A_250 = vector.shape_cast %broadcast_in_dim3A_246 : vector<16xf32> to vector<16xf32>
    tpu.vector_store %arg6[%swap3A_247], %swap3A_250 {strides = array<i32>} : memref<640xf32, #tpu.memory_space<vmem>>, vector<16xf32>,
    %broadcast_in_dim3A_251 = arith.constant 0.000000e+00 : f32
    %broadcast_in_dim3A_252 = vector.broadcast %broadcast_in_dim3A_251 : f32 to vector<16xf32>
    %swap3A_253 = arith.constant 544 : index
    %swap3A_254 = tpu.vector_load %arg6[%swap3A_253] {strides = array<i32>} : memref<640xf32, #tpu.memory_space<vmem>>, vector<16xf32>,
    %swap3A_255 = vector.shape_cast %swap3A_254 : vector<16xf32> to vector<16xf32>
    %swap3A_256 = vector.shape_cast %broadcast_in_dim3A_252 : vector<16xf32> to vector<16xf32>
    tpu.vector_store %arg6[%swap3A_253], %swap3A_256 {strides = array<i32>} : memref<640xf32, #tpu.memory_space<vmem>>, vector<16xf32>,
    %broadcast_in_dim3A_257 = arith.constant 0.000000e+00 : f32
    %broadcast_in_dim3A_258 = vector.broadcast %broadcast_in_dim3A_257 : f32 to vector<16xf32>
    %swap3A_259 = arith.constant 560 : index
    %swap3A_260 = tpu.vector_load %arg6[%swap3A_259] {strides = array<i32>} : memref<640xf32, #tpu.memory_space<vmem>>, vector<16xf32>,
    %swap3A_261 = vector.shape_cast %swap3A_260 : vector<16xf32> to vector<16xf32>
    %swap3A_262 = vector.shape_cast %broadcast_in_dim3A_258 : vector<16xf32> to vector<16xf32>
    tpu.vector_store %arg6[%swap3A_259], %swap3A_262 {strides = array<i32>} : memref<640xf32, #tpu.memory_space<vmem>>, vector<16xf32>,
    %broadcast_in_dim3A_263 = arith.constant 0.000000e+00 : f32
    %broadcast_in_dim3A_264 = vector.broadcast %broadcast_in_dim3A_263 : f32 to vector<16xf32>
    %swap3A_265 = arith.constant 576 : index
    %swap3A_266 = tpu.vector_load %arg6[%swap3A_265] {strides = array<i32>} : memref<640xf32, #tpu.memory_space<vmem>>, vector<16xf32>,
    %swap3A_267 = vector.shape_cast %swap3A_266 : vector<16xf32> to vector<16xf32>
    %swap3A_268 = vector.shape_cast %broadcast_in_dim3A_264 : vector<16xf32> to vector<16xf32>
    tpu.vector_store %arg6[%swap3A_265], %swap3A_268 {strides = array<i32>} : memref<640xf32, #tpu.memory_space<vmem>>, vector<16xf32>,
    %broadcast_in_dim3A_269 = arith.constant 0.000000e+00 : f32
    %broadcast_in_dim3A_270 = vector.broadcast %broadcast_in_dim3A_269 : f32 to vector<16xf32>
    %swap3A_271 = arith.constant 592 : index
    %swap3A_272 = tpu.vector_load %arg6[%swap3A_271] {strides = array<i32>} : memref<640xf32, #tpu.memory_space<vmem>>, vector<16xf32>,
    %swap3A_273 = vector.shape_cast %swap3A_272 : vector<16xf32> to vector<16xf32>
    %swap3A_274 = vector.shape_cast %broadcast_in_dim3A_270 : vector<16xf32> to vector<16xf32>
    tpu.vector_store %arg6[%swap3A_271], %swap3A_274 {strides = array<i32>} : memref<640xf32, #tpu.memory_space<vmem>>, vector<16xf32>,
    %broadcast_in_dim3A_275 = arith.constant 0.000000e+00 : f32
    %broadcast_in_dim3A_276 = vector.broadcast %broadcast_in_dim3A_275 : f32 to vector<16xf32>
    %swap3A_277 = arith.constant 608 : index
    %swap3A_278 = tpu.vector_load %arg6[%swap3A_277] {strides = array<i32>} : memref<640xf32, #tpu.memory_space<vmem>>, vector<16xf32>,
    %swap3A_279 = vector.shape_cast %swap3A_278 : vector<16xf32> to vector<16xf32>
    %swap3A_280 = vector.shape_cast %broadcast_in_dim3A_276 : vector<16xf32> to vector<16xf32>
    tpu.vector_store %arg6[%swap3A_277], %swap3A_280 {strides = array<i32>} : memref<640xf32, #tpu.memory_space<vmem>>, vector<16xf32>,
    %broadcast_in_dim3A_281 = arith.constant 0.000000e+00 : f32
    %broadcast_in_dim3A_282 = vector.broadcast %broadcast_in_dim3A_281 : f32 to vector<16xf32>
    %swap3A_283 = arith.constant 624 : index
    %swap3A_284 = tpu.vector_load %arg6[%swap3A_283] {strides = array<i32>} : memref<640xf32, #tpu.memory_space<vmem>>, vector<16xf32>,
    %swap3A_285 = vector.shape_cast %swap3A_284 : vector<16xf32> to vector<16xf32>
    %swap3A_286 = vector.shape_cast %broadcast_in_dim3A_282 : vector<16xf32> to vector<16xf32>
    tpu.vector_store %arg6[%swap3A_283], %swap3A_286 {strides = array<i32>} : memref<640xf32, #tpu.memory_space<vmem>>, vector<16xf32>,
    %mul3A_287 = arith.constant 640 : i32
    %mul3A_288 = arith.muli %arg1, %mul3A_287 : i32
    "tpu.region"() ({
      %run_scoped3A = tpu.sem_alloc : memref<!tpu.dma_semaphore, #tpu.memory_space<semaphore_mem>>
      %dma_start3A = tpu.memref_slice %arg7[%mul3A_288] : memref<10240xf32, #tpu.memory_space<vmem_shared>> -> memref<640xf32, #tpu.memory_space<vmem_shared>>
      %dma_start3A_304 = tpu.memref_slice %arg7[%mul3A_288] : memref<10240xf32, #tpu.memory_space<vmem_shared>> -> memref<640xf32, #tpu.memory_space<vmem_shared>>
      tpu.enqueue_dma source(%arg6 : memref<640xf32, #tpu.memory_space<vmem>>) target(%dma_start3A_304 : memref<640xf32, #tpu.memory_space<vmem_shared>>) target_semaphore(%run_scoped3A : memref<!tpu.dma_semaphore, #tpu.memory_space<semaphore_mem>>)
      %dma_wait3A = tpu.memref_slice %arg7[%mul3A_288] : memref<10240xf32, #tpu.memory_space<vmem_shared>> -> memref<640xf32, #tpu.memory_space<vmem_shared>>
      %dma_wait3A_305 = tpu.memref_slice %arg7[%mul3A_288] : memref<10240xf32, #tpu.memory_space<vmem_shared>> -> memref<640xf32, #tpu.memory_space<vmem_shared>>
      tpu.wait_dma2 semaphore(%run_scoped3A : memref<!tpu.dma_semaphore, #tpu.memory_space<semaphore_mem>>) src(%arg6 : memref<640xf32, #tpu.memory_space<vmem>>) dst(%dma_wait3A_305 : memref<640xf32, #tpu.memory_space<vmem_shared>>)
      tpu.yield
    }) : () -> ()
    %barrier3A = arith.constant 0 : index
    tpu.barrier barrier_id(%barrier3A)
    %mul3A_289 = arith.constant 80 : i32
    %mul3A_290 = arith.muli %add3A, %mul3A_289 : i32
    %multiple_of3A = tpu.assume_multiple %mul3A_290, 8 : i32
    "tpu.region"() ({
      %run_scoped3A = tpu.sem_alloc : memref<!tpu.dma_semaphore, #tpu.memory_space<semaphore_mem>>
      %dma_start3A = arith.constant 0 : i32
      %dma_start3A_304 = tpu.memref_slice %arg2[%multiple_of3A, %dma_start3A] : memref<2640x128xi32, #tpu.memory_space<hbm>> -> memref<80x128xi32, #tpu.memory_space<hbm>>
      %dma_start3A_305 = arith.constant 0 : i32
      %dma_start3A_306 = tpu.memref_slice %arg2[%multiple_of3A, %dma_start3A_305] : memref<2640x128xi32, #tpu.memory_space<hbm>> -> memref<80x128xi32, #tpu.memory_space<hbm>>
      tpu.enqueue_dma source(%dma_start3A_306 : memref<80x128xi32, #tpu.memory_space<hbm>>) target(%arg4 : memref<80x128xi32, #tpu.memory_space<vmem>>) target_semaphore(%run_scoped3A : memref<!tpu.dma_semaphore, #tpu.memory_space<semaphore_mem>>)
      %dma_wait3A = arith.constant 0 : i32
      %dma_wait3A_307 = tpu.memref_slice %arg2[%multiple_of3A, %dma_wait3A] : memref<2640x128xi32, #tpu.memory_space<hbm>> -> memref<80x128xi32, #tpu.memory_space<hbm>>
      %dma_wait3A_308 = arith.constant 0 : i32
      %dma_wait3A_309 = tpu.memref_slice %arg2[%multiple_of3A, %dma_wait3A_308] : memref<2640x128xi32, #tpu.memory_space<hbm>> -> memref<80x128xi32, #tpu.memory_space<hbm>>
      tpu.wait_dma2 semaphore(%run_scoped3A : memref<!tpu.dma_semaphore, #tpu.memory_space<semaphore_mem>>) src(%dma_wait3A_309 : memref<80x128xi32, #tpu.memory_space<hbm>>) dst(%arg4 : memref<80x128xi32, #tpu.memory_space<vmem>>)
      tpu.yield
    }) : () -> ()
    %scan3A = arith.constant 0 : i32
    %scan3A_291 = arith.constant 0 : i32
    %scan3A_292 = arith.constant 80 : i32
    %scan3A_293 = arith.addi %scan3A_291, %scan3A_292 : i32
    %scan3A_294 = arith.constant 1 : i32
    scf.for %scan3A_304 = %scan3A_291 to %scan3A_293 step %scan3A_294  : i32 {
      "tpu.region"() ({
        %run_scoped3A = tpu.sem_alloc : memref<!tpu.dma_semaphore, #tpu.memory_space<semaphore_mem>>
        %dma_start3A = arith.constant 0 : i32
        %dma_start3A_305 = tpu.memref_slice %arg4[%scan3A_304, %dma_start3A] : memref<80x128xi32, #tpu.memory_space<vmem>> -> memref<1x128xi32, #tpu.memory_space<vmem>>
        %dma_start3A_306 = tpu.memref_squeeze %dma_start3A_305 : memref<1x128xi32, #tpu.memory_space<vmem>> -> memref<128xi32, #tpu.memory_space<vmem>>
        %dma_start3A_307 = arith.constant 0 : i32
        %dma_start3A_308 = tpu.memref_slice %arg7[%dma_start3A_307] : memref<10240xf32, #tpu.memory_space<vmem_shared>> -> memref<10240xf32, #tpu.memory_space<vmem_shared>>
        tpu.enqueue_indirect_dma source(%arg5 : memref<128xf32, #tpu.memory_space<vmem>>) target(%dma_start3A_308 : memref<10240xf32, #tpu.memory_space<vmem_shared>>) offsets(%dma_start3A_306 : memref<128xi32, #tpu.memory_space<vmem>>) semaphore(%run_scoped3A : memref<!tpu.dma_semaphore, #tpu.memory_space<semaphore_mem>>) {add = true}
        %dma_wait3A = arith.constant 0 : i32
        %dma_wait3A_309 = tpu.memref_slice %arg4[%scan3A_304, %dma_wait3A] : memref<80x128xi32, #tpu.memory_space<vmem>> -> memref<1x128xi32, #tpu.memory_space<vmem>>
        %dma_wait3A_310 = tpu.memref_squeeze %dma_wait3A_309 : memref<1x128xi32, #tpu.memory_space<vmem>> -> memref<128xi32, #tpu.memory_space<vmem>>
        %dma_wait3A_311 = arith.constant 0 : i32
        %dma_wait3A_312 = tpu.memref_slice %arg7[%dma_wait3A_311] : memref<10240xf32, #tpu.memory_space<vmem_shared>> -> memref<10240xf32, #tpu.memory_space<vmem_shared>>
        tpu.wait_indirect_dma semaphore(%run_scoped3A : memref<!tpu.dma_semaphore, #tpu.memory_space<semaphore_mem>>) src(%arg5 : memref<128xf32, #tpu.memory_space<vmem>>) dst(%dma_wait3A_312 : memref<10240xf32, #tpu.memory_space<vmem_shared>>)
        tpu.yield
      }) : () -> ()
    }
    %scan3A_295 = arith.constant 80 : i32
    %barrier3A_296 = arith.constant 0 : index
    tpu.barrier barrier_id(%barrier3A_296)
    %mul3A_297 = arith.constant 640 : i32
    %mul3A_298 = arith.muli %arg1, %mul3A_297 : i32
    %mul3A_299 = arith.constant 10240 : i32
    %mul3A_300 = arith.muli %arg0, %mul3A_299 : i32
    %mul3A_301 = arith.constant 640 : i32
    %mul3A_302 = arith.muli %arg1, %mul3A_301 : i32
    %add3A_303 = arith.addi %mul3A_300, %mul3A_302 : i32
    "tpu.region"() ({
      %run_scoped3A = tpu.sem_alloc : memref<!tpu.dma_semaphore, #tpu.memory_space<semaphore_mem>>
      %dma_start3A = tpu.memref_slice %arg3[%add3A_303] : memref<20480xf32, #tpu.memory_space<hbm>> -> memref<640xf32, #tpu.memory_space<hbm>>
      %dma_start3A_304 = tpu.memref_slice %arg7[%mul3A_298] : memref<10240xf32, #tpu.memory_space<vmem_shared>> -> memref<640xf32, #tpu.memory_space<vmem_shared>>
      tpu.enqueue_dma source(%dma_start3A_304 : memref<640xf32, #tpu.memory_space<vmem_shared>>) target(%dma_start3A : memref<640xf32, #tpu.memory_space<hbm>>) target_semaphore(%run_scoped3A : memref<!tpu.dma_semaphore, #tpu.memory_space<semaphore_mem>>)
      %dma_wait3A = tpu.memref_slice %arg3[%add3A_303] : memref<20480xf32, #tpu.memory_space<hbm>> -> memref<640xf32, #tpu.memory_space<hbm>>
      %dma_wait3A_305 = tpu.memref_slice %arg7[%mul3A_298] : memref<10240xf32, #tpu.memory_space<vmem_shared>> -> memref<640xf32, #tpu.memory_space<vmem_shared>>
      tpu.wait_dma2 semaphore(%run_scoped3A : memref<!tpu.dma_semaphore, #tpu.memory_space<semaphore_mem>>) src(%dma_wait3A_305 : memref<640xf32, #tpu.memory_space<vmem_shared>>) dst(%dma_wait3A : memref<640xf32, #tpu.memory_space<hbm>>)
      tpu.yield
    }) : () -> ()
    return
  }
}

#map = affine_map<(d0, d1) -> (0, 0)>
#map1 = affine_map<(d0, d1) -> (0, 0, 0)>
module attributes {stable_mosaic.version = 14 : i64} {
  func.func @body(%arg0: i32, %arg1: i32, %arg2: memref<10000x128xf32, #tpu.memory_space<hbm>>, %arg3: memref<2640x128xi32, #tpu.memory_space<hbm>>, %arg4: memref<2640x128xi32, #tpu.memory_space<hbm>>, %arg5: memref<2x10112x128xf32, #tpu.memory_space<hbm>>, %arg6: memref<120x128xi32, #tpu.memory_space<vmem>>, %arg7: memref<8x128xi32, #tpu.memory_space<vmem>>, %arg8: memref<128x128xf32, #tpu.memory_space<vmem>>, %arg9: memref<128x128xf32, #tpu.memory_space<vmem>>, %arg10: memref<10112x128xf32, #tpu.memory_space<vmem_shared>>, %arg11: memref<!tpu.dma_semaphore, #tpu.memory_space<semaphore_mem>>, %arg12: memref<!tpu.dma_semaphore, #tpu.memory_space<semaphore_mem>>, %arg13: memref<!tpu.dma_semaphore, #tpu.memory_space<semaphore_mem>>, %arg14: memref<!tpu.dma_semaphore, #tpu.memory_space<semaphore_mem>>) attributes {dimension_semantics = [#tpu.dimension_semantics<core_parallel>, #tpu.dimension_semantics<subcore_parallel>], iteration_bounds = array<i64: 2, 16>, scalar_prefetch = 0 : i64, scratch_operands = 9 : i64, tpu.core_type = #tpu.core_type<sc_vector_subcore>, window_params = [{transform_indices = #map}, {transform_indices = #map}, {transform_indices = #map}, {transform_indices = #map1}]} {
    %mul3A = arith.constant 160 : i32
    %mul3A_0 = arith.muli %arg1, %mul3A : i32
    %mul3A_1 = arith.constant 120 : i32
    %mul3A_2 = arith.muli %arg0, %mul3A_1 : i32
    %add3A = arith.addi %mul3A_0, %mul3A_2 : i32
    %multiple_of3A = tpu.assume_multiple %add3A, 8 : i32
    %scan3A = arith.constant 0 : i32
    %scan3A_3 = arith.constant 0 : i32
    %scan3A_4 = arith.constant 128 : i32
    %scan3A_5 = arith.addi %scan3A_3, %scan3A_4 : i32
    %scan3A_6 = arith.constant 1 : i32
    scf.for %scan3A_45 = %scan3A_3 to %scan3A_5 step %scan3A_6  : i32 {
      %broadcast_in_dim3A = arith.constant 0.000000e+00 : f32
      %broadcast_in_dim3A_46 = vector.broadcast %broadcast_in_dim3A : f32 to vector<16xf32>
      %swap3A = arith.index_cast %scan3A_45 : i32 to index
      %swap3A_47 = arith.constant 0 : index
      %swap3A_48 = tpu.vector_load %arg8[%swap3A, %swap3A_47] {strides = array<i32>} : memref<128x128xf32, #tpu.memory_space<vmem>>, vector<1x16xf32>,
      %swap3A_49 = vector.shape_cast %swap3A_48 : vector<1x16xf32> to vector<16xf32>
      %swap3A_50 = vector.shape_cast %broadcast_in_dim3A_46 : vector<16xf32> to vector<1x16xf32>
      tpu.vector_store %arg8[%swap3A, %swap3A_47], %swap3A_50 {strides = array<i32>} : memref<128x128xf32, #tpu.memory_space<vmem>>, vector<1x16xf32>,
      %broadcast_in_dim3A_51 = arith.constant 0.000000e+00 : f32
      %broadcast_in_dim3A_52 = vector.broadcast %broadcast_in_dim3A_51 : f32 to vector<16xf32>
      %swap3A_53 = arith.index_cast %scan3A_45 : i32 to index
      %swap3A_54 = arith.constant 16 : index
      %swap3A_55 = tpu.vector_load %arg8[%swap3A_53, %swap3A_54] {strides = array<i32>} : memref<128x128xf32, #tpu.memory_space<vmem>>, vector<1x16xf32>,
      %swap3A_56 = vector.shape_cast %swap3A_55 : vector<1x16xf32> to vector<16xf32>
      %swap3A_57 = vector.shape_cast %broadcast_in_dim3A_52 : vector<16xf32> to vector<1x16xf32>
      tpu.vector_store %arg8[%swap3A_53, %swap3A_54], %swap3A_57 {strides = array<i32>} : memref<128x128xf32, #tpu.memory_space<vmem>>, vector<1x16xf32>,
      %broadcast_in_dim3A_58 = arith.constant 0.000000e+00 : f32
      %broadcast_in_dim3A_59 = vector.broadcast %broadcast_in_dim3A_58 : f32 to vector<16xf32>
      %swap3A_60 = arith.index_cast %scan3A_45 : i32 to index
      %swap3A_61 = arith.constant 32 : index
      %swap3A_62 = tpu.vector_load %arg8[%swap3A_60, %swap3A_61] {strides = array<i32>} : memref<128x128xf32, #tpu.memory_space<vmem>>, vector<1x16xf32>,
      %swap3A_63 = vector.shape_cast %swap3A_62 : vector<1x16xf32> to vector<16xf32>
      %swap3A_64 = vector.shape_cast %broadcast_in_dim3A_59 : vector<16xf32> to vector<1x16xf32>
      tpu.vector_store %arg8[%swap3A_60, %swap3A_61], %swap3A_64 {strides = array<i32>} : memref<128x128xf32, #tpu.memory_space<vmem>>, vector<1x16xf32>,
      %broadcast_in_dim3A_65 = arith.constant 0.000000e+00 : f32
      %broadcast_in_dim3A_66 = vector.broadcast %broadcast_in_dim3A_65 : f32 to vector<16xf32>
      %swap3A_67 = arith.index_cast %scan3A_45 : i32 to index
      %swap3A_68 = arith.constant 48 : index
      %swap3A_69 = tpu.vector_load %arg8[%swap3A_67, %swap3A_68] {strides = array<i32>} : memref<128x128xf32, #tpu.memory_space<vmem>>, vector<1x16xf32>,
      %swap3A_70 = vector.shape_cast %swap3A_69 : vector<1x16xf32> to vector<16xf32>
      %swap3A_71 = vector.shape_cast %broadcast_in_dim3A_66 : vector<16xf32> to vector<1x16xf32>
      tpu.vector_store %arg8[%swap3A_67, %swap3A_68], %swap3A_71 {strides = array<i32>} : memref<128x128xf32, #tpu.memory_space<vmem>>, vector<1x16xf32>,
      %broadcast_in_dim3A_72 = arith.constant 0.000000e+00 : f32
      %broadcast_in_dim3A_73 = vector.broadcast %broadcast_in_dim3A_72 : f32 to vector<16xf32>
      %swap3A_74 = arith.index_cast %scan3A_45 : i32 to index
      %swap3A_75 = arith.constant 64 : index
      %swap3A_76 = tpu.vector_load %arg8[%swap3A_74, %swap3A_75] {strides = array<i32>} : memref<128x128xf32, #tpu.memory_space<vmem>>, vector<1x16xf32>,
      %swap3A_77 = vector.shape_cast %swap3A_76 : vector<1x16xf32> to vector<16xf32>
      %swap3A_78 = vector.shape_cast %broadcast_in_dim3A_73 : vector<16xf32> to vector<1x16xf32>
      tpu.vector_store %arg8[%swap3A_74, %swap3A_75], %swap3A_78 {strides = array<i32>} : memref<128x128xf32, #tpu.memory_space<vmem>>, vector<1x16xf32>,
      %broadcast_in_dim3A_79 = arith.constant 0.000000e+00 : f32
      %broadcast_in_dim3A_80 = vector.broadcast %broadcast_in_dim3A_79 : f32 to vector<16xf32>
      %swap3A_81 = arith.index_cast %scan3A_45 : i32 to index
      %swap3A_82 = arith.constant 80 : index
      %swap3A_83 = tpu.vector_load %arg8[%swap3A_81, %swap3A_82] {strides = array<i32>} : memref<128x128xf32, #tpu.memory_space<vmem>>, vector<1x16xf32>,
      %swap3A_84 = vector.shape_cast %swap3A_83 : vector<1x16xf32> to vector<16xf32>
      %swap3A_85 = vector.shape_cast %broadcast_in_dim3A_80 : vector<16xf32> to vector<1x16xf32>
      tpu.vector_store %arg8[%swap3A_81, %swap3A_82], %swap3A_85 {strides = array<i32>} : memref<128x128xf32, #tpu.memory_space<vmem>>, vector<1x16xf32>,
      %broadcast_in_dim3A_86 = arith.constant 0.000000e+00 : f32
      %broadcast_in_dim3A_87 = vector.broadcast %broadcast_in_dim3A_86 : f32 to vector<16xf32>
      %swap3A_88 = arith.index_cast %scan3A_45 : i32 to index
      %swap3A_89 = arith.constant 96 : index
      %swap3A_90 = tpu.vector_load %arg8[%swap3A_88, %swap3A_89] {strides = array<i32>} : memref<128x128xf32, #tpu.memory_space<vmem>>, vector<1x16xf32>,
      %swap3A_91 = vector.shape_cast %swap3A_90 : vector<1x16xf32> to vector<16xf32>
      %swap3A_92 = vector.shape_cast %broadcast_in_dim3A_87 : vector<16xf32> to vector<1x16xf32>
      tpu.vector_store %arg8[%swap3A_88, %swap3A_89], %swap3A_92 {strides = array<i32>} : memref<128x128xf32, #tpu.memory_space<vmem>>, vector<1x16xf32>,
      %broadcast_in_dim3A_93 = arith.constant 0.000000e+00 : f32
      %broadcast_in_dim3A_94 = vector.broadcast %broadcast_in_dim3A_93 : f32 to vector<16xf32>
      %swap3A_95 = arith.index_cast %scan3A_45 : i32 to index
      %swap3A_96 = arith.constant 112 : index
      %swap3A_97 = tpu.vector_load %arg8[%swap3A_95, %swap3A_96] {strides = array<i32>} : memref<128x128xf32, #tpu.memory_space<vmem>>, vector<1x16xf32>,
      %swap3A_98 = vector.shape_cast %swap3A_97 : vector<1x16xf32> to vector<16xf32>
      %swap3A_99 = vector.shape_cast %broadcast_in_dim3A_94 : vector<16xf32> to vector<1x16xf32>
      tpu.vector_store %arg8[%swap3A_95, %swap3A_96], %swap3A_99 {strides = array<i32>} : memref<128x128xf32, #tpu.memory_space<vmem>>, vector<1x16xf32>,
    }
    %scan3A_7 = arith.constant 128 : i32
    %mul3A_8 = arith.constant 632 : i32
    %mul3A_9 = arith.muli %arg1, %mul3A_8 : i32
    %add3A_10 = arith.constant 0 : i32
    %add3A_11 = arith.addi %mul3A_9, %add3A_10 : i32
    "tpu.region"() ({
      %run_scoped3A = tpu.sem_alloc : memref<!tpu.dma_semaphore, #tpu.memory_space<semaphore_mem>>
      %dma_start3A_45 = arith.constant 0 : i32
      %dma_start3A_46 = tpu.memref_slice %arg10[%add3A_11, %dma_start3A_45] : memref<10112x128xf32, #tpu.memory_space<vmem_shared>> -> memref<128x128xf32, #tpu.memory_space<vmem_shared>>
      %dma_start3A_47 = arith.constant 0 : i32
      %dma_start3A_48 = tpu.memref_slice %arg10[%add3A_11, %dma_start3A_47] : memref<10112x128xf32, #tpu.memory_space<vmem_shared>> -> memref<128x128xf32, #tpu.memory_space<vmem_shared>>
      tpu.enqueue_dma source(%arg8 : memref<128x128xf32, #tpu.memory_space<vmem>>) target(%dma_start3A_48 : memref<128x128xf32, #tpu.memory_space<vmem_shared>>) target_semaphore(%run_scoped3A : memref<!tpu.dma_semaphore, #tpu.memory_space<semaphore_mem>>)
      %dma_wait3A = arith.constant 0 : i32
      %dma_wait3A_49 = tpu.memref_slice %arg10[%add3A_11, %dma_wait3A] : memref<10112x128xf32, #tpu.memory_space<vmem_shared>> -> memref<128x128xf32, #tpu.memory_space<vmem_shared>>
      %dma_wait3A_50 = arith.constant 0 : i32
      %dma_wait3A_51 = tpu.memref_slice %arg10[%add3A_11, %dma_wait3A_50] : memref<10112x128xf32, #tpu.memory_space<vmem_shared>> -> memref<128x128xf32, #tpu.memory_space<vmem_shared>>
      tpu.wait_dma2 semaphore(%run_scoped3A : memref<!tpu.dma_semaphore, #tpu.memory_space<semaphore_mem>>) src(%arg8 : memref<128x128xf32, #tpu.memory_space<vmem>>) dst(%dma_wait3A_51 : memref<128x128xf32, #tpu.memory_space<vmem_shared>>)
      tpu.yield
    }) : () -> ()
    %add3A_12 = arith.constant 128 : i32
    %add3A_13 = arith.addi %mul3A_9, %add3A_12 : i32
    "tpu.region"() ({
      %run_scoped3A = tpu.sem_alloc : memref<!tpu.dma_semaphore, #tpu.memory_space<semaphore_mem>>
      %dma_start3A_45 = arith.constant 0 : i32
      %dma_start3A_46 = tpu.memref_slice %arg10[%add3A_13, %dma_start3A_45] : memref<10112x128xf32, #tpu.memory_space<vmem_shared>> -> memref<128x128xf32, #tpu.memory_space<vmem_shared>>
      %dma_start3A_47 = arith.constant 0 : i32
      %dma_start3A_48 = tpu.memref_slice %arg10[%add3A_13, %dma_start3A_47] : memref<10112x128xf32, #tpu.memory_space<vmem_shared>> -> memref<128x128xf32, #tpu.memory_space<vmem_shared>>
      tpu.enqueue_dma source(%arg8 : memref<128x128xf32, #tpu.memory_space<vmem>>) target(%dma_start3A_48 : memref<128x128xf32, #tpu.memory_space<vmem_shared>>) target_semaphore(%run_scoped3A : memref<!tpu.dma_semaphore, #tpu.memory_space<semaphore_mem>>)
      %dma_wait3A = arith.constant 0 : i32
      %dma_wait3A_49 = tpu.memref_slice %arg10[%add3A_13, %dma_wait3A] : memref<10112x128xf32, #tpu.memory_space<vmem_shared>> -> memref<128x128xf32, #tpu.memory_space<vmem_shared>>
      %dma_wait3A_50 = arith.constant 0 : i32
      %dma_wait3A_51 = tpu.memref_slice %arg10[%add3A_13, %dma_wait3A_50] : memref<10112x128xf32, #tpu.memory_space<vmem_shared>> -> memref<128x128xf32, #tpu.memory_space<vmem_shared>>
      tpu.wait_dma2 semaphore(%run_scoped3A : memref<!tpu.dma_semaphore, #tpu.memory_space<semaphore_mem>>) src(%arg8 : memref<128x128xf32, #tpu.memory_space<vmem>>) dst(%dma_wait3A_51 : memref<128x128xf32, #tpu.memory_space<vmem_shared>>)
      tpu.yield
    }) : () -> ()
    %add3A_14 = arith.constant 256 : i32
    %add3A_15 = arith.addi %mul3A_9, %add3A_14 : i32
    "tpu.region"() ({
      %run_scoped3A = tpu.sem_alloc : memref<!tpu.dma_semaphore, #tpu.memory_space<semaphore_mem>>
      %dma_start3A_45 = arith.constant 0 : i32
      %dma_start3A_46 = tpu.memref_slice %arg10[%add3A_15, %dma_start3A_45] : memref<10112x128xf32, #tpu.memory_space<vmem_shared>> -> memref<128x128xf32, #tpu.memory_space<vmem_shared>>
      %dma_start3A_47 = arith.constant 0 : i32
      %dma_start3A_48 = tpu.memref_slice %arg10[%add3A_15, %dma_start3A_47] : memref<10112x128xf32, #tpu.memory_space<vmem_shared>> -> memref<128x128xf32, #tpu.memory_space<vmem_shared>>
      tpu.enqueue_dma source(%arg8 : memref<128x128xf32, #tpu.memory_space<vmem>>) target(%dma_start3A_48 : memref<128x128xf32, #tpu.memory_space<vmem_shared>>) target_semaphore(%run_scoped3A : memref<!tpu.dma_semaphore, #tpu.memory_space<semaphore_mem>>)
      %dma_wait3A = arith.constant 0 : i32
      %dma_wait3A_49 = tpu.memref_slice %arg10[%add3A_15, %dma_wait3A] : memref<10112x128xf32, #tpu.memory_space<vmem_shared>> -> memref<128x128xf32, #tpu.memory_space<vmem_shared>>
      %dma_wait3A_50 = arith.constant 0 : i32
      %dma_wait3A_51 = tpu.memref_slice %arg10[%add3A_15, %dma_wait3A_50] : memref<10112x128xf32, #tpu.memory_space<vmem_shared>> -> memref<128x128xf32, #tpu.memory_space<vmem_shared>>
      tpu.wait_dma2 semaphore(%run_scoped3A : memref<!tpu.dma_semaphore, #tpu.memory_space<semaphore_mem>>) src(%arg8 : memref<128x128xf32, #tpu.memory_space<vmem>>) dst(%dma_wait3A_51 : memref<128x128xf32, #tpu.memory_space<vmem_shared>>)
      tpu.yield
    }) : () -> ()
    %add3A_16 = arith.constant 384 : i32
    %add3A_17 = arith.addi %mul3A_9, %add3A_16 : i32
    "tpu.region"() ({
      %run_scoped3A = tpu.sem_alloc : memref<!tpu.dma_semaphore, #tpu.memory_space<semaphore_mem>>
      %dma_start3A_45 = arith.constant 0 : i32
      %dma_start3A_46 = tpu.memref_slice %arg10[%add3A_17, %dma_start3A_45] : memref<10112x128xf32, #tpu.memory_space<vmem_shared>> -> memref<128x128xf32, #tpu.memory_space<vmem_shared>>
      %dma_start3A_47 = arith.constant 0 : i32
      %dma_start3A_48 = tpu.memref_slice %arg10[%add3A_17, %dma_start3A_47] : memref<10112x128xf32, #tpu.memory_space<vmem_shared>> -> memref<128x128xf32, #tpu.memory_space<vmem_shared>>
      tpu.enqueue_dma source(%arg8 : memref<128x128xf32, #tpu.memory_space<vmem>>) target(%dma_start3A_48 : memref<128x128xf32, #tpu.memory_space<vmem_shared>>) target_semaphore(%run_scoped3A : memref<!tpu.dma_semaphore, #tpu.memory_space<semaphore_mem>>)
      %dma_wait3A = arith.constant 0 : i32
      %dma_wait3A_49 = tpu.memref_slice %arg10[%add3A_17, %dma_wait3A] : memref<10112x128xf32, #tpu.memory_space<vmem_shared>> -> memref<128x128xf32, #tpu.memory_space<vmem_shared>>
      %dma_wait3A_50 = arith.constant 0 : i32
      %dma_wait3A_51 = tpu.memref_slice %arg10[%add3A_17, %dma_wait3A_50] : memref<10112x128xf32, #tpu.memory_space<vmem_shared>> -> memref<128x128xf32, #tpu.memory_space<vmem_shared>>
      tpu.wait_dma2 semaphore(%run_scoped3A : memref<!tpu.dma_semaphore, #tpu.memory_space<semaphore_mem>>) src(%arg8 : memref<128x128xf32, #tpu.memory_space<vmem>>) dst(%dma_wait3A_51 : memref<128x128xf32, #tpu.memory_space<vmem_shared>>)
      tpu.yield
    }) : () -> ()
    %add3A_18 = arith.constant 512 : i32
    %add3A_19 = arith.addi %mul3A_9, %add3A_18 : i32
    "tpu.region"() ({
      %run_scoped3A = tpu.sem_alloc : memref<!tpu.dma_semaphore, #tpu.memory_space<semaphore_mem>>
      %dma_start3A_45 = arith.constant 0 : i32
      %dma_start3A_46 = arith.constant 0 : i32
      %dma_start3A_47 = tpu.memref_slice %arg8[%dma_start3A_45, %dma_start3A_46] : memref<128x128xf32, #tpu.memory_space<vmem>> -> memref<120x128xf32, #tpu.memory_space<vmem>>
      %dma_start3A_48 = arith.constant 0 : i32
      %dma_start3A_49 = tpu.memref_slice %arg10[%add3A_19, %dma_start3A_48] : memref<10112x128xf32, #tpu.memory_space<vmem_shared>> -> memref<120x128xf32, #tpu.memory_space<vmem_shared>>
      %dma_start3A_50 = arith.constant 0 : i32
      %dma_start3A_51 = tpu.memref_slice %arg10[%add3A_19, %dma_start3A_50] : memref<10112x128xf32, #tpu.memory_space<vmem_shared>> -> memref<120x128xf32, #tpu.memory_space<vmem_shared>>
      %dma_start3A_52 = arith.constant 0 : i32
      %dma_start3A_53 = arith.constant 0 : i32
      %dma_start3A_54 = tpu.memref_slice %arg8[%dma_start3A_52, %dma_start3A_53] : memref<128x128xf32, #tpu.memory_space<vmem>> -> memref<120x128xf32, #tpu.memory_space<vmem>>
      tpu.enqueue_dma source(%dma_start3A_54 : memref<120x128xf32, #tpu.memory_space<vmem>>) target(%dma_start3A_51 : memref<120x128xf32, #tpu.memory_space<vmem_shared>>) target_semaphore(%run_scoped3A : memref<!tpu.dma_semaphore, #tpu.memory_space<semaphore_mem>>)
      %dma_wait3A = arith.constant 0 : i32
      %dma_wait3A_55 = arith.constant 0 : i32
      %dma_wait3A_56 = tpu.memref_slice %arg8[%dma_wait3A, %dma_wait3A_55] : memref<128x128xf32, #tpu.memory_space<vmem>> -> memref<120x128xf32, #tpu.memory_space<vmem>>
      %dma_wait3A_57 = arith.constant 0 : i32
      %dma_wait3A_58 = tpu.memref_slice %arg10[%add3A_19, %dma_wait3A_57] : memref<10112x128xf32, #tpu.memory_space<vmem_shared>> -> memref<120x128xf32, #tpu.memory_space<vmem_shared>>
      %dma_wait3A_59 = arith.constant 0 : i32
      %dma_wait3A_60 = tpu.memref_slice %arg10[%add3A_19, %dma_wait3A_59] : memref<10112x128xf32, #tpu.memory_space<vmem_shared>> -> memref<120x128xf32, #tpu.memory_space<vmem_shared>>
      %dma_wait3A_61 = arith.constant 0 : i32
      %dma_wait3A_62 = arith.constant 0 : i32
      %dma_wait3A_63 = tpu.memref_slice %arg8[%dma_wait3A_61, %dma_wait3A_62] : memref<128x128xf32, #tpu.memory_space<vmem>> -> memref<120x128xf32, #tpu.memory_space<vmem>>
      tpu.wait_dma2 semaphore(%run_scoped3A : memref<!tpu.dma_semaphore, #tpu.memory_space<semaphore_mem>>) src(%dma_wait3A_63 : memref<120x128xf32, #tpu.memory_space<vmem>>) dst(%dma_wait3A_60 : memref<120x128xf32, #tpu.memory_space<vmem_shared>>)
      tpu.yield
    }) : () -> ()
    %barrier3A = arith.constant 0 : index
    tpu.barrier barrier_id(%barrier3A)
    "tpu.region"() ({
      %run_scoped3A = tpu.sem_alloc : memref<!tpu.dma_semaphore, #tpu.memory_space<semaphore_mem>>
      %dma_start3A_45 = arith.constant 0 : i32
      %dma_start3A_46 = tpu.memref_slice %arg3[%multiple_of3A, %dma_start3A_45] : memref<2640x128xi32, #tpu.memory_space<hbm>> -> memref<120x128xi32, #tpu.memory_space<hbm>>
      %dma_start3A_47 = arith.constant 0 : i32
      %dma_start3A_48 = tpu.memref_slice %arg3[%multiple_of3A, %dma_start3A_47] : memref<2640x128xi32, #tpu.memory_space<hbm>> -> memref<120x128xi32, #tpu.memory_space<hbm>>
      tpu.enqueue_dma source(%dma_start3A_48 : memref<120x128xi32, #tpu.memory_space<hbm>>) target(%arg6 : memref<120x128xi32, #tpu.memory_space<vmem>>) target_semaphore(%run_scoped3A : memref<!tpu.dma_semaphore, #tpu.memory_space<semaphore_mem>>)
      %dma_wait3A = arith.constant 0 : i32
      %dma_wait3A_49 = tpu.memref_slice %arg3[%multiple_of3A, %dma_wait3A] : memref<2640x128xi32, #tpu.memory_space<hbm>> -> memref<120x128xi32, #tpu.memory_space<hbm>>
      %dma_wait3A_50 = arith.constant 0 : i32
      %dma_wait3A_51 = tpu.memref_slice %arg3[%multiple_of3A, %dma_wait3A_50] : memref<2640x128xi32, #tpu.memory_space<hbm>> -> memref<120x128xi32, #tpu.memory_space<hbm>>
      tpu.wait_dma2 semaphore(%run_scoped3A : memref<!tpu.dma_semaphore, #tpu.memory_space<semaphore_mem>>) src(%dma_wait3A_51 : memref<120x128xi32, #tpu.memory_space<hbm>>) dst(%arg6 : memref<120x128xi32, #tpu.memory_space<vmem>>)
      tpu.yield
    }) : () -> ()
    "tpu.region"() ({
      %run_scoped3A = tpu.sem_alloc : memref<!tpu.dma_semaphore, #tpu.memory_space<semaphore_mem>>
      %dma_start3A_45 = arith.constant 0 : i32
      %dma_start3A_46 = tpu.memref_slice %arg4[%multiple_of3A, %dma_start3A_45] : memref<2640x128xi32, #tpu.memory_space<hbm>> -> memref<8x128xi32, #tpu.memory_space<hbm>>
      %dma_start3A_47 = arith.constant 0 : i32
      %dma_start3A_48 = tpu.memref_slice %arg4[%multiple_of3A, %dma_start3A_47] : memref<2640x128xi32, #tpu.memory_space<hbm>> -> memref<8x128xi32, #tpu.memory_space<hbm>>
      tpu.enqueue_dma source(%dma_start3A_48 : memref<8x128xi32, #tpu.memory_space<hbm>>) target(%arg7 : memref<8x128xi32, #tpu.memory_space<vmem>>) target_semaphore(%run_scoped3A : memref<!tpu.dma_semaphore, #tpu.memory_space<semaphore_mem>>)
      %dma_wait3A = arith.constant 0 : i32
      %dma_wait3A_49 = tpu.memref_slice %arg4[%multiple_of3A, %dma_wait3A] : memref<2640x128xi32, #tpu.memory_space<hbm>> -> memref<8x128xi32, #tpu.memory_space<hbm>>
      %dma_wait3A_50 = arith.constant 0 : i32
      %dma_wait3A_51 = tpu.memref_slice %arg4[%multiple_of3A, %dma_wait3A_50] : memref<2640x128xi32, #tpu.memory_space<hbm>> -> memref<8x128xi32, #tpu.memory_space<hbm>>
      tpu.wait_dma2 semaphore(%run_scoped3A : memref<!tpu.dma_semaphore, #tpu.memory_space<semaphore_mem>>) src(%dma_wait3A_51 : memref<8x128xi32, #tpu.memory_space<hbm>>) dst(%arg7 : memref<8x128xi32, #tpu.memory_space<vmem>>)
      tpu.yield
    }) : () -> ()
    %dma_start3A = arith.constant 0 : i32
    %dma_start3A_20 = arith.constant 0 : i32
    %dma_start3A_21 = tpu.memref_slice %arg6[%dma_start3A, %dma_start3A_20] : memref<120x128xi32, #tpu.memory_space<vmem>> -> memref<1x128xi32, #tpu.memory_space<vmem>>
    %dma_start3A_22 = tpu.memref_squeeze %dma_start3A_21 : memref<1x128xi32, #tpu.memory_space<vmem>> -> memref<128xi32, #tpu.memory_space<vmem>>
    %dma_start3A_23 = arith.constant 0 : i32
    %dma_start3A_24 = arith.constant 0 : i32
    %dma_start3A_25 = tpu.memref_slice %arg2[%dma_start3A_23, %dma_start3A_24] : memref<10000x128xf32, #tpu.memory_space<hbm>> -> memref<10000x128xf32, #tpu.memory_space<hbm>>
    tpu.enqueue_indirect_dma source(%dma_start3A_25 : memref<10000x128xf32, #tpu.memory_space<hbm>>) target(%arg8 : memref<128x128xf32, #tpu.memory_space<vmem>>) offsets(%dma_start3A_22 : memref<128xi32, #tpu.memory_space<vmem>>) semaphore(%arg11 : memref<!tpu.dma_semaphore, #tpu.memory_space<semaphore_mem>>)
    %dma_start3A_26 = arith.constant 1 : i32
    %dma_start3A_27 = arith.constant 0 : i32
    %dma_start3A_28 = tpu.memref_slice %arg6[%dma_start3A_26, %dma_start3A_27] : memref<120x128xi32, #tpu.memory_space<vmem>> -> memref<1x128xi32, #tpu.memory_space<vmem>>
    %dma_start3A_29 = tpu.memref_squeeze %dma_start3A_28 : memref<1x128xi32, #tpu.memory_space<vmem>> -> memref<128xi32, #tpu.memory_space<vmem>>
    %dma_start3A_30 = arith.constant 0 : i32
    %dma_start3A_31 = arith.constant 0 : i32
    %dma_start3A_32 = tpu.memref_slice %arg2[%dma_start3A_30, %dma_start3A_31] : memref<10000x128xf32, #tpu.memory_space<hbm>> -> memref<10000x128xf32, #tpu.memory_space<hbm>>
    tpu.enqueue_indirect_dma source(%dma_start3A_32 : memref<10000x128xf32, #tpu.memory_space<hbm>>) target(%arg9 : memref<128x128xf32, #tpu.memory_space<vmem>>) offsets(%dma_start3A_29 : memref<128xi32, #tpu.memory_space<vmem>>) semaphore(%arg12 : memref<!tpu.dma_semaphore, #tpu.memory_space<semaphore_mem>>)
    %eq3A = arith.constant 0 : i32
    %eq3A_33 = arith.cmpi eq, %arg0, %eq3A : i32
    %convert_element_type3A = arith.extui %eq3A_33 : i1 to i32
    %cond3A = arith.constant 0 : i32
    %cond3A_34 = arith.cmpi ne, %convert_element_type3A, %cond3A : i32
    scf.if %cond3A_34 {
      %scan3A_45 = arith.constant 0 : i32
      %scan3A_46 = arith.constant 0 : i32
      %scan3A_47 = arith.constant 60 : i32
      %scan3A_48 = arith.addi %scan3A_46, %scan3A_47 : i32
      %scan3A_49 = arith.constant 1 : i32
      scf.for %scan3A_64 = %scan3A_46 to %scan3A_48 step %scan3A_49  : i32 {
        %mul3A_65 = arith.constant 2 : i32
        %mul3A_66 = arith.muli %mul3A_65, %scan3A_64 : i32
        %add3A_67 = arith.constant 1 : i32
        %add3A_68 = arith.addi %mul3A_66, %add3A_67 : i32
        %rem3A = arith.constant 8 : i32
        %rem3A_69 = arith.remsi %mul3A_66, %rem3A : i32
        %eq3A_70 = arith.constant 0 : i32
        %eq3A_71 = arith.cmpi eq, %rem3A_69, %eq3A_70 : i32
        %ne3A = arith.constant 0 : i32
        %ne3A_72 = arith.cmpi ne, %scan3A_64, %ne3A : i32
        %and3A = arith.andi %eq3A_71, %ne3A_72 : i1
        %convert_element_type3A_73 = arith.extui %and3A : i1 to i32
        %cond3A_74 = arith.constant 0 : i32
        %cond3A_75 = arith.cmpi ne, %convert_element_type3A_73, %cond3A_74 : i32
        scf.if %cond3A_75 {
          %div3A = arith.constant 8 : i32
          %div3A_137 = arith.divsi %mul3A_66, %div3A : i32
          %mul3A_138 = arith.constant 8 : i32
          %mul3A_139 = arith.muli %div3A_137, %mul3A_138 : i32
          %add3A_140 = arith.addi %multiple_of3A, %mul3A_139 : i32
          %multiple_of3A_141 = tpu.assume_multiple %add3A_140, 8 : i32
          "tpu.region"() ({
            %run_scoped3A = tpu.sem_alloc : memref<!tpu.dma_semaphore, #tpu.memory_space<semaphore_mem>>
            %dma_start3A_142 = arith.constant 0 : i32
            %dma_start3A_143 = tpu.memref_slice %arg4[%multiple_of3A_141, %dma_start3A_142] : memref<2640x128xi32, #tpu.memory_space<hbm>> -> memref<8x128xi32, #tpu.memory_space<hbm>>
            %dma_start3A_144 = arith.constant 0 : i32
            %dma_start3A_145 = tpu.memref_slice %arg4[%multiple_of3A_141, %dma_start3A_144] : memref<2640x128xi32, #tpu.memory_space<hbm>> -> memref<8x128xi32, #tpu.memory_space<hbm>>
            tpu.enqueue_dma source(%dma_start3A_145 : memref<8x128xi32, #tpu.memory_space<hbm>>) target(%arg7 : memref<8x128xi32, #tpu.memory_space<vmem>>) target_semaphore(%run_scoped3A : memref<!tpu.dma_semaphore, #tpu.memory_space<semaphore_mem>>)
            %dma_wait3A_146 = arith.constant 0 : i32
            %dma_wait3A_147 = tpu.memref_slice %arg4[%multiple_of3A_141, %dma_wait3A_146] : memref<2640x128xi32, #tpu.memory_space<hbm>> -> memref<8x128xi32, #tpu.memory_space<hbm>>
            %dma_wait3A_148 = arith.constant 0 : i32
            %dma_wait3A_149 = tpu.memref_slice %arg4[%multiple_of3A_141, %dma_wait3A_148] : memref<2640x128xi32, #tpu.memory_space<hbm>> -> memref<8x128xi32, #tpu.memory_space<hbm>>
            tpu.wait_dma2 semaphore(%run_scoped3A : memref<!tpu.dma_semaphore, #tpu.memory_space<semaphore_mem>>) src(%dma_wait3A_149 : memref<8x128xi32, #tpu.memory_space<hbm>>) dst(%arg7 : memref<8x128xi32, #tpu.memory_space<vmem>>)
            tpu.yield
          }) : () -> ()
        } else {
        }
        %rem3A_76 = arith.constant 8 : i32
        %rem3A_77 = arith.remsi %mul3A_66, %rem3A_76 : i32
        %dma_wait3A_78 = arith.constant 0 : i32
        %dma_wait3A_79 = tpu.memref_slice %arg6[%mul3A_66, %dma_wait3A_78] : memref<120x128xi32, #tpu.memory_space<vmem>> -> memref<1x128xi32, #tpu.memory_space<vmem>>
        %dma_wait3A_80 = tpu.memref_squeeze %dma_wait3A_79 : memref<1x128xi32, #tpu.memory_space<vmem>> -> memref<128xi32, #tpu.memory_space<vmem>>
        %dma_wait3A_81 = arith.constant 0 : i32
        %dma_wait3A_82 = arith.constant 0 : i32
        %dma_wait3A_83 = tpu.memref_slice %arg2[%dma_wait3A_81, %dma_wait3A_82] : memref<10000x128xf32, #tpu.memory_space<hbm>> -> memref<10000x128xf32, #tpu.memory_space<hbm>>
        tpu.wait_indirect_dma semaphore(%arg11 : memref<!tpu.dma_semaphore, #tpu.memory_space<semaphore_mem>>) src(%dma_wait3A_83 : memref<10000x128xf32, #tpu.memory_space<hbm>>) dst(%arg8 : memref<128x128xf32, #tpu.memory_space<vmem>>)
        %dma_start3A_84 = arith.constant 0 : i32
        %dma_start3A_85 = tpu.memref_slice %arg7[%rem3A_77, %dma_start3A_84] : memref<8x128xi32, #tpu.memory_space<vmem>> -> memref<1x128xi32, #tpu.memory_space<vmem>>
        %dma_start3A_86 = tpu.memref_squeeze %dma_start3A_85 : memref<1x128xi32, #tpu.memory_space<vmem>> -> memref<128xi32, #tpu.memory_space<vmem>>
        %dma_start3A_87 = arith.constant 0 : i32
        %dma_start3A_88 = arith.constant 0 : i32
        %dma_start3A_89 = tpu.memref_slice %arg10[%dma_start3A_87, %dma_start3A_88] : memref<10112x128xf32, #tpu.memory_space<vmem_shared>> -> memref<10112x128xf32, #tpu.memory_space<vmem_shared>>
        tpu.enqueue_indirect_dma source(%arg8 : memref<128x128xf32, #tpu.memory_space<vmem>>) target(%dma_start3A_89 : memref<10112x128xf32, #tpu.memory_space<vmem_shared>>) offsets(%dma_start3A_86 : memref<128xi32, #tpu.memory_space<vmem>>) semaphore(%arg13 : memref<!tpu.dma_semaphore, #tpu.memory_space<semaphore_mem>>) {add = true}
        %dma_wait3A_90 = arith.constant 0 : i32
        %dma_wait3A_91 = tpu.memref_slice %arg6[%add3A_68, %dma_wait3A_90] : memref<120x128xi32, #tpu.memory_space<vmem>> -> memref<1x128xi32, #tpu.memory_space<vmem>>
        %dma_wait3A_92 = tpu.memref_squeeze %dma_wait3A_91 : memref<1x128xi32, #tpu.memory_space<vmem>> -> memref<128xi32, #tpu.memory_space<vmem>>
        %dma_wait3A_93 = arith.constant 0 : i32
        %dma_wait3A_94 = arith.constant 0 : i32
        %dma_wait3A_95 = tpu.memref_slice %arg2[%dma_wait3A_93, %dma_wait3A_94] : memref<10000x128xf32, #tpu.memory_space<hbm>> -> memref<10000x128xf32, #tpu.memory_space<hbm>>
        tpu.wait_indirect_dma semaphore(%arg12 : memref<!tpu.dma_semaphore, #tpu.memory_space<semaphore_mem>>) src(%dma_wait3A_95 : memref<10000x128xf32, #tpu.memory_space<hbm>>) dst(%arg9 : memref<128x128xf32, #tpu.memory_space<vmem>>)
        %add3A_96 = arith.constant 1 : i32
        %add3A_97 = arith.addi %rem3A_77, %add3A_96 : i32
        %dma_start3A_98 = arith.constant 0 : i32
        %dma_start3A_99 = tpu.memref_slice %arg7[%add3A_97, %dma_start3A_98] : memref<8x128xi32, #tpu.memory_space<vmem>> -> memref<1x128xi32, #tpu.memory_space<vmem>>
        %dma_start3A_100 = tpu.memref_squeeze %dma_start3A_99 : memref<1x128xi32, #tpu.memory_space<vmem>> -> memref<128xi32, #tpu.memory_space<vmem>>
        %dma_start3A_101 = arith.constant 0 : i32
        %dma_start3A_102 = arith.constant 0 : i32
        %dma_start3A_103 = tpu.memref_slice %arg10[%dma_start3A_101, %dma_start3A_102] : memref<10112x128xf32, #tpu.memory_space<vmem_shared>> -> memref<10112x128xf32, #tpu.memory_space<vmem_shared>>
        tpu.enqueue_indirect_dma source(%arg9 : memref<128x128xf32, #tpu.memory_space<vmem>>) target(%dma_start3A_103 : memref<10112x128xf32, #tpu.memory_space<vmem_shared>>) offsets(%dma_start3A_100 : memref<128xi32, #tpu.memory_space<vmem>>) semaphore(%arg14 : memref<!tpu.dma_semaphore, #tpu.memory_space<semaphore_mem>>) {add = true}
        %add3A_104 = arith.constant 2 : i32
        %add3A_105 = arith.addi %mul3A_66, %add3A_104 : i32
        %min3A = arith.constant 119 : i32
        %min3A_106 = arith.minsi %add3A_105, %min3A : i32
        %add3A_107 = arith.constant 2 : i32
        %add3A_108 = arith.addi %add3A_68, %add3A_107 : i32
        %min3A_109 = arith.constant 119 : i32
        %min3A_110 = arith.minsi %add3A_108, %min3A_109 : i32
        %dma_wait3A_111 = arith.constant 0 : i32
        %dma_wait3A_112 = tpu.memref_slice %arg7[%rem3A_77, %dma_wait3A_111] : memref<8x128xi32, #tpu.memory_space<vmem>> -> memref<1x128xi32, #tpu.memory_space<vmem>>
        %dma_wait3A_113 = tpu.memref_squeeze %dma_wait3A_112 : memref<1x128xi32, #tpu.memory_space<vmem>> -> memref<128xi32, #tpu.memory_space<vmem>>
        %dma_wait3A_114 = arith.constant 0 : i32
        %dma_wait3A_115 = arith.constant 0 : i32
        %dma_wait3A_116 = tpu.memref_slice %arg10[%dma_wait3A_114, %dma_wait3A_115] : memref<10112x128xf32, #tpu.memory_space<vmem_shared>> -> memref<10112x128xf32, #tpu.memory_space<vmem_shared>>
        tpu.wait_indirect_dma semaphore(%arg13 : memref<!tpu.dma_semaphore, #tpu.memory_space<semaphore_mem>>) src(%arg8 : memref<128x128xf32, #tpu.memory_space<vmem>>) dst(%dma_wait3A_116 : memref<10112x128xf32, #tpu.memory_space<vmem_shared>>)
        %dma_start3A_117 = arith.constant 0 : i32
        %dma_start3A_118 = tpu.memref_slice %arg6[%min3A_106, %dma_start3A_117] : memref<120x128xi32, #tpu.memory_space<vmem>> -> memref<1x128xi32, #tpu.memory_space<vmem>>
        %dma_start3A_119 = tpu.memref_squeeze %dma_start3A_118 : memref<1x128xi32, #tpu.memory_space<vmem>> -> memref<128xi32, #tpu.memory_space<vmem>>
        %dma_start3A_120 = arith.constant 0 : i32
        %dma_start3A_121 = arith.constant 0 : i32
        %dma_start3A_122 = tpu.memref_slice %arg2[%dma_start3A_120, %dma_start3A_121] : memref<10000x128xf32, #tpu.memory_space<hbm>> -> memref<10000x128xf32, #tpu.memory_space<hbm>>
        tpu.enqueue_indirect_dma source(%dma_start3A_122 : memref<10000x128xf32, #tpu.memory_space<hbm>>) target(%arg8 : memref<128x128xf32, #tpu.memory_space<vmem>>) offsets(%dma_start3A_119 : memref<128xi32, #tpu.memory_space<vmem>>) semaphore(%arg11 : memref<!tpu.dma_semaphore, #tpu.memory_space<semaphore_mem>>)
        %add3A_123 = arith.constant 1 : i32
        %add3A_124 = arith.addi %rem3A_77, %add3A_123 : i32
        %dma_wait3A_125 = arith.constant 0 : i32
        %dma_wait3A_126 = tpu.memref_slice %arg7[%add3A_124, %dma_wait3A_125] : memref<8x128xi32, #tpu.memory_space<vmem>> -> memref<1x128xi32, #tpu.memory_space<vmem>>
        %dma_wait3A_127 = tpu.memref_squeeze %dma_wait3A_126 : memref<1x128xi32, #tpu.memory_space<vmem>> -> memref<128xi32, #tpu.memory_space<vmem>>
        %dma_wait3A_128 = arith.constant 0 : i32
        %dma_wait3A_129 = arith.constant 0 : i32
        %dma_wait3A_130 = tpu.memref_slice %arg10[%dma_wait3A_128, %dma_wait3A_129] : memref<10112x128xf32, #tpu.memory_space<vmem_shared>> -> memref<10112x128xf32, #tpu.memory_space<vmem_shared>>
        tpu.wait_indirect_dma semaphore(%arg14 : memref<!tpu.dma_semaphore, #tpu.memory_space<semaphore_mem>>) src(%arg9 : memref<128x128xf32, #tpu.memory_space<vmem>>) dst(%dma_wait3A_130 : memref<10112x128xf32, #tpu.memory_space<vmem_shared>>)
        %dma_start3A_131 = arith.constant 0 : i32
        %dma_start3A_132 = tpu.memref_slice %arg6[%min3A_110, %dma_start3A_131] : memref<120x128xi32, #tpu.memory_space<vmem>> -> memref<1x128xi32, #tpu.memory_space<vmem>>
        %dma_start3A_133 = tpu.memref_squeeze %dma_start3A_132 : memref<1x128xi32, #tpu.memory_space<vmem>> -> memref<128xi32, #tpu.memory_space<vmem>>
        %dma_start3A_134 = arith.constant 0 : i32
        %dma_start3A_135 = arith.constant 0 : i32
        %dma_start3A_136 = tpu.memref_slice %arg2[%dma_start3A_134, %dma_start3A_135] : memref<10000x128xf32, #tpu.memory_space<hbm>> -> memref<10000x128xf32, #tpu.memory_space<hbm>>
        tpu.enqueue_indirect_dma source(%dma_start3A_136 : memref<10000x128xf32, #tpu.memory_space<hbm>>) target(%arg9 : memref<128x128xf32, #tpu.memory_space<vmem>>) offsets(%dma_start3A_133 : memref<128xi32, #tpu.memory_space<vmem>>) semaphore(%arg12 : memref<!tpu.dma_semaphore, #tpu.memory_space<semaphore_mem>>)
      }
      %scan3A_50 = arith.constant 60 : i32
      %dma_wait3A = arith.constant 119 : i32
      %dma_wait3A_51 = arith.constant 0 : i32
      %dma_wait3A_52 = tpu.memref_slice %arg6[%dma_wait3A, %dma_wait3A_51] : memref<120x128xi32, #tpu.memory_space<vmem>> -> memref<1x128xi32, #tpu.memory_space<vmem>>
      %dma_wait3A_53 = tpu.memref_squeeze %dma_wait3A_52 : memref<1x128xi32, #tpu.memory_space<vmem>> -> memref<128xi32, #tpu.memory_space<vmem>>
      %dma_wait3A_54 = arith.constant 0 : i32
      %dma_wait3A_55 = arith.constant 0 : i32
      %dma_wait3A_56 = tpu.memref_slice %arg2[%dma_wait3A_54, %dma_wait3A_55] : memref<10000x128xf32, #tpu.memory_space<hbm>> -> memref<10000x128xf32, #tpu.memory_space<hbm>>
      tpu.wait_indirect_dma semaphore(%arg11 : memref<!tpu.dma_semaphore, #tpu.memory_space<semaphore_mem>>) src(%dma_wait3A_56 : memref<10000x128xf32, #tpu.memory_space<hbm>>) dst(%arg8 : memref<128x128xf32, #tpu.memory_space<vmem>>)
      %dma_wait3A_57 = arith.constant 119 : i32
      %dma_wait3A_58 = arith.constant 0 : i32
      %dma_wait3A_59 = tpu.memref_slice %arg6[%dma_wait3A_57, %dma_wait3A_58] : memref<120x128xi32, #tpu.memory_space<vmem>> -> memref<1x128xi32, #tpu.memory_space<vmem>>
      %dma_wait3A_60 = tpu.memref_squeeze %dma_wait3A_59 : memref<1x128xi32, #tpu.memory_space<vmem>> -> memref<128xi32, #tpu.memory_space<vmem>>
      %dma_wait3A_61 = arith.constant 0 : i32
      %dma_wait3A_62 = arith.constant 0 : i32
      %dma_wait3A_63 = tpu.memref_slice %arg2[%dma_wait3A_61, %dma_wait3A_62] : memref<10000x128xf32, #tpu.memory_space<hbm>> -> memref<10000x128xf32, #tpu.memory_space<hbm>>
      tpu.wait_indirect_dma semaphore(%arg12 : memref<!tpu.dma_semaphore, #tpu.memory_space<semaphore_mem>>) src(%dma_wait3A_63 : memref<10000x128xf32, #tpu.memory_space<hbm>>) dst(%arg9 : memref<128x128xf32, #tpu.memory_space<vmem>>)
    } else {
    }
    %eq3A_35 = arith.constant 1 : i32
    %eq3A_36 = arith.cmpi eq, %arg0, %eq3A_35 : i32
    %convert_element_type3A_37 = arith.extui %eq3A_36 : i1 to i32
    %cond3A_38 = arith.constant 0 : i32
    %cond3A_39 = arith.cmpi ne, %convert_element_type3A_37, %cond3A_38 : i32
    scf.if %cond3A_39 {
      %scan3A_45 = arith.constant 0 : i32
      %scan3A_46 = arith.constant 0 : i32
      %scan3A_47 = arith.constant 20 : i32
      %scan3A_48 = arith.addi %scan3A_46, %scan3A_47 : i32
      %scan3A_49 = arith.constant 1 : i32
      scf.for %scan3A_64 = %scan3A_46 to %scan3A_48 step %scan3A_49  : i32 {
        %mul3A_65 = arith.constant 2 : i32
        %mul3A_66 = arith.muli %mul3A_65, %scan3A_64 : i32
        %add3A_67 = arith.constant 1 : i32
        %add3A_68 = arith.addi %mul3A_66, %add3A_67 : i32
        %rem3A = arith.constant 8 : i32
        %rem3A_69 = arith.remsi %mul3A_66, %rem3A : i32
        %eq3A_70 = arith.constant 0 : i32
        %eq3A_71 = arith.cmpi eq, %rem3A_69, %eq3A_70 : i32
        %ne3A = arith.constant 0 : i32
        %ne3A_72 = arith.cmpi ne, %scan3A_64, %ne3A : i32
        %and3A = arith.andi %eq3A_71, %ne3A_72 : i1
        %convert_element_type3A_73 = arith.extui %and3A : i1 to i32
        %cond3A_74 = arith.constant 0 : i32
        %cond3A_75 = arith.cmpi ne, %convert_element_type3A_73, %cond3A_74 : i32
        scf.if %cond3A_75 {
          %div3A = arith.constant 8 : i32
          %div3A_137 = arith.divsi %mul3A_66, %div3A : i32
          %mul3A_138 = arith.constant 8 : i32
          %mul3A_139 = arith.muli %div3A_137, %mul3A_138 : i32
          %add3A_140 = arith.addi %multiple_of3A, %mul3A_139 : i32
          %multiple_of3A_141 = tpu.assume_multiple %add3A_140, 8 : i32
          "tpu.region"() ({
            %run_scoped3A = tpu.sem_alloc : memref<!tpu.dma_semaphore, #tpu.memory_space<semaphore_mem>>
            %dma_start3A_142 = arith.constant 0 : i32
            %dma_start3A_143 = tpu.memref_slice %arg4[%multiple_of3A_141, %dma_start3A_142] : memref<2640x128xi32, #tpu.memory_space<hbm>> -> memref<8x128xi32, #tpu.memory_space<hbm>>
            %dma_start3A_144 = arith.constant 0 : i32
            %dma_start3A_145 = tpu.memref_slice %arg4[%multiple_of3A_141, %dma_start3A_144] : memref<2640x128xi32, #tpu.memory_space<hbm>> -> memref<8x128xi32, #tpu.memory_space<hbm>>
            tpu.enqueue_dma source(%dma_start3A_145 : memref<8x128xi32, #tpu.memory_space<hbm>>) target(%arg7 : memref<8x128xi32, #tpu.memory_space<vmem>>) target_semaphore(%run_scoped3A : memref<!tpu.dma_semaphore, #tpu.memory_space<semaphore_mem>>)
            %dma_wait3A_146 = arith.constant 0 : i32
            %dma_wait3A_147 = tpu.memref_slice %arg4[%multiple_of3A_141, %dma_wait3A_146] : memref<2640x128xi32, #tpu.memory_space<hbm>> -> memref<8x128xi32, #tpu.memory_space<hbm>>
            %dma_wait3A_148 = arith.constant 0 : i32
            %dma_wait3A_149 = tpu.memref_slice %arg4[%multiple_of3A_141, %dma_wait3A_148] : memref<2640x128xi32, #tpu.memory_space<hbm>> -> memref<8x128xi32, #tpu.memory_space<hbm>>
            tpu.wait_dma2 semaphore(%run_scoped3A : memref<!tpu.dma_semaphore, #tpu.memory_space<semaphore_mem>>) src(%dma_wait3A_149 : memref<8x128xi32, #tpu.memory_space<hbm>>) dst(%arg7 : memref<8x128xi32, #tpu.memory_space<vmem>>)
            tpu.yield
          }) : () -> ()
        } else {
        }
        %rem3A_76 = arith.constant 8 : i32
        %rem3A_77 = arith.remsi %mul3A_66, %rem3A_76 : i32
        %dma_wait3A_78 = arith.constant 0 : i32
        %dma_wait3A_79 = tpu.memref_slice %arg6[%mul3A_66, %dma_wait3A_78] : memref<120x128xi32, #tpu.memory_space<vmem>> -> memref<1x128xi32, #tpu.memory_space<vmem>>
        %dma_wait3A_80 = tpu.memref_squeeze %dma_wait3A_79 : memref<1x128xi32, #tpu.memory_space<vmem>> -> memref<128xi32, #tpu.memory_space<vmem>>
        %dma_wait3A_81 = arith.constant 0 : i32
        %dma_wait3A_82 = arith.constant 0 : i32
        %dma_wait3A_83 = tpu.memref_slice %arg2[%dma_wait3A_81, %dma_wait3A_82] : memref<10000x128xf32, #tpu.memory_space<hbm>> -> memref<10000x128xf32, #tpu.memory_space<hbm>>
        tpu.wait_indirect_dma semaphore(%arg11 : memref<!tpu.dma_semaphore, #tpu.memory_space<semaphore_mem>>) src(%dma_wait3A_83 : memref<10000x128xf32, #tpu.memory_space<hbm>>) dst(%arg8 : memref<128x128xf32, #tpu.memory_space<vmem>>)
        %dma_start3A_84 = arith.constant 0 : i32
        %dma_start3A_85 = tpu.memref_slice %arg7[%rem3A_77, %dma_start3A_84] : memref<8x128xi32, #tpu.memory_space<vmem>> -> memref<1x128xi32, #tpu.memory_space<vmem>>
        %dma_start3A_86 = tpu.memref_squeeze %dma_start3A_85 : memref<1x128xi32, #tpu.memory_space<vmem>> -> memref<128xi32, #tpu.memory_space<vmem>>
        %dma_start3A_87 = arith.constant 0 : i32
        %dma_start3A_88 = arith.constant 0 : i32
        %dma_start3A_89 = tpu.memref_slice %arg10[%dma_start3A_87, %dma_start3A_88] : memref<10112x128xf32, #tpu.memory_space<vmem_shared>> -> memref<10112x128xf32, #tpu.memory_space<vmem_shared>>
        tpu.enqueue_indirect_dma source(%arg8 : memref<128x128xf32, #tpu.memory_space<vmem>>) target(%dma_start3A_89 : memref<10112x128xf32, #tpu.memory_space<vmem_shared>>) offsets(%dma_start3A_86 : memref<128xi32, #tpu.memory_space<vmem>>) semaphore(%arg13 : memref<!tpu.dma_semaphore, #tpu.memory_space<semaphore_mem>>) {add = true}
        %dma_wait3A_90 = arith.constant 0 : i32
        %dma_wait3A_91 = tpu.memref_slice %arg6[%add3A_68, %dma_wait3A_90] : memref<120x128xi32, #tpu.memory_space<vmem>> -> memref<1x128xi32, #tpu.memory_space<vmem>>
        %dma_wait3A_92 = tpu.memref_squeeze %dma_wait3A_91 : memref<1x128xi32, #tpu.memory_space<vmem>> -> memref<128xi32, #tpu.memory_space<vmem>>
        %dma_wait3A_93 = arith.constant 0 : i32
        %dma_wait3A_94 = arith.constant 0 : i32
        %dma_wait3A_95 = tpu.memref_slice %arg2[%dma_wait3A_93, %dma_wait3A_94] : memref<10000x128xf32, #tpu.memory_space<hbm>> -> memref<10000x128xf32, #tpu.memory_space<hbm>>
        tpu.wait_indirect_dma semaphore(%arg12 : memref<!tpu.dma_semaphore, #tpu.memory_space<semaphore_mem>>) src(%dma_wait3A_95 : memref<10000x128xf32, #tpu.memory_space<hbm>>) dst(%arg9 : memref<128x128xf32, #tpu.memory_space<vmem>>)
        %add3A_96 = arith.constant 1 : i32
        %add3A_97 = arith.addi %rem3A_77, %add3A_96 : i32
        %dma_start3A_98 = arith.constant 0 : i32
        %dma_start3A_99 = tpu.memref_slice %arg7[%add3A_97, %dma_start3A_98] : memref<8x128xi32, #tpu.memory_space<vmem>> -> memref<1x128xi32, #tpu.memory_space<vmem>>
        %dma_start3A_100 = tpu.memref_squeeze %dma_start3A_99 : memref<1x128xi32, #tpu.memory_space<vmem>> -> memref<128xi32, #tpu.memory_space<vmem>>
        %dma_start3A_101 = arith.constant 0 : i32
        %dma_start3A_102 = arith.constant 0 : i32
        %dma_start3A_103 = tpu.memref_slice %arg10[%dma_start3A_101, %dma_start3A_102] : memref<10112x128xf32, #tpu.memory_space<vmem_shared>> -> memref<10112x128xf32, #tpu.memory_space<vmem_shared>>
        tpu.enqueue_indirect_dma source(%arg9 : memref<128x128xf32, #tpu.memory_space<vmem>>) target(%dma_start3A_103 : memref<10112x128xf32, #tpu.memory_space<vmem_shared>>) offsets(%dma_start3A_100 : memref<128xi32, #tpu.memory_space<vmem>>) semaphore(%arg14 : memref<!tpu.dma_semaphore, #tpu.memory_space<semaphore_mem>>) {add = true}
        %add3A_104 = arith.constant 2 : i32
        %add3A_105 = arith.addi %mul3A_66, %add3A_104 : i32
        %min3A = arith.constant 39 : i32
        %min3A_106 = arith.minsi %add3A_105, %min3A : i32
        %add3A_107 = arith.constant 2 : i32
        %add3A_108 = arith.addi %add3A_68, %add3A_107 : i32
        %min3A_109 = arith.constant 39 : i32
        %min3A_110 = arith.minsi %add3A_108, %min3A_109 : i32
        %dma_wait3A_111 = arith.constant 0 : i32
        %dma_wait3A_112 = tpu.memref_slice %arg7[%rem3A_77, %dma_wait3A_111] : memref<8x128xi32, #tpu.memory_space<vmem>> -> memref<1x128xi32, #tpu.memory_space<vmem>>
        %dma_wait3A_113 = tpu.memref_squeeze %dma_wait3A_112 : memref<1x128xi32, #tpu.memory_space<vmem>> -> memref<128xi32, #tpu.memory_space<vmem>>
        %dma_wait3A_114 = arith.constant 0 : i32
        %dma_wait3A_115 = arith.constant 0 : i32
        %dma_wait3A_116 = tpu.memref_slice %arg10[%dma_wait3A_114, %dma_wait3A_115] : memref<10112x128xf32, #tpu.memory_space<vmem_shared>> -> memref<10112x128xf32, #tpu.memory_space<vmem_shared>>
        tpu.wait_indirect_dma semaphore(%arg13 : memref<!tpu.dma_semaphore, #tpu.memory_space<semaphore_mem>>) src(%arg8 : memref<128x128xf32, #tpu.memory_space<vmem>>) dst(%dma_wait3A_116 : memref<10112x128xf32, #tpu.memory_space<vmem_shared>>)
        %dma_start3A_117 = arith.constant 0 : i32
        %dma_start3A_118 = tpu.memref_slice %arg6[%min3A_106, %dma_start3A_117] : memref<120x128xi32, #tpu.memory_space<vmem>> -> memref<1x128xi32, #tpu.memory_space<vmem>>
        %dma_start3A_119 = tpu.memref_squeeze %dma_start3A_118 : memref<1x128xi32, #tpu.memory_space<vmem>> -> memref<128xi32, #tpu.memory_space<vmem>>
        %dma_start3A_120 = arith.constant 0 : i32
        %dma_start3A_121 = arith.constant 0 : i32
        %dma_start3A_122 = tpu.memref_slice %arg2[%dma_start3A_120, %dma_start3A_121] : memref<10000x128xf32, #tpu.memory_space<hbm>> -> memref<10000x128xf32, #tpu.memory_space<hbm>>
        tpu.enqueue_indirect_dma source(%dma_start3A_122 : memref<10000x128xf32, #tpu.memory_space<hbm>>) target(%arg8 : memref<128x128xf32, #tpu.memory_space<vmem>>) offsets(%dma_start3A_119 : memref<128xi32, #tpu.memory_space<vmem>>) semaphore(%arg11 : memref<!tpu.dma_semaphore, #tpu.memory_space<semaphore_mem>>)
        %add3A_123 = arith.constant 1 : i32
        %add3A_124 = arith.addi %rem3A_77, %add3A_123 : i32
        %dma_wait3A_125 = arith.constant 0 : i32
        %dma_wait3A_126 = tpu.memref_slice %arg7[%add3A_124, %dma_wait3A_125] : memref<8x128xi32, #tpu.memory_space<vmem>> -> memref<1x128xi32, #tpu.memory_space<vmem>>
        %dma_wait3A_127 = tpu.memref_squeeze %dma_wait3A_126 : memref<1x128xi32, #tpu.memory_space<vmem>> -> memref<128xi32, #tpu.memory_space<vmem>>
        %dma_wait3A_128 = arith.constant 0 : i32
        %dma_wait3A_129 = arith.constant 0 : i32
        %dma_wait3A_130 = tpu.memref_slice %arg10[%dma_wait3A_128, %dma_wait3A_129] : memref<10112x128xf32, #tpu.memory_space<vmem_shared>> -> memref<10112x128xf32, #tpu.memory_space<vmem_shared>>
        tpu.wait_indirect_dma semaphore(%arg14 : memref<!tpu.dma_semaphore, #tpu.memory_space<semaphore_mem>>) src(%arg9 : memref<128x128xf32, #tpu.memory_space<vmem>>) dst(%dma_wait3A_130 : memref<10112x128xf32, #tpu.memory_space<vmem_shared>>)
        %dma_start3A_131 = arith.constant 0 : i32
        %dma_start3A_132 = tpu.memref_slice %arg6[%min3A_110, %dma_start3A_131] : memref<120x128xi32, #tpu.memory_space<vmem>> -> memref<1x128xi32, #tpu.memory_space<vmem>>
        %dma_start3A_133 = tpu.memref_squeeze %dma_start3A_132 : memref<1x128xi32, #tpu.memory_space<vmem>> -> memref<128xi32, #tpu.memory_space<vmem>>
        %dma_start3A_134 = arith.constant 0 : i32
        %dma_start3A_135 = arith.constant 0 : i32
        %dma_start3A_136 = tpu.memref_slice %arg2[%dma_start3A_134, %dma_start3A_135] : memref<10000x128xf32, #tpu.memory_space<hbm>> -> memref<10000x128xf32, #tpu.memory_space<hbm>>
        tpu.enqueue_indirect_dma source(%dma_start3A_136 : memref<10000x128xf32, #tpu.memory_space<hbm>>) target(%arg9 : memref<128x128xf32, #tpu.memory_space<vmem>>) offsets(%dma_start3A_133 : memref<128xi32, #tpu.memory_space<vmem>>) semaphore(%arg12 : memref<!tpu.dma_semaphore, #tpu.memory_space<semaphore_mem>>)
      }
      %scan3A_50 = arith.constant 20 : i32
      %dma_wait3A = arith.constant 39 : i32
      %dma_wait3A_51 = arith.constant 0 : i32
      %dma_wait3A_52 = tpu.memref_slice %arg6[%dma_wait3A, %dma_wait3A_51] : memref<120x128xi32, #tpu.memory_space<vmem>> -> memref<1x128xi32, #tpu.memory_space<vmem>>
      %dma_wait3A_53 = tpu.memref_squeeze %dma_wait3A_52 : memref<1x128xi32, #tpu.memory_space<vmem>> -> memref<128xi32, #tpu.memory_space<vmem>>
      %dma_wait3A_54 = arith.constant 0 : i32
      %dma_wait3A_55 = arith.constant 0 : i32
      %dma_wait3A_56 = tpu.memref_slice %arg2[%dma_wait3A_54, %dma_wait3A_55] : memref<10000x128xf32, #tpu.memory_space<hbm>> -> memref<10000x128xf32, #tpu.memory_space<hbm>>
      tpu.wait_indirect_dma semaphore(%arg11 : memref<!tpu.dma_semaphore, #tpu.memory_space<semaphore_mem>>) src(%dma_wait3A_56 : memref<10000x128xf32, #tpu.memory_space<hbm>>) dst(%arg8 : memref<128x128xf32, #tpu.memory_space<vmem>>)
      %dma_wait3A_57 = arith.constant 39 : i32
      %dma_wait3A_58 = arith.constant 0 : i32
      %dma_wait3A_59 = tpu.memref_slice %arg6[%dma_wait3A_57, %dma_wait3A_58] : memref<120x128xi32, #tpu.memory_space<vmem>> -> memref<1x128xi32, #tpu.memory_space<vmem>>
      %dma_wait3A_60 = tpu.memref_squeeze %dma_wait3A_59 : memref<1x128xi32, #tpu.memory_space<vmem>> -> memref<128xi32, #tpu.memory_space<vmem>>
      %dma_wait3A_61 = arith.constant 0 : i32
      %dma_wait3A_62 = arith.constant 0 : i32
      %dma_wait3A_63 = tpu.memref_slice %arg2[%dma_wait3A_61, %dma_wait3A_62] : memref<10000x128xf32, #tpu.memory_space<hbm>> -> memref<10000x128xf32, #tpu.memory_space<hbm>>
      tpu.wait_indirect_dma semaphore(%arg12 : memref<!tpu.dma_semaphore, #tpu.memory_space<semaphore_mem>>) src(%dma_wait3A_63 : memref<10000x128xf32, #tpu.memory_space<hbm>>) dst(%arg9 : memref<128x128xf32, #tpu.memory_space<vmem>>)
    } else {
    }
    %barrier3A_40 = arith.constant 0 : index
    tpu.barrier barrier_id(%barrier3A_40)
    %mul3A_41 = arith.constant 632 : i32
    %mul3A_42 = arith.muli %arg1, %mul3A_41 : i32
    %mul3A_43 = arith.constant 632 : i32
    %mul3A_44 = arith.muli %arg1, %mul3A_43 : i32
    "tpu.region"() ({
      %run_scoped3A = tpu.sem_alloc : memref<!tpu.dma_semaphore, #tpu.memory_space<semaphore_mem>>
      %dma_start3A_45 = arith.constant 0 : i32
      %dma_start3A_46 = tpu.memref_slice %arg5[%arg0, %mul3A_44, %dma_start3A_45] : memref<2x10112x128xf32, #tpu.memory_space<hbm>> -> memref<1x632x128xf32, #tpu.memory_space<hbm>>
      %dma_start3A_47 = tpu.memref_squeeze %dma_start3A_46 : memref<1x632x128xf32, #tpu.memory_space<hbm>> -> memref<632x128xf32, #tpu.memory_space<hbm>>
      %dma_start3A_48 = arith.constant 0 : i32
      %dma_start3A_49 = tpu.memref_slice %arg10[%mul3A_42, %dma_start3A_48] : memref<10112x128xf32, #tpu.memory_space<vmem_shared>> -> memref<632x128xf32, #tpu.memory_space<vmem_shared>>
      tpu.enqueue_dma source(%dma_start3A_49 : memref<632x128xf32, #tpu.memory_space<vmem_shared>>) target(%dma_start3A_47 : memref<632x128xf32, #tpu.memory_space<hbm>>) target_semaphore(%run_scoped3A : memref<!tpu.dma_semaphore, #tpu.memory_space<semaphore_mem>>)
      %dma_wait3A = arith.constant 0 : i32
      %dma_wait3A_50 = tpu.memref_slice %arg5[%arg0, %mul3A_44, %dma_wait3A] : memref<2x10112x128xf32, #tpu.memory_space<hbm>> -> memref<1x632x128xf32, #tpu.memory_space<hbm>>
      %dma_wait3A_51 = tpu.memref_squeeze %dma_wait3A_50 : memref<1x632x128xf32, #tpu.memory_space<hbm>> -> memref<632x128xf32, #tpu.memory_space<hbm>>
      %dma_wait3A_52 = arith.constant 0 : i32
      %dma_wait3A_53 = tpu.memref_slice %arg10[%mul3A_42, %dma_wait3A_52] : memref<10112x128xf32, #tpu.memory_space<vmem_shared>> -> memref<632x128xf32, #tpu.memory_space<vmem_shared>>
      tpu.wait_dma2 semaphore(%run_scoped3A : memref<!tpu.dma_semaphore, #tpu.memory_space<semaphore_mem>>) src(%dma_wait3A_53 : memref<632x128xf32, #tpu.memory_space<vmem_shared>>) dst(%dma_wait3A_51 : memref<632x128xf32, #tpu.memory_space<hbm>>)
      tpu.yield
    }) : () -> ()
    return
  }
}

#map = affine_map<(d0, d1) -> (0, 0)>
#map1 = affine_map<(d0, d1) -> (0, 0, 0)>
module attributes {stable_mosaic.version = 14 : i64} {
  func.func @body(%arg0: i32, %arg1: i32, %arg2: memref<10000x128xf32, #tpu.memory_space<hbm>>, %arg3: memref<2640x128xi32, #tpu.memory_space<hbm>>, %arg4: memref<2640x128xi32, #tpu.memory_space<hbm>>, %arg5: memref<2x10112x128xf32, #tpu.memory_space<hbm>>, %arg6: memref<120x128xi32, #tpu.memory_space<vmem>>, %arg7: memref<8x128xi32, #tpu.memory_space<vmem>>, %arg8: memref<128x128xf32, #tpu.memory_space<vmem>>, %arg9: memref<128x128xf32, #tpu.memory_space<vmem>>, %arg10: memref<10112x128xf32, #tpu.memory_space<vmem_shared>>, %arg11: memref<!tpu.dma_semaphore, #tpu.memory_space<semaphore_mem>>, %arg12: memref<!tpu.dma_semaphore, #tpu.memory_space<semaphore_mem>>, %arg13: memref<!tpu.dma_semaphore, #tpu.memory_space<semaphore_mem>>, %arg14: memref<!tpu.dma_semaphore, #tpu.memory_space<semaphore_mem>>) attributes {dimension_semantics = [#tpu.dimension_semantics<core_parallel>, #tpu.dimension_semantics<subcore_parallel>], iteration_bounds = array<i64: 2, 16>, scalar_prefetch = 0 : i64, scratch_operands = 9 : i64, tpu.core_type = #tpu.core_type<sc_vector_subcore>, window_params = [{transform_indices = #map}, {transform_indices = #map}, {transform_indices = #map}, {transform_indices = #map1}]} {
    %mul3A = arith.constant 160 : i32
    %mul3A_0 = arith.muli %arg1, %mul3A : i32
    %mul3A_1 = arith.constant 120 : i32
    %mul3A_2 = arith.muli %arg0, %mul3A_1 : i32
    %add3A = arith.addi %mul3A_0, %mul3A_2 : i32
    %multiple_of3A = tpu.assume_multiple %add3A, 8 : i32
    %scan3A = arith.constant 0 : i32
    %scan3A_3 = arith.constant 0 : i32
    %scan3A_4 = arith.constant 128 : i32
    %scan3A_5 = arith.addi %scan3A_3, %scan3A_4 : i32
    %scan3A_6 = arith.constant 1 : i32
    scf.for %scan3A_45 = %scan3A_3 to %scan3A_5 step %scan3A_6  : i32 {
      %broadcast_in_dim3A = arith.constant 0.000000e+00 : f32
      %broadcast_in_dim3A_46 = vector.broadcast %broadcast_in_dim3A : f32 to vector<16xf32>
      %swap3A = arith.index_cast %scan3A_45 : i32 to index
      %swap3A_47 = arith.constant 0 : index
      %swap3A_48 = tpu.vector_load %arg8[%swap3A, %swap3A_47] {strides = array<i32>} : memref<128x128xf32, #tpu.memory_space<vmem>>, vector<1x16xf32>,
      %swap3A_49 = vector.shape_cast %swap3A_48 : vector<1x16xf32> to vector<16xf32>
      %swap3A_50 = vector.shape_cast %broadcast_in_dim3A_46 : vector<16xf32> to vector<1x16xf32>
      tpu.vector_store %arg8[%swap3A, %swap3A_47], %swap3A_50 {strides = array<i32>} : memref<128x128xf32, #tpu.memory_space<vmem>>, vector<1x16xf32>,
      %broadcast_in_dim3A_51 = arith.constant 0.000000e+00 : f32
      %broadcast_in_dim3A_52 = vector.broadcast %broadcast_in_dim3A_51 : f32 to vector<16xf32>
      %swap3A_53 = arith.index_cast %scan3A_45 : i32 to index
      %swap3A_54 = arith.constant 16 : index
      %swap3A_55 = tpu.vector_load %arg8[%swap3A_53, %swap3A_54] {strides = array<i32>} : memref<128x128xf32, #tpu.memory_space<vmem>>, vector<1x16xf32>,
      %swap3A_56 = vector.shape_cast %swap3A_55 : vector<1x16xf32> to vector<16xf32>
      %swap3A_57 = vector.shape_cast %broadcast_in_dim3A_52 : vector<16xf32> to vector<1x16xf32>
      tpu.vector_store %arg8[%swap3A_53, %swap3A_54], %swap3A_57 {strides = array<i32>} : memref<128x128xf32, #tpu.memory_space<vmem>>, vector<1x16xf32>,
      %broadcast_in_dim3A_58 = arith.constant 0.000000e+00 : f32
      %broadcast_in_dim3A_59 = vector.broadcast %broadcast_in_dim3A_58 : f32 to vector<16xf32>
      %swap3A_60 = arith.index_cast %scan3A_45 : i32 to index
      %swap3A_61 = arith.constant 32 : index
      %swap3A_62 = tpu.vector_load %arg8[%swap3A_60, %swap3A_61] {strides = array<i32>} : memref<128x128xf32, #tpu.memory_space<vmem>>, vector<1x16xf32>,
      %swap3A_63 = vector.shape_cast %swap3A_62 : vector<1x16xf32> to vector<16xf32>
      %swap3A_64 = vector.shape_cast %broadcast_in_dim3A_59 : vector<16xf32> to vector<1x16xf32>
      tpu.vector_store %arg8[%swap3A_60, %swap3A_61], %swap3A_64 {strides = array<i32>} : memref<128x128xf32, #tpu.memory_space<vmem>>, vector<1x16xf32>,
      %broadcast_in_dim3A_65 = arith.constant 0.000000e+00 : f32
      %broadcast_in_dim3A_66 = vector.broadcast %broadcast_in_dim3A_65 : f32 to vector<16xf32>
      %swap3A_67 = arith.index_cast %scan3A_45 : i32 to index
      %swap3A_68 = arith.constant 48 : index
      %swap3A_69 = tpu.vector_load %arg8[%swap3A_67, %swap3A_68] {strides = array<i32>} : memref<128x128xf32, #tpu.memory_space<vmem>>, vector<1x16xf32>,
      %swap3A_70 = vector.shape_cast %swap3A_69 : vector<1x16xf32> to vector<16xf32>
      %swap3A_71 = vector.shape_cast %broadcast_in_dim3A_66 : vector<16xf32> to vector<1x16xf32>
      tpu.vector_store %arg8[%swap3A_67, %swap3A_68], %swap3A_71 {strides = array<i32>} : memref<128x128xf32, #tpu.memory_space<vmem>>, vector<1x16xf32>,
      %broadcast_in_dim3A_72 = arith.constant 0.000000e+00 : f32
      %broadcast_in_dim3A_73 = vector.broadcast %broadcast_in_dim3A_72 : f32 to vector<16xf32>
      %swap3A_74 = arith.index_cast %scan3A_45 : i32 to index
      %swap3A_75 = arith.constant 64 : index
      %swap3A_76 = tpu.vector_load %arg8[%swap3A_74, %swap3A_75] {strides = array<i32>} : memref<128x128xf32, #tpu.memory_space<vmem>>, vector<1x16xf32>,
      %swap3A_77 = vector.shape_cast %swap3A_76 : vector<1x16xf32> to vector<16xf32>
      %swap3A_78 = vector.shape_cast %broadcast_in_dim3A_73 : vector<16xf32> to vector<1x16xf32>
      tpu.vector_store %arg8[%swap3A_74, %swap3A_75], %swap3A_78 {strides = array<i32>} : memref<128x128xf32, #tpu.memory_space<vmem>>, vector<1x16xf32>,
      %broadcast_in_dim3A_79 = arith.constant 0.000000e+00 : f32
      %broadcast_in_dim3A_80 = vector.broadcast %broadcast_in_dim3A_79 : f32 to vector<16xf32>
      %swap3A_81 = arith.index_cast %scan3A_45 : i32 to index
      %swap3A_82 = arith.constant 80 : index
      %swap3A_83 = tpu.vector_load %arg8[%swap3A_81, %swap3A_82] {strides = array<i32>} : memref<128x128xf32, #tpu.memory_space<vmem>>, vector<1x16xf32>,
      %swap3A_84 = vector.shape_cast %swap3A_83 : vector<1x16xf32> to vector<16xf32>
      %swap3A_85 = vector.shape_cast %broadcast_in_dim3A_80 : vector<16xf32> to vector<1x16xf32>
      tpu.vector_store %arg8[%swap3A_81, %swap3A_82], %swap3A_85 {strides = array<i32>} : memref<128x128xf32, #tpu.memory_space<vmem>>, vector<1x16xf32>,
      %broadcast_in_dim3A_86 = arith.constant 0.000000e+00 : f32
      %broadcast_in_dim3A_87 = vector.broadcast %broadcast_in_dim3A_86 : f32 to vector<16xf32>
      %swap3A_88 = arith.index_cast %scan3A_45 : i32 to index
      %swap3A_89 = arith.constant 96 : index
      %swap3A_90 = tpu.vector_load %arg8[%swap3A_88, %swap3A_89] {strides = array<i32>} : memref<128x128xf32, #tpu.memory_space<vmem>>, vector<1x16xf32>,
      %swap3A_91 = vector.shape_cast %swap3A_90 : vector<1x16xf32> to vector<16xf32>
      %swap3A_92 = vector.shape_cast %broadcast_in_dim3A_87 : vector<16xf32> to vector<1x16xf32>
      tpu.vector_store %arg8[%swap3A_88, %swap3A_89], %swap3A_92 {strides = array<i32>} : memref<128x128xf32, #tpu.memory_space<vmem>>, vector<1x16xf32>,
      %broadcast_in_dim3A_93 = arith.constant 0.000000e+00 : f32
      %broadcast_in_dim3A_94 = vector.broadcast %broadcast_in_dim3A_93 : f32 to vector<16xf32>
      %swap3A_95 = arith.index_cast %scan3A_45 : i32 to index
      %swap3A_96 = arith.constant 112 : index
      %swap3A_97 = tpu.vector_load %arg8[%swap3A_95, %swap3A_96] {strides = array<i32>} : memref<128x128xf32, #tpu.memory_space<vmem>>, vector<1x16xf32>,
      %swap3A_98 = vector.shape_cast %swap3A_97 : vector<1x16xf32> to vector<16xf32>
      %swap3A_99 = vector.shape_cast %broadcast_in_dim3A_94 : vector<16xf32> to vector<1x16xf32>
      tpu.vector_store %arg8[%swap3A_95, %swap3A_96], %swap3A_99 {strides = array<i32>} : memref<128x128xf32, #tpu.memory_space<vmem>>, vector<1x16xf32>,
    }
    %scan3A_7 = arith.constant 128 : i32
    %mul3A_8 = arith.constant 632 : i32
    %mul3A_9 = arith.muli %arg1, %mul3A_8 : i32
    %add3A_10 = arith.constant 0 : i32
    %add3A_11 = arith.addi %mul3A_9, %add3A_10 : i32
    "tpu.region"() ({
      %run_scoped3A = tpu.sem_alloc : memref<!tpu.dma_semaphore, #tpu.memory_space<semaphore_mem>>
      %dma_start3A_45 = arith.constant 0 : i32
      %dma_start3A_46 = tpu.memref_slice %arg10[%add3A_11, %dma_start3A_45] : memref<10112x128xf32, #tpu.memory_space<vmem_shared>> -> memref<128x128xf32, #tpu.memory_space<vmem_shared>>
      %dma_start3A_47 = arith.constant 0 : i32
      %dma_start3A_48 = tpu.memref_slice %arg10[%add3A_11, %dma_start3A_47] : memref<10112x128xf32, #tpu.memory_space<vmem_shared>> -> memref<128x128xf32, #tpu.memory_space<vmem_shared>>
      tpu.enqueue_dma source(%arg8 : memref<128x128xf32, #tpu.memory_space<vmem>>) target(%dma_start3A_48 : memref<128x128xf32, #tpu.memory_space<vmem_shared>>) target_semaphore(%run_scoped3A : memref<!tpu.dma_semaphore, #tpu.memory_space<semaphore_mem>>)
      %dma_wait3A = arith.constant 0 : i32
      %dma_wait3A_49 = tpu.memref_slice %arg10[%add3A_11, %dma_wait3A] : memref<10112x128xf32, #tpu.memory_space<vmem_shared>> -> memref<128x128xf32, #tpu.memory_space<vmem_shared>>
      %dma_wait3A_50 = arith.constant 0 : i32
      %dma_wait3A_51 = tpu.memref_slice %arg10[%add3A_11, %dma_wait3A_50] : memref<10112x128xf32, #tpu.memory_space<vmem_shared>> -> memref<128x128xf32, #tpu.memory_space<vmem_shared>>
      tpu.wait_dma2 semaphore(%run_scoped3A : memref<!tpu.dma_semaphore, #tpu.memory_space<semaphore_mem>>) src(%arg8 : memref<128x128xf32, #tpu.memory_space<vmem>>) dst(%dma_wait3A_51 : memref<128x128xf32, #tpu.memory_space<vmem_shared>>)
      tpu.yield
    }) : () -> ()
    %add3A_12 = arith.constant 128 : i32
    %add3A_13 = arith.addi %mul3A_9, %add3A_12 : i32
    "tpu.region"() ({
      %run_scoped3A = tpu.sem_alloc : memref<!tpu.dma_semaphore, #tpu.memory_space<semaphore_mem>>
      %dma_start3A_45 = arith.constant 0 : i32
      %dma_start3A_46 = tpu.memref_slice %arg10[%add3A_13, %dma_start3A_45] : memref<10112x128xf32, #tpu.memory_space<vmem_shared>> -> memref<128x128xf32, #tpu.memory_space<vmem_shared>>
      %dma_start3A_47 = arith.constant 0 : i32
      %dma_start3A_48 = tpu.memref_slice %arg10[%add3A_13, %dma_start3A_47] : memref<10112x128xf32, #tpu.memory_space<vmem_shared>> -> memref<128x128xf32, #tpu.memory_space<vmem_shared>>
      tpu.enqueue_dma source(%arg8 : memref<128x128xf32, #tpu.memory_space<vmem>>) target(%dma_start3A_48 : memref<128x128xf32, #tpu.memory_space<vmem_shared>>) target_semaphore(%run_scoped3A : memref<!tpu.dma_semaphore, #tpu.memory_space<semaphore_mem>>)
      %dma_wait3A = arith.constant 0 : i32
      %dma_wait3A_49 = tpu.memref_slice %arg10[%add3A_13, %dma_wait3A] : memref<10112x128xf32, #tpu.memory_space<vmem_shared>> -> memref<128x128xf32, #tpu.memory_space<vmem_shared>>
      %dma_wait3A_50 = arith.constant 0 : i32
      %dma_wait3A_51 = tpu.memref_slice %arg10[%add3A_13, %dma_wait3A_50] : memref<10112x128xf32, #tpu.memory_space<vmem_shared>> -> memref<128x128xf32, #tpu.memory_space<vmem_shared>>
      tpu.wait_dma2 semaphore(%run_scoped3A : memref<!tpu.dma_semaphore, #tpu.memory_space<semaphore_mem>>) src(%arg8 : memref<128x128xf32, #tpu.memory_space<vmem>>) dst(%dma_wait3A_51 : memref<128x128xf32, #tpu.memory_space<vmem_shared>>)
      tpu.yield
    }) : () -> ()
    %add3A_14 = arith.constant 256 : i32
    %add3A_15 = arith.addi %mul3A_9, %add3A_14 : i32
    "tpu.region"() ({
      %run_scoped3A = tpu.sem_alloc : memref<!tpu.dma_semaphore, #tpu.memory_space<semaphore_mem>>
      %dma_start3A_45 = arith.constant 0 : i32
      %dma_start3A_46 = tpu.memref_slice %arg10[%add3A_15, %dma_start3A_45] : memref<10112x128xf32, #tpu.memory_space<vmem_shared>> -> memref<128x128xf32, #tpu.memory_space<vmem_shared>>
      %dma_start3A_47 = arith.constant 0 : i32
      %dma_start3A_48 = tpu.memref_slice %arg10[%add3A_15, %dma_start3A_47] : memref<10112x128xf32, #tpu.memory_space<vmem_shared>> -> memref<128x128xf32, #tpu.memory_space<vmem_shared>>
      tpu.enqueue_dma source(%arg8 : memref<128x128xf32, #tpu.memory_space<vmem>>) target(%dma_start3A_48 : memref<128x128xf32, #tpu.memory_space<vmem_shared>>) target_semaphore(%run_scoped3A : memref<!tpu.dma_semaphore, #tpu.memory_space<semaphore_mem>>)
      %dma_wait3A = arith.constant 0 : i32
      %dma_wait3A_49 = tpu.memref_slice %arg10[%add3A_15, %dma_wait3A] : memref<10112x128xf32, #tpu.memory_space<vmem_shared>> -> memref<128x128xf32, #tpu.memory_space<vmem_shared>>
      %dma_wait3A_50 = arith.constant 0 : i32
      %dma_wait3A_51 = tpu.memref_slice %arg10[%add3A_15, %dma_wait3A_50] : memref<10112x128xf32, #tpu.memory_space<vmem_shared>> -> memref<128x128xf32, #tpu.memory_space<vmem_shared>>
      tpu.wait_dma2 semaphore(%run_scoped3A : memref<!tpu.dma_semaphore, #tpu.memory_space<semaphore_mem>>) src(%arg8 : memref<128x128xf32, #tpu.memory_space<vmem>>) dst(%dma_wait3A_51 : memref<128x128xf32, #tpu.memory_space<vmem_shared>>)
      tpu.yield
    }) : () -> ()
    %add3A_16 = arith.constant 384 : i32
    %add3A_17 = arith.addi %mul3A_9, %add3A_16 : i32
    "tpu.region"() ({
      %run_scoped3A = tpu.sem_alloc : memref<!tpu.dma_semaphore, #tpu.memory_space<semaphore_mem>>
      %dma_start3A_45 = arith.constant 0 : i32
      %dma_start3A_46 = tpu.memref_slice %arg10[%add3A_17, %dma_start3A_45] : memref<10112x128xf32, #tpu.memory_space<vmem_shared>> -> memref<128x128xf32, #tpu.memory_space<vmem_shared>>
      %dma_start3A_47 = arith.constant 0 : i32
      %dma_start3A_48 = tpu.memref_slice %arg10[%add3A_17, %dma_start3A_47] : memref<10112x128xf32, #tpu.memory_space<vmem_shared>> -> memref<128x128xf32, #tpu.memory_space<vmem_shared>>
      tpu.enqueue_dma source(%arg8 : memref<128x128xf32, #tpu.memory_space<vmem>>) target(%dma_start3A_48 : memref<128x128xf32, #tpu.memory_space<vmem_shared>>) target_semaphore(%run_scoped3A : memref<!tpu.dma_semaphore, #tpu.memory_space<semaphore_mem>>)
      %dma_wait3A = arith.constant 0 : i32
      %dma_wait3A_49 = tpu.memref_slice %arg10[%add3A_17, %dma_wait3A] : memref<10112x128xf32, #tpu.memory_space<vmem_shared>> -> memref<128x128xf32, #tpu.memory_space<vmem_shared>>
      %dma_wait3A_50 = arith.constant 0 : i32
      %dma_wait3A_51 = tpu.memref_slice %arg10[%add3A_17, %dma_wait3A_50] : memref<10112x128xf32, #tpu.memory_space<vmem_shared>> -> memref<128x128xf32, #tpu.memory_space<vmem_shared>>
      tpu.wait_dma2 semaphore(%run_scoped3A : memref<!tpu.dma_semaphore, #tpu.memory_space<semaphore_mem>>) src(%arg8 : memref<128x128xf32, #tpu.memory_space<vmem>>) dst(%dma_wait3A_51 : memref<128x128xf32, #tpu.memory_space<vmem_shared>>)
      tpu.yield
    }) : () -> ()
    %add3A_18 = arith.constant 512 : i32
    %add3A_19 = arith.addi %mul3A_9, %add3A_18 : i32
    "tpu.region"() ({
      %run_scoped3A = tpu.sem_alloc : memref<!tpu.dma_semaphore, #tpu.memory_space<semaphore_mem>>
      %dma_start3A_45 = arith.constant 0 : i32
      %dma_start3A_46 = arith.constant 0 : i32
      %dma_start3A_47 = tpu.memref_slice %arg8[%dma_start3A_45, %dma_start3A_46] : memref<128x128xf32, #tpu.memory_space<vmem>> -> memref<120x128xf32, #tpu.memory_space<vmem>>
      %dma_start3A_48 = arith.constant 0 : i32
      %dma_start3A_49 = tpu.memref_slice %arg10[%add3A_19, %dma_start3A_48] : memref<10112x128xf32, #tpu.memory_space<vmem_shared>> -> memref<120x128xf32, #tpu.memory_space<vmem_shared>>
      %dma_start3A_50 = arith.constant 0 : i32
      %dma_start3A_51 = tpu.memref_slice %arg10[%add3A_19, %dma_start3A_50] : memref<10112x128xf32, #tpu.memory_space<vmem_shared>> -> memref<120x128xf32, #tpu.memory_space<vmem_shared>>
      %dma_start3A_52 = arith.constant 0 : i32
      %dma_start3A_53 = arith.constant 0 : i32
      %dma_start3A_54 = tpu.memref_slice %arg8[%dma_start3A_52, %dma_start3A_53] : memref<128x128xf32, #tpu.memory_space<vmem>> -> memref<120x128xf32, #tpu.memory_space<vmem>>
      tpu.enqueue_dma source(%dma_start3A_54 : memref<120x128xf32, #tpu.memory_space<vmem>>) target(%dma_start3A_51 : memref<120x128xf32, #tpu.memory_space<vmem_shared>>) target_semaphore(%run_scoped3A : memref<!tpu.dma_semaphore, #tpu.memory_space<semaphore_mem>>)
      %dma_wait3A = arith.constant 0 : i32
      %dma_wait3A_55 = arith.constant 0 : i32
      %dma_wait3A_56 = tpu.memref_slice %arg8[%dma_wait3A, %dma_wait3A_55] : memref<128x128xf32, #tpu.memory_space<vmem>> -> memref<120x128xf32, #tpu.memory_space<vmem>>
      %dma_wait3A_57 = arith.constant 0 : i32
      %dma_wait3A_58 = tpu.memref_slice %arg10[%add3A_19, %dma_wait3A_57] : memref<10112x128xf32, #tpu.memory_space<vmem_shared>> -> memref<120x128xf32, #tpu.memory_space<vmem_shared>>
      %dma_wait3A_59 = arith.constant 0 : i32
      %dma_wait3A_60 = tpu.memref_slice %arg10[%add3A_19, %dma_wait3A_59] : memref<10112x128xf32, #tpu.memory_space<vmem_shared>> -> memref<120x128xf32, #tpu.memory_space<vmem_shared>>
      %dma_wait3A_61 = arith.constant 0 : i32
      %dma_wait3A_62 = arith.constant 0 : i32
      %dma_wait3A_63 = tpu.memref_slice %arg8[%dma_wait3A_61, %dma_wait3A_62] : memref<128x128xf32, #tpu.memory_space<vmem>> -> memref<120x128xf32, #tpu.memory_space<vmem>>
      tpu.wait_dma2 semaphore(%run_scoped3A : memref<!tpu.dma_semaphore, #tpu.memory_space<semaphore_mem>>) src(%dma_wait3A_63 : memref<120x128xf32, #tpu.memory_space<vmem>>) dst(%dma_wait3A_60 : memref<120x128xf32, #tpu.memory_space<vmem_shared>>)
      tpu.yield
    }) : () -> ()
    %barrier3A = arith.constant 0 : index
    tpu.barrier barrier_id(%barrier3A)
    "tpu.region"() ({
      %run_scoped3A = tpu.sem_alloc : memref<!tpu.dma_semaphore, #tpu.memory_space<semaphore_mem>>
      %dma_start3A_45 = arith.constant 0 : i32
      %dma_start3A_46 = tpu.memref_slice %arg3[%multiple_of3A, %dma_start3A_45] : memref<2640x128xi32, #tpu.memory_space<hbm>> -> memref<120x128xi32, #tpu.memory_space<hbm>>
      %dma_start3A_47 = arith.constant 0 : i32
      %dma_start3A_48 = tpu.memref_slice %arg3[%multiple_of3A, %dma_start3A_47] : memref<2640x128xi32, #tpu.memory_space<hbm>> -> memref<120x128xi32, #tpu.memory_space<hbm>>
      tpu.enqueue_dma source(%dma_start3A_48 : memref<120x128xi32, #tpu.memory_space<hbm>>) target(%arg6 : memref<120x128xi32, #tpu.memory_space<vmem>>) target_semaphore(%run_scoped3A : memref<!tpu.dma_semaphore, #tpu.memory_space<semaphore_mem>>)
      %dma_wait3A = arith.constant 0 : i32
      %dma_wait3A_49 = tpu.memref_slice %arg3[%multiple_of3A, %dma_wait3A] : memref<2640x128xi32, #tpu.memory_space<hbm>> -> memref<120x128xi32, #tpu.memory_space<hbm>>
      %dma_wait3A_50 = arith.constant 0 : i32
      %dma_wait3A_51 = tpu.memref_slice %arg3[%multiple_of3A, %dma_wait3A_50] : memref<2640x128xi32, #tpu.memory_space<hbm>> -> memref<120x128xi32, #tpu.memory_space<hbm>>
      tpu.wait_dma2 semaphore(%run_scoped3A : memref<!tpu.dma_semaphore, #tpu.memory_space<semaphore_mem>>) src(%dma_wait3A_51 : memref<120x128xi32, #tpu.memory_space<hbm>>) dst(%arg6 : memref<120x128xi32, #tpu.memory_space<vmem>>)
      tpu.yield
    }) : () -> ()
    "tpu.region"() ({
      %run_scoped3A = tpu.sem_alloc : memref<!tpu.dma_semaphore, #tpu.memory_space<semaphore_mem>>
      %dma_start3A_45 = arith.constant 0 : i32
      %dma_start3A_46 = tpu.memref_slice %arg4[%multiple_of3A, %dma_start3A_45] : memref<2640x128xi32, #tpu.memory_space<hbm>> -> memref<8x128xi32, #tpu.memory_space<hbm>>
      %dma_start3A_47 = arith.constant 0 : i32
      %dma_start3A_48 = tpu.memref_slice %arg4[%multiple_of3A, %dma_start3A_47] : memref<2640x128xi32, #tpu.memory_space<hbm>> -> memref<8x128xi32, #tpu.memory_space<hbm>>
      tpu.enqueue_dma source(%dma_start3A_48 : memref<8x128xi32, #tpu.memory_space<hbm>>) target(%arg7 : memref<8x128xi32, #tpu.memory_space<vmem>>) target_semaphore(%run_scoped3A : memref<!tpu.dma_semaphore, #tpu.memory_space<semaphore_mem>>)
      %dma_wait3A = arith.constant 0 : i32
      %dma_wait3A_49 = tpu.memref_slice %arg4[%multiple_of3A, %dma_wait3A] : memref<2640x128xi32, #tpu.memory_space<hbm>> -> memref<8x128xi32, #tpu.memory_space<hbm>>
      %dma_wait3A_50 = arith.constant 0 : i32
      %dma_wait3A_51 = tpu.memref_slice %arg4[%multiple_of3A, %dma_wait3A_50] : memref<2640x128xi32, #tpu.memory_space<hbm>> -> memref<8x128xi32, #tpu.memory_space<hbm>>
      tpu.wait_dma2 semaphore(%run_scoped3A : memref<!tpu.dma_semaphore, #tpu.memory_space<semaphore_mem>>) src(%dma_wait3A_51 : memref<8x128xi32, #tpu.memory_space<hbm>>) dst(%arg7 : memref<8x128xi32, #tpu.memory_space<vmem>>)
      tpu.yield
    }) : () -> ()
    %dma_start3A = arith.constant 0 : i32
    %dma_start3A_20 = arith.constant 0 : i32
    %dma_start3A_21 = tpu.memref_slice %arg6[%dma_start3A, %dma_start3A_20] : memref<120x128xi32, #tpu.memory_space<vmem>> -> memref<1x128xi32, #tpu.memory_space<vmem>>
    %dma_start3A_22 = tpu.memref_squeeze %dma_start3A_21 : memref<1x128xi32, #tpu.memory_space<vmem>> -> memref<128xi32, #tpu.memory_space<vmem>>
    %dma_start3A_23 = arith.constant 0 : i32
    %dma_start3A_24 = arith.constant 0 : i32
    %dma_start3A_25 = tpu.memref_slice %arg2[%dma_start3A_23, %dma_start3A_24] : memref<10000x128xf32, #tpu.memory_space<hbm>> -> memref<10000x128xf32, #tpu.memory_space<hbm>>
    tpu.enqueue_indirect_dma source(%dma_start3A_25 : memref<10000x128xf32, #tpu.memory_space<hbm>>) target(%arg8 : memref<128x128xf32, #tpu.memory_space<vmem>>) offsets(%dma_start3A_22 : memref<128xi32, #tpu.memory_space<vmem>>) semaphore(%arg11 : memref<!tpu.dma_semaphore, #tpu.memory_space<semaphore_mem>>)
    %dma_start3A_26 = arith.constant 1 : i32
    %dma_start3A_27 = arith.constant 0 : i32
    %dma_start3A_28 = tpu.memref_slice %arg6[%dma_start3A_26, %dma_start3A_27] : memref<120x128xi32, #tpu.memory_space<vmem>> -> memref<1x128xi32, #tpu.memory_space<vmem>>
    %dma_start3A_29 = tpu.memref_squeeze %dma_start3A_28 : memref<1x128xi32, #tpu.memory_space<vmem>> -> memref<128xi32, #tpu.memory_space<vmem>>
    %dma_start3A_30 = arith.constant 0 : i32
    %dma_start3A_31 = arith.constant 0 : i32
    %dma_start3A_32 = tpu.memref_slice %arg2[%dma_start3A_30, %dma_start3A_31] : memref<10000x128xf32, #tpu.memory_space<hbm>> -> memref<10000x128xf32, #tpu.memory_space<hbm>>
    tpu.enqueue_indirect_dma source(%dma_start3A_32 : memref<10000x128xf32, #tpu.memory_space<hbm>>) target(%arg9 : memref<128x128xf32, #tpu.memory_space<vmem>>) offsets(%dma_start3A_29 : memref<128xi32, #tpu.memory_space<vmem>>) semaphore(%arg12 : memref<!tpu.dma_semaphore, #tpu.memory_space<semaphore_mem>>)
    %eq3A = arith.constant 0 : i32
    %eq3A_33 = arith.cmpi eq, %arg0, %eq3A : i32
    %convert_element_type3A = arith.extui %eq3A_33 : i1 to i32
    %cond3A = arith.constant 0 : i32
    %cond3A_34 = arith.cmpi ne, %convert_element_type3A, %cond3A : i32
    scf.if %cond3A_34 {
      %scan3A_45 = arith.constant 0 : i32
      %scan3A_46 = arith.constant 0 : i32
      %scan3A_47 = arith.constant 60 : i32
      %scan3A_48 = arith.addi %scan3A_46, %scan3A_47 : i32
      %scan3A_49 = arith.constant 1 : i32
      scf.for %scan3A_64 = %scan3A_46 to %scan3A_48 step %scan3A_49  : i32 {
        %mul3A_65 = arith.constant 2 : i32
        %mul3A_66 = arith.muli %mul3A_65, %scan3A_64 : i32
        %add3A_67 = arith.constant 1 : i32
        %add3A_68 = arith.addi %mul3A_66, %add3A_67 : i32
        %rem3A = arith.constant 8 : i32
        %rem3A_69 = arith.remsi %mul3A_66, %rem3A : i32
        %eq3A_70 = arith.constant 0 : i32
        %eq3A_71 = arith.cmpi eq, %rem3A_69, %eq3A_70 : i32
        %ne3A = arith.constant 0 : i32
        %ne3A_72 = arith.cmpi ne, %scan3A_64, %ne3A : i32
        %and3A = arith.andi %eq3A_71, %ne3A_72 : i1
        %convert_element_type3A_73 = arith.extui %and3A : i1 to i32
        %cond3A_74 = arith.constant 0 : i32
        %cond3A_75 = arith.cmpi ne, %convert_element_type3A_73, %cond3A_74 : i32
        scf.if %cond3A_75 {
          %div3A = arith.constant 8 : i32
          %div3A_137 = arith.divsi %mul3A_66, %div3A : i32
          %mul3A_138 = arith.constant 8 : i32
          %mul3A_139 = arith.muli %div3A_137, %mul3A_138 : i32
          %add3A_140 = arith.addi %multiple_of3A, %mul3A_139 : i32
          %multiple_of3A_141 = tpu.assume_multiple %add3A_140, 8 : i32
          "tpu.region"() ({
            %run_scoped3A = tpu.sem_alloc : memref<!tpu.dma_semaphore, #tpu.memory_space<semaphore_mem>>
            %dma_start3A_142 = arith.constant 0 : i32
            %dma_start3A_143 = tpu.memref_slice %arg4[%multiple_of3A_141, %dma_start3A_142] : memref<2640x128xi32, #tpu.memory_space<hbm>> -> memref<8x128xi32, #tpu.memory_space<hbm>>
            %dma_start3A_144 = arith.constant 0 : i32
            %dma_start3A_145 = tpu.memref_slice %arg4[%multiple_of3A_141, %dma_start3A_144] : memref<2640x128xi32, #tpu.memory_space<hbm>> -> memref<8x128xi32, #tpu.memory_space<hbm>>
            tpu.enqueue_dma source(%dma_start3A_145 : memref<8x128xi32, #tpu.memory_space<hbm>>) target(%arg7 : memref<8x128xi32, #tpu.memory_space<vmem>>) target_semaphore(%run_scoped3A : memref<!tpu.dma_semaphore, #tpu.memory_space<semaphore_mem>>)
            %dma_wait3A_146 = arith.constant 0 : i32
            %dma_wait3A_147 = tpu.memref_slice %arg4[%multiple_of3A_141, %dma_wait3A_146] : memref<2640x128xi32, #tpu.memory_space<hbm>> -> memref<8x128xi32, #tpu.memory_space<hbm>>
            %dma_wait3A_148 = arith.constant 0 : i32
            %dma_wait3A_149 = tpu.memref_slice %arg4[%multiple_of3A_141, %dma_wait3A_148] : memref<2640x128xi32, #tpu.memory_space<hbm>> -> memref<8x128xi32, #tpu.memory_space<hbm>>
            tpu.wait_dma2 semaphore(%run_scoped3A : memref<!tpu.dma_semaphore, #tpu.memory_space<semaphore_mem>>) src(%dma_wait3A_149 : memref<8x128xi32, #tpu.memory_space<hbm>>) dst(%arg7 : memref<8x128xi32, #tpu.memory_space<vmem>>)
            tpu.yield
          }) : () -> ()
        } else {
        }
        %rem3A_76 = arith.constant 8 : i32
        %rem3A_77 = arith.remsi %mul3A_66, %rem3A_76 : i32
        %dma_wait3A_78 = arith.constant 0 : i32
        %dma_wait3A_79 = tpu.memref_slice %arg6[%mul3A_66, %dma_wait3A_78] : memref<120x128xi32, #tpu.memory_space<vmem>> -> memref<1x128xi32, #tpu.memory_space<vmem>>
        %dma_wait3A_80 = tpu.memref_squeeze %dma_wait3A_79 : memref<1x128xi32, #tpu.memory_space<vmem>> -> memref<128xi32, #tpu.memory_space<vmem>>
        %dma_wait3A_81 = arith.constant 0 : i32
        %dma_wait3A_82 = arith.constant 0 : i32
        %dma_wait3A_83 = tpu.memref_slice %arg2[%dma_wait3A_81, %dma_wait3A_82] : memref<10000x128xf32, #tpu.memory_space<hbm>> -> memref<10000x128xf32, #tpu.memory_space<hbm>>
        tpu.wait_indirect_dma semaphore(%arg11 : memref<!tpu.dma_semaphore, #tpu.memory_space<semaphore_mem>>) src(%dma_wait3A_83 : memref<10000x128xf32, #tpu.memory_space<hbm>>) dst(%arg8 : memref<128x128xf32, #tpu.memory_space<vmem>>)
        %dma_start3A_84 = arith.constant 0 : i32
        %dma_start3A_85 = tpu.memref_slice %arg7[%rem3A_77, %dma_start3A_84] : memref<8x128xi32, #tpu.memory_space<vmem>> -> memref<1x128xi32, #tpu.memory_space<vmem>>
        %dma_start3A_86 = tpu.memref_squeeze %dma_start3A_85 : memref<1x128xi32, #tpu.memory_space<vmem>> -> memref<128xi32, #tpu.memory_space<vmem>>
        %dma_start3A_87 = arith.constant 0 : i32
        %dma_start3A_88 = arith.constant 0 : i32
        %dma_start3A_89 = tpu.memref_slice %arg10[%dma_start3A_87, %dma_start3A_88] : memref<10112x128xf32, #tpu.memory_space<vmem_shared>> -> memref<10112x128xf32, #tpu.memory_space<vmem_shared>>
        tpu.enqueue_indirect_dma source(%arg8 : memref<128x128xf32, #tpu.memory_space<vmem>>) target(%dma_start3A_89 : memref<10112x128xf32, #tpu.memory_space<vmem_shared>>) offsets(%dma_start3A_86 : memref<128xi32, #tpu.memory_space<vmem>>) semaphore(%arg13 : memref<!tpu.dma_semaphore, #tpu.memory_space<semaphore_mem>>) {add = true}
        %dma_wait3A_90 = arith.constant 0 : i32
        %dma_wait3A_91 = tpu.memref_slice %arg6[%add3A_68, %dma_wait3A_90] : memref<120x128xi32, #tpu.memory_space<vmem>> -> memref<1x128xi32, #tpu.memory_space<vmem>>
        %dma_wait3A_92 = tpu.memref_squeeze %dma_wait3A_91 : memref<1x128xi32, #tpu.memory_space<vmem>> -> memref<128xi32, #tpu.memory_space<vmem>>
        %dma_wait3A_93 = arith.constant 0 : i32
        %dma_wait3A_94 = arith.constant 0 : i32
        %dma_wait3A_95 = tpu.memref_slice %arg2[%dma_wait3A_93, %dma_wait3A_94] : memref<10000x128xf32, #tpu.memory_space<hbm>> -> memref<10000x128xf32, #tpu.memory_space<hbm>>
        tpu.wait_indirect_dma semaphore(%arg12 : memref<!tpu.dma_semaphore, #tpu.memory_space<semaphore_mem>>) src(%dma_wait3A_95 : memref<10000x128xf32, #tpu.memory_space<hbm>>) dst(%arg9 : memref<128x128xf32, #tpu.memory_space<vmem>>)
        %add3A_96 = arith.constant 1 : i32
        %add3A_97 = arith.addi %rem3A_77, %add3A_96 : i32
        %dma_start3A_98 = arith.constant 0 : i32
        %dma_start3A_99 = tpu.memref_slice %arg7[%add3A_97, %dma_start3A_98] : memref<8x128xi32, #tpu.memory_space<vmem>> -> memref<1x128xi32, #tpu.memory_space<vmem>>
        %dma_start3A_100 = tpu.memref_squeeze %dma_start3A_99 : memref<1x128xi32, #tpu.memory_space<vmem>> -> memref<128xi32, #tpu.memory_space<vmem>>
        %dma_start3A_101 = arith.constant 0 : i32
        %dma_start3A_102 = arith.constant 0 : i32
        %dma_start3A_103 = tpu.memref_slice %arg10[%dma_start3A_101, %dma_start3A_102] : memref<10112x128xf32, #tpu.memory_space<vmem_shared>> -> memref<10112x128xf32, #tpu.memory_space<vmem_shared>>
        tpu.enqueue_indirect_dma source(%arg9 : memref<128x128xf32, #tpu.memory_space<vmem>>) target(%dma_start3A_103 : memref<10112x128xf32, #tpu.memory_space<vmem_shared>>) offsets(%dma_start3A_100 : memref<128xi32, #tpu.memory_space<vmem>>) semaphore(%arg14 : memref<!tpu.dma_semaphore, #tpu.memory_space<semaphore_mem>>) {add = true}
        %add3A_104 = arith.constant 2 : i32
        %add3A_105 = arith.addi %mul3A_66, %add3A_104 : i32
        %min3A = arith.constant 119 : i32
        %min3A_106 = arith.minsi %add3A_105, %min3A : i32
        %add3A_107 = arith.constant 2 : i32
        %add3A_108 = arith.addi %add3A_68, %add3A_107 : i32
        %min3A_109 = arith.constant 119 : i32
        %min3A_110 = arith.minsi %add3A_108, %min3A_109 : i32
        %dma_wait3A_111 = arith.constant 0 : i32
        %dma_wait3A_112 = tpu.memref_slice %arg7[%rem3A_77, %dma_wait3A_111] : memref<8x128xi32, #tpu.memory_space<vmem>> -> memref<1x128xi32, #tpu.memory_space<vmem>>
        %dma_wait3A_113 = tpu.memref_squeeze %dma_wait3A_112 : memref<1x128xi32, #tpu.memory_space<vmem>> -> memref<128xi32, #tpu.memory_space<vmem>>
        %dma_wait3A_114 = arith.constant 0 : i32
        %dma_wait3A_115 = arith.constant 0 : i32
        %dma_wait3A_116 = tpu.memref_slice %arg10[%dma_wait3A_114, %dma_wait3A_115] : memref<10112x128xf32, #tpu.memory_space<vmem_shared>> -> memref<10112x128xf32, #tpu.memory_space<vmem_shared>>
        tpu.wait_indirect_dma semaphore(%arg13 : memref<!tpu.dma_semaphore, #tpu.memory_space<semaphore_mem>>) src(%arg8 : memref<128x128xf32, #tpu.memory_space<vmem>>) dst(%dma_wait3A_116 : memref<10112x128xf32, #tpu.memory_space<vmem_shared>>)
        %dma_start3A_117 = arith.constant 0 : i32
        %dma_start3A_118 = tpu.memref_slice %arg6[%min3A_106, %dma_start3A_117] : memref<120x128xi32, #tpu.memory_space<vmem>> -> memref<1x128xi32, #tpu.memory_space<vmem>>
        %dma_start3A_119 = tpu.memref_squeeze %dma_start3A_118 : memref<1x128xi32, #tpu.memory_space<vmem>> -> memref<128xi32, #tpu.memory_space<vmem>>
        %dma_start3A_120 = arith.constant 0 : i32
        %dma_start3A_121 = arith.constant 0 : i32
        %dma_start3A_122 = tpu.memref_slice %arg2[%dma_start3A_120, %dma_start3A_121] : memref<10000x128xf32, #tpu.memory_space<hbm>> -> memref<10000x128xf32, #tpu.memory_space<hbm>>
        tpu.enqueue_indirect_dma source(%dma_start3A_122 : memref<10000x128xf32, #tpu.memory_space<hbm>>) target(%arg8 : memref<128x128xf32, #tpu.memory_space<vmem>>) offsets(%dma_start3A_119 : memref<128xi32, #tpu.memory_space<vmem>>) semaphore(%arg11 : memref<!tpu.dma_semaphore, #tpu.memory_space<semaphore_mem>>)
        %add3A_123 = arith.constant 1 : i32
        %add3A_124 = arith.addi %rem3A_77, %add3A_123 : i32
        %dma_wait3A_125 = arith.constant 0 : i32
        %dma_wait3A_126 = tpu.memref_slice %arg7[%add3A_124, %dma_wait3A_125] : memref<8x128xi32, #tpu.memory_space<vmem>> -> memref<1x128xi32, #tpu.memory_space<vmem>>
        %dma_wait3A_127 = tpu.memref_squeeze %dma_wait3A_126 : memref<1x128xi32, #tpu.memory_space<vmem>> -> memref<128xi32, #tpu.memory_space<vmem>>
        %dma_wait3A_128 = arith.constant 0 : i32
        %dma_wait3A_129 = arith.constant 0 : i32
        %dma_wait3A_130 = tpu.memref_slice %arg10[%dma_wait3A_128, %dma_wait3A_129] : memref<10112x128xf32, #tpu.memory_space<vmem_shared>> -> memref<10112x128xf32, #tpu.memory_space<vmem_shared>>
        tpu.wait_indirect_dma semaphore(%arg14 : memref<!tpu.dma_semaphore, #tpu.memory_space<semaphore_mem>>) src(%arg9 : memref<128x128xf32, #tpu.memory_space<vmem>>) dst(%dma_wait3A_130 : memref<10112x128xf32, #tpu.memory_space<vmem_shared>>)
        %dma_start3A_131 = arith.constant 0 : i32
        %dma_start3A_132 = tpu.memref_slice %arg6[%min3A_110, %dma_start3A_131] : memref<120x128xi32, #tpu.memory_space<vmem>> -> memref<1x128xi32, #tpu.memory_space<vmem>>
        %dma_start3A_133 = tpu.memref_squeeze %dma_start3A_132 : memref<1x128xi32, #tpu.memory_space<vmem>> -> memref<128xi32, #tpu.memory_space<vmem>>
        %dma_start3A_134 = arith.constant 0 : i32
        %dma_start3A_135 = arith.constant 0 : i32
        %dma_start3A_136 = tpu.memref_slice %arg2[%dma_start3A_134, %dma_start3A_135] : memref<10000x128xf32, #tpu.memory_space<hbm>> -> memref<10000x128xf32, #tpu.memory_space<hbm>>
        tpu.enqueue_indirect_dma source(%dma_start3A_136 : memref<10000x128xf32, #tpu.memory_space<hbm>>) target(%arg9 : memref<128x128xf32, #tpu.memory_space<vmem>>) offsets(%dma_start3A_133 : memref<128xi32, #tpu.memory_space<vmem>>) semaphore(%arg12 : memref<!tpu.dma_semaphore, #tpu.memory_space<semaphore_mem>>)
      }
      %scan3A_50 = arith.constant 60 : i32
      %dma_wait3A = arith.constant 119 : i32
      %dma_wait3A_51 = arith.constant 0 : i32
      %dma_wait3A_52 = tpu.memref_slice %arg6[%dma_wait3A, %dma_wait3A_51] : memref<120x128xi32, #tpu.memory_space<vmem>> -> memref<1x128xi32, #tpu.memory_space<vmem>>
      %dma_wait3A_53 = tpu.memref_squeeze %dma_wait3A_52 : memref<1x128xi32, #tpu.memory_space<vmem>> -> memref<128xi32, #tpu.memory_space<vmem>>
      %dma_wait3A_54 = arith.constant 0 : i32
      %dma_wait3A_55 = arith.constant 0 : i32
      %dma_wait3A_56 = tpu.memref_slice %arg2[%dma_wait3A_54, %dma_wait3A_55] : memref<10000x128xf32, #tpu.memory_space<hbm>> -> memref<10000x128xf32, #tpu.memory_space<hbm>>
      tpu.wait_indirect_dma semaphore(%arg11 : memref<!tpu.dma_semaphore, #tpu.memory_space<semaphore_mem>>) src(%dma_wait3A_56 : memref<10000x128xf32, #tpu.memory_space<hbm>>) dst(%arg8 : memref<128x128xf32, #tpu.memory_space<vmem>>)
      %dma_wait3A_57 = arith.constant 119 : i32
      %dma_wait3A_58 = arith.constant 0 : i32
      %dma_wait3A_59 = tpu.memref_slice %arg6[%dma_wait3A_57, %dma_wait3A_58] : memref<120x128xi32, #tpu.memory_space<vmem>> -> memref<1x128xi32, #tpu.memory_space<vmem>>
      %dma_wait3A_60 = tpu.memref_squeeze %dma_wait3A_59 : memref<1x128xi32, #tpu.memory_space<vmem>> -> memref<128xi32, #tpu.memory_space<vmem>>
      %dma_wait3A_61 = arith.constant 0 : i32
      %dma_wait3A_62 = arith.constant 0 : i32
      %dma_wait3A_63 = tpu.memref_slice %arg2[%dma_wait3A_61, %dma_wait3A_62] : memref<10000x128xf32, #tpu.memory_space<hbm>> -> memref<10000x128xf32, #tpu.memory_space<hbm>>
      tpu.wait_indirect_dma semaphore(%arg12 : memref<!tpu.dma_semaphore, #tpu.memory_space<semaphore_mem>>) src(%dma_wait3A_63 : memref<10000x128xf32, #tpu.memory_space<hbm>>) dst(%arg9 : memref<128x128xf32, #tpu.memory_space<vmem>>)
    } else {
    }
    %eq3A_35 = arith.constant 1 : i32
    %eq3A_36 = arith.cmpi eq, %arg0, %eq3A_35 : i32
    %convert_element_type3A_37 = arith.extui %eq3A_36 : i1 to i32
    %cond3A_38 = arith.constant 0 : i32
    %cond3A_39 = arith.cmpi ne, %convert_element_type3A_37, %cond3A_38 : i32
    scf.if %cond3A_39 {
      %scan3A_45 = arith.constant 0 : i32
      %scan3A_46 = arith.constant 0 : i32
      %scan3A_47 = arith.constant 20 : i32
      %scan3A_48 = arith.addi %scan3A_46, %scan3A_47 : i32
      %scan3A_49 = arith.constant 1 : i32
      scf.for %scan3A_64 = %scan3A_46 to %scan3A_48 step %scan3A_49  : i32 {
        %mul3A_65 = arith.constant 2 : i32
        %mul3A_66 = arith.muli %mul3A_65, %scan3A_64 : i32
        %add3A_67 = arith.constant 1 : i32
        %add3A_68 = arith.addi %mul3A_66, %add3A_67 : i32
        %rem3A = arith.constant 8 : i32
        %rem3A_69 = arith.remsi %mul3A_66, %rem3A : i32
        %eq3A_70 = arith.constant 0 : i32
        %eq3A_71 = arith.cmpi eq, %rem3A_69, %eq3A_70 : i32
        %ne3A = arith.constant 0 : i32
        %ne3A_72 = arith.cmpi ne, %scan3A_64, %ne3A : i32
        %and3A = arith.andi %eq3A_71, %ne3A_72 : i1
        %convert_element_type3A_73 = arith.extui %and3A : i1 to i32
        %cond3A_74 = arith.constant 0 : i32
        %cond3A_75 = arith.cmpi ne, %convert_element_type3A_73, %cond3A_74 : i32
        scf.if %cond3A_75 {
          %div3A = arith.constant 8 : i32
          %div3A_137 = arith.divsi %mul3A_66, %div3A : i32
          %mul3A_138 = arith.constant 8 : i32
          %mul3A_139 = arith.muli %div3A_137, %mul3A_138 : i32
          %add3A_140 = arith.addi %multiple_of3A, %mul3A_139 : i32
          %multiple_of3A_141 = tpu.assume_multiple %add3A_140, 8 : i32
          "tpu.region"() ({
            %run_scoped3A = tpu.sem_alloc : memref<!tpu.dma_semaphore, #tpu.memory_space<semaphore_mem>>
            %dma_start3A_142 = arith.constant 0 : i32
            %dma_start3A_143 = tpu.memref_slice %arg4[%multiple_of3A_141, %dma_start3A_142] : memref<2640x128xi32, #tpu.memory_space<hbm>> -> memref<8x128xi32, #tpu.memory_space<hbm>>
            %dma_start3A_144 = arith.constant 0 : i32
            %dma_start3A_145 = tpu.memref_slice %arg4[%multiple_of3A_141, %dma_start3A_144] : memref<2640x128xi32, #tpu.memory_space<hbm>> -> memref<8x128xi32, #tpu.memory_space<hbm>>
            tpu.enqueue_dma source(%dma_start3A_145 : memref<8x128xi32, #tpu.memory_space<hbm>>) target(%arg7 : memref<8x128xi32, #tpu.memory_space<vmem>>) target_semaphore(%run_scoped3A : memref<!tpu.dma_semaphore, #tpu.memory_space<semaphore_mem>>)
            %dma_wait3A_146 = arith.constant 0 : i32
            %dma_wait3A_147 = tpu.memref_slice %arg4[%multiple_of3A_141, %dma_wait3A_146] : memref<2640x128xi32, #tpu.memory_space<hbm>> -> memref<8x128xi32, #tpu.memory_space<hbm>>
            %dma_wait3A_148 = arith.constant 0 : i32
            %dma_wait3A_149 = tpu.memref_slice %arg4[%multiple_of3A_141, %dma_wait3A_148] : memref<2640x128xi32, #tpu.memory_space<hbm>> -> memref<8x128xi32, #tpu.memory_space<hbm>>
            tpu.wait_dma2 semaphore(%run_scoped3A : memref<!tpu.dma_semaphore, #tpu.memory_space<semaphore_mem>>) src(%dma_wait3A_149 : memref<8x128xi32, #tpu.memory_space<hbm>>) dst(%arg7 : memref<8x128xi32, #tpu.memory_space<vmem>>)
            tpu.yield
          }) : () -> ()
        } else {
        }
        %rem3A_76 = arith.constant 8 : i32
        %rem3A_77 = arith.remsi %mul3A_66, %rem3A_76 : i32
        %dma_wait3A_78 = arith.constant 0 : i32
        %dma_wait3A_79 = tpu.memref_slice %arg6[%mul3A_66, %dma_wait3A_78] : memref<120x128xi32, #tpu.memory_space<vmem>> -> memref<1x128xi32, #tpu.memory_space<vmem>>
        %dma_wait3A_80 = tpu.memref_squeeze %dma_wait3A_79 : memref<1x128xi32, #tpu.memory_space<vmem>> -> memref<128xi32, #tpu.memory_space<vmem>>
        %dma_wait3A_81 = arith.constant 0 : i32
        %dma_wait3A_82 = arith.constant 0 : i32
        %dma_wait3A_83 = tpu.memref_slice %arg2[%dma_wait3A_81, %dma_wait3A_82] : memref<10000x128xf32, #tpu.memory_space<hbm>> -> memref<10000x128xf32, #tpu.memory_space<hbm>>
        tpu.wait_indirect_dma semaphore(%arg11 : memref<!tpu.dma_semaphore, #tpu.memory_space<semaphore_mem>>) src(%dma_wait3A_83 : memref<10000x128xf32, #tpu.memory_space<hbm>>) dst(%arg8 : memref<128x128xf32, #tpu.memory_space<vmem>>)
        %dma_start3A_84 = arith.constant 0 : i32
        %dma_start3A_85 = tpu.memref_slice %arg7[%rem3A_77, %dma_start3A_84] : memref<8x128xi32, #tpu.memory_space<vmem>> -> memref<1x128xi32, #tpu.memory_space<vmem>>
        %dma_start3A_86 = tpu.memref_squeeze %dma_start3A_85 : memref<1x128xi32, #tpu.memory_space<vmem>> -> memref<128xi32, #tpu.memory_space<vmem>>
        %dma_start3A_87 = arith.constant 0 : i32
        %dma_start3A_88 = arith.constant 0 : i32
        %dma_start3A_89 = tpu.memref_slice %arg10[%dma_start3A_87, %dma_start3A_88] : memref<10112x128xf32, #tpu.memory_space<vmem_shared>> -> memref<10112x128xf32, #tpu.memory_space<vmem_shared>>
        tpu.enqueue_indirect_dma source(%arg8 : memref<128x128xf32, #tpu.memory_space<vmem>>) target(%dma_start3A_89 : memref<10112x128xf32, #tpu.memory_space<vmem_shared>>) offsets(%dma_start3A_86 : memref<128xi32, #tpu.memory_space<vmem>>) semaphore(%arg13 : memref<!tpu.dma_semaphore, #tpu.memory_space<semaphore_mem>>) {add = true}
        %dma_wait3A_90 = arith.constant 0 : i32
        %dma_wait3A_91 = tpu.memref_slice %arg6[%add3A_68, %dma_wait3A_90] : memref<120x128xi32, #tpu.memory_space<vmem>> -> memref<1x128xi32, #tpu.memory_space<vmem>>
        %dma_wait3A_92 = tpu.memref_squeeze %dma_wait3A_91 : memref<1x128xi32, #tpu.memory_space<vmem>> -> memref<128xi32, #tpu.memory_space<vmem>>
        %dma_wait3A_93 = arith.constant 0 : i32
        %dma_wait3A_94 = arith.constant 0 : i32
        %dma_wait3A_95 = tpu.memref_slice %arg2[%dma_wait3A_93, %dma_wait3A_94] : memref<10000x128xf32, #tpu.memory_space<hbm>> -> memref<10000x128xf32, #tpu.memory_space<hbm>>
        tpu.wait_indirect_dma semaphore(%arg12 : memref<!tpu.dma_semaphore, #tpu.memory_space<semaphore_mem>>) src(%dma_wait3A_95 : memref<10000x128xf32, #tpu.memory_space<hbm>>) dst(%arg9 : memref<128x128xf32, #tpu.memory_space<vmem>>)
        %add3A_96 = arith.constant 1 : i32
        %add3A_97 = arith.addi %rem3A_77, %add3A_96 : i32
        %dma_start3A_98 = arith.constant 0 : i32
        %dma_start3A_99 = tpu.memref_slice %arg7[%add3A_97, %dma_start3A_98] : memref<8x128xi32, #tpu.memory_space<vmem>> -> memref<1x128xi32, #tpu.memory_space<vmem>>
        %dma_start3A_100 = tpu.memref_squeeze %dma_start3A_99 : memref<1x128xi32, #tpu.memory_space<vmem>> -> memref<128xi32, #tpu.memory_space<vmem>>
        %dma_start3A_101 = arith.constant 0 : i32
        %dma_start3A_102 = arith.constant 0 : i32
        %dma_start3A_103 = tpu.memref_slice %arg10[%dma_start3A_101, %dma_start3A_102] : memref<10112x128xf32, #tpu.memory_space<vmem_shared>> -> memref<10112x128xf32, #tpu.memory_space<vmem_shared>>
        tpu.enqueue_indirect_dma source(%arg9 : memref<128x128xf32, #tpu.memory_space<vmem>>) target(%dma_start3A_103 : memref<10112x128xf32, #tpu.memory_space<vmem_shared>>) offsets(%dma_start3A_100 : memref<128xi32, #tpu.memory_space<vmem>>) semaphore(%arg14 : memref<!tpu.dma_semaphore, #tpu.memory_space<semaphore_mem>>) {add = true}
        %add3A_104 = arith.constant 2 : i32
        %add3A_105 = arith.addi %mul3A_66, %add3A_104 : i32
        %min3A = arith.constant 39 : i32
        %min3A_106 = arith.minsi %add3A_105, %min3A : i32
        %add3A_107 = arith.constant 2 : i32
        %add3A_108 = arith.addi %add3A_68, %add3A_107 : i32
        %min3A_109 = arith.constant 39 : i32
        %min3A_110 = arith.minsi %add3A_108, %min3A_109 : i32
        %dma_wait3A_111 = arith.constant 0 : i32
        %dma_wait3A_112 = tpu.memref_slice %arg7[%rem3A_77, %dma_wait3A_111] : memref<8x128xi32, #tpu.memory_space<vmem>> -> memref<1x128xi32, #tpu.memory_space<vmem>>
        %dma_wait3A_113 = tpu.memref_squeeze %dma_wait3A_112 : memref<1x128xi32, #tpu.memory_space<vmem>> -> memref<128xi32, #tpu.memory_space<vmem>>
        %dma_wait3A_114 = arith.constant 0 : i32
        %dma_wait3A_115 = arith.constant 0 : i32
        %dma_wait3A_116 = tpu.memref_slice %arg10[%dma_wait3A_114, %dma_wait3A_115] : memref<10112x128xf32, #tpu.memory_space<vmem_shared>> -> memref<10112x128xf32, #tpu.memory_space<vmem_shared>>
        tpu.wait_indirect_dma semaphore(%arg13 : memref<!tpu.dma_semaphore, #tpu.memory_space<semaphore_mem>>) src(%arg8 : memref<128x128xf32, #tpu.memory_space<vmem>>) dst(%dma_wait3A_116 : memref<10112x128xf32, #tpu.memory_space<vmem_shared>>)
        %dma_start3A_117 = arith.constant 0 : i32
        %dma_start3A_118 = tpu.memref_slice %arg6[%min3A_106, %dma_start3A_117] : memref<120x128xi32, #tpu.memory_space<vmem>> -> memref<1x128xi32, #tpu.memory_space<vmem>>
        %dma_start3A_119 = tpu.memref_squeeze %dma_start3A_118 : memref<1x128xi32, #tpu.memory_space<vmem>> -> memref<128xi32, #tpu.memory_space<vmem>>
        %dma_start3A_120 = arith.constant 0 : i32
        %dma_start3A_121 = arith.constant 0 : i32
        %dma_start3A_122 = tpu.memref_slice %arg2[%dma_start3A_120, %dma_start3A_121] : memref<10000x128xf32, #tpu.memory_space<hbm>> -> memref<10000x128xf32, #tpu.memory_space<hbm>>
        tpu.enqueue_indirect_dma source(%dma_start3A_122 : memref<10000x128xf32, #tpu.memory_space<hbm>>) target(%arg8 : memref<128x128xf32, #tpu.memory_space<vmem>>) offsets(%dma_start3A_119 : memref<128xi32, #tpu.memory_space<vmem>>) semaphore(%arg11 : memref<!tpu.dma_semaphore, #tpu.memory_space<semaphore_mem>>)
        %add3A_123 = arith.constant 1 : i32
        %add3A_124 = arith.addi %rem3A_77, %add3A_123 : i32
        %dma_wait3A_125 = arith.constant 0 : i32
        %dma_wait3A_126 = tpu.memref_slice %arg7[%add3A_124, %dma_wait3A_125] : memref<8x128xi32, #tpu.memory_space<vmem>> -> memref<1x128xi32, #tpu.memory_space<vmem>>
        %dma_wait3A_127 = tpu.memref_squeeze %dma_wait3A_126 : memref<1x128xi32, #tpu.memory_space<vmem>> -> memref<128xi32, #tpu.memory_space<vmem>>
        %dma_wait3A_128 = arith.constant 0 : i32
        %dma_wait3A_129 = arith.constant 0 : i32
        %dma_wait3A_130 = tpu.memref_slice %arg10[%dma_wait3A_128, %dma_wait3A_129] : memref<10112x128xf32, #tpu.memory_space<vmem_shared>> -> memref<10112x128xf32, #tpu.memory_space<vmem_shared>>
        tpu.wait_indirect_dma semaphore(%arg14 : memref<!tpu.dma_semaphore, #tpu.memory_space<semaphore_mem>>) src(%arg9 : memref<128x128xf32, #tpu.memory_space<vmem>>) dst(%dma_wait3A_130 : memref<10112x128xf32, #tpu.memory_space<vmem_shared>>)
        %dma_start3A_131 = arith.constant 0 : i32
        %dma_start3A_132 = tpu.memref_slice %arg6[%min3A_110, %dma_start3A_131] : memref<120x128xi32, #tpu.memory_space<vmem>> -> memref<1x128xi32, #tpu.memory_space<vmem>>
        %dma_start3A_133 = tpu.memref_squeeze %dma_start3A_132 : memref<1x128xi32, #tpu.memory_space<vmem>> -> memref<128xi32, #tpu.memory_space<vmem>>
        %dma_start3A_134 = arith.constant 0 : i32
        %dma_start3A_135 = arith.constant 0 : i32
        %dma_start3A_136 = tpu.memref_slice %arg2[%dma_start3A_134, %dma_start3A_135] : memref<10000x128xf32, #tpu.memory_space<hbm>> -> memref<10000x128xf32, #tpu.memory_space<hbm>>
        tpu.enqueue_indirect_dma source(%dma_start3A_136 : memref<10000x128xf32, #tpu.memory_space<hbm>>) target(%arg9 : memref<128x128xf32, #tpu.memory_space<vmem>>) offsets(%dma_start3A_133 : memref<128xi32, #tpu.memory_space<vmem>>) semaphore(%arg12 : memref<!tpu.dma_semaphore, #tpu.memory_space<semaphore_mem>>)
      }
      %scan3A_50 = arith.constant 20 : i32
      %dma_wait3A = arith.constant 39 : i32
      %dma_wait3A_51 = arith.constant 0 : i32
      %dma_wait3A_52 = tpu.memref_slice %arg6[%dma_wait3A, %dma_wait3A_51] : memref<120x128xi32, #tpu.memory_space<vmem>> -> memref<1x128xi32, #tpu.memory_space<vmem>>
      %dma_wait3A_53 = tpu.memref_squeeze %dma_wait3A_52 : memref<1x128xi32, #tpu.memory_space<vmem>> -> memref<128xi32, #tpu.memory_space<vmem>>
      %dma_wait3A_54 = arith.constant 0 : i32
      %dma_wait3A_55 = arith.constant 0 : i32
      %dma_wait3A_56 = tpu.memref_slice %arg2[%dma_wait3A_54, %dma_wait3A_55] : memref<10000x128xf32, #tpu.memory_space<hbm>> -> memref<10000x128xf32, #tpu.memory_space<hbm>>
      tpu.wait_indirect_dma semaphore(%arg11 : memref<!tpu.dma_semaphore, #tpu.memory_space<semaphore_mem>>) src(%dma_wait3A_56 : memref<10000x128xf32, #tpu.memory_space<hbm>>) dst(%arg8 : memref<128x128xf32, #tpu.memory_space<vmem>>)
      %dma_wait3A_57 = arith.constant 39 : i32
      %dma_wait3A_58 = arith.constant 0 : i32
      %dma_wait3A_59 = tpu.memref_slice %arg6[%dma_wait3A_57, %dma_wait3A_58] : memref<120x128xi32, #tpu.memory_space<vmem>> -> memref<1x128xi32, #tpu.memory_space<vmem>>
      %dma_wait3A_60 = tpu.memref_squeeze %dma_wait3A_59 : memref<1x128xi32, #tpu.memory_space<vmem>> -> memref<128xi32, #tpu.memory_space<vmem>>
      %dma_wait3A_61 = arith.constant 0 : i32
      %dma_wait3A_62 = arith.constant 0 : i32
      %dma_wait3A_63 = tpu.memref_slice %arg2[%dma_wait3A_61, %dma_wait3A_62] : memref<10000x128xf32, #tpu.memory_space<hbm>> -> memref<10000x128xf32, #tpu.memory_space<hbm>>
      tpu.wait_indirect_dma semaphore(%arg12 : memref<!tpu.dma_semaphore, #tpu.memory_space<semaphore_mem>>) src(%dma_wait3A_63 : memref<10000x128xf32, #tpu.memory_space<hbm>>) dst(%arg9 : memref<128x128xf32, #tpu.memory_space<vmem>>)
    } else {
    }
    %barrier3A_40 = arith.constant 0 : index
    tpu.barrier barrier_id(%barrier3A_40)
    %mul3A_41 = arith.constant 632 : i32
    %mul3A_42 = arith.muli %arg1, %mul3A_41 : i32
    %mul3A_43 = arith.constant 632 : i32
    %mul3A_44 = arith.muli %arg1, %mul3A_43 : i32
    "tpu.region"() ({
      %run_scoped3A = tpu.sem_alloc : memref<!tpu.dma_semaphore, #tpu.memory_space<semaphore_mem>>
      %dma_start3A_45 = arith.constant 0 : i32
      %dma_start3A_46 = tpu.memref_slice %arg5[%arg0, %mul3A_44, %dma_start3A_45] : memref<2x10112x128xf32, #tpu.memory_space<hbm>> -> memref<1x632x128xf32, #tpu.memory_space<hbm>>
      %dma_start3A_47 = tpu.memref_squeeze %dma_start3A_46 : memref<1x632x128xf32, #tpu.memory_space<hbm>> -> memref<632x128xf32, #tpu.memory_space<hbm>>
      %dma_start3A_48 = arith.constant 0 : i32
      %dma_start3A_49 = tpu.memref_slice %arg10[%mul3A_42, %dma_start3A_48] : memref<10112x128xf32, #tpu.memory_space<vmem_shared>> -> memref<632x128xf32, #tpu.memory_space<vmem_shared>>
      tpu.enqueue_dma source(%dma_start3A_49 : memref<632x128xf32, #tpu.memory_space<vmem_shared>>) target(%dma_start3A_47 : memref<632x128xf32, #tpu.memory_space<hbm>>) target_semaphore(%run_scoped3A : memref<!tpu.dma_semaphore, #tpu.memory_space<semaphore_mem>>)
      %dma_wait3A = arith.constant 0 : i32
      %dma_wait3A_50 = tpu.memref_slice %arg5[%arg0, %mul3A_44, %dma_wait3A] : memref<2x10112x128xf32, #tpu.memory_space<hbm>> -> memref<1x632x128xf32, #tpu.memory_space<hbm>>
      %dma_wait3A_51 = tpu.memref_squeeze %dma_wait3A_50 : memref<1x632x128xf32, #tpu.memory_space<hbm>> -> memref<632x128xf32, #tpu.memory_space<hbm>>
      %dma_wait3A_52 = arith.constant 0 : i32
      %dma_wait3A_53 = tpu.memref_slice %arg10[%mul3A_42, %dma_wait3A_52] : memref<10112x128xf32, #tpu.memory_space<vmem_shared>> -> memref<632x128xf32, #tpu.memory_space<vmem_shared>>
      tpu.wait_dma2 semaphore(%run_scoped3A : memref<!tpu.dma_semaphore, #tpu.memory_space<semaphore_mem>>) src(%dma_wait3A_53 : memref<632x128xf32, #tpu.memory_space<vmem_shared>>) dst(%dma_wait3A_51 : memref<632x128xf32, #tpu.memory_space<hbm>>)
      tpu.yield
    }) : () -> ()
    return
  }
}

module attributes {stable_mosaic.version = 14 : i64} {
  func.func @body(%arg0: i32, %arg1: memref<2x2000x128xf32, #tpu.memory_space<vmem>>, %arg2: memref<2x2000x1xf32, #tpu.memory_space<vmem>>, %arg3: memref<128x128xf32, #tpu.memory_space<vmem>>, %arg4: memref<1x128xf32, #tpu.memory_space<vmem>>, %arg5: memref<2000x128xf32, #tpu.memory_space<vmem>>) attributes {dimension_semantics = [#tpu.dimension_semantics<arbitrary>], iteration_bounds = array<i64: 5>, scalar_prefetch = 0 : i64, scratch_operands = 0 : i64, tpu.core_type = #tpu.core_type<tc>, window_params = [{transform_indices = @transform_0, window_bounds = array<i64: 2, 2000, 128>}, {transform_indices = @transform_1, window_bounds = array<i64: 2, 2000, 1>}, {pipeline_mode = #tpu.pipeline_mode<synchronous>, transform_indices = @transform_2, window_bounds = array<i64: 128, 128>}, {pipeline_mode = #tpu.pipeline_mode<synchronous>, transform_indices = @transform_3, window_bounds = array<i64: 1, 128>}, {transform_indices = @transform_4, window_bounds = array<i64: 2000, 128>}]} {
    %get3A = arith.constant 0 : index
    %get3A_0 = arith.constant 0 : index
    %get3A_1 = arith.constant 0 : index
    %get3A_2 = vector.load %arg1[%get3A, %get3A_0, %get3A_1] : memref<2x2000x128xf32, #tpu.memory_space<vmem>>, vector<1x2000x128xf32>
    %get3A_3 = vector.shape_cast %get3A_2 : vector<1x2000x128xf32> to vector<2000x128xf32>
    %get3A_4 = arith.constant 1 : index
    %get3A_5 = arith.constant 0 : index
    %get3A_6 = arith.constant 0 : index
    %get3A_7 = vector.load %arg1[%get3A_4, %get3A_5, %get3A_6] : memref<2x2000x128xf32, #tpu.memory_space<vmem>>, vector<1x2000x128xf32>
    %get3A_8 = vector.shape_cast %get3A_7 : vector<1x2000x128xf32> to vector<2000x128xf32>
    %add3A = arith.addf %get3A_3, %get3A_8 : vector<2000x128xf32>
    %get3A_9 = arith.constant 0 : index
    %get3A_10 = arith.constant 0 : index
    %get3A_11 = arith.constant 0 : index
    %get3A_12 = vector.load %arg2[%get3A_9, %get3A_10, %get3A_11] : memref<2x2000x1xf32, #tpu.memory_space<vmem>>, vector<1x2000x1xf32>
    %get3A_13 = vector.shape_cast %get3A_12 : vector<1x2000x1xf32> to vector<2000x1xf32>
    %get3A_14 = arith.constant 1 : index
    %get3A_15 = arith.constant 0 : index
    %get3A_16 = arith.constant 0 : index
    %get3A_17 = vector.load %arg2[%get3A_14, %get3A_15, %get3A_16] : memref<2x2000x1xf32, #tpu.memory_space<vmem>>, vector<1x2000x1xf32>
    %get3A_18 = vector.shape_cast %get3A_17 : vector<1x2000x1xf32> to vector<2000x1xf32>
    %add3A_19 = arith.addf %get3A_13, %get3A_18 : vector<2000x1xf32>
    %max3A = arith.constant 1.000000e+00 : f32
    %max3A_20 = vector.broadcast %max3A : f32 to vector<2000x1xf32>
    %max3A_21 = arith.maximumf %add3A_19, %max3A_20 : vector<2000x1xf32>
    %div3A = arith.constant 1.000000e+00 : f32
    %div3A_22 = vector.broadcast %div3A : f32 to vector<2000x1xf32>
    %div3A_23 = arith.divf %div3A_22, %max3A_21 : vector<2000x1xf32>
    %mul3A = vector.broadcast %div3A_23 : vector<2000x1xf32> to vector<2000x128xf32>
    %mul3A_24 = arith.mulf %add3A, %mul3A : vector<2000x128xf32>
    %get3A_25 = arith.constant 0 : index
    %get3A_26 = arith.constant 0 : index
    %get3A_27 = vector.load %arg3[%get3A_25, %get3A_26] : memref<128x128xf32, #tpu.memory_space<vmem>>, vector<128x128xf32>
    %dot_general3A = arith.constant dense<0.000000e+00> : vector<2000x128xf32>
    %dot_general3A_28 = tpu.matmul %mul3A_24, %get3A_27, %dot_general3A {dimension_numbers = #tpu.dot_dimension_numbers<[1], [0], [0], [1], [0, 0, 1, 1], [], []>, transpose_lhs_hint = false} : vector<2000x128xf32>, vector<128x128xf32>, vector<2000x128xf32> -> vector<2000x128xf32>
    %get3A_29 = arith.constant 0 : index
    %get3A_30 = arith.constant 0 : index
    %get3A_31 = vector.load %arg4[%get3A_29, %get3A_30] : memref<1x128xf32, #tpu.memory_space<vmem>>, vector<1x128xf32>
    %add3A_32 = vector.broadcast %get3A_31 : vector<1x128xf32> to vector<2000x128xf32>
    %add3A_33 = arith.addf %dot_general3A_28, %add3A_32 : vector<2000x128xf32>
    %max3A_34 = arith.constant 0.000000e+00 : f32
    %max3A_35 = vector.broadcast %max3A_34 : f32 to vector<2000x128xf32>
    %max3A_36 = arith.maximumf %add3A_33, %max3A_35 : vector<2000x128xf32>
    %swap3A = arith.constant 0 : index
    %swap3A_37 = arith.constant 0 : index
    %swap3A_38 = vector.load %arg5[%swap3A, %swap3A_37] : memref<2000x128xf32, #tpu.memory_space<vmem>>, vector<2000x128xf32>
    tpu.vector_store %arg5[%swap3A, %swap3A_37], %max3A_36 {strides = array<i32>} : memref<2000x128xf32, #tpu.memory_space<vmem>>, vector<2000x128xf32>,
    return
  }
  func.func @transform_0(%arg0: i32) -> (i32, i32, i32) {
    %c0_i32 = arith.constant 0 : i32
    %c0_i32_0 = arith.constant 0 : i32
    %c0_i32_1 = arith.constant 0 : i32
    return %c0_i32, %arg0, %c0_i32_0 : i32, i32, i32
  }
  func.func @transform_1(%arg0: i32) -> (i32, i32, i32) {
    %c0_i32 = arith.constant 0 : i32
    %c0_i32_0 = arith.constant 0 : i32
    %c0_i32_1 = arith.constant 0 : i32
    return %c0_i32, %arg0, %c0_i32_0 : i32, i32, i32
  }
  func.func @transform_2(%arg0: i32) -> (i32, i32) {
    %c0_i32 = arith.constant 0 : i32
    %c0_i32_0 = arith.constant 0 : i32
    %c0_i32_1 = arith.constant 0 : i32
    return %c0_i32, %c0_i32_0 : i32, i32
  }
  func.func @transform_3(%arg0: i32) -> (i32, i32) {
    %c0_i32 = arith.constant 0 : i32
    %c0_i32_0 = arith.constant 0 : i32
    %c0_i32_1 = arith.constant 0 : i32
    return %c0_i32, %c0_i32_0 : i32, i32
  }
  func.func @transform_4(%arg0: i32) -> (i32, i32) {
    %c0_i32 = arith.constant 0 : i32
    %c0_i32_0 = arith.constant 0 : i32
    return %arg0, %c0_i32 : i32, i32
  }
}

module attributes {stable_mosaic.version = 14 : i64} {
  func.func @body(%arg0: i32, %arg1: memref<2x2000x128xf32, #tpu.memory_space<vmem>>, %arg2: memref<2x2000x1xf32, #tpu.memory_space<vmem>>, %arg3: memref<128x128xf32, #tpu.memory_space<vmem>>, %arg4: memref<1x128xf32, #tpu.memory_space<vmem>>, %arg5: memref<2000x128xf32, #tpu.memory_space<vmem>>, %arg6: memref<2000x128xf32, #tpu.memory_space<vmem>>) attributes {dimension_semantics = [#tpu.dimension_semantics<arbitrary>], iteration_bounds = array<i64: 5>, scalar_prefetch = 0 : i64, scratch_operands = 0 : i64, tpu.core_type = #tpu.core_type<tc>, window_params = [{transform_indices = @transform_0, window_bounds = array<i64: 2, 2000, 128>}, {transform_indices = @transform_1, window_bounds = array<i64: 2, 2000, 1>}, {pipeline_mode = #tpu.pipeline_mode<synchronous>, transform_indices = @transform_2, window_bounds = array<i64: 128, 128>}, {pipeline_mode = #tpu.pipeline_mode<synchronous>, transform_indices = @transform_3, window_bounds = array<i64: 1, 128>}, {transform_indices = @transform_4, window_bounds = array<i64: 2000, 128>}, {transform_indices = @transform_5, window_bounds = array<i64: 2000, 128>}]} {
    %get3A = arith.constant 0 : index
    %get3A_0 = arith.constant 0 : index
    %get3A_1 = arith.constant 0 : index
    %get3A_2 = vector.load %arg1[%get3A, %get3A_0, %get3A_1] : memref<2x2000x128xf32, #tpu.memory_space<vmem>>, vector<1x2000x128xf32>
    %get3A_3 = vector.shape_cast %get3A_2 : vector<1x2000x128xf32> to vector<2000x128xf32>
    %get3A_4 = arith.constant 1 : index
    %get3A_5 = arith.constant 0 : index
    %get3A_6 = arith.constant 0 : index
    %get3A_7 = vector.load %arg1[%get3A_4, %get3A_5, %get3A_6] : memref<2x2000x128xf32, #tpu.memory_space<vmem>>, vector<1x2000x128xf32>
    %get3A_8 = vector.shape_cast %get3A_7 : vector<1x2000x128xf32> to vector<2000x128xf32>
    %add3A = arith.addf %get3A_3, %get3A_8 : vector<2000x128xf32>
    %get3A_9 = arith.constant 0 : index
    %get3A_10 = arith.constant 0 : index
    %get3A_11 = arith.constant 0 : index
    %get3A_12 = vector.load %arg2[%get3A_9, %get3A_10, %get3A_11] : memref<2x2000x1xf32, #tpu.memory_space<vmem>>, vector<1x2000x1xf32>
    %get3A_13 = vector.shape_cast %get3A_12 : vector<1x2000x1xf32> to vector<2000x1xf32>
    %get3A_14 = arith.constant 1 : index
    %get3A_15 = arith.constant 0 : index
    %get3A_16 = arith.constant 0 : index
    %get3A_17 = vector.load %arg2[%get3A_14, %get3A_15, %get3A_16] : memref<2x2000x1xf32, #tpu.memory_space<vmem>>, vector<1x2000x1xf32>
    %get3A_18 = vector.shape_cast %get3A_17 : vector<1x2000x1xf32> to vector<2000x1xf32>
    %add3A_19 = arith.addf %get3A_13, %get3A_18 : vector<2000x1xf32>
    %max3A = arith.constant 1.000000e+00 : f32
    %max3A_20 = vector.broadcast %max3A : f32 to vector<2000x1xf32>
    %max3A_21 = arith.maximumf %add3A_19, %max3A_20 : vector<2000x1xf32>
    %div3A = arith.constant 1.000000e+00 : f32
    %div3A_22 = vector.broadcast %div3A : f32 to vector<2000x1xf32>
    %div3A_23 = arith.divf %div3A_22, %max3A_21 : vector<2000x1xf32>
    %mul3A = vector.broadcast %div3A_23 : vector<2000x1xf32> to vector<2000x128xf32>
    %mul3A_24 = arith.mulf %add3A, %mul3A : vector<2000x128xf32>
    %get3A_25 = arith.constant 0 : index
    %get3A_26 = arith.constant 0 : index
    %get3A_27 = vector.load %arg3[%get3A_25, %get3A_26] : memref<128x128xf32, #tpu.memory_space<vmem>>, vector<128x128xf32>
    %dot_general3A = arith.constant dense<0.000000e+00> : vector<2000x128xf32>
    %dot_general3A_28 = tpu.matmul %mul3A_24, %get3A_27, %dot_general3A {dimension_numbers = #tpu.dot_dimension_numbers<[1], [0], [0], [1], [0, 0, 1, 1], [], []>, transpose_lhs_hint = false} : vector<2000x128xf32>, vector<128x128xf32>, vector<2000x128xf32> -> vector<2000x128xf32>
    %get3A_29 = arith.constant 0 : index
    %get3A_30 = arith.constant 0 : index
    %get3A_31 = vector.load %arg4[%get3A_29, %get3A_30] : memref<1x128xf32, #tpu.memory_space<vmem>>, vector<1x128xf32>
    %add3A_32 = vector.broadcast %get3A_31 : vector<1x128xf32> to vector<2000x128xf32>
    %add3A_33 = arith.addf %dot_general3A_28, %add3A_32 : vector<2000x128xf32>
    %get3A_34 = arith.constant 0 : index
    %get3A_35 = arith.constant 0 : index
    %get3A_36 = vector.load %arg5[%get3A_34, %get3A_35] : memref<2000x128xf32, #tpu.memory_space<vmem>>, vector<2000x128xf32>
    %add3A_37 = arith.addf %add3A_33, %get3A_36 : vector<2000x128xf32>
    %max3A_38 = arith.constant 0.000000e+00 : f32
    %max3A_39 = vector.broadcast %max3A_38 : f32 to vector<2000x128xf32>
    %max3A_40 = arith.maximumf %add3A_37, %max3A_39 : vector<2000x128xf32>
    %swap3A = arith.constant 0 : index
    %swap3A_41 = arith.constant 0 : index
    %swap3A_42 = vector.load %arg6[%swap3A, %swap3A_41] : memref<2000x128xf32, #tpu.memory_space<vmem>>, vector<2000x128xf32>
    tpu.vector_store %arg6[%swap3A, %swap3A_41], %max3A_40 {strides = array<i32>} : memref<2000x128xf32, #tpu.memory_space<vmem>>, vector<2000x128xf32>,
    return
  }
  func.func @transform_0(%arg0: i32) -> (i32, i32, i32) {
    %c0_i32 = arith.constant 0 : i32
    %c0_i32_0 = arith.constant 0 : i32
    %c0_i32_1 = arith.constant 0 : i32
    return %c0_i32, %arg0, %c0_i32_0 : i32, i32, i32
  }
  func.func @transform_1(%arg0: i32) -> (i32, i32, i32) {
    %c0_i32 = arith.constant 0 : i32
    %c0_i32_0 = arith.constant 0 : i32
    %c0_i32_1 = arith.constant 0 : i32
    return %c0_i32, %arg0, %c0_i32_0 : i32, i32, i32
  }
  func.func @transform_2(%arg0: i32) -> (i32, i32) {
    %c0_i32 = arith.constant 0 : i32
    %c0_i32_0 = arith.constant 0 : i32
    %c0_i32_1 = arith.constant 0 : i32
    return %c0_i32, %c0_i32_0 : i32, i32
  }
  func.func @transform_3(%arg0: i32) -> (i32, i32) {
    %c0_i32 = arith.constant 0 : i32
    %c0_i32_0 = arith.constant 0 : i32
    %c0_i32_1 = arith.constant 0 : i32
    return %c0_i32, %c0_i32_0 : i32, i32
  }
  func.func @transform_4(%arg0: i32) -> (i32, i32) {
    %c0_i32 = arith.constant 0 : i32
    %c0_i32_0 = arith.constant 0 : i32
    return %arg0, %c0_i32 : i32, i32
  }
  func.func @transform_5(%arg0: i32) -> (i32, i32) {
    %c0_i32 = arith.constant 0 : i32
    %c0_i32_0 = arith.constant 0 : i32
    return %arg0, %c0_i32 : i32, i32
  }
}

module attributes {stable_mosaic.version = 14 : i64} {
  func.func @body(%arg0: i32, %arg1: memref<2x2000x128xf32, #tpu.memory_space<vmem>>, %arg2: memref<2x2000x1xf32, #tpu.memory_space<vmem>>, %arg3: memref<128x128xf32, #tpu.memory_space<vmem>>, %arg4: memref<1x128xf32, #tpu.memory_space<vmem>>, %arg5: memref<2000x128xf32, #tpu.memory_space<vmem>>, %arg6: memref<2000x128xf32, #tpu.memory_space<vmem>>) attributes {dimension_semantics = [#tpu.dimension_semantics<arbitrary>], iteration_bounds = array<i64: 5>, scalar_prefetch = 0 : i64, scratch_operands = 0 : i64, tpu.core_type = #tpu.core_type<tc>, window_params = [{transform_indices = @transform_0, window_bounds = array<i64: 2, 2000, 128>}, {transform_indices = @transform_1, window_bounds = array<i64: 2, 2000, 1>}, {pipeline_mode = #tpu.pipeline_mode<synchronous>, transform_indices = @transform_2, window_bounds = array<i64: 128, 128>}, {pipeline_mode = #tpu.pipeline_mode<synchronous>, transform_indices = @transform_3, window_bounds = array<i64: 1, 128>}, {transform_indices = @transform_4, window_bounds = array<i64: 2000, 128>}, {transform_indices = @transform_5, window_bounds = array<i64: 2000, 128>}]} {
    %get3A = arith.constant 0 : index
    %get3A_0 = arith.constant 0 : index
    %get3A_1 = arith.constant 0 : index
    %get3A_2 = vector.load %arg1[%get3A, %get3A_0, %get3A_1] : memref<2x2000x128xf32, #tpu.memory_space<vmem>>, vector<1x2000x128xf32>
    %get3A_3 = vector.shape_cast %get3A_2 : vector<1x2000x128xf32> to vector<2000x128xf32>
    %get3A_4 = arith.constant 1 : index
    %get3A_5 = arith.constant 0 : index
    %get3A_6 = arith.constant 0 : index
    %get3A_7 = vector.load %arg1[%get3A_4, %get3A_5, %get3A_6] : memref<2x2000x128xf32, #tpu.memory_space<vmem>>, vector<1x2000x128xf32>
    %get3A_8 = vector.shape_cast %get3A_7 : vector<1x2000x128xf32> to vector<2000x128xf32>
    %add3A = arith.addf %get3A_3, %get3A_8 : vector<2000x128xf32>
    %get3A_9 = arith.constant 0 : index
    %get3A_10 = arith.constant 0 : index
    %get3A_11 = arith.constant 0 : index
    %get3A_12 = vector.load %arg2[%get3A_9, %get3A_10, %get3A_11] : memref<2x2000x1xf32, #tpu.memory_space<vmem>>, vector<1x2000x1xf32>
    %get3A_13 = vector.shape_cast %get3A_12 : vector<1x2000x1xf32> to vector<2000x1xf32>
    %get3A_14 = arith.constant 1 : index
    %get3A_15 = arith.constant 0 : index
    %get3A_16 = arith.constant 0 : index
    %get3A_17 = vector.load %arg2[%get3A_14, %get3A_15, %get3A_16] : memref<2x2000x1xf32, #tpu.memory_space<vmem>>, vector<1x2000x1xf32>
    %get3A_18 = vector.shape_cast %get3A_17 : vector<1x2000x1xf32> to vector<2000x1xf32>
    %add3A_19 = arith.addf %get3A_13, %get3A_18 : vector<2000x1xf32>
    %max3A = arith.constant 1.000000e+00 : f32
    %max3A_20 = vector.broadcast %max3A : f32 to vector<2000x1xf32>
    %max3A_21 = arith.maximumf %add3A_19, %max3A_20 : vector<2000x1xf32>
    %div3A = arith.constant 1.000000e+00 : f32
    %div3A_22 = vector.broadcast %div3A : f32 to vector<2000x1xf32>
    %div3A_23 = arith.divf %div3A_22, %max3A_21 : vector<2000x1xf32>
    %mul3A = vector.broadcast %div3A_23 : vector<2000x1xf32> to vector<2000x128xf32>
    %mul3A_24 = arith.mulf %add3A, %mul3A : vector<2000x128xf32>
    %get3A_25 = arith.constant 0 : index
    %get3A_26 = arith.constant 0 : index
    %get3A_27 = vector.load %arg3[%get3A_25, %get3A_26] : memref<128x128xf32, #tpu.memory_space<vmem>>, vector<128x128xf32>
    %dot_general3A = arith.constant dense<0.000000e+00> : vector<2000x128xf32>
    %dot_general3A_28 = tpu.matmul %mul3A_24, %get3A_27, %dot_general3A {dimension_numbers = #tpu.dot_dimension_numbers<[1], [0], [0], [1], [0, 0, 1, 1], [], []>, transpose_lhs_hint = false} : vector<2000x128xf32>, vector<128x128xf32>, vector<2000x128xf32> -> vector<2000x128xf32>
    %get3A_29 = arith.constant 0 : index
    %get3A_30 = arith.constant 0 : index
    %get3A_31 = vector.load %arg4[%get3A_29, %get3A_30] : memref<1x128xf32, #tpu.memory_space<vmem>>, vector<1x128xf32>
    %add3A_32 = vector.broadcast %get3A_31 : vector<1x128xf32> to vector<2000x128xf32>
    %add3A_33 = arith.addf %dot_general3A_28, %add3A_32 : vector<2000x128xf32>
    %get3A_34 = arith.constant 0 : index
    %get3A_35 = arith.constant 0 : index
    %get3A_36 = vector.load %arg5[%get3A_34, %get3A_35] : memref<2000x128xf32, #tpu.memory_space<vmem>>, vector<2000x128xf32>
    %add3A_37 = arith.addf %add3A_33, %get3A_36 : vector<2000x128xf32>
    %max3A_38 = arith.constant 0.000000e+00 : f32
    %max3A_39 = vector.broadcast %max3A_38 : f32 to vector<2000x128xf32>
    %max3A_40 = arith.maximumf %add3A_37, %max3A_39 : vector<2000x128xf32>
    %swap3A = arith.constant 0 : index
    %swap3A_41 = arith.constant 0 : index
    %swap3A_42 = vector.load %arg6[%swap3A, %swap3A_41] : memref<2000x128xf32, #tpu.memory_space<vmem>>, vector<2000x128xf32>
    tpu.vector_store %arg6[%swap3A, %swap3A_41], %max3A_40 {strides = array<i32>} : memref<2000x128xf32, #tpu.memory_space<vmem>>, vector<2000x128xf32>,
    return
  }
  func.func @transform_0(%arg0: i32) -> (i32, i32, i32) {
    %c0_i32 = arith.constant 0 : i32
    %c0_i32_0 = arith.constant 0 : i32
    %c0_i32_1 = arith.constant 0 : i32
    return %c0_i32, %arg0, %c0_i32_0 : i32, i32, i32
  }
  func.func @transform_1(%arg0: i32) -> (i32, i32, i32) {
    %c0_i32 = arith.constant 0 : i32
    %c0_i32_0 = arith.constant 0 : i32
    %c0_i32_1 = arith.constant 0 : i32
    return %c0_i32, %arg0, %c0_i32_0 : i32, i32, i32
  }
  func.func @transform_2(%arg0: i32) -> (i32, i32) {
    %c0_i32 = arith.constant 0 : i32
    %c0_i32_0 = arith.constant 0 : i32
    %c0_i32_1 = arith.constant 0 : i32
    return %c0_i32, %c0_i32_0 : i32, i32
  }
  func.func @transform_3(%arg0: i32) -> (i32, i32) {
    %c0_i32 = arith.constant 0 : i32
    %c0_i32_0 = arith.constant 0 : i32
    %c0_i32_1 = arith.constant 0 : i32
    return %c0_i32, %c0_i32_0 : i32, i32
  }
  func.func @transform_4(%arg0: i32) -> (i32, i32) {
    %c0_i32 = arith.constant 0 : i32
    %c0_i32_0 = arith.constant 0 : i32
    return %arg0, %c0_i32 : i32, i32
  }
  func.func @transform_5(%arg0: i32) -> (i32, i32) {
    %c0_i32 = arith.constant 0 : i32
    %c0_i32_0 = arith.constant 0 : i32
    return %arg0, %c0_i32 : i32, i32
  }
}

</mosaic_0001>

<sc_bundles>
// kernel: kernel.11.cloned.1.call-start
scs
__scs_entry_jumppad:
0x0: {  	(pc) =	sbr.rel $0x88, $3  }
0x1: {  	(tag) =	ssettag $0x0;
	lr =	simm.s32 $0x1  }
0x2: {  	[smem:$0x3F97] =	sst lr;
	_ =	strace $0xD0000000  }
0x3: {  	_ = 	snop  }
0x4: {  	_ = 	snop  }
0x5: {  	_ = 	snop  }
0x6: {  	_ = 	snop  }
0x7: {  	_ = 	snop  }
__scs_overlays_trampoline_lowered:
0x8: {  	[smem:$0x3FA6] =	sst s0  }
0x9: {  	[smem:$0x3FA7] =	sst s1  }
0xa: {  	[smem:$0x3FA8] =	sst s2  }
0xb: {  	[smem:$0x3FA9] =	sst s3  }
0xc: {  	[smem:$0x3FAA] =	sst s4  }
0xd: {  	[smem:$0x3FAB] =	sst s5  }
0xe: {  	[smem:$0x3FAC] =	sst s6  }
0xf: {  	[smem:$0x3FAD] =	sst s7  }
0x10: {  	[smem:$0x3FAE] =	sst s8  }
0x11: {  	[smem:$0x3FAF] =	sst s9;
	s0 =	simm.s32 @!p0 $0x0  }
0x12: {  	s1 =	sld [smem:$0x3F95];
	s0 =	simm.s32 @p0 $0x1  }
0x13: {  	[smem:$0x3FB0] =	sst s0;
	s0 =	simm.s32 @!p1 $0x0  }
0x14: {  	s2 =	sld [smem:$0x3F94];
	s0 =	simm.s32 @p1 $0x1  }
0x15: {  	[smem:$0x3FB1] =	sst s0;
	s0 =	simm.s32 @!p2 $0x0  }
0x16: {  	s3 =	sld [smem:$0x3FDB];
	s0 =	simm.s32 @p2 $0x1  }
0x17: {  	s4 =	simm.s32 $0x1BF5;
	[smem:$0x3FB3] =	sst s0  }
0x18: {  	s0 =	sld [smem:$0x3F96];
	_ =	swait.ge [sflag:s4], $0x0  }
0x19: {  	s7 =	sld [smem:$0x3F97]  }
0x1a: {  	s8 =	sadd.s32 $0xFFFFE003, lr  }
0x1b: {  	s9 =	sadd.s32 $0xFFFFFEF7, lr;
	s5 =	simm.s32 $0xFFFFFFFF;
	p2 =	slt.u32 s8, $0xFFFFF086  }
0x1c: {  	p1 =	slt.u32 s9, $0xF7A;
	s5 =	simm.s32 @!p2 $0x0  }
0x1d: {  	s5 =	simm.s32 @p1 $0x1;
	p0 =	seq.s32 s7, s2  }
0x1e: {  	s7 =	smul.u32 @!p0 $0xF7A, s2;
	p2 =	seq.s32 @!p0 s5, $0x0  }
0x1f: {  	s9 =	smul.u32 $0xF7A, s1;
	s8 =	simm.s32 @!p0 $0x1BF5;
	p2 =	por !p2, p0  }
0x20: {  	[sflag:s8] =	ssyncset.s32 @!p0 $0xFFFFF086;
	s6 =	sadd.s32 @!p0 s3, s7;
	s7 =	simm.s32 @!p0 $0x108  }
0x21: {  	s3 =	sadd.s32 s3, s9;
	s6 =	sadd.s32 @!p0 $0x88, s6;
	s7 =	simm.s32 @p2 $0x1082  }
0x22: {  	[simem:s7], [sflag:s8] =	dma.local @!p0 [hbm:s6], $0xF7A  }
0x23: {  	s9 =	sor.u32 $0xD0000000, s2;
	s6 =	simm.s32 $0x108;
	_ =	swait.ge @!p0 [sflag:s8], $0x0  }
0x24: {  	s3 =	sadd.s32 $0x88, s3;
	s6 =	simm.s32 @!p1 $0x1082;
	[sflag:s4] =	ssyncset.s32 $0xFFFFF086  }
0x25: {  	[simem:s6], [sflag:s4] =	dma.local [hbm:s3], $0xF7A  }
0x26: {  	[smem:$0x3F97] =	sst s1;
	(tag) =	ssettag s2;
	_ =	strace s9  }
0x27: {  	s1 =	sld [smem:$0x3FA7]  }
0x28: {  	s2 =	sld [smem:$0x3FA8]  }
0x29: {  	s4 =	sld [smem:$0x3FAA]  }
0x2a: {  	p0 =	seq.s32 s5, $0x0;
	s5 =	sld [smem:$0x3FAB]  }
0x2b: {  	s6 =	sld [smem:$0x3FAC]  }
0x2c: {  	s7 =	sld [smem:$0x3FAD]  }
0x2d: {  	s3 =	simm.s32 $0x108;
	s8 =	sld [smem:$0x3FAE]  }
0x2e: {  	s3 =	simm.s32 @!p0 $0x1082;
	s9 =	sld [smem:$0x3FAF]  }
0x2f: {  	lr =	sadd.s32 s0, s3;
	s0 =	sld [smem:$0x3FA6]  }
0x30: {  	s3 =	sld [smem:$0x3FA9]  }
0x31: {  	[smem:$0x3FB2] =	sst s10  }
0x32: {  	s10 =	sld [smem:$0x3FB0];
	_ =	sdelay $0x3  }
0x33: {  	p0 =	seq.s32 s10, $0x1;
	s10 =	sld [smem:$0x3FB2];
	_ =	sdelay $0x3  }
0x34: {  	[smem:$0x3FB2] =	sst s10  }
0x35: {  	s10 =	sld [smem:$0x3FB1];
	_ =	sdelay $0x3  }
0x36: {  	p1 =	seq.s32 s10, $0x1;
	s10 =	sld [smem:$0x3FB2];
	_ =	sdelay $0x3  }
0x37: {  	[smem:$0x3FB2] =	sst s10  }
0x38: {  	s10 =	sld [smem:$0x3FB3]  }
0x39: {  	_ = 	snop;
	(pc) =	sbr.ind lr, $3  }
0x3a: {  	_ = 	snop  }
0x3b: {  	_ = 	snop  }
0x3c: {  	p2 =	seq.s32 s10, $0x1;
	s10 =	sld [smem:$0x3FB2]  }
0x3d: {  	_ =	shalt  }
0x3e: {  	_ =	shalt  }
0x3f: {  	_ =	shalt  }
0x40: {  	_ =	shalt  }
0x41: {  	_ =	shalt  }
0x42: {  	_ =	shalt  }
0x43: {  	_ =	shalt  }
0x44: {  	_ =	shalt  }
0x45: {  	_ =	shalt  }
0x46: {  	_ =	shalt  }
0x47: {  	_ =	shalt  }
0x48: {  	_ =	shalt  }
0x49: {  	_ =	shalt  }
0x4a: {  	_ =	shalt  }
0x4b: {  	_ =	shalt  }
0x4c: {  	_ =	shalt  }
0x4d: {  	_ =	shalt  }
0x4e: {  	_ =	shalt  }
0x4f: {  	_ =	shalt  }
0x50: {  	_ =	shalt  }
0x51: {  	_ =	shalt  }
0x52: {  	_ =	shalt  }
0x53: {  	_ =	shalt  }
0x54: {  	_ =	shalt  }
0x55: {  	_ =	shalt  }
0x56: {  	_ =	shalt  }
0x57: {  	_ =	shalt  }
0x58: {  	_ =	shalt  }
0x59: {  	_ =	shalt  }
0x5a: {  	_ =	shalt  }
0x5b: {  	_ =	shalt  }
0x5c: {  	_ =	shalt  }
0x5d: {  	_ =	shalt  }
0x5e: {  	_ =	shalt  }
0x5f: {  	_ =	shalt  }
0x60: {  	_ =	shalt  }
0x61: {  	_ =	shalt  }
0x62: {  	_ =	shalt  }
0x63: {  	_ =	shalt  }
0x64: {  	_ =	shalt  }
0x65: {  	_ =	shalt  }
0x66: {  	_ =	shalt  }
0x67: {  	_ =	shalt  }
0x68: {  	_ =	shalt  }
0x69: {  	_ =	shalt  }
0x6a: {  	_ =	shalt  }
0x6b: {  	_ =	shalt  }
0x6c: {  	_ =	shalt  }
0x6d: {  	_ =	shalt  }
0x6e: {  	_ =	shalt  }
0x6f: {  	_ =	shalt  }
0x70: {  	_ =	shalt  }
0x71: {  	_ =	shalt  }
0x72: {  	_ =	shalt  }
0x73: {  	_ =	shalt  }
0x74: {  	_ =	shalt  }
0x75: {  	_ =	shalt  }
0x76: {  	_ =	shalt  }
0x77: {  	_ =	shalt  }
0x78: {  	_ =	shalt  }
0x79: {  	_ =	shalt  }
0x7a: {  	_ =	shalt  }
0x7b: {  	_ =	shalt  }
0x7c: {  	_ =	shalt  }
0x7d: {  	_ =	shalt  }
0x7e: {  	_ =	shalt  }
0x7f: {  	_ =	shalt  }
0x80: {  	_ =	shalt  }
0x81: {  	_ =	shalt  }
0x82: {  	_ =	shalt  }
0x83: {  	_ =	shalt  }
0x84: {  	_ =	shalt  }
0x85: {  	_ =	shalt  }
0x86: {  	_ =	shalt  }
0x87: {  	_ =	shalt  }
.Lfunc_end0:
.L_simem_size_0:
called_computation_lowered:
.L_overlay_start_0:
0x88: {  	s2 =	sld [smem:$0x3FD9]  }
0x89: {  	s3 =	sld [smem:$0x3FFE];
	_ =	sdelay $0x1  }
0x8a: {  	s1 =	srdreg.scid  }
0x8b: {  	s0 =	sand.u32 $0x1, s1  }
0x8c: {  	s15 =	sshll.u32 s0, $0xA;
	s2 =	sadd.s32 s3, s2  }
0x8d: {  	s2 =	sadd.s32 s2, s15  }
0x8e: {  	[smem:$0x3FBE] =	sst s2  }
0x8f: {  	_ = 	snop  }
0x90: {  	s2 =	sld [smem:$0x3FD0];
	_ =	sdelay $0x2  }
0x91: {  	s16 =	simm.s32 $0xB;
	s4 =	simm.s32 $0x10  }
0x92: {  	[smem:s4], [sflag:s16] =	dma.local [hbm:s2], $0x1  }
0x93: {  	_ =	swait.eq [sflag:s16], $0x1  }
0x94: {  	[sflag:s16] =	ssyncset.done $0x0  }
0x95: {  	s17 =	sld [smem:$0x10];
	[sflag:s16] =	ssyncadd.s32 $0xFFFFFFFF  }
0x96: {  	s18 =	sld [smem:$0x11];
	(tm) =	ssettm $0x1  }
0x97: {  	s19 =	sld [smem:$0x3FFB];
	_ =	sdelay $0x3  }
0x98: {  	_ =	strace s19  }
0x99: {  	s4 =	sld [smem:$0x3FFC];
	_ =	sdelay $0x3  }
0x9a: {  	_ =	strace s4  }
0x9b: {  	s4 =	sld [smem:$0x3FFD];
	_ =	sdelay $0x3  }
0x9c: {  	_ =	strace s4  }
0x9d: {  	_ =	strace $0x8FFFFFFF  }
0x9e: {  	s20 =	sld [smem:$0x3FDB];
	_ =	sdelay $0x1  }
0x9f: {  	s5 =	simm.s32 $_scs_section_size  }
0xa0: {  	s6 =	simm.s32 $_size__tile_overlayer_lowered;
	s7 =	simm.s32 $_tile_overlayer_lowered  }
0xa1: {  	s23 =	simm.s32 $0x1BFF;
	s22 =	sshll.u32 s7, $0x1;
	s4 =	sadd.s32 s5, s20  }
0xa2: {  	s8 =	simm.s32 $0x0;
	s21 =	sshll.u32 s6, $0x1;
	s6 =	sadd.s32 s22, s4  }
0xa3: {  	[timem:s8], [sflag:s23] =	dma.local [hbm:s6], s21  }
0xa4: {  	_ =	swait.ge [sflag:s23], s21  }
0xa5: {  	s5 =	ssub.s32 $0x0, s21;
	[sflag:s23] =	ssyncset.done $0x0  }
0xa6: {  	[sflag:s23] =	ssyncadd.s32 s5;
	_ =	sdelay $0x1  }
0xa7: {  	s24 =	simm.s32 $0x1B8B  }
0xa8: {  	_ =	swait.ge [sflag:s24], $0x1  }
0xa9: {  	[sflag:s24] =	ssyncset.done $0x0  }
0xaa: {  	s25 =	simm.s32 $0x1B8E;
	[sflag:s24] =	ssyncadd.s32 $0xFFFFFFFF  }
0xab: {  	s26 =	simm.s32 $execute0_lowered;
	[smem:$0x3FD2] =	sst s25  }
0xac: {  	s5 =	sshll.u32 s26, $0x1;
	_ =	strace $0x80000046;
	[dreg:$0x1] =	wrdreg $0xFFFFFFFF  }
0xad: {  	s28 =	simm.s32 $_size_execute0_lowered;
	s4 =	sadd.s32 s4, s5;
	[dreg:$0x0] =	wrdreg $0x0  }
0xae: {  	s5 =	sshll.u32 s28, $0x1;
	[dreg:$0x2] =	wrdreg s4  }
0xaf: {  	[dreg:$0x3] =	wrdreg s5  }
0xb0: {  	[dreg:$0x4] =	wrdreg $0xC0  }
0xb1: {  	_ =	task [dreg:s8], $0x5FFFF  }
0xb2: {  	[dreg:$0x1] =	wrdreg $0xFFFFFFFF  }
0xb3: {  	[dreg:$0x0] =	wrdreg $0x60  }
0xb4: {  	[dreg:$0x2] =	wrdreg s18  }
0xb5: {  	[dreg:$0x3] =	wrdreg s17  }
0xb6: {  	[dreg:$0x4] =	wrdreg $0x2B000  }
0xb7: {  	[dreg:$0x5] =	wrdreg $0x9  }
0xb8: {  	_ =	task.clear_ibuf [dreg:s8], $0x6FFFF;
	_ =	strace $0x90000046  }
0xb9: {  	s29 =	simm.s32 $0x9;
	_ =	strace $0x80000048  }
0xba: {  	_ =	swait.ge [sflag:s29], $0x1  }
0xbb: {  	[sflag:s29] =	ssyncadd.s32 $0xFFFFFFFF  }
0xbc: {  	_ =	strace $0x90000048  }
0xbd: {  	_ =	sfence  }
0xbe: {  	s30 =	sld [smem:$0x0];
	_ =	sdelay $0x2  }
0xbf: {  	s31 =	sshll.u32 s1, $0xD;
	s1 =	sshrl.u32 s1, $0x2  }
0xc0: {  	s3 =	sand.u32 $0x4000, s31;
	s1 =	sadd.s32 s1, s30  }
0xc1: {  	s0 =	sor.u32 s3, s0;
	s1 =	sshll.u32 s1, $0x11  }
0xc2: {  	s0 =	sor.u32 s1, s0  }
0xc3: {  	s0 =	sadd.s32 $0x8F2B, s0  }
0xc4: {  	[sflag:s0] =	ssyncadd.remote.s32 $0x1  }
0xc5: {  	_ =	sfence.sel $0xFFFF  }
0xc6: {  	[dreg:$0x0] =	wrdreg $0xFFFFFFFF;
	(pc) =	sbr.abs _section_cstart, $3  }
0xc7: {  	[dreg:$0x1] =	wrdreg $0xFFFFFFFF  }
0xc8: {  	_ =	task.clear_ibuf [dreg:s8], $0x2FFFF;
	_ =	strace $0x9FFFFFFF  }
0xc9: {  	(tm) =	ssettm $0x7FFFFFFF  }
tec
execute0_lowered:
.L_overlay_start_1:
0x0: {  	(tag) =	ssettag $0x1  }
0x1: {  	s5 =	rddreg [dreg:$0x0]  }
0x2: {  	s6 =	rddreg [dreg:$0x1]  }
0x3: {  	s2 =	rddreg [dreg:$0x2]  }
0x4: {  	s3 =	srdreg.scid;
	s1 =	stileid.u32  }
0x5: {  	s0 =	rddreg [dreg:$0x3];
	s14 =	simm.s32 $0x0;
	s4 =	sand.u32 $0x1, s3  }
0x6: {  	s7 =	smul.u32 $0x280, s1;
	s3 =	simm.s32 $0x0;
	s8 =	sshll.u32 s1, $0x1  }
0x7: {  	s12 =	sshll.u32 s1, $0x6;
	s9 =	smul.u32 $0x2800, s4;
	[smem:$0x7FF] =	sst s3  }
0x8: {  	s10 =	ssub.s32 $0x2, s4;
	s4 =	sor.u32 s4, s8;
	s12 =	sor.u32 $0x1C01, s12  }
0x9: {  	s30 =	sshrl.u32 s10, $0x1;
	s11 =	smul.u32 $0x500, s4;
	_ =	strace $0x80000047  }
0xa: {  	s4 =	sadd.s32 s7, s2;
	s31 =	sadd.s32 s7, s9;
	s8 =	ssub.s32 s10, s30  }
0xb: {  	s10 =	simm.s32 $0x80;
	s13 =	sshrl.u32 s4, $0x3;
	s9 =	sshrl.u32 s31, $0x3  }
0xc: {  	s5 =	sadd.s32 s5, s11;
	s7 =	smax.u32 s8, $0x1;
	s8 =	simm.s32 $0x2880  }
0xd: {  	v0 =	vimm.f32 $1.000000000e+00;
	v1 =	vimm.f32 $0.0e+00;
	s11 =	simm.s32 $0x2800;
	s6 =	sadd.s32 s6, s9;
	s9 =	simm.s32 $0x1  }
.LBB2_1:
0xe: {  	[tilespmem:$0x2800] =	vst v0  }
0xf: {  	[tilespmem:$0x2810] =	vst v0  }
0x10: {  	[tilespmem:$0x2820] =	vst v0  }
0x11: {  	[tilespmem:$0x2830] =	vst v0  }
0x12: {  	[tilespmem:$0x2840] =	vst v0  }
0x13: {  	[tilespmem:$0x2850] =	vst v0  }
0x14: {  	[tilespmem:$0x2860] =	vst v0  }
0x15: {  	[tilespmem:$0x2870] =	vst v0  }
0x16: {  	[tilespmem:$0x2880] =	vst v1  }
0x17: {  	[tilespmem:$0x2890] =	vst v1  }
0x18: {  	[tilespmem:$0x28A0] =	vst v1  }
0x19: {  	[tilespmem:$0x28B0] =	vst v1  }
0x1a: {  	[tilespmem:$0x28C0] =	vst v1  }
0x1b: {  	[tilespmem:$0x28D0] =	vst v1  }
0x1c: {  	[tilespmem:$0x28E0] =	vst v1  }
0x1d: {  	[tilespmem:$0x28F0] =	vst v1  }
0x1e: {  	[tilespmem:$0x2900] =	vst v1  }
0x1f: {  	[tilespmem:$0x2910] =	vst v1  }
0x20: {  	[tilespmem:$0x2920] =	vst v1  }
0x21: {  	[tilespmem:$0x2930] =	vst v1  }
0x22: {  	[tilespmem:$0x2940] =	vst v1  }
0x23: {  	[tilespmem:$0x2950] =	vst v1  }
0x24: {  	[tilespmem:$0x2960] =	vst v1  }
0x25: {  	[tilespmem:$0x2970] =	vst v1  }
0x26: {  	[tilespmem:$0x2980] =	vst v1  }
0x27: {  	[tilespmem:$0x2990] =	vst v1  }
0x28: {  	[tilespmem:$0x29A0] =	vst v1  }
0x29: {  	[tilespmem:$0x29B0] =	vst v1  }
0x2a: {  	[tilespmem:$0x29C0] =	vst v1  }
0x2b: {  	[tilespmem:$0x29D0] =	vst v1  }
0x2c: {  	[tilespmem:$0x29E0] =	vst v1  }
0x2d: {  	[tilespmem:$0x29F0] =	vst v1  }
0x2e: {  	[tilespmem:$0x2A00] =	vst v1  }
0x2f: {  	[tilespmem:$0x2A10] =	vst v1  }
0x30: {  	[tilespmem:$0x2A20] =	vst v1  }
0x31: {  	[tilespmem:$0x2A30] =	vst v1  }
0x32: {  	[tilespmem:$0x2A40] =	vst v1  }
0x33: {  	[tilespmem:$0x2A50] =	vst v1  }
0x34: {  	[tilespmem:$0x2A60] =	vst v1  }
0x35: {  	[tilespmem:$0x2A70] =	vst v1  }
0x36: {  	[tilespmem:$0x2A80] =	vst v1  }
0x37: {  	[tilespmem:$0x2A90] =	vst v1  }
0x38: {  	[tilespmem:$0x2AA0] =	vst v1  }
0x39: {  	[tilespmem:$0x2AB0] =	vst v1  }
0x3a: {  	[tilespmem:$0x2AC0] =	vst v1  }
0x3b: {  	[tilespmem:$0x2AD0] =	vst v1  }
0x3c: {  	[tilespmem:$0x2AE0] =	vst v1  }
0x3d: {  	[tilespmem:$0x2AF0] =	vst v1  }
0x3e: {  	[spmem:s4] =	stream.linear.scatter [tilespmem:s8], [sflag:$0x1], $0x280, $0x38;
	[tilespmem:$0x2D80] =	vst v63  }
0x3f: {  	_ =	swait.ge [sflag:s9], $0x280  }
0x40: {  	[sflag:s9] =	ssyncset.done $0x0  }
0x41: {  	[sflag:s9] =	ssyncadd.s32 $0xFFFFFD80  }
0x42: {  	[bflag:$0x0] =	sbarrier.arrive $0xFFFF  }
0x43: {  	[tilespmem:s3], [sflag:$0x1] =	stream.linear.gather [hbm4b:s5+s3], $0x2800, $0x38;
	[tilespmem:$0x2D80] =	vst v63  }
0x44: {  	_ =	swait.ge [sflag:s9], $0x2800  }
0x45: {  	[sflag:s9] =	ssyncset.done $0x0  }
0x46: {  	s15 =	simm.s32 $0x0;
	[sflag:s9] =	ssyncadd.s32 $0xFFFFD800  }
0x47: {  	[spmem:s2] =	stream.indirect.scatter.add.f32 [tilespmem:s11], [sflag:$0x1], $0x1, s15, s10, $0xb8;
	[tilespmem:$0x2D80] =	vst v63  }
0x48: {  	_ =	swait.ge [sflag:s9], $0x80  }
0x49: {  	s15 =	simm.s32 $0x200;
	[sflag:s9] =	ssyncset.done $0x0  }
.LBB2_2:
0x4a: {  	s16 =	sshra.s32 s15, $0x2;
	[sflag:s9] =	ssyncadd.s32 $0xFFFFFF80;
	p0 =	sne.s32 s15, $0x9E00  }
0x4b: {  	[spmem:s2] =	stream.indirect.scatter.add.f32 [tilespmem:s11], [sflag:$0x1], $0x1, s16, s10, $0xb8;
	[tilespmem:$0x2D80] =	vst v63  }
.Ltmp0:
0x4c: {  	_ = 	snop;
	(pc) =	sbr.rel @p0 .LBB2_2-.Ltmp0, $4  }
0x4d: {  	_ = 	snop  }
0x4e: {  	s15 =	sadd.s32 $0x200, s15  }
0x4f: {  	_ =	swait.ge [sflag:s9], $0x80  }
0x50: {  	[sflag:s9] =	ssyncset.done $0x0  }
0x51: {  	s14 =	sadd.s32 $0x1, s14  }
0x52: {  	[sflag:s9] =	ssyncadd.s32 $0xFFFFFF80;
	p0 =	sne.s32 s14, s7  }
.Ltmp1:
0x53: {  	[bflag:$0x0] =	sbarrier.arrive $0xFFFF;
	(pc) =	sbr.rel @p0 .LBB2_1-.Ltmp1, $4  }
0x54: {  	[hbm:s6], [sflag:s12] =	dma.local [spmem:s13], $0x50  }
0x55: {  	_ =	swait.ge [sflag:s9], $0x50  }
0x56: {  	[sflag:s9] =	ssyncset.done $0x0  }
0x57: {  	[sflag:s9] =	ssyncadd.s32 $0xFFFFFFB0  }
0x58: {  	_ =	sfence.sel $0x180000  }
0x59: {  	[bflag:$0x0] =	sbarrier.arrive $0xFFFF  }
0x5a: {  	p0 =	sne.s32 s1, $0x0;
	_ =	strace $0x90000047  }
0x5b: {  	s0 =	sadd.s32 @!p0 $0x100000, s0;
	[bflag:$0x2] =	sbarrier.arrive $0xFFFF  }
0x5c: {  	[sflag:s0] =	ssyncadd.tile.s32 @!p0 $0x1;
	_ =	shalt  }
.Lfunc_end2:
_tile_overlayer_lowered:
.L_overlay_start_2:
0x5d: {  	(tag) =	ssettag $0x2  }
0x5e: {  	s0 =	rddreg [dreg:$0x0];
	s2 =	stileid.u32  }
0x5f: {  	s1 =	rddreg [dreg:$0x1];
	p0 =	sne.s32 s2, $0x0  }
0x60: {  	s3 =	rddreg [dreg:$0x2];
	[bflag:$0x3] =	sbarrier.arrive $0xFFFF;
	s2 =	simm.s32 @!p0 $0x1C01  }
0x61: {  	[timem:s3], [sflag:s2] =	dma.local @!p0 [hbm:s0], s1  }
0x62: {  	s0 =	simm.s32 @!p0 $0x1  }
0x63: {  	_ =	swait.ge @!p0 [sflag:s0], s1  }
0x64: {  	s1 =	ssub.s32 @!p0 $0x0, s1;
	[sflag:s0] =	ssyncset.done @!p0 $0x0  }
0x65: {  	[sflag:s0] =	ssyncadd.s32 @!p0 s1  }
0x66: {  	[bflag:$0x3] =	sbarrier.arrive $0xFFFF  }
0x67: {  	_ =	shalt  }

// kernel: kernel.14.cloned.1.call-start
scs
__scs_entry_jumppad:
0x0: {  	(pc) =	sbr.rel $0x88, $3  }
0x1: {  	(tag) =	ssettag $0x0;
	lr =	simm.s32 $0x1  }
0x2: {  	[smem:$0x3F97] =	sst lr;
	_ =	strace $0xD0000000  }
0x3: {  	_ = 	snop  }
0x4: {  	_ = 	snop  }
0x5: {  	_ = 	snop  }
0x6: {  	_ = 	snop  }
0x7: {  	_ = 	snop  }
__scs_overlays_trampoline_lowered:
0x8: {  	[smem:$0x3FA6] =	sst s0  }
0x9: {  	[smem:$0x3FA7] =	sst s1  }
0xa: {  	[smem:$0x3FA8] =	sst s2  }
0xb: {  	[smem:$0x3FA9] =	sst s3  }
0xc: {  	[smem:$0x3FAA] =	sst s4  }
0xd: {  	[smem:$0x3FAB] =	sst s5  }
0xe: {  	[smem:$0x3FAC] =	sst s6  }
0xf: {  	[smem:$0x3FAD] =	sst s7  }
0x10: {  	[smem:$0x3FAE] =	sst s8  }
0x11: {  	[smem:$0x3FAF] =	sst s9;
	s0 =	simm.s32 @!p0 $0x0  }
0x12: {  	s1 =	sld [smem:$0x3F95];
	s0 =	simm.s32 @p0 $0x1  }
0x13: {  	[smem:$0x3FB0] =	sst s0;
	s0 =	simm.s32 @!p1 $0x0  }
0x14: {  	s2 =	sld [smem:$0x3F94];
	s0 =	simm.s32 @p1 $0x1  }
0x15: {  	[smem:$0x3FB1] =	sst s0;
	s0 =	simm.s32 @!p2 $0x0  }
0x16: {  	s3 =	sld [smem:$0x3FDB];
	s0 =	simm.s32 @p2 $0x1  }
0x17: {  	s4 =	simm.s32 $0x1BF5;
	[smem:$0x3FB3] =	sst s0  }
0x18: {  	s0 =	sld [smem:$0x3F96];
	_ =	swait.ge [sflag:s4], $0x0  }
0x19: {  	s7 =	sld [smem:$0x3F97]  }
0x1a: {  	s8 =	sadd.s32 $0xFFFFE003, lr  }
0x1b: {  	s9 =	sadd.s32 $0xFFFFFEF7, lr;
	s5 =	simm.s32 $0xFFFFFFFF;
	p2 =	slt.u32 s8, $0xFFFFF086  }
0x1c: {  	p1 =	slt.u32 s9, $0xF7A;
	s5 =	simm.s32 @!p2 $0x0  }
0x1d: {  	s5 =	simm.s32 @p1 $0x1;
	p0 =	seq.s32 s7, s2  }
0x1e: {  	s7 =	smul.u32 @!p0 $0xF7A, s2;
	p2 =	seq.s32 @!p0 s5, $0x0  }
0x1f: {  	s9 =	smul.u32 $0xF7A, s1;
	s8 =	simm.s32 @!p0 $0x1BF5;
	p2 =	por !p2, p0  }
0x20: {  	[sflag:s8] =	ssyncset.s32 @!p0 $0xFFFFF086;
	s6 =	sadd.s32 @!p0 s3, s7;
	s7 =	simm.s32 @!p0 $0x108  }
0x21: {  	s3 =	sadd.s32 s3, s9;
	s6 =	sadd.s32 @!p0 $0x88, s6;
	s7 =	simm.s32 @p2 $0x1082  }
0x22: {  	[simem:s7], [sflag:s8] =	dma.local @!p0 [hbm:s6], $0xF7A  }
0x23: {  	s9 =	sor.u32 $0xD0000000, s2;
	s6 =	simm.s32 $0x108;
	_ =	swait.ge @!p0 [sflag:s8], $0x0  }
0x24: {  	s3 =	sadd.s32 $0x88, s3;
	s6 =	simm.s32 @!p1 $0x1082;
	[sflag:s4] =	ssyncset.s32 $0xFFFFF086  }
0x25: {  	[simem:s6], [sflag:s4] =	dma.local [hbm:s3], $0xF7A  }
0x26: {  	[smem:$0x3F97] =	sst s1;
	(tag) =	ssettag s2;
	_ =	strace s9  }
0x27: {  	s1 =	sld [smem:$0x3FA7]  }
0x28: {  	s2 =	sld [smem:$0x3FA8]  }
0x29: {  	s4 =	sld [smem:$0x3FAA]  }
0x2a: {  	p0 =	seq.s32 s5, $0x0;
	s5 =	sld [smem:$0x3FAB]  }
0x2b: {  	s6 =	sld [smem:$0x3FAC]  }
0x2c: {  	s7 =	sld [smem:$0x3FAD]  }
0x2d: {  	s3 =	simm.s32 $0x108;
	s8 =	sld [smem:$0x3FAE]  }
0x2e: {  	s3 =	simm.s32 @!p0 $0x1082;
	s9 =	sld [smem:$0x3FAF]  }
0x2f: {  	lr =	sadd.s32 s0, s3;
	s0 =	sld [smem:$0x3FA6]  }
0x30: {  	s3 =	sld [smem:$0x3FA9]  }
0x31: {  	[smem:$0x3FB2] =	sst s10  }
0x32: {  	s10 =	sld [smem:$0x3FB0];
	_ =	sdelay $0x3  }
0x33: {  	p0 =	seq.s32 s10, $0x1;
	s10 =	sld [smem:$0x3FB2];
	_ =	sdelay $0x3  }
0x34: {  	[smem:$0x3FB2] =	sst s10  }
0x35: {  	s10 =	sld [smem:$0x3FB1];
	_ =	sdelay $0x3  }
0x36: {  	p1 =	seq.s32 s10, $0x1;
	s10 =	sld [smem:$0x3FB2];
	_ =	sdelay $0x3  }
0x37: {  	[smem:$0x3FB2] =	sst s10  }
0x38: {  	s10 =	sld [smem:$0x3FB3]  }
0x39: {  	_ = 	snop;
	(pc) =	sbr.ind lr, $3  }
0x3a: {  	_ = 	snop  }
0x3b: {  	_ = 	snop  }
0x3c: {  	p2 =	seq.s32 s10, $0x1;
	s10 =	sld [smem:$0x3FB2]  }
0x3d: {  	_ =	shalt  }
0x3e: {  	_ =	shalt  }
0x3f: {  	_ =	shalt  }
0x40: {  	_ =	shalt  }
0x41: {  	_ =	shalt  }
0x42: {  	_ =	shalt  }
0x43: {  	_ =	shalt  }
0x44: {  	_ =	shalt  }
0x45: {  	_ =	shalt  }
0x46: {  	_ =	shalt  }
0x47: {  	_ =	shalt  }
0x48: {  	_ =	shalt  }
0x49: {  	_ =	shalt  }
0x4a: {  	_ =	shalt  }
0x4b: {  	_ =	shalt  }
0x4c: {  	_ =	shalt  }
0x4d: {  	_ =	shalt  }
0x4e: {  	_ =	shalt  }
0x4f: {  	_ =	shalt  }
0x50: {  	_ =	shalt  }
0x51: {  	_ =	shalt  }
0x52: {  	_ =	shalt  }
0x53: {  	_ =	shalt  }
0x54: {  	_ =	shalt  }
0x55: {  	_ =	shalt  }
0x56: {  	_ =	shalt  }
0x57: {  	_ =	shalt  }
0x58: {  	_ =	shalt  }
0x59: {  	_ =	shalt  }
0x5a: {  	_ =	shalt  }
0x5b: {  	_ =	shalt  }
0x5c: {  	_ =	shalt  }
0x5d: {  	_ =	shalt  }
0x5e: {  	_ =	shalt  }
0x5f: {  	_ =	shalt  }
0x60: {  	_ =	shalt  }
0x61: {  	_ =	shalt  }
0x62: {  	_ =	shalt  }
0x63: {  	_ =	shalt  }
0x64: {  	_ =	shalt  }
0x65: {  	_ =	shalt  }
0x66: {  	_ =	shalt  }
0x67: {  	_ =	shalt  }
0x68: {  	_ =	shalt  }
0x69: {  	_ =	shalt  }
0x6a: {  	_ =	shalt  }
0x6b: {  	_ =	shalt  }
0x6c: {  	_ =	shalt  }
0x6d: {  	_ =	shalt  }
0x6e: {  	_ =	shalt  }
0x6f: {  	_ =	shalt  }
0x70: {  	_ =	shalt  }
0x71: {  	_ =	shalt  }
0x72: {  	_ =	shalt  }
0x73: {  	_ =	shalt  }
0x74: {  	_ =	shalt  }
0x75: {  	_ =	shalt  }
0x76: {  	_ =	shalt  }
0x77: {  	_ =	shalt  }
0x78: {  	_ =	shalt  }
0x79: {  	_ =	shalt  }
0x7a: {  	_ =	shalt  }
0x7b: {  	_ =	shalt  }
0x7c: {  	_ =	shalt  }
0x7d: {  	_ =	shalt  }
0x7e: {  	_ =	shalt  }
0x7f: {  	_ =	shalt  }
0x80: {  	_ =	shalt  }
0x81: {  	_ =	shalt  }
0x82: {  	_ =	shalt  }
0x83: {  	_ =	shalt  }
0x84: {  	_ =	shalt  }
0x85: {  	_ =	shalt  }
0x86: {  	_ =	shalt  }
0x87: {  	_ =	shalt  }
.Lfunc_end0:
.L_simem_size_0:
called_computation.1_lowered:
.L_overlay_start_0:
0x88: {  	s2 =	sld [smem:$0x3FD9]  }
0x89: {  	s3 =	sld [smem:$0x3FFE];
	_ =	sdelay $0x1  }
0x8a: {  	s1 =	srdreg.scid  }
0x8b: {  	s0 =	sand.u32 $0x1, s1  }
0x8c: {  	s15 =	sshll.u32 s0, $0xA;
	s2 =	sadd.s32 s3, s2  }
0x8d: {  	s2 =	sadd.s32 s2, s15  }
0x8e: {  	[smem:$0x3FBE] =	sst s2  }
0x8f: {  	_ = 	snop  }
0x90: {  	s2 =	sld [smem:$0x3FD0];
	_ =	sdelay $0x2  }
0x91: {  	s4 =	simm.s32 $0xB;
	s5 =	simm.s32 $0x10;
	s16 =	sld [smem:$0x3FC9]  }
0x92: {  	[smem:s5], [sflag:s4] =	dma.local [hbm:s2], $0x1  }
0x93: {  	_ =	swait.eq [sflag:s4], $0x1  }
0x94: {  	[sflag:s4] =	ssyncset.done $0x0  }
0x95: {  	[sflag:s4] =	ssyncadd.s32 $0xFFFFFFFF  }
0x96: {  	s17 =	sld [smem:$0x11];
	(tm) =	ssettm $0x1  }
0x97: {  	s18 =	sld [smem:$0x3FFB];
	_ =	sdelay $0x3  }
0x98: {  	_ =	strace s18  }
0x99: {  	s2 =	sld [smem:$0x3FFC];
	_ =	sdelay $0x3  }
0x9a: {  	_ =	strace s2  }
0x9b: {  	s2 =	sld [smem:$0x3FFD];
	_ =	sdelay $0x3  }
0x9c: {  	_ =	strace s2  }
0x9d: {  	_ =	strace $0x8FFFFFFF  }
0x9e: {  	s19 =	sld [smem:$0x3FDB];
	_ =	sdelay $0x1  }
0x9f: {  	s20 =	simm.s32 $_scs_section_size  }
0xa0: {  	s6 =	simm.s32 $_size__tile_overlayer_lowered;
	s7 =	simm.s32 $_tile_overlayer_lowered  }
0xa1: {  	s8 =	simm.s32 $0x1BFF;
	s21 =	sshll.u32 s7, $0x1;
	s5 =	sadd.s32 s20, s19  }
0xa2: {  	s22 =	simm.s32 $0x0;
	s6 =	sshll.u32 s6, $0x1;
	s7 =	sadd.s32 s21, s5  }
0xa3: {  	[timem:s22], [sflag:s8] =	dma.local [hbm:s7], s6  }
0xa4: {  	_ =	swait.ge [sflag:s8], s6  }
0xa5: {  	s6 =	ssub.s32 $0x0, s6;
	[sflag:s8] =	ssyncset.done $0x0  }
0xa6: {  	[sflag:s8] =	ssyncadd.s32 s6;
	_ =	sdelay $0x1  }
0xa7: {  	s23 =	simm.s32 $0x1B8B  }
0xa8: {  	_ =	swait.ge [sflag:s23], $0x1  }
0xa9: {  	[sflag:s23] =	ssyncset.done $0x0  }
0xaa: {  	[sflag:s23] =	ssyncadd.s32 $0xFFFFFFFF  }
0xab: {  	s6 =	sld [smem:$0x0]  }
0xac: {  	s7 =	sand.u32 $0xFFFFFFFE, s1  }
0xad: {  	p0 =	sne.s32 s1, s7  }
0xae: {  	s7 =	sshll.u32 @p0 s7, $0xE  }
0xaf: {  	s7 =	sadd.s32 @p0 $0x11B8D, s7;
	s8 =	sshll.u32 @p0 s6, $0x11  }
0xb0: {  	s7 =	sor.u32 @p0 s8, s7  }
0xb1: {  	[sflag:s7] =	ssyncadd.remote.s32 @p0 $0x1;
	_ =	sdelay $0x1  }
0xb2: {  	s7 =	simm.s32 @p0 $0x1B8D  }
0xb3: {  	_ =	swait.eq @p0 [sflag:s7], $0x1  }
0xb4: {  	[sflag:s7] =	ssyncadd.s32 @p0 $0xFFFFFFFF  }
0xb5: {  	s8 =	sshll.u32 @!p0 s1, $0xE  }
0xb6: {  	s8 =	sor.u32 @!p0 $0x4000, s8;
	s7 =	simm.s32 @!p0 $0x1B8D  }
0xb7: {  	s6 =	sshll.u32 @!p0 s6, $0x11;
	s8 =	sadd.s32 @!p0 $0x11B8D, s8;
	_ =	swait.eq @!p0 [sflag:s7], $0x1  }
0xb8: {  	s6 =	sor.u32 @!p0 s6, s8;
	[sflag:s7] =	ssyncadd.s32 @!p0 $0xFFFFFFFF  }
0xb9: {  	s25 =	simm.s32 $0x1B8E;
	s24 =	sld [smem:$0x3FFE];
	[sflag:s6] =	ssyncadd.remote.s32 @!p0 $0x1  }
0xba: {  	s26 =	simm.s32 $execute0_lowered;
	[smem:$0x3FD2] =	sst s25  }
0xbb: {  	s7 =	sshll.u32 s26, $0x1;
	_ =	strace $0x80000049;
	[dreg:$0x1] =	wrdreg $0xFFFFFFFF  }
0xbc: {  	s28 =	simm.s32 $_size_execute0_lowered;
	s5 =	sadd.s32 s5, s7;
	[dreg:$0x0] =	wrdreg $0x0  }
0xbd: {  	s7 =	sshll.u32 s28, $0x1;
	[dreg:$0x2] =	wrdreg s5  }
0xbe: {  	[dreg:$0x3] =	wrdreg s7  }
0xbf: {  	[dreg:$0x4] =	wrdreg $0xC0  }
0xc0: {  	_ =	task [dreg:s22], $0x5FFFF  }
0xc1: {  	[dreg:$0x1] =	wrdreg $0xFFFFFFFF  }
0xc2: {  	[dreg:$0x0] =	wrdreg $0x60  }
0xc3: {  	[dreg:$0x2] =	wrdreg s16  }
0xc4: {  	[dreg:$0x3] =	wrdreg s24  }
0xc5: {  	[dreg:$0x4] =	wrdreg s17  }
0xc6: {  	[dreg:$0x5] =	wrdreg $0xC0000  }
0xc7: {  	[dreg:$0x6] =	wrdreg $0xA  }
0xc8: {  	_ =	task.clear_ibuf [dreg:s22], $0x7FFFF;
	_ =	strace $0x90000049  }
0xc9: {  	s29 =	simm.s32 $0xA;
	_ =	strace $0x8000004B  }
0xca: {  	_ =	swait.ge [sflag:s29], $0x1  }
0xcb: {  	[sflag:s29] =	ssyncadd.s32 $0xFFFFFFFF  }
0xcc: {  	_ =	strace $0x9000004B  }
0xcd: {  	_ =	sfence  }
0xce: {  	s30 =	sld [smem:$0x0];
	_ =	sdelay $0x2  }
0xcf: {  	s31 =	sshll.u32 s1, $0xD;
	s1 =	sshrl.u32 s1, $0x2  }
0xd0: {  	s4 =	sand.u32 $0x4000, s31;
	s1 =	sadd.s32 s1, s30  }
0xd1: {  	s0 =	sor.u32 s4, s0;
	s1 =	sshll.u32 s1, $0x11  }
0xd2: {  	s0 =	sor.u32 s1, s0  }
0xd3: {  	s0 =	sadd.s32 $0x8F2B, s0  }
0xd4: {  	[sflag:s0] =	ssyncadd.remote.s32 $0x1  }
0xd5: {  	_ =	sfence.sel $0xFFFF  }
0xd6: {  	[dreg:$0x0] =	wrdreg $0xFFFFFFFF;
	(pc) =	sbr.abs _section_cstart, $3  }
0xd7: {  	[dreg:$0x1] =	wrdreg $0xFFFFFFFF  }
0xd8: {  	_ =	task.clear_ibuf [dreg:s22], $0x2FFFF;
	_ =	strace $0x9FFFFFFF  }
0xd9: {  	(tm) =	ssettm $0x7FFFFFFF  }
tec
execute0_lowered:
.L_overlay_start_1:
0x0: {  	(tag) =	ssettag $0x1  }
0x1: {  	s1 =	rddreg [dreg:$0x0]  }
0x2: {  	s0 =	rddreg [dreg:$0x1]  }
0x3: {  	s2 =	srdreg.scid;
	s3 =	rddreg [dreg:$0x2]  }
0x4: {  	s9 =	stileid.u32;
	s4 =	rddreg [dreg:$0x3]  }
0x5: {  	s5 =	simm.s32 $0x0;
	s17 =	simm.s32 $0x4000;
	s18 =	simm.s32 $0x5  }
0x6: {  	s19 =	simm.s32 $0x3C00;
	s20 =	simm.s32 $0x80;
	s7 =	smul.u32 $0xA0, s9  }
0x7: {  	s21 =	simm.s32 $0x8000;
	s22 =	simm.s32 $0x1;
	s25 =	smul.u32 $0x13C00, s9  }
0x8: {  	s23 =	simm.s32 $0x2;
	s2 =	sand.u32 $0x1, s2;
	s9 =	smul.u32 $0x4F000, s9  }
0x9: {  	s28 =	simm.s32 $0x4;
	[smem:$0x7FF] =	sst s5;
	s6 =	smul.u32 $0x78, s2  }
0xa: {  	s8 =	smul.u32 $0x13C000, s2;
	_ =	strace $0x8000004A;
	s26 =	ssub.s32 $0x2, s2  }
0xb: {  	p0 =	seq.s32 s2, $0x1;
	s9 =	sshrl.u32 s9, $0x2;
	s13 =	sshrl.u32 s26, $0x1  }
0xc: {  	s14 =	sadd.s32 s6, s7;
	s6 =	sadd.s32 s25, s8;
	s16 =	ssub.s32 s26, s13  }
0xd: {  	s13 =	sshrl.u32 s7, $0x3;
	s25 =	simm.s32 $0x3;
	s26 =	simm.s32 $0x0  }
0xe: {  	s12 =	sshll.u32 s14, $0x4;
	s10 =	sshrl.u32 s6, $0x3;
	s6 =	sadd.s32 s9, s4  }
.Ltmp0:
0xf: {  	s14 =	sshrl.u32 s14, $0x3;
	s16 =	smax.u32 s16, $0x1;
	(pc) =	sbr.rel .LBB2_1-.Ltmp0, $4  }
0x10: {  	s11 =	sadd.s32 s12, s0;
	s0 =	sadd.s32 s10, s0;
	s29 =	sadd.s32 $0x4000, s6  }
0x11: {  	s30 =	sadd.s32 $0x8000, s6;
	s31 =	sadd.s32 $0xC000, s6;
	[dreg:$0x5] =	wrdreg s29  }
0x12: {  	s10 =	sadd.s32 $0x10000, s6;
	s12 =	sadd.s32 s3, s12;
	[dreg:$0x6] =	wrdreg s30  }
0x13: {  	v0 =	vimm.f32 $0.0e+00;
	[dreg:$0x7] =	wrdreg s31;
	s11 =	sadd.s32 $0x3E00, s11;
	s15 =	sadd.s32 $0xE400, s0  }
.LBB2_6:
0x14: {  	s2 =	sadd.s32 @!p1 s13, s7  }
0x15: {  	s7 =	simm.s32 @!p1 $0x5;
	[sflag:s28] =	ssyncadd.s32 $0xFFFFC000;
	s2 =	sshll.u32 @!p1 s2, $0x7  }
0x16: {  	[tilespmem:s21], [sflag:$0x2] =	stream.indirect.gather [hbm4b:s1+s20], $0x80, s0, s20, $0xb8;
	[tilespmem:$0x1FC00] =	vst v63  }
0x17: {  	s8 =	simm.s32 @!p1 $0x3C00;
	s0 =	sadd.s32 @!p1 s3, s2;
	s2 =	simm.s32 @!p1 $0x0  }
0x18: {  	[tilespmem:s8], [sflag:$0x5] =	stream.linear.gather @!p1 [hbm4b:s0+s2], $0x400, $0x38;
	[tilespmem:$0x1FC00] =	vst v63  }
0x19: {  	_ =	swait.ge @!p1 [sflag:s7], $0x400  }
0x1a: {  	[sflag:s7] =	ssyncset.done @!p1 $0x0  }
0x1b: {  	[sflag:s7] =	ssyncadd.s32 @!p1 $0xFFFFFC00  }
0x1c: {  	_ =	swait.ge [sflag:s22], $0x4000  }
0x1d: {  	[sflag:s22] =	ssyncset.done $0x0  }
0x1e: {  	s7 =	sor.u32 $0x3C00, s31;
	[sflag:s22] =	ssyncadd.s32 $0xFFFFC000  }
0x1f: {  	[spmem:s4] =	stream.indirect.scatter.add.f32 [tilespmem:s17], [sflag:$0x3], $0x80, s7, s20, $0xb8;
	[tilespmem:$0x1FC00] =	vst v63  }
0x20: {  	_ =	swait.ge [sflag:s23], $0x4000  }
0x21: {  	[sflag:s23] =	ssyncset.done $0x0  }
0x22: {  	s8 =	sadd.s32 $0x3C80, s31;
	[sflag:s23] =	ssyncadd.s32 $0xFFFFC000  }
0x23: {  	[spmem:s4] =	stream.indirect.scatter.add.f32 [tilespmem:s21], [sflag:$0x4], $0x80, s8, s20, $0xb8;
	[tilespmem:$0x1FC00] =	vst v63  }
0x24: {  	_ =	swait.ge [sflag:s25], $0x4000  }
0x25: {  	s9 =	sadd.s32 $0x100, s29;
	[sflag:s25] =	ssyncset.done $0x0  }
0x26: {  	s24 =	sadd.s32 $0xFFFFFF80, s9;
	[sflag:s25] =	ssyncadd.s32 $0xFFFFC000  }
0x27: {  	[tilespmem:s17], [sflag:$0x1] =	stream.indirect.gather [hbm4b:s1+s20], $0x80, s24, s20, $0xb8;
	[tilespmem:$0x1FC00] =	vst v63  }
0x28: {  	_ =	swait.ge [sflag:s28], $0x4000  }
0x29: {  	[sflag:s28] =	ssyncset.done $0x0  }
0x2a: {  	[sflag:s28] =	ssyncadd.s32 $0xFFFFC000  }
0x2b: {  	[tilespmem:s21], [sflag:$0x2] =	stream.indirect.gather [hbm4b:s1+s20], $0x80, s9, s20, $0xb8;
	[tilespmem:$0x1FC00] =	vst v63  }
0x2c: {  	_ =	swait.ge [sflag:s22], $0x4000  }
0x2d: {  	[sflag:s22] =	ssyncset.done $0x0  }
0x2e: {  	s29 =	simm.s32 $0x3F00;
	[sflag:s22] =	ssyncadd.s32 $0xFFFFC000  }
0x2f: {  	[spmem:s4] =	stream.indirect.scatter.add.f32 [tilespmem:s17], [sflag:$0x3], $0x80, s29, s20, $0xb8;
	[tilespmem:$0x1FC00] =	vst v63  }
0x30: {  	_ =	swait.ge [sflag:s23], $0x4000  }
0x31: {  	[sflag:s23] =	ssyncset.done $0x0  }
0x32: {  	s30 =	simm.s32 $0x3F80;
	[sflag:s23] =	ssyncadd.s32 $0xFFFFC000  }
0x33: {  	[spmem:s4] =	stream.indirect.scatter.add.f32 [tilespmem:s21], [sflag:$0x4], $0x80, s30, s20, $0xb8;
	[tilespmem:$0x1FC00] =	vst v63  }
0x34: {  	_ =	swait.ge [sflag:s25], $0x4000  }
0x35: {  	[sflag:s25] =	ssyncset.done $0x0  }
0x36: {  	s31 =	simm.s32 $0x3B80;
	[sflag:s25] =	ssyncadd.s32 $0xFFFFC000  }
0x37: {  	[tilespmem:s17], [sflag:$0x1] =	stream.indirect.gather [hbm4b:s1+s20], $0x80, s31, s20, $0xb8;
	[tilespmem:$0x1FC00] =	vst v63  }
0x38: {  	_ =	swait.ge [sflag:s28], $0x4000  }
0x39: {  	[sflag:s28] =	ssyncset.done $0x0  }
0x3a: {  	[sflag:s28] =	ssyncadd.s32 $0xFFFFC000  }
0x3b: {  	[tilespmem:s21], [sflag:$0x2] =	stream.indirect.gather [hbm4b:s1+s20], $0x80, s31, s20, $0xb8;
	[tilespmem:$0x1FC00] =	vst v63  }
.LBB2_10:
0x3c: {  	_ =	swait.ge [sflag:s22], $0x4000  }
0x3d: {  	[sflag:s22] =	ssyncset.done $0x0  }
0x3e: {  	[sflag:s22] =	ssyncadd.s32 $0xFFFFC000  }
0x3f: {  	s0 =	stileid.u32;
	_ =	swait.ge [sflag:s23], $0x4000  }
0x40: {  	s2 =	sshrl.u32 s6, $0x3;
	s26 =	sadd.s32 $0x1, s26;
	[sflag:s23] =	ssyncset.done $0x0  }
0x41: {  	s0 =	sshll.u32 s0, $0x6;
	p1 =	sne.s32 s26, s16;
	[sflag:s23] =	ssyncadd.s32 $0xFFFFC000  }
.Ltmp1:
0x42: {  	s0 =	sor.u32 $0x1C05, s0;
	[bflag:$0x0] =	sbarrier.arrive $0xFFFF;
	(pc) =	sbr.rel @!p1 .LBB2_11-.Ltmp1, $4  }
0x43: {  	[hbm:s15], [sflag:s0] =	dma.local [spmem:s2], $0x2780  }
0x44: {  	_ =	swait.ge [sflag:s18], $0x2780  }
0x45: {  	[sflag:s18] =	ssyncset.done $0x0  }
0x46: {  	[sflag:s18] =	ssyncadd.s32 $0xFFFFD880  }
.LBB2_1:
0x47: {  	s0 =	simm.s32 $0x0;
	s2 =	simm.s32 $0x200  }
.LBB2_2:
0x48: {  	p1 =	sne.s32 s2, $0xFE00;
	[tilespmem:s0+$0x4070] =	vst v0  }
0x49: {  	[tilespmem:s0+$0x4000] =	vst v0  }
0x4a: {  	[tilespmem:s0+$0x4010] =	vst v0  }
.Ltmp2:
0x4b: {  	[tilespmem:s0+$0x4020] =	vst v0;
	(pc) =	sbr.rel @p1 .LBB2_2-.Ltmp2, $4  }
0x4c: {  	[tilespmem:s0+$0x4030] =	vst v0  }
0x4d: {  	[tilespmem:s0+$0x4040] =	vst v0  }
0x4e: {  	[tilespmem:s0+$0x4050] =	vst v0  }
0x4f: {  	[tilespmem:s0+$0x4060] =	vst v0;
	s0 =	sshra.s32 s2, $0x2;
	s2 =	sadd.s32 $0x200, s2  }
0x50: {  	[tilespmem:s0+$0x4070] =	vst v0  }
0x51: {  	[tilespmem:s0+$0x4000] =	vst v0  }
0x52: {  	[tilespmem:s0+$0x4010] =	vst v0  }
0x53: {  	[tilespmem:s0+$0x4020] =	vst v0  }
0x54: {  	[tilespmem:s0+$0x4030] =	vst v0  }
0x55: {  	[tilespmem:s0+$0x4040] =	vst v0  }
0x56: {  	[tilespmem:s0+$0x4050] =	vst v0  }
0x57: {  	[tilespmem:s0+$0x4060] =	vst v0  }
0x58: {  	[spmem:s6] =	stream.linear.scatter [tilespmem:s17], [sflag:$0x5], $0x4000, $0x38;
	[tilespmem:$0x1FC00] =	vst v63  }
0x59: {  	_ =	swait.ge [sflag:s18], $0x4000  }
0x5a: {  	[sflag:s18] =	ssyncset.done $0x0  }
0x5b: {  	s29 =	rddreg [dreg:$0x5];
	[sflag:s18] =	ssyncadd.s32 $0xFFFFC000  }
0x5c: {  	[spmem:s29] =	stream.linear.scatter [tilespmem:s17], [sflag:$0x5], $0x4000, $0x38;
	[tilespmem:$0x1FC00] =	vst v63  }
0x5d: {  	_ =	swait.ge [sflag:s18], $0x4000  }
0x5e: {  	[sflag:s18] =	ssyncset.done $0x0  }
0x5f: {  	s30 =	rddreg [dreg:$0x6];
	[sflag:s18] =	ssyncadd.s32 $0xFFFFC000  }
0x60: {  	[spmem:s30] =	stream.linear.scatter [tilespmem:s17], [sflag:$0x5], $0x4000, $0x38;
	[tilespmem:$0x1FC00] =	vst v63  }
0x61: {  	_ =	swait.ge [sflag:s18], $0x4000  }
0x62: {  	[sflag:s18] =	ssyncset.done $0x0  }
0x63: {  	s31 =	rddreg [dreg:$0x7];
	[sflag:s18] =	ssyncadd.s32 $0xFFFFC000  }
0x64: {  	[spmem:s31] =	stream.linear.scatter [tilespmem:s17], [sflag:$0x5], $0x4000, $0x38;
	[tilespmem:$0x1FC00] =	vst v63  }
0x65: {  	_ =	swait.ge [sflag:s18], $0x4000  }
0x66: {  	[sflag:s18] =	ssyncset.done $0x0  }
0x67: {  	[sflag:s18] =	ssyncadd.s32 $0xFFFFC000  }
0x68: {  	[spmem:s10] =	stream.linear.scatter [tilespmem:s17], [sflag:$0x5], $0x3C00, $0x38;
	[tilespmem:$0x1FC00] =	vst v63  }
0x69: {  	_ =	swait.ge [sflag:s18], $0x3C00  }
0x6a: {  	[sflag:s18] =	ssyncset.done $0x0  }
0x6b: {  	[sflag:s18] =	ssyncadd.s32 $0xFFFFC400  }
0x6c: {  	[bflag:$0x0] =	sbarrier.arrive $0xFFFF  }
0x6d: {  	[tilespmem:s5], [sflag:$0x5] =	stream.linear.gather [hbm4b:s11+s5], $0x3C00, $0x38;
	[tilespmem:$0x1FC00] =	vst v63  }
0x6e: {  	_ =	swait.ge [sflag:s18], $0x3C00  }
0x6f: {  	[sflag:s18] =	ssyncset.done $0x0  }
0x70: {  	[sflag:s18] =	ssyncadd.s32 $0xFFFFC400  }
0x71: {  	[tilespmem:s19], [sflag:$0x5] =	stream.linear.gather [hbm4b:s12+s5], $0x400, $0x38;
	[tilespmem:$0x1FC00] =	vst v63  }
0x72: {  	_ =	swait.ge [sflag:s18], $0x400  }
0x73: {  	[sflag:s18] =	ssyncset.done $0x0  }
0x74: {  	[sflag:s18] =	ssyncadd.s32 $0xFFFFFC00  }
0x75: {  	[tilespmem:s17], [sflag:$0x1] =	stream.indirect.gather [hbm4b:s1+s20], $0x80, s5, s20, $0xb8;
	[tilespmem:$0x1FC00] =	vst v63  }
0x76: {  	_ = 	snop  }
0x77: {  	[tilespmem:s21], [sflag:$0x2] =	stream.indirect.gather [hbm4b:s1+s20], $0x80, s20, s20, $0xb8;
	[tilespmem:$0x1FC00] =	vst v63  }
0x78: {  	_ =	swait.ge [sflag:s22], $0x4000  }
0x79: {  	[sflag:s22] =	ssyncset.done $0x0  }
.Ltmp3:
0x7a: {  	[sflag:s22] =	ssyncadd.s32 $0xFFFFC000;
	(pc) =	sbr.rel @!p0 .LBB2_4-.Ltmp3, $4  }
0x7b: {  	[spmem:s4] =	stream.indirect.scatter.add.f32 [tilespmem:s17], [sflag:$0x3], $0x80, s19, s20, $0xb8;
	[tilespmem:$0x1FC00] =	vst v63  }
0x7c: {  	_ =	swait.ge [sflag:s23], $0x4000  }
0x7d: {  	[sflag:s23] =	ssyncset.done $0x0  }
0x7e: {  	s0 =	simm.s32 $0x3C80;
	[sflag:s23] =	ssyncadd.s32 $0xFFFFC000  }
0x7f: {  	[spmem:s4] =	stream.indirect.scatter.add.f32 [tilespmem:s21], [sflag:$0x4], $0x80, s0, s20, $0xb8;
	[tilespmem:$0x1FC00] =	vst v63  }
0x80: {  	_ =	swait.ge [sflag:s25], $0x4000  }
0x81: {  	[sflag:s25] =	ssyncset.done $0x0  }
0x82: {  	s24 =	simm.s32 $0x100;
	[sflag:s25] =	ssyncadd.s32 $0xFFFFC000  }
0x83: {  	[tilespmem:s17], [sflag:$0x1] =	stream.indirect.gather [hbm4b:s1+s20], $0x80, s24, s20, $0xb8;
	[tilespmem:$0x1FC00] =	vst v63  }
0x84: {  	s7 =	simm.s32 $0x2;
	_ =	swait.ge [sflag:s28], $0x4000  }
0x85: {  	s0 =	sand.u32 $0x6, s7;
	[sflag:s28] =	ssyncset.done $0x0  }
0x86: {  	s2 =	simm.s32 $0x180;
	p1 =	sne.s32 s0, $0x0;
	[sflag:s28] =	ssyncadd.s32 $0xFFFFC000  }
0x87: {  	[tilespmem:s21], [sflag:$0x2] =	stream.indirect.gather [hbm4b:s1+s20], $0x80, s2, s20, $0xb8;
	[tilespmem:$0x1FC00] =	vst v63  }
0x88: {  	s2 =	sadd.s32 @!p1 $0x0, s14  }
0x89: {  	s2 =	sshll.u32 @!p1 s2, $0x7  }
0x8a: {  	s7 =	simm.s32 @!p1 $0x0;
	s2 =	sand.u32 @!p1 $0x1FFFFF80, s2  }
0x8b: {  	s8 =	simm.s32 @!p1 $0x3C00;
	s9 =	simm.s32 @!p1 $0x5;
	s2 =	sadd.s32 @!p1 s3, s2  }
0x8c: {  	[tilespmem:s8], [sflag:$0x5] =	stream.linear.gather @!p1 [hbm4b:s2+s7], $0x400, $0x38;
	[tilespmem:$0x1FC00] =	vst v63  }
0x8d: {  	_ =	swait.ge @!p1 [sflag:s9], $0x400  }
0x8e: {  	[sflag:s9] =	ssyncset.done @!p1 $0x0  }
0x8f: {  	[sflag:s9] =	ssyncadd.s32 @!p1 $0xFFFFFC00  }
0x90: {  	_ =	swait.ge [sflag:s22], $0x4000  }
0x91: {  	s0 =	sshll.u32 s0, $0x7;
	[sflag:s22] =	ssyncset.done $0x0  }
0x92: {  	s8 =	sor.u32 $0x3C00, s0;
	[sflag:s22] =	ssyncadd.s32 $0xFFFFC000  }
0x93: {  	[spmem:s4] =	stream.indirect.scatter.add.f32 [tilespmem:s17], [sflag:$0x3], $0x80, s8, s20, $0xb8;
	[tilespmem:$0x1FC00] =	vst v63  }
0x94: {  	_ =	swait.ge [sflag:s23], $0x4000  }
0x95: {  	s29 =	simm.s32 $0x280;
	s31 =	simm.s32 $0x3;
	[sflag:s23] =	ssyncset.done $0x0  }
0x96: {  	s2 =	simm.s32 $0x4;
	s0 =	sadd.s32 $0x3C80, s0;
	[sflag:s23] =	ssyncadd.s32 $0xFFFFC000  }
0x97: {  	[spmem:s4] =	stream.indirect.scatter.add.f32 [tilespmem:s21], [sflag:$0x4], $0x80, s0, s20, $0xb8;
	[tilespmem:$0x1FC00] =	vst v63  }
0x98: {  	s24 =	simm.s32 $0x200;
	s9 =	sand.u32 $0x6, s2;
	_ =	swait.ge [sflag:s25], $0x4000  }
0x99: {  	p1 =	sne.s32 s9, $0x0;
	s30 =	sshll.u32 s9, $0x7;
	[sflag:s25] =	ssyncset.done $0x0  }
0x9a: {  	s7 =	sadd.s32 @!p1 $0x0, s14;
	s0 =	simm.s32 $0x280;
	[sflag:s25] =	ssyncadd.s32 $0xFFFFC000  }
.LBB2_8:
0x9b: {  	s7 =	sshll.u32 @!p1 s7, $0x7  }
0x9c: {  	s29 =	sadd.s32 $0x100, s29;
	s8 =	smov.u32 s31;
	s31 =	sadd.s32 $0x1, s31  }
0x9d: {  	[tilespmem:s17], [sflag:$0x1] =	stream.indirect.gather [hbm4b:s1+s20], $0x80, s24, s20, $0xb8;
	[tilespmem:$0x1FC00] =	vst v63  }
0x9e: {  	p2 =	sne.s32 s31, $0x13;
	s7 =	sand.u32 @!p1 $0x1FFFFF80, s7;
	_ =	swait.ge [sflag:s28], $0x4000  }
0x9f: {  	s7 =	sadd.s32 @!p1 s3, s7;
	[sflag:s28] =	ssyncset.done $0x0  }
0xa0: {  	[sflag:s28] =	ssyncadd.s32 $0xFFFFC000  }
0xa1: {  	[tilespmem:s21], [sflag:$0x2] =	stream.indirect.gather [hbm4b:s1+s20], $0x80, s0, s20, $0xb8;
	[tilespmem:$0x1FC00] =	vst v63  }
0xa2: {  	s9 =	simm.s32 @!p1 $0x3C00;
	s24 =	simm.s32 @!p1 $0x5;
	s0 =	simm.s32 @!p1 $0x0  }
0xa3: {  	[tilespmem:s9], [sflag:$0x5] =	stream.linear.gather @!p1 [hbm4b:s7+s0], $0x400, $0x38;
	[tilespmem:$0x1FC00] =	vst v63  }
0xa4: {  	s0 =	smov.u32 s29;
	_ =	swait.ge @!p1 [sflag:s24], $0x400  }
0xa5: {  	[sflag:s24] =	ssyncset.done @!p1 $0x0  }
0xa6: {  	[sflag:s24] =	ssyncadd.s32 @!p1 $0xFFFFFC00  }
0xa7: {  	_ =	swait.ge [sflag:s22], $0x4000  }
0xa8: {  	[sflag:s22] =	ssyncset.done $0x0  }
0xa9: {  	s7 =	sor.u32 $0x3C00, s30;
	[sflag:s22] =	ssyncadd.s32 $0xFFFFC000  }
0xaa: {  	[spmem:s4] =	stream.indirect.scatter.add.f32 [tilespmem:s17], [sflag:$0x3], $0x80, s7, s20, $0xb8;
	[tilespmem:$0x1FC00] =	vst v63  }
0xab: {  	s2 =	sadd.s32 $0x2, s2;
	_ =	swait.ge [sflag:s23], $0x4000  }
0xac: {  	s9 =	sadd.s32 $0x3C80, s30;
	s24 =	sadd.s32 $0xFFFFFF80, s29;
	[sflag:s23] =	ssyncset.done $0x0  }
.Ltmp4:
0xad: {  	s7 =	sand.u32 $0x6, s2;
	[sflag:s23] =	ssyncadd.s32 $0xFFFFC000;
	(pc) =	sbr.rel @p2 .LBB2_8-.Ltmp4, $4  }
0xae: {  	[spmem:s4] =	stream.indirect.scatter.add.f32 [tilespmem:s21], [sflag:$0x4], $0x80, s9, s20, $0xb8;
	[tilespmem:$0x1FC00] =	vst v63  }
0xaf: {  	p1 =	sne.s32 s7, $0x0;
	s30 =	sshll.u32 s7, $0x7;
	_ =	swait.ge [sflag:s25], $0x4000  }
0xb0: {  	s7 =	sshrl.u32 @!p1 s8, $0x2;
	[sflag:s25] =	ssyncset.done $0x0  }
0xb1: {  	s7 =	sadd.s32 @!p1 s14, s7;
	[sflag:s25] =	ssyncadd.s32 $0xFFFFC000  }
0xb2: {  	[tilespmem:s17], [sflag:$0x1] =	stream.indirect.gather [hbm4b:s1+s20], $0x80, s24, s20, $0xb8;
	[tilespmem:$0x1FC00] =	vst v63  }
0xb3: {  	_ =	swait.ge [sflag:s28], $0x4000  }
0xb4: {  	s2 =	sshll.u32 @!p1 s7, $0x7;
	[sflag:s28] =	ssyncset.done $0x0  }
0xb5: {  	s7 =	simm.s32 @!p1 $0x3C00;
	s2 =	sand.u32 @!p1 $0x1FFFFF80, s2;
	[sflag:s28] =	ssyncadd.s32 $0xFFFFC000  }
0xb6: {  	[tilespmem:s21], [sflag:$0x2] =	stream.indirect.gather [hbm4b:s1+s20], $0x80, s0, s20, $0xb8;
	[tilespmem:$0x1FC00] =	vst v63  }
0xb7: {  	s8 =	simm.s32 @!p1 $0x5;
	s2 =	sadd.s32 @!p1 s3, s2;
	s0 =	simm.s32 @!p1 $0x0  }
0xb8: {  	[tilespmem:s7], [sflag:$0x5] =	stream.linear.gather @!p1 [hbm4b:s2+s0], $0x400, $0x38;
	[tilespmem:$0x1FC00] =	vst v63  }
0xb9: {  	_ =	swait.ge @!p1 [sflag:s8], $0x400  }
0xba: {  	[sflag:s8] =	ssyncset.done @!p1 $0x0  }
0xbb: {  	[sflag:s8] =	ssyncadd.s32 @!p1 $0xFFFFFC00  }
0xbc: {  	_ =	swait.ge [sflag:s22], $0x4000  }
0xbd: {  	[sflag:s22] =	ssyncset.done $0x0  }
0xbe: {  	s7 =	sor.u32 $0x3C00, s30;
	[sflag:s22] =	ssyncadd.s32 $0xFFFFC000  }
0xbf: {  	[spmem:s4] =	stream.indirect.scatter.add.f32 [tilespmem:s17], [sflag:$0x3], $0x80, s7, s20, $0xb8;
	[tilespmem:$0x1FC00] =	vst v63  }
0xc0: {  	_ =	swait.ge [sflag:s23], $0x4000  }
0xc1: {  	[sflag:s23] =	ssyncset.done $0x0  }
0xc2: {  	s8 =	sadd.s32 $0x3C80, s30;
	[sflag:s23] =	ssyncadd.s32 $0xFFFFC000  }
0xc3: {  	[spmem:s4] =	stream.indirect.scatter.add.f32 [tilespmem:s21], [sflag:$0x4], $0x80, s8, s20, $0xb8;
	[tilespmem:$0x1FC00] =	vst v63  }
0xc4: {  	_ =	swait.ge [sflag:s25], $0x4000  }
0xc5: {  	s9 =	sadd.s32 $0x100, s29;
	[sflag:s25] =	ssyncset.done $0x0  }
0xc6: {  	s24 =	sadd.s32 $0xFFFFFF80, s9;
	[sflag:s25] =	ssyncadd.s32 $0xFFFFC000  }
0xc7: {  	[tilespmem:s17], [sflag:$0x1] =	stream.indirect.gather [hbm4b:s1+s20], $0x80, s24, s20, $0xb8;
	[tilespmem:$0x1FC00] =	vst v63  }
0xc8: {  	_ =	swait.ge [sflag:s28], $0x4000  }
0xc9: {  	[sflag:s28] =	ssyncset.done $0x0  }
0xca: {  	[sflag:s28] =	ssyncadd.s32 $0xFFFFC000  }
0xcb: {  	[tilespmem:s21], [sflag:$0x2] =	stream.indirect.gather [hbm4b:s1+s20], $0x80, s9, s20, $0xb8;
	[tilespmem:$0x1FC00] =	vst v63  }
0xcc: {  	_ =	swait.ge [sflag:s22], $0x4000  }
0xcd: {  	[sflag:s22] =	ssyncset.done $0x0  }
0xce: {  	s29 =	simm.s32 $0x3F00;
	[sflag:s22] =	ssyncadd.s32 $0xFFFFC000  }
0xcf: {  	[spmem:s4] =	stream.indirect.scatter.add.f32 [tilespmem:s17], [sflag:$0x3], $0x80, s29, s20, $0xb8;
	[tilespmem:$0x1FC00] =	vst v63  }
0xd0: {  	_ =	swait.ge [sflag:s23], $0x4000  }
0xd1: {  	[sflag:s23] =	ssyncset.done $0x0  }
0xd2: {  	s30 =	simm.s32 $0x3F80;
	[sflag:s23] =	ssyncadd.s32 $0xFFFFC000  }
0xd3: {  	[spmem:s4] =	stream.indirect.scatter.add.f32 [tilespmem:s21], [sflag:$0x4], $0x80, s30, s20, $0xb8;
	[tilespmem:$0x1FC00] =	vst v63  }
0xd4: {  	_ =	swait.ge [sflag:s25], $0x4000  }
0xd5: {  	[sflag:s25] =	ssyncset.done $0x0  }
0xd6: {  	s31 =	simm.s32 $0x1380;
	[sflag:s25] =	ssyncadd.s32 $0xFFFFC000  }
0xd7: {  	[tilespmem:s17], [sflag:$0x1] =	stream.indirect.gather [hbm4b:s1+s20], $0x80, s31, s20, $0xb8;
	[tilespmem:$0x1FC00] =	vst v63  }
.Ltmp5:
0xd8: {  	_ = 	snop;
	(pc) =	sbr.rel .LBB2_10-.Ltmp5, $4  }
0xd9: {  	_ =	swait.ge [sflag:s28], $0x4000  }
0xda: {  	[sflag:s28] =	ssyncset.done $0x0  }
0xdb: {  	[sflag:s28] =	ssyncadd.s32 $0xFFFFC000  }
0xdc: {  	[tilespmem:s21], [sflag:$0x2] =	stream.indirect.gather [hbm4b:s1+s20], $0x80, s31, s20, $0xb8;
	[tilespmem:$0x1FC00] =	vst v63  }
.LBB2_4:
0xdd: {  	[spmem:s4] =	stream.indirect.scatter.add.f32 [tilespmem:s21], [sflag:$0x4], $0x80, s0, s20, $0xb8;
	[tilespmem:$0x1FC00] =	vst v63  }
0xde: {  	_ =	swait.ge [sflag:s25], $0x4000  }
0xdf: {  	[sflag:s25] =	ssyncset.done $0x0  }
0xe0: {  	s24 =	simm.s32 $0x100;
	[sflag:s25] =	ssyncadd.s32 $0xFFFFC000  }
0xe1: {  	[tilespmem:s17], [sflag:$0x1] =	stream.indirect.gather [hbm4b:s1+s20], $0x80, s24, s20, $0xb8;
	[tilespmem:$0x1FC00] =	vst v63  }
0xe2: {  	s7 =	simm.s32 $0x2;
	_ =	swait.ge [sflag:s28], $0x4000  }
0xe3: {  	s0 =	sand.u32 $0x6, s7;
	[sflag:s28] =	ssyncset.done $0x0  }
0xe4: {  	s2 =	simm.s32 $0x180;
	p1 =	sne.s32 s0, $0x0;
	[sflag:s28] =	ssyncadd.s32 $0xFFFFC000  }
0xe5: {  	[tilespmem:s21], [sflag:$0x2] =	stream.indirect.gather [hbm4b:s1+s20], $0x80, s2, s20, $0xb8;
	[tilespmem:$0x1FC00] =	vst v63  }
0xe6: {  	s2 =	sadd.s32 @!p1 $0x0, s13  }
0xe7: {  	s7 =	simm.s32 @!p1 $0x5;
	s2 =	sshll.u32 @!p1 s2, $0x7  }
0xe8: {  	s30 =	simm.s32 @!p1 $0x3C00;
	s24 =	simm.s32 @!p1 $0x0;
	s2 =	sadd.s32 @!p1 s3, s2  }
0xe9: {  	[tilespmem:s30], [sflag:$0x5] =	stream.linear.gather @!p1 [hbm4b:s2+s24], $0x400, $0x38;
	[tilespmem:$0x1FC00] =	vst v63  }
0xea: {  	_ =	swait.ge @!p1 [sflag:s7], $0x400  }
0xeb: {  	[sflag:s7] =	ssyncset.done @!p1 $0x0  }
0xec: {  	[sflag:s7] =	ssyncadd.s32 @!p1 $0xFFFFFC00  }
0xed: {  	_ =	swait.ge [sflag:s22], $0x4000  }
0xee: {  	s0 =	sshll.u32 s0, $0x7;
	[sflag:s22] =	ssyncset.done $0x0  }
0xef: {  	s8 =	sor.u32 $0x3C00, s0;
	[sflag:s22] =	ssyncadd.s32 $0xFFFFC000  }
0xf0: {  	[spmem:s4] =	stream.indirect.scatter.add.f32 [tilespmem:s17], [sflag:$0x3], $0x80, s8, s20, $0xb8;
	[tilespmem:$0x1FC00] =	vst v63  }
0xf1: {  	_ =	swait.ge [sflag:s23], $0x4000  }
0xf2: {  	[sflag:s23] =	ssyncset.done $0x0  }
0xf3: {  	s0 =	sadd.s32 $0x3C80, s0;
	[sflag:s23] =	ssyncadd.s32 $0xFFFFC000  }
0xf4: {  	[spmem:s4] =	stream.indirect.scatter.add.f32 [tilespmem:s21], [sflag:$0x4], $0x80, s0, s20, $0xb8;
	[tilespmem:$0x1FC00] =	vst v63  }
0xf5: {  	s29 =	simm.s32 $0x280;
	_ =	swait.ge [sflag:s25], $0x4000  }
0xf6: {  	s2 =	simm.s32 $0x3;
	s30 =	simm.s32 $0x4;
	[sflag:s25] =	ssyncset.done $0x0  }
0xf7: {  	s24 =	simm.s32 $0x200;
	s9 =	sand.u32 $0x6, s30;
	[sflag:s25] =	ssyncadd.s32 $0xFFFFC000  }
0xf8: {  	[tilespmem:s17], [sflag:$0x1] =	stream.indirect.gather [hbm4b:s1+s20], $0x80, s24, s20, $0xb8;
	[tilespmem:$0x1FC00] =	vst v63  }
0xf9: {  	s31 =	sshll.u32 s9, $0x7;
	p1 =	sne.s32 s9, $0x0;
	_ =	swait.ge [sflag:s28], $0x4000  }
0xfa: {  	s7 =	simm.s32 @!p1 $0x0;
	s0 =	simm.s32 $0x280;
	[sflag:s28] =	ssyncset.done $0x0  }
.LBB2_5:
0xfb: {  	s7 =	sadd.s32 @!p1 s13, s7  }
0xfc: {  	s29 =	sadd.s32 $0x100, s29;
	s24 =	smov.u32 s2;
	s2 =	sadd.s32 $0x1, s2  }
0xfd: {  	s8 =	simm.s32 @!p1 $0x5;
	s7 =	sshll.u32 @!p1 s7, $0x7;
	[sflag:s28] =	ssyncadd.s32 $0xFFFFC000  }
0xfe: {  	[tilespmem:s21], [sflag:$0x2] =	stream.indirect.gather [hbm4b:s1+s20], $0x80, s0, s20, $0xb8;
	[tilespmem:$0x1FC00] =	vst v63  }
0xff: {  	s9 =	simm.s32 @!p1 $0x3C00;
	s0 =	sadd.s32 @!p1 s3, s7;
	s7 =	simm.s32 @!p1 $0x0  }
0x100: {  	[tilespmem:s9], [sflag:$0x5] =	stream.linear.gather @!p1 [hbm4b:s0+s7], $0x400, $0x38;
	[tilespmem:$0x1FC00] =	vst v63  }
0x101: {  	p2 =	seq.s32 s2, $0x3B;
	s0 =	smov.u32 s29;
	_ =	swait.ge @!p1 [sflag:s8], $0x400  }
0x102: {  	[sflag:s8] =	ssyncset.done @!p1 $0x0  }
0x103: {  	[sflag:s8] =	ssyncadd.s32 @!p1 $0xFFFFFC00  }
0x104: {  	_ =	swait.ge [sflag:s22], $0x4000  }
0x105: {  	[sflag:s22] =	ssyncset.done $0x0  }
0x106: {  	s7 =	sor.u32 $0x3C00, s31;
	[sflag:s22] =	ssyncadd.s32 $0xFFFFC000  }
0x107: {  	[spmem:s4] =	stream.indirect.scatter.add.f32 [tilespmem:s17], [sflag:$0x3], $0x80, s7, s20, $0xb8;
	[tilespmem:$0x1FC00] =	vst v63  }
0x108: {  	_ =	swait.ge [sflag:s23], $0x4000  }
0x109: {  	[sflag:s23] =	ssyncset.done $0x0  }
0x10a: {  	s7 =	sadd.s32 $0x3C80, s31;
	[sflag:s23] =	ssyncadd.s32 $0xFFFFC000  }
0x10b: {  	[spmem:s4] =	stream.indirect.scatter.add.f32 [tilespmem:s21], [sflag:$0x4], $0x80, s7, s20, $0xb8;
	[tilespmem:$0x1FC00] =	vst v63  }
0x10c: {  	_ =	swait.ge [sflag:s25], $0x4000  }
.Ltmp6:
0x10d: {  	s30 =	sadd.s32 $0x2, s30;
	[sflag:s25] =	ssyncset.done $0x0;
	(pc) =	sbr.rel @!p2 .LBB2_5-.Ltmp6, $4  }
0x10e: {  	s8 =	sadd.s32 $0xFFFFFF80, s29;
	s7 =	sand.u32 $0x6, s30;
	[sflag:s25] =	ssyncadd.s32 $0xFFFFC000  }
0x10f: {  	[tilespmem:s17], [sflag:$0x1] =	stream.indirect.gather [hbm4b:s1+s20], $0x80, s8, s20, $0xb8;
	[tilespmem:$0x1FC00] =	vst v63  }
0x110: {  	p1 =	sne.s32 s7, $0x0;
	s31 =	sshll.u32 s7, $0x7;
	_ =	swait.ge [sflag:s28], $0x4000  }
0x111: {  	s7 =	sshrl.u32 @!p1 s24, $0x2;
	[sflag:s28] =	ssyncset.done $0x0  }
.Ltmp7:
0x112: {  	_ = 	snop;
	(pc) =	sbr.rel .LBB2_6-.Ltmp7, $1  }
0x113: {  	_ =	sdelay $0x3  }
.LBB2_11:
0x114: {  	_ =	sfence.sel $0x180000  }
0x115: {  	[bflag:$0x0] =	sbarrier.arrive $0xFFFF  }
0x116: {  	_ =	strace $0x9000004A  }
0x117: {  	s0 =	stileid.u32;
	[bflag:$0x2] =	sbarrier.arrive $0xFFFF  }
0x118: {  	p0 =	sne.s32 s0, $0x0;
	s0 =	rddreg [dreg:$0x4]  }
0x119: {  	s0 =	sadd.s32 @!p0 $0x100000, s0  }
0x11a: {  	[sflag:s0] =	ssyncadd.tile.s32 @!p0 $0x1;
	_ =	shalt  }
.Lfunc_end2:
_tile_overlayer_lowered:
.L_overlay_start_2:
0x11b: {  	(tag) =	ssettag $0x2  }
0x11c: {  	s0 =	rddreg [dreg:$0x0];
	s2 =	stileid.u32  }
0x11d: {  	s1 =	rddreg [dreg:$0x1];
	p0 =	sne.s32 s2, $0x0  }
0x11e: {  	s3 =	rddreg [dreg:$0x2];
	[bflag:$0x3] =	sbarrier.arrive $0xFFFF;
	s2 =	simm.s32 @!p0 $0x1C05  }
0x11f: {  	[timem:s3], [sflag:s2] =	dma.local @!p0 [hbm:s0], s1  }
0x120: {  	s0 =	simm.s32 @!p0 $0x5  }
0x121: {  	_ =	swait.ge @!p0 [sflag:s0], s1  }
0x122: {  	s1 =	ssub.s32 @!p0 $0x0, s1;
	[sflag:s0] =	ssyncset.done @!p0 $0x0  }
0x123: {  	[sflag:s0] =	ssyncadd.s32 @!p0 s1  }
0x124: {  	[bflag:$0x3] =	sbarrier.arrive $0xFFFF  }
0x125: {  	_ =	shalt  }

// kernel: kernel.17.cloned.1.call-start
scs
__scs_entry_jumppad:
0x0: {  	(pc) =	sbr.rel $0x88, $3  }
0x1: {  	(tag) =	ssettag $0x0;
	lr =	simm.s32 $0x1  }
0x2: {  	[smem:$0x3F97] =	sst lr;
	_ =	strace $0xD0000000  }
0x3: {  	_ = 	snop  }
0x4: {  	_ = 	snop  }
0x5: {  	_ = 	snop  }
0x6: {  	_ = 	snop  }
0x7: {  	_ = 	snop  }
__scs_overlays_trampoline_lowered:
0x8: {  	[smem:$0x3FA6] =	sst s0  }
0x9: {  	[smem:$0x3FA7] =	sst s1  }
0xa: {  	[smem:$0x3FA8] =	sst s2  }
0xb: {  	[smem:$0x3FA9] =	sst s3  }
0xc: {  	[smem:$0x3FAA] =	sst s4  }
0xd: {  	[smem:$0x3FAB] =	sst s5  }
0xe: {  	[smem:$0x3FAC] =	sst s6  }
0xf: {  	[smem:$0x3FAD] =	sst s7  }
0x10: {  	[smem:$0x3FAE] =	sst s8  }
0x11: {  	[smem:$0x3FAF] =	sst s9;
	s0 =	simm.s32 @!p0 $0x0  }
0x12: {  	s1 =	sld [smem:$0x3F95];
	s0 =	simm.s32 @p0 $0x1  }
0x13: {  	[smem:$0x3FB0] =	sst s0;
	s0 =	simm.s32 @!p1 $0x0  }
0x14: {  	s2 =	sld [smem:$0x3F94];
	s0 =	simm.s32 @p1 $0x1  }
0x15: {  	[smem:$0x3FB1] =	sst s0;
	s0 =	simm.s32 @!p2 $0x0  }
0x16: {  	s3 =	sld [smem:$0x3FDB];
	s0 =	simm.s32 @p2 $0x1  }
0x17: {  	s4 =	simm.s32 $0x1BF5;
	[smem:$0x3FB3] =	sst s0  }
0x18: {  	s0 =	sld [smem:$0x3F96];
	_ =	swait.ge [sflag:s4], $0x0  }
0x19: {  	s7 =	sld [smem:$0x3F97]  }
0x1a: {  	s8 =	sadd.s32 $0xFFFFE003, lr  }
0x1b: {  	s9 =	sadd.s32 $0xFFFFFEF7, lr;
	s5 =	simm.s32 $0xFFFFFFFF;
	p2 =	slt.u32 s8, $0xFFFFF086  }
0x1c: {  	p1 =	slt.u32 s9, $0xF7A;
	s5 =	simm.s32 @!p2 $0x0  }
0x1d: {  	s5 =	simm.s32 @p1 $0x1;
	p0 =	seq.s32 s7, s2  }
0x1e: {  	s7 =	smul.u32 @!p0 $0xF7A, s2;
	p2 =	seq.s32 @!p0 s5, $0x0  }
0x1f: {  	s9 =	smul.u32 $0xF7A, s1;
	s8 =	simm.s32 @!p0 $0x1BF5;
	p2 =	por !p2, p0  }
0x20: {  	[sflag:s8] =	ssyncset.s32 @!p0 $0xFFFFF086;
	s6 =	sadd.s32 @!p0 s3, s7;
	s7 =	simm.s32 @!p0 $0x108  }
0x21: {  	s3 =	sadd.s32 s3, s9;
	s6 =	sadd.s32 @!p0 $0x88, s6;
	s7 =	simm.s32 @p2 $0x1082  }
0x22: {  	[simem:s7], [sflag:s8] =	dma.local @!p0 [hbm:s6], $0xF7A  }
0x23: {  	s9 =	sor.u32 $0xD0000000, s2;
	s6 =	simm.s32 $0x108;
	_ =	swait.ge @!p0 [sflag:s8], $0x0  }
0x24: {  	s3 =	sadd.s32 $0x88, s3;
	s6 =	simm.s32 @!p1 $0x1082;
	[sflag:s4] =	ssyncset.s32 $0xFFFFF086  }
0x25: {  	[simem:s6], [sflag:s4] =	dma.local [hbm:s3], $0xF7A  }
0x26: {  	[smem:$0x3F97] =	sst s1;
	(tag) =	ssettag s2;
	_ =	strace s9  }
0x27: {  	s1 =	sld [smem:$0x3FA7]  }
0x28: {  	s2 =	sld [smem:$0x3FA8]  }
0x29: {  	s4 =	sld [smem:$0x3FAA]  }
0x2a: {  	p0 =	seq.s32 s5, $0x0;
	s5 =	sld [smem:$0x3FAB]  }
0x2b: {  	s6 =	sld [smem:$0x3FAC]  }
0x2c: {  	s7 =	sld [smem:$0x3FAD]  }
0x2d: {  	s3 =	simm.s32 $0x108;
	s8 =	sld [smem:$0x3FAE]  }
0x2e: {  	s3 =	simm.s32 @!p0 $0x1082;
	s9 =	sld [smem:$0x3FAF]  }
0x2f: {  	lr =	sadd.s32 s0, s3;
	s0 =	sld [smem:$0x3FA6]  }
0x30: {  	s3 =	sld [smem:$0x3FA9]  }
0x31: {  	[smem:$0x3FB2] =	sst s10  }
0x32: {  	s10 =	sld [smem:$0x3FB0];
	_ =	sdelay $0x3  }
0x33: {  	p0 =	seq.s32 s10, $0x1;
	s10 =	sld [smem:$0x3FB2];
	_ =	sdelay $0x3  }
0x34: {  	[smem:$0x3FB2] =	sst s10  }
0x35: {  	s10 =	sld [smem:$0x3FB1];
	_ =	sdelay $0x3  }
0x36: {  	p1 =	seq.s32 s10, $0x1;
	s10 =	sld [smem:$0x3FB2];
	_ =	sdelay $0x3  }
0x37: {  	[smem:$0x3FB2] =	sst s10  }
0x38: {  	s10 =	sld [smem:$0x3FB3]  }
0x39: {  	_ = 	snop;
	(pc) =	sbr.ind lr, $3  }
0x3a: {  	_ = 	snop  }
0x3b: {  	_ = 	snop  }
0x3c: {  	p2 =	seq.s32 s10, $0x1;
	s10 =	sld [smem:$0x3FB2]  }
0x3d: {  	_ =	shalt  }
0x3e: {  	_ =	shalt  }
0x3f: {  	_ =	shalt  }
0x40: {  	_ =	shalt  }
0x41: {  	_ =	shalt  }
0x42: {  	_ =	shalt  }
0x43: {  	_ =	shalt  }
0x44: {  	_ =	shalt  }
0x45: {  	_ =	shalt  }
0x46: {  	_ =	shalt  }
0x47: {  	_ =	shalt  }
0x48: {  	_ =	shalt  }
0x49: {  	_ =	shalt  }
0x4a: {  	_ =	shalt  }
0x4b: {  	_ =	shalt  }
0x4c: {  	_ =	shalt  }
0x4d: {  	_ =	shalt  }
0x4e: {  	_ =	shalt  }
0x4f: {  	_ =	shalt  }
0x50: {  	_ =	shalt  }
0x51: {  	_ =	shalt  }
0x52: {  	_ =	shalt  }
0x53: {  	_ =	shalt  }
0x54: {  	_ =	shalt  }
0x55: {  	_ =	shalt  }
0x56: {  	_ =	shalt  }
0x57: {  	_ =	shalt  }
0x58: {  	_ =	shalt  }
0x59: {  	_ =	shalt  }
0x5a: {  	_ =	shalt  }
0x5b: {  	_ =	shalt  }
0x5c: {  	_ =	shalt  }
0x5d: {  	_ =	shalt  }
0x5e: {  	_ =	shalt  }
0x5f: {  	_ =	shalt  }
0x60: {  	_ =	shalt  }
0x61: {  	_ =	shalt  }
0x62: {  	_ =	shalt  }
0x63: {  	_ =	shalt  }
0x64: {  	_ =	shalt  }
0x65: {  	_ =	shalt  }
0x66: {  	_ =	shalt  }
0x67: {  	_ =	shalt  }
0x68: {  	_ =	shalt  }
0x69: {  	_ =	shalt  }
0x6a: {  	_ =	shalt  }
0x6b: {  	_ =	shalt  }
0x6c: {  	_ =	shalt  }
0x6d: {  	_ =	shalt  }
0x6e: {  	_ =	shalt  }
0x6f: {  	_ =	shalt  }
0x70: {  	_ =	shalt  }
0x71: {  	_ =	shalt  }
0x72: {  	_ =	shalt  }
0x73: {  	_ =	shalt  }
0x74: {  	_ =	shalt  }
0x75: {  	_ =	shalt  }
0x76: {  	_ =	shalt  }
0x77: {  	_ =	shalt  }
0x78: {  	_ =	shalt  }
0x79: {  	_ =	shalt  }
0x7a: {  	_ =	shalt  }
0x7b: {  	_ =	shalt  }
0x7c: {  	_ =	shalt  }
0x7d: {  	_ =	shalt  }
0x7e: {  	_ =	shalt  }
0x7f: {  	_ =	shalt  }
0x80: {  	_ =	shalt  }
0x81: {  	_ =	shalt  }
0x82: {  	_ =	shalt  }
0x83: {  	_ =	shalt  }
0x84: {  	_ =	shalt  }
0x85: {  	_ =	shalt  }
0x86: {  	_ =	shalt  }
0x87: {  	_ =	shalt  }
.Lfunc_end0:
.L_simem_size_0:
called_computation.2_lowered:
.L_overlay_start_0:
0x88: {  	s2 =	sld [smem:$0x3FD9]  }
0x89: {  	s3 =	sld [smem:$0x3FFE];
	_ =	sdelay $0x1  }
0x8a: {  	s1 =	srdreg.scid  }
0x8b: {  	s0 =	sand.u32 $0x1, s1  }
0x8c: {  	s14 =	sshll.u32 s0, $0xA;
	s2 =	sadd.s32 s3, s2  }
0x8d: {  	s2 =	sadd.s32 s2, s14  }
0x8e: {  	[smem:$0x3FBE] =	sst s2  }
0x8f: {  	_ = 	snop  }
0x90: {  	s2 =	sld [smem:$0x3FD0];
	_ =	sdelay $0x2  }
0x91: {  	s15 =	simm.s32 $0xB;
	s4 =	simm.s32 $0x10  }
0x92: {  	[smem:s4], [sflag:s15] =	dma.local [hbm:s2], $0x1  }
0x93: {  	_ =	swait.eq [sflag:s15], $0x1  }
0x94: {  	[sflag:s15] =	ssyncset.done $0x0  }
0x95: {  	s16 =	sld [smem:$0x10];
	[sflag:s15] =	ssyncadd.s32 $0xFFFFFFFF  }
0x96: {  	s17 =	sld [smem:$0x11];
	(tm) =	ssettm $0x1  }
0x97: {  	s18 =	sld [smem:$0x3FFB];
	_ =	sdelay $0x3  }
0x98: {  	_ =	strace s18  }
0x99: {  	s4 =	sld [smem:$0x3FFC];
	_ =	sdelay $0x3  }
0x9a: {  	_ =	strace s4  }
0x9b: {  	s4 =	sld [smem:$0x3FFD];
	_ =	sdelay $0x3  }
0x9c: {  	_ =	strace s4  }
0x9d: {  	_ =	strace $0x8FFFFFFF  }
0x9e: {  	s19 =	sld [smem:$0x3FDB];
	_ =	sdelay $0x1  }
0x9f: {  	s5 =	simm.s32 $_scs_section_size  }
0xa0: {  	s6 =	simm.s32 $_size__tile_overlayer_lowered;
	s7 =	simm.s32 $_tile_overlayer_lowered  }
0xa1: {  	s22 =	simm.s32 $0x1BFF;
	s21 =	sshll.u32 s7, $0x1;
	s4 =	sadd.s32 s5, s19  }
0xa2: {  	s8 =	simm.s32 $0x0;
	s20 =	sshll.u32 s6, $0x1;
	s6 =	sadd.s32 s21, s4  }
0xa3: {  	[timem:s8], [sflag:s22] =	dma.local [hbm:s6], s20  }
0xa4: {  	_ =	swait.ge [sflag:s22], s20  }
0xa5: {  	s5 =	ssub.s32 $0x0, s20;
	[sflag:s22] =	ssyncset.done $0x0  }
0xa6: {  	[sflag:s22] =	ssyncadd.s32 s5;
	_ =	sdelay $0x1  }
0xa7: {  	s23 =	simm.s32 $0x1B8B  }
0xa8: {  	_ =	swait.ge [sflag:s23], $0x1  }
0xa9: {  	[sflag:s23] =	ssyncset.done $0x0  }
0xaa: {  	s25 =	simm.s32 $0x1B8E;
	s24 =	sld [smem:$0x3FFE];
	[sflag:s23] =	ssyncadd.s32 $0xFFFFFFFF  }
0xab: {  	s26 =	simm.s32 $execute0_lowered;
	[smem:$0x3FD2] =	sst s25  }
0xac: {  	s6 =	sshll.u32 s26, $0x1;
	_ =	strace $0x8000004C;
	[dreg:$0x1] =	wrdreg $0xFFFFFFFF  }
0xad: {  	s28 =	simm.s32 $_size_execute0_lowered;
	s4 =	sadd.s32 s4, s6;
	[dreg:$0x0] =	wrdreg $0x0  }
0xae: {  	s6 =	sshll.u32 s28, $0x1;
	[dreg:$0x2] =	wrdreg s4  }
0xaf: {  	[dreg:$0x3] =	wrdreg s6  }
0xb0: {  	[dreg:$0x4] =	wrdreg $0xC0  }
0xb1: {  	_ =	task [dreg:s8], $0x5FFFF  }
0xb2: {  	[dreg:$0x1] =	wrdreg $0xFFFFFFFF  }
0xb3: {  	[dreg:$0x0] =	wrdreg $0x60  }
0xb4: {  	[dreg:$0x2] =	wrdreg s16  }
0xb5: {  	[dreg:$0x3] =	wrdreg s24  }
0xb6: {  	[dreg:$0x4] =	wrdreg s17  }
0xb7: {  	[dreg:$0x5] =	wrdreg $0xC0000  }
0xb8: {  	[dreg:$0x6] =	wrdreg $0x9  }
0xb9: {  	_ =	task.clear_ibuf [dreg:s8], $0x7FFFF;
	_ =	strace $0x9000004C  }
0xba: {  	s29 =	simm.s32 $0x9;
	_ =	strace $0x8000004E  }
0xbb: {  	_ =	swait.ge [sflag:s29], $0x1  }
0xbc: {  	[sflag:s29] =	ssyncadd.s32 $0xFFFFFFFF  }
0xbd: {  	_ =	strace $0x9000004E  }
0xbe: {  	_ =	sfence  }
0xbf: {  	s30 =	sld [smem:$0x0];
	_ =	sdelay $0x2  }
0xc0: {  	s31 =	sshll.u32 s1, $0xD;
	s1 =	sshrl.u32 s1, $0x2  }
0xc1: {  	s3 =	sand.u32 $0x4000, s31;
	s1 =	sadd.s32 s1, s30  }
0xc2: {  	s0 =	sor.u32 s3, s0;
	s1 =	sshll.u32 s1, $0x11  }
0xc3: {  	s0 =	sor.u32 s1, s0  }
0xc4: {  	s0 =	sadd.s32 $0x8F2B, s0  }
0xc5: {  	[sflag:s0] =	ssyncadd.remote.s32 $0x1  }
0xc6: {  	_ =	sfence.sel $0xFFFF  }
0xc7: {  	[dreg:$0x0] =	wrdreg $0xFFFFFFFF;
	(pc) =	sbr.abs _section_cstart, $3  }
0xc8: {  	[dreg:$0x1] =	wrdreg $0xFFFFFFFF  }
0xc9: {  	_ =	task.clear_ibuf [dreg:s8], $0x2FFFF;
	_ =	strace $0x9FFFFFFF  }
0xca: {  	(tm) =	ssettm $0x7FFFFFFF  }
0xcb: {  	_ =	shalt  }
tec
execute0_lowered:
.L_overlay_start_1:
0x0: {  	(tag) =	ssettag $0x1  }
0x1: {  	s1 =	rddreg [dreg:$0x0]  }
0x2: {  	s0 =	rddreg [dreg:$0x1]  }
0x3: {  	s2 =	srdreg.scid;
	s3 =	rddreg [dreg:$0x2]  }
0x4: {  	s9 =	stileid.u32;
	s4 =	rddreg [dreg:$0x3]  }
0x5: {  	s5 =	simm.s32 $0x0;
	s17 =	simm.s32 $0x4000;
	s18 =	simm.s32 $0x5  }
0x6: {  	s19 =	simm.s32 $0x3C00;
	s20 =	simm.s32 $0x80;
	s7 =	smul.u32 $0xA0, s9  }
0x7: {  	s21 =	simm.s32 $0x8000;
	s22 =	simm.s32 $0x1;
	s25 =	smul.u32 $0x13C00, s9  }
0x8: {  	s23 =	simm.s32 $0x2;
	s2 =	sand.u32 $0x1, s2;
	s9 =	smul.u32 $0x4F000, s9  }
0x9: {  	s28 =	simm.s32 $0x4;
	[smem:$0x7FF] =	sst s5;
	s6 =	smul.u32 $0x78, s2  }
0xa: {  	s8 =	smul.u32 $0x13C000, s2;
	_ =	strace $0x8000004D;
	s26 =	ssub.s32 $0x2, s2  }
0xb: {  	p0 =	seq.s32 s2, $0x1;
	s9 =	sshrl.u32 s9, $0x2;
	s13 =	sshrl.u32 s26, $0x1  }
0xc: {  	s14 =	sadd.s32 s6, s7;
	s6 =	sadd.s32 s25, s8;
	s16 =	ssub.s32 s26, s13  }
0xd: {  	s13 =	sshrl.u32 s7, $0x3;
	s25 =	simm.s32 $0x3;
	s26 =	simm.s32 $0x0  }
0xe: {  	s12 =	sshll.u32 s14, $0x4;
	s10 =	sshrl.u32 s6, $0x3;
	s6 =	sadd.s32 s9, s4  }
.Ltmp0:
0xf: {  	s14 =	sshrl.u32 s14, $0x3;
	s16 =	smax.u32 s16, $0x1;
	(pc) =	sbr.rel .LBB2_1-.Ltmp0, $4  }
0x10: {  	s11 =	sadd.s32 s12, s0;
	s0 =	sadd.s32 s10, s0;
	s29 =	sadd.s32 $0x4000, s6  }
0x11: {  	s30 =	sadd.s32 $0x8000, s6;
	s31 =	sadd.s32 $0xC000, s6;
	[dreg:$0x5] =	wrdreg s29  }
0x12: {  	s10 =	sadd.s32 $0x10000, s6;
	s12 =	sadd.s32 s3, s12;
	[dreg:$0x6] =	wrdreg s30  }
0x13: {  	v0 =	vimm.f32 $0.0e+00;
	[dreg:$0x7] =	wrdreg s31;
	s11 =	sadd.s32 $0x3E00, s11;
	s15 =	sadd.s32 $0xE400, s0  }
.LBB2_6:
0x14: {  	s2 =	sadd.s32 @!p1 s13, s7  }
0x15: {  	s7 =	simm.s32 @!p1 $0x5;
	[sflag:s28] =	ssyncadd.s32 $0xFFFFC000;
	s2 =	sshll.u32 @!p1 s2, $0x7  }
0x16: {  	[tilespmem:s21], [sflag:$0x2] =	stream.indirect.gather [hbm4b:s1+s20], $0x80, s0, s20, $0xb8;
	[tilespmem:$0x1FC00] =	vst v63  }
0x17: {  	s8 =	simm.s32 @!p1 $0x3C00;
	s0 =	sadd.s32 @!p1 s3, s2;
	s2 =	simm.s32 @!p1 $0x0  }
0x18: {  	[tilespmem:s8], [sflag:$0x5] =	stream.linear.gather @!p1 [hbm4b:s0+s2], $0x400, $0x38;
	[tilespmem:$0x1FC00] =	vst v63  }
0x19: {  	_ =	swait.ge @!p1 [sflag:s7], $0x400  }
0x1a: {  	[sflag:s7] =	ssyncset.done @!p1 $0x0  }
0x1b: {  	[sflag:s7] =	ssyncadd.s32 @!p1 $0xFFFFFC00  }
0x1c: {  	_ =	swait.ge [sflag:s22], $0x4000  }
0x1d: {  	[sflag:s22] =	ssyncset.done $0x0  }
0x1e: {  	s7 =	sor.u32 $0x3C00, s31;
	[sflag:s22] =	ssyncadd.s32 $0xFFFFC000  }
0x1f: {  	[spmem:s4] =	stream.indirect.scatter.add.f32 [tilespmem:s17], [sflag:$0x3], $0x80, s7, s20, $0xb8;
	[tilespmem:$0x1FC00] =	vst v63  }
0x20: {  	_ =	swait.ge [sflag:s23], $0x4000  }
0x21: {  	[sflag:s23] =	ssyncset.done $0x0  }
0x22: {  	s8 =	sadd.s32 $0x3C80, s31;
	[sflag:s23] =	ssyncadd.s32 $0xFFFFC000  }
0x23: {  	[spmem:s4] =	stream.indirect.scatter.add.f32 [tilespmem:s21], [sflag:$0x4], $0x80, s8, s20, $0xb8;
	[tilespmem:$0x1FC00] =	vst v63  }
0x24: {  	_ =	swait.ge [sflag:s25], $0x4000  }
0x25: {  	s9 =	sadd.s32 $0x100, s29;
	[sflag:s25] =	ssyncset.done $0x0  }
0x26: {  	s24 =	sadd.s32 $0xFFFFFF80, s9;
	[sflag:s25] =	ssyncadd.s32 $0xFFFFC000  }
0x27: {  	[tilespmem:s17], [sflag:$0x1] =	stream.indirect.gather [hbm4b:s1+s20], $0x80, s24, s20, $0xb8;
	[tilespmem:$0x1FC00] =	vst v63  }
0x28: {  	_ =	swait.ge [sflag:s28], $0x4000  }
0x29: {  	[sflag:s28] =	ssyncset.done $0x0  }
0x2a: {  	[sflag:s28] =	ssyncadd.s32 $0xFFFFC000  }
0x2b: {  	[tilespmem:s21], [sflag:$0x2] =	stream.indirect.gather [hbm4b:s1+s20], $0x80, s9, s20, $0xb8;
	[tilespmem:$0x1FC00] =	vst v63  }
0x2c: {  	_ =	swait.ge [sflag:s22], $0x4000  }
0x2d: {  	[sflag:s22] =	ssyncset.done $0x0  }
0x2e: {  	s29 =	simm.s32 $0x3F00;
	[sflag:s22] =	ssyncadd.s32 $0xFFFFC000  }
0x2f: {  	[spmem:s4] =	stream.indirect.scatter.add.f32 [tilespmem:s17], [sflag:$0x3], $0x80, s29, s20, $0xb8;
	[tilespmem:$0x1FC00] =	vst v63  }
0x30: {  	_ =	swait.ge [sflag:s23], $0x4000  }
0x31: {  	[sflag:s23] =	ssyncset.done $0x0  }
0x32: {  	s30 =	simm.s32 $0x3F80;
	[sflag:s23] =	ssyncadd.s32 $0xFFFFC000  }
0x33: {  	[spmem:s4] =	stream.indirect.scatter.add.f32 [tilespmem:s21], [sflag:$0x4], $0x80, s30, s20, $0xb8;
	[tilespmem:$0x1FC00] =	vst v63  }
0x34: {  	_ =	swait.ge [sflag:s25], $0x4000  }
0x35: {  	[sflag:s25] =	ssyncset.done $0x0  }
0x36: {  	s31 =	simm.s32 $0x3B80;
	[sflag:s25] =	ssyncadd.s32 $0xFFFFC000  }
0x37: {  	[tilespmem:s17], [sflag:$0x1] =	stream.indirect.gather [hbm4b:s1+s20], $0x80, s31, s20, $0xb8;
	[tilespmem:$0x1FC00] =	vst v63  }
0x38: {  	_ =	swait.ge [sflag:s28], $0x4000  }
0x39: {  	[sflag:s28] =	ssyncset.done $0x0  }
0x3a: {  	[sflag:s28] =	ssyncadd.s32 $0xFFFFC000  }
0x3b: {  	[tilespmem:s21], [sflag:$0x2] =	stream.indirect.gather [hbm4b:s1+s20], $0x80, s31, s20, $0xb8;
	[tilespmem:$0x1FC00] =	vst v63  }
.LBB2_10:
0x3c: {  	_ =	swait.ge [sflag:s22], $0x4000  }
0x3d: {  	[sflag:s22] =	ssyncset.done $0x0  }
0x3e: {  	[sflag:s22] =	ssyncadd.s32 $0xFFFFC000  }
0x3f: {  	s0 =	stileid.u32;
	_ =	swait.ge [sflag:s23], $0x4000  }
0x40: {  	s2 =	sshrl.u32 s6, $0x3;
	s26 =	sadd.s32 $0x1, s26;
	[sflag:s23] =	ssyncset.done $0x0  }
0x41: {  	s0 =	sshll.u32 s0, $0x6;
	p1 =	sne.s32 s26, s16;
	[sflag:s23] =	ssyncadd.s32 $0xFFFFC000  }
.Ltmp1:
0x42: {  	s0 =	sor.u32 $0x1C05, s0;
	[bflag:$0x0] =	sbarrier.arrive $0xFFFF;
	(pc) =	sbr.rel @!p1 .LBB2_11-.Ltmp1, $4  }
0x43: {  	[hbm:s15], [sflag:s0] =	dma.local [spmem:s2], $0x2780  }
0x44: {  	_ =	swait.ge [sflag:s18], $0x2780  }
0x45: {  	[sflag:s18] =	ssyncset.done $0x0  }
0x46: {  	[sflag:s18] =	ssyncadd.s32 $0xFFFFD880  }
.LBB2_1:
0x47: {  	s0 =	simm.s32 $0x0;
	s2 =	simm.s32 $0x200  }
.LBB2_2:
0x48: {  	p1 =	sne.s32 s2, $0xFE00;
	[tilespmem:s0+$0x4070] =	vst v0  }
0x49: {  	[tilespmem:s0+$0x4000] =	vst v0  }
0x4a: {  	[tilespmem:s0+$0x4010] =	vst v0  }
.Ltmp2:
0x4b: {  	[tilespmem:s0+$0x4020] =	vst v0;
	(pc) =	sbr.rel @p1 .LBB2_2-.Ltmp2, $4  }
0x4c: {  	[tilespmem:s0+$0x4030] =	vst v0  }
0x4d: {  	[tilespmem:s0+$0x4040] =	vst v0  }
0x4e: {  	[tilespmem:s0+$0x4050] =	vst v0  }
0x4f: {  	[tilespmem:s0+$0x4060] =	vst v0;
	s0 =	sshra.s32 s2, $0x2;
	s2 =	sadd.s32 $0x200, s2  }
0x50: {  	[tilespmem:s0+$0x4070] =	vst v0  }
0x51: {  	[tilespmem:s0+$0x4000] =	vst v0  }
0x52: {  	[tilespmem:s0+$0x4010] =	vst v0  }
0x53: {  	[tilespmem:s0+$0x4020] =	vst v0  }
0x54: {  	[tilespmem:s0+$0x4030] =	vst v0  }
0x55: {  	[tilespmem:s0+$0x4040] =	vst v0  }
0x56: {  	[tilespmem:s0+$0x4050] =	vst v0  }
0x57: {  	[tilespmem:s0+$0x4060] =	vst v0  }
0x58: {  	[spmem:s6] =	stream.linear.scatter [tilespmem:s17], [sflag:$0x5], $0x4000, $0x38;
	[tilespmem:$0x1FC00] =	vst v63  }
0x59: {  	_ =	swait.ge [sflag:s18], $0x4000  }
0x5a: {  	[sflag:s18] =	ssyncset.done $0x0  }
0x5b: {  	s29 =	rddreg [dreg:$0x5];
	[sflag:s18] =	ssyncadd.s32 $0xFFFFC000  }
0x5c: {  	[spmem:s29] =	stream.linear.scatter [tilespmem:s17], [sflag:$0x5], $0x4000, $0x38;
	[tilespmem:$0x1FC00] =	vst v63  }
0x5d: {  	_ =	swait.ge [sflag:s18], $0x4000  }
0x5e: {  	[sflag:s18] =	ssyncset.done $0x0  }
0x5f: {  	s30 =	rddreg [dreg:$0x6];
	[sflag:s18] =	ssyncadd.s32 $0xFFFFC000  }
0x60: {  	[spmem:s30] =	stream.linear.scatter [tilespmem:s17], [sflag:$0x5], $0x4000, $0x38;
	[tilespmem:$0x1FC00] =	vst v63  }
0x61: {  	_ =	swait.ge [sflag:s18], $0x4000  }
0x62: {  	[sflag:s18] =	ssyncset.done $0x0  }
0x63: {  	s31 =	rddreg [dreg:$0x7];
	[sflag:s18] =	ssyncadd.s32 $0xFFFFC000  }
0x64: {  	[spmem:s31] =	stream.linear.scatter [tilespmem:s17], [sflag:$0x5], $0x4000, $0x38;
	[tilespmem:$0x1FC00] =	vst v63  }
0x65: {  	_ =	swait.ge [sflag:s18], $0x4000  }
0x66: {  	[sflag:s18] =	ssyncset.done $0x0  }
0x67: {  	[sflag:s18] =	ssyncadd.s32 $0xFFFFC000  }
0x68: {  	[spmem:s10] =	stream.linear.scatter [tilespmem:s17], [sflag:$0x5], $0x3C00, $0x38;
	[tilespmem:$0x1FC00] =	vst v63  }
0x69: {  	_ =	swait.ge [sflag:s18], $0x3C00  }
0x6a: {  	[sflag:s18] =	ssyncset.done $0x0  }
0x6b: {  	[sflag:s18] =	ssyncadd.s32 $0xFFFFC400  }
0x6c: {  	[bflag:$0x0] =	sbarrier.arrive $0xFFFF  }
0x6d: {  	[tilespmem:s5], [sflag:$0x5] =	stream.linear.gather [hbm4b:s11+s5], $0x3C00, $0x38;
	[tilespmem:$0x1FC00] =	vst v63  }
0x6e: {  	_ =	swait.ge [sflag:s18], $0x3C00  }
0x6f: {  	[sflag:s18] =	ssyncset.done $0x0  }
0x70: {  	[sflag:s18] =	ssyncadd.s32 $0xFFFFC400  }
0x71: {  	[tilespmem:s19], [sflag:$0x5] =	stream.linear.gather [hbm4b:s12+s5], $0x400, $0x38;
	[tilespmem:$0x1FC00] =	vst v63  }
0x72: {  	_ =	swait.ge [sflag:s18], $0x400  }
0x73: {  	[sflag:s18] =	ssyncset.done $0x0  }
0x74: {  	[sflag:s18] =	ssyncadd.s32 $0xFFFFFC00  }
0x75: {  	[tilespmem:s17], [sflag:$0x1] =	stream.indirect.gather [hbm4b:s1+s20], $0x80, s5, s20, $0xb8;
	[tilespmem:$0x1FC00] =	vst v63  }
0x76: {  	_ = 	snop  }
0x77: {  	[tilespmem:s21], [sflag:$0x2] =	stream.indirect.gather [hbm4b:s1+s20], $0x80, s20, s20, $0xb8;
	[tilespmem:$0x1FC00] =	vst v63  }
0x78: {  	_ =	swait.ge [sflag:s22], $0x4000  }
0x79: {  	[sflag:s22] =	ssyncset.done $0x0  }
.Ltmp3:
0x7a: {  	[sflag:s22] =	ssyncadd.s32 $0xFFFFC000;
	(pc) =	sbr.rel @!p0 .LBB2_4-.Ltmp3, $4  }
0x7b: {  	[spmem:s4] =	stream.indirect.scatter.add.f32 [tilespmem:s17], [sflag:$0x3], $0x80, s19, s20, $0xb8;
	[tilespmem:$0x1FC00] =	vst v63  }
0x7c: {  	_ =	swait.ge [sflag:s23], $0x4000  }
0x7d: {  	[sflag:s23] =	ssyncset.done $0x0  }
0x7e: {  	s0 =	simm.s32 $0x3C80;
	[sflag:s23] =	ssyncadd.s32 $0xFFFFC000  }
0x7f: {  	[spmem:s4] =	stream.indirect.scatter.add.f32 [tilespmem:s21], [sflag:$0x4], $0x80, s0, s20, $0xb8;
	[tilespmem:$0x1FC00] =	vst v63  }
0x80: {  	_ =	swait.ge [sflag:s25], $0x4000  }
0x81: {  	[sflag:s25] =	ssyncset.done $0x0  }
0x82: {  	s24 =	simm.s32 $0x100;
	[sflag:s25] =	ssyncadd.s32 $0xFFFFC000  }
0x83: {  	[tilespmem:s17], [sflag:$0x1] =	stream.indirect.gather [hbm4b:s1+s20], $0x80, s24, s20, $0xb8;
	[tilespmem:$0x1FC00] =	vst v63  }
0x84: {  	s7 =	simm.s32 $0x2;
	_ =	swait.ge [sflag:s28], $0x4000  }
0x85: {  	s0 =	sand.u32 $0x6, s7;
	[sflag:s28] =	ssyncset.done $0x0  }
0x86: {  	s2 =	simm.s32 $0x180;
	p1 =	sne.s32 s0, $0x0;
	[sflag:s28] =	ssyncadd.s32 $0xFFFFC000  }
0x87: {  	[tilespmem:s21], [sflag:$0x2] =	stream.indirect.gather [hbm4b:s1+s20], $0x80, s2, s20, $0xb8;
	[tilespmem:$0x1FC00] =	vst v63  }
0x88: {  	s2 =	sadd.s32 @!p1 $0x0, s14  }
0x89: {  	s2 =	sshll.u32 @!p1 s2, $0x7  }
0x8a: {  	s7 =	simm.s32 @!p1 $0x0;
	s2 =	sand.u32 @!p1 $0x1FFFFF80, s2  }
0x8b: {  	s8 =	simm.s32 @!p1 $0x3C00;
	s9 =	simm.s32 @!p1 $0x5;
	s2 =	sadd.s32 @!p1 s3, s2  }
0x8c: {  	[tilespmem:s8], [sflag:$0x5] =	stream.linear.gather @!p1 [hbm4b:s2+s7], $0x400, $0x38;
	[tilespmem:$0x1FC00] =	vst v63  }
0x8d: {  	_ =	swait.ge @!p1 [sflag:s9], $0x400  }
0x8e: {  	[sflag:s9] =	ssyncset.done @!p1 $0x0  }
0x8f: {  	[sflag:s9] =	ssyncadd.s32 @!p1 $0xFFFFFC00  }
0x90: {  	_ =	swait.ge [sflag:s22], $0x4000  }
0x91: {  	s0 =	sshll.u32 s0, $0x7;
	[sflag:s22] =	ssyncset.done $0x0  }
0x92: {  	s8 =	sor.u32 $0x3C00, s0;
	[sflag:s22] =	ssyncadd.s32 $0xFFFFC000  }
0x93: {  	[spmem:s4] =	stream.indirect.scatter.add.f32 [tilespmem:s17], [sflag:$0x3], $0x80, s8, s20, $0xb8;
	[tilespmem:$0x1FC00] =	vst v63  }
0x94: {  	_ =	swait.ge [sflag:s23], $0x4000  }
0x95: {  	s29 =	simm.s32 $0x280;
	s31 =	simm.s32 $0x3;
	[sflag:s23] =	ssyncset.done $0x0  }
0x96: {  	s2 =	simm.s32 $0x4;
	s0 =	sadd.s32 $0x3C80, s0;
	[sflag:s23] =	ssyncadd.s32 $0xFFFFC000  }
0x97: {  	[spmem:s4] =	stream.indirect.scatter.add.f32 [tilespmem:s21], [sflag:$0x4], $0x80, s0, s20, $0xb8;
	[tilespmem:$0x1FC00] =	vst v63  }
0x98: {  	s24 =	simm.s32 $0x200;
	s9 =	sand.u32 $0x6, s2;
	_ =	swait.ge [sflag:s25], $0x4000  }
0x99: {  	p1 =	sne.s32 s9, $0x0;
	s30 =	sshll.u32 s9, $0x7;
	[sflag:s25] =	ssyncset.done $0x0  }
0x9a: {  	s7 =	sadd.s32 @!p1 $0x0, s14;
	s0 =	simm.s32 $0x280;
	[sflag:s25] =	ssyncadd.s32 $0xFFFFC000  }
.LBB2_8:
0x9b: {  	s7 =	sshll.u32 @!p1 s7, $0x7  }
0x9c: {  	s29 =	sadd.s32 $0x100, s29;
	s8 =	smov.u32 s31;
	s31 =	sadd.s32 $0x1, s31  }
0x9d: {  	[tilespmem:s17], [sflag:$0x1] =	stream.indirect.gather [hbm4b:s1+s20], $0x80, s24, s20, $0xb8;
	[tilespmem:$0x1FC00] =	vst v63  }
0x9e: {  	p2 =	sne.s32 s31, $0x13;
	s7 =	sand.u32 @!p1 $0x1FFFFF80, s7;
	_ =	swait.ge [sflag:s28], $0x4000  }
0x9f: {  	s7 =	sadd.s32 @!p1 s3, s7;
	[sflag:s28] =	ssyncset.done $0x0  }
0xa0: {  	[sflag:s28] =	ssyncadd.s32 $0xFFFFC000  }
0xa1: {  	[tilespmem:s21], [sflag:$0x2] =	stream.indirect.gather [hbm4b:s1+s20], $0x80, s0, s20, $0xb8;
	[tilespmem:$0x1FC00] =	vst v63  }
0xa2: {  	s9 =	simm.s32 @!p1 $0x3C00;
	s24 =	simm.s32 @!p1 $0x5;
	s0 =	simm.s32 @!p1 $0x0  }
0xa3: {  	[tilespmem:s9], [sflag:$0x5] =	stream.linear.gather @!p1 [hbm4b:s7+s0], $0x400, $0x38;
	[tilespmem:$0x1FC00] =	vst v63  }
0xa4: {  	s0 =	smov.u32 s29;
	_ =	swait.ge @!p1 [sflag:s24], $0x400  }
0xa5: {  	[sflag:s24] =	ssyncset.done @!p1 $0x0  }
0xa6: {  	[sflag:s24] =	ssyncadd.s32 @!p1 $0xFFFFFC00  }
0xa7: {  	_ =	swait.ge [sflag:s22], $0x4000  }
0xa8: {  	[sflag:s22] =	ssyncset.done $0x0  }
0xa9: {  	s7 =	sor.u32 $0x3C00, s30;
	[sflag:s22] =	ssyncadd.s32 $0xFFFFC000  }
0xaa: {  	[spmem:s4] =	stream.indirect.scatter.add.f32 [tilespmem:s17], [sflag:$0x3], $0x80, s7, s20, $0xb8;
	[tilespmem:$0x1FC00] =	vst v63  }
0xab: {  	s2 =	sadd.s32 $0x2, s2;
	_ =	swait.ge [sflag:s23], $0x4000  }
0xac: {  	s9 =	sadd.s32 $0x3C80, s30;
	s24 =	sadd.s32 $0xFFFFFF80, s29;
	[sflag:s23] =	ssyncset.done $0x0  }
.Ltmp4:
0xad: {  	s7 =	sand.u32 $0x6, s2;
	[sflag:s23] =	ssyncadd.s32 $0xFFFFC000;
	(pc) =	sbr.rel @p2 .LBB2_8-.Ltmp4, $4  }
0xae: {  	[spmem:s4] =	stream.indirect.scatter.add.f32 [tilespmem:s21], [sflag:$0x4], $0x80, s9, s20, $0xb8;
	[tilespmem:$0x1FC00] =	vst v63  }
0xaf: {  	p1 =	sne.s32 s7, $0x0;
	s30 =	sshll.u32 s7, $0x7;
	_ =	swait.ge [sflag:s25], $0x4000  }
0xb0: {  	s7 =	sshrl.u32 @!p1 s8, $0x2;
	[sflag:s25] =	ssyncset.done $0x0  }
0xb1: {  	s7 =	sadd.s32 @!p1 s14, s7;
	[sflag:s25] =	ssyncadd.s32 $0xFFFFC000  }
0xb2: {  	[tilespmem:s17], [sflag:$0x1] =	stream.indirect.gather [hbm4b:s1+s20], $0x80, s24, s20, $0xb8;
	[tilespmem:$0x1FC00] =	vst v63  }
0xb3: {  	_ =	swait.ge [sflag:s28], $0x4000  }
0xb4: {  	s2 =	sshll.u32 @!p1 s7, $0x7;
	[sflag:s28] =	ssyncset.done $0x0  }
0xb5: {  	s7 =	simm.s32 @!p1 $0x3C00;
	s2 =	sand.u32 @!p1 $0x1FFFFF80, s2;
	[sflag:s28] =	ssyncadd.s32 $0xFFFFC000  }
0xb6: {  	[tilespmem:s21], [sflag:$0x2] =	stream.indirect.gather [hbm4b:s1+s20], $0x80, s0, s20, $0xb8;
	[tilespmem:$0x1FC00] =	vst v63  }
0xb7: {  	s8 =	simm.s32 @!p1 $0x5;
	s2 =	sadd.s32 @!p1 s3, s2;
	s0 =	simm.s32 @!p1 $0x0  }
0xb8: {  	[tilespmem:s7], [sflag:$0x5] =	stream.linear.gather @!p1 [hbm4b:s2+s0], $0x400, $0x38;
	[tilespmem:$0x1FC00] =	vst v63  }
0xb9: {  	_ =	swait.ge @!p1 [sflag:s8], $0x400  }
0xba: {  	[sflag:s8] =	ssyncset.done @!p1 $0x0  }
0xbb: {  	[sflag:s8] =	ssyncadd.s32 @!p1 $0xFFFFFC00  }
0xbc: {  	_ =	swait.ge [sflag:s22], $0x4000  }
0xbd: {  	[sflag:s22] =	ssyncset.done $0x0  }
0xbe: {  	s7 =	sor.u32 $0x3C00, s30;
	[sflag:s22] =	ssyncadd.s32 $0xFFFFC000  }
0xbf: {  	[spmem:s4] =	stream.indirect.scatter.add.f32 [tilespmem:s17], [sflag:$0x3], $0x80, s7, s20, $0xb8;
	[tilespmem:$0x1FC00] =	vst v63  }
0xc0: {  	_ =	swait.ge [sflag:s23], $0x4000  }
0xc1: {  	[sflag:s23] =	ssyncset.done $0x0  }
0xc2: {  	s8 =	sadd.s32 $0x3C80, s30;
	[sflag:s23] =	ssyncadd.s32 $0xFFFFC000  }
0xc3: {  	[spmem:s4] =	stream.indirect.scatter.add.f32 [tilespmem:s21], [sflag:$0x4], $0x80, s8, s20, $0xb8;
	[tilespmem:$0x1FC00] =	vst v63  }
0xc4: {  	_ =	swait.ge [sflag:s25], $0x4000  }
0xc5: {  	s9 =	sadd.s32 $0x100, s29;
	[sflag:s25] =	ssyncset.done $0x0  }
0xc6: {  	s24 =	sadd.s32 $0xFFFFFF80, s9;
	[sflag:s25] =	ssyncadd.s32 $0xFFFFC000  }
0xc7: {  	[tilespmem:s17], [sflag:$0x1] =	stream.indirect.gather [hbm4b:s1+s20], $0x80, s24, s20, $0xb8;
	[tilespmem:$0x1FC00] =	vst v63  }
0xc8: {  	_ =	swait.ge [sflag:s28], $0x4000  }
0xc9: {  	[sflag:s28] =	ssyncset.done $0x0  }
0xca: {  	[sflag:s28] =	ssyncadd.s32 $0xFFFFC000  }
0xcb: {  	[tilespmem:s21], [sflag:$0x2] =	stream.indirect.gather [hbm4b:s1+s20], $0x80, s9, s20, $0xb8;
	[tilespmem:$0x1FC00] =	vst v63  }
0xcc: {  	_ =	swait.ge [sflag:s22], $0x4000  }
0xcd: {  	[sflag:s22] =	ssyncset.done $0x0  }
0xce: {  	s29 =	simm.s32 $0x3F00;
	[sflag:s22] =	ssyncadd.s32 $0xFFFFC000  }
0xcf: {  	[spmem:s4] =	stream.indirect.scatter.add.f32 [tilespmem:s17], [sflag:$0x3], $0x80, s29, s20, $0xb8;
	[tilespmem:$0x1FC00] =	vst v63  }
0xd0: {  	_ =	swait.ge [sflag:s23], $0x4000  }
0xd1: {  	[sflag:s23] =	ssyncset.done $0x0  }
0xd2: {  	s30 =	simm.s32 $0x3F80;
	[sflag:s23] =	ssyncadd.s32 $0xFFFFC000  }
0xd3: {  	[spmem:s4] =	stream.indirect.scatter.add.f32 [tilespmem:s21], [sflag:$0x4], $0x80, s30, s20, $0xb8;
	[tilespmem:$0x1FC00] =	vst v63  }
0xd4: {  	_ =	swait.ge [sflag:s25], $0x4000  }
0xd5: {  	[sflag:s25] =	ssyncset.done $0x0  }
0xd6: {  	s31 =	simm.s32 $0x1380;
	[sflag:s25] =	ssyncadd.s32 $0xFFFFC000  }
0xd7: {  	[tilespmem:s17], [sflag:$0x1] =	stream.indirect.gather [hbm4b:s1+s20], $0x80, s31, s20, $0xb8;
	[tilespmem:$0x1FC00] =	vst v63  }
.Ltmp5:
0xd8: {  	_ = 	snop;
	(pc) =	sbr.rel .LBB2_10-.Ltmp5, $4  }
0xd9: {  	_ =	swait.ge [sflag:s28], $0x4000  }
0xda: {  	[sflag:s28] =	ssyncset.done $0x0  }
0xdb: {  	[sflag:s28] =	ssyncadd.s32 $0xFFFFC000  }
0xdc: {  	[tilespmem:s21], [sflag:$0x2] =	stream.indirect.gather [hbm4b:s1+s20], $0x80, s31, s20, $0xb8;
	[tilespmem:$0x1FC00] =	vst v63  }
.LBB2_4:
0xdd: {  	[spmem:s4] =	stream.indirect.scatter.add.f32 [tilespmem:s21], [sflag:$0x4], $0x80, s0, s20, $0xb8;
	[tilespmem:$0x1FC00] =	vst v63  }
0xde: {  	_ =	swait.ge [sflag:s25], $0x4000  }
0xdf: {  	[sflag:s25] =	ssyncset.done $0x0  }
0xe0: {  	s24 =	simm.s32 $0x100;
	[sflag:s25] =	ssyncadd.s32 $0xFFFFC000  }
0xe1: {  	[tilespmem:s17], [sflag:$0x1] =	stream.indirect.gather [hbm4b:s1+s20], $0x80, s24, s20, $0xb8;
	[tilespmem:$0x1FC00] =	vst v63  }
0xe2: {  	s7 =	simm.s32 $0x2;
	_ =	swait.ge [sflag:s28], $0x4000  }
0xe3: {  	s0 =	sand.u32 $0x6, s7;
	[sflag:s28] =	ssyncset.done $0x0  }
0xe4: {  	s2 =	simm.s32 $0x180;
	p1 =	sne.s32 s0, $0x0;
	[sflag:s28] =	ssyncadd.s32 $0xFFFFC000  }
0xe5: {  	[tilespmem:s21], [sflag:$0x2] =	stream.indirect.gather [hbm4b:s1+s20], $0x80, s2, s20, $0xb8;
	[tilespmem:$0x1FC00] =	vst v63  }
0xe6: {  	s2 =	sadd.s32 @!p1 $0x0, s13  }
0xe7: {  	s7 =	simm.s32 @!p1 $0x5;
	s2 =	sshll.u32 @!p1 s2, $0x7  }
0xe8: {  	s30 =	simm.s32 @!p1 $0x3C00;
	s24 =	simm.s32 @!p1 $0x0;
	s2 =	sadd.s32 @!p1 s3, s2  }
0xe9: {  	[tilespmem:s30], [sflag:$0x5] =	stream.linear.gather @!p1 [hbm4b:s2+s24], $0x400, $0x38;
	[tilespmem:$0x1FC00] =	vst v63  }
0xea: {  	_ =	swait.ge @!p1 [sflag:s7], $0x400  }
0xeb: {  	[sflag:s7] =	ssyncset.done @!p1 $0x0  }
0xec: {  	[sflag:s7] =	ssyncadd.s32 @!p1 $0xFFFFFC00  }
0xed: {  	_ =	swait.ge [sflag:s22], $0x4000  }
0xee: {  	s0 =	sshll.u32 s0, $0x7;
	[sflag:s22] =	ssyncset.done $0x0  }
0xef: {  	s8 =	sor.u32 $0x3C00, s0;
	[sflag:s22] =	ssyncadd.s32 $0xFFFFC000  }
0xf0: {  	[spmem:s4] =	stream.indirect.scatter.add.f32 [tilespmem:s17], [sflag:$0x3], $0x80, s8, s20, $0xb8;
	[tilespmem:$0x1FC00] =	vst v63  }
0xf1: {  	_ =	swait.ge [sflag:s23], $0x4000  }
0xf2: {  	[sflag:s23] =	ssyncset.done $0x0  }
0xf3: {  	s0 =	sadd.s32 $0x3C80, s0;
	[sflag:s23] =	ssyncadd.s32 $0xFFFFC000  }
0xf4: {  	[spmem:s4] =	stream.indirect.scatter.add.f32 [tilespmem:s21], [sflag:$0x4], $0x80, s0, s20, $0xb8;
	[tilespmem:$0x1FC00] =	vst v63  }
0xf5: {  	s29 =	simm.s32 $0x280;
	_ =	swait.ge [sflag:s25], $0x4000  }
0xf6: {  	s2 =	simm.s32 $0x3;
	s30 =	simm.s32 $0x4;
	[sflag:s25] =	ssyncset.done $0x0  }
0xf7: {  	s24 =	simm.s32 $0x200;
	s9 =	sand.u32 $0x6, s30;
	[sflag:s25] =	ssyncadd.s32 $0xFFFFC000  }
0xf8: {  	[tilespmem:s17], [sflag:$0x1] =	stream.indirect.gather [hbm4b:s1+s20], $0x80, s24, s20, $0xb8;
	[tilespmem:$0x1FC00] =	vst v63  }
0xf9: {  	s31 =	sshll.u32 s9, $0x7;
	p1 =	sne.s32 s9, $0x0;
	_ =	swait.ge [sflag:s28], $0x4000  }
0xfa: {  	s7 =	simm.s32 @!p1 $0x0;
	s0 =	simm.s32 $0x280;
	[sflag:s28] =	ssyncset.done $0x0  }
.LBB2_5:
0xfb: {  	s7 =	sadd.s32 @!p1 s13, s7  }
0xfc: {  	s29 =	sadd.s32 $0x100, s29;
	s24 =	smov.u32 s2;
	s2 =	sadd.s32 $0x1, s2  }
0xfd: {  	s8 =	simm.s32 @!p1 $0x5;
	s7 =	sshll.u32 @!p1 s7, $0x7;
	[sflag:s28] =	ssyncadd.s32 $0xFFFFC000  }
0xfe: {  	[tilespmem:s21], [sflag:$0x2] =	stream.indirect.gather [hbm4b:s1+s20], $0x80, s0, s20, $0xb8;
	[tilespmem:$0x1FC00] =	vst v63  }
0xff: {  	s9 =	simm.s32 @!p1 $0x3C00;
	s0 =	sadd.s32 @!p1 s3, s7;
	s7 =	simm.s32 @!p1 $0x0  }
0x100: {  	[tilespmem:s9], [sflag:$0x5] =	stream.linear.gather @!p1 [hbm4b:s0+s7], $0x400, $0x38;
	[tilespmem:$0x1FC00] =	vst v63  }
0x101: {  	p2 =	seq.s32 s2, $0x3B;
	s0 =	smov.u32 s29;
	_ =	swait.ge @!p1 [sflag:s8], $0x400  }
0x102: {  	[sflag:s8] =	ssyncset.done @!p1 $0x0  }
0x103: {  	[sflag:s8] =	ssyncadd.s32 @!p1 $0xFFFFFC00  }
0x104: {  	_ =	swait.ge [sflag:s22], $0x4000  }
0x105: {  	[sflag:s22] =	ssyncset.done $0x0  }
0x106: {  	s7 =	sor.u32 $0x3C00, s31;
	[sflag:s22] =	ssyncadd.s32 $0xFFFFC000  }
0x107: {  	[spmem:s4] =	stream.indirect.scatter.add.f32 [tilespmem:s17], [sflag:$0x3], $0x80, s7, s20, $0xb8;
	[tilespmem:$0x1FC00] =	vst v63  }
0x108: {  	_ =	swait.ge [sflag:s23], $0x4000  }
0x109: {  	[sflag:s23] =	ssyncset.done $0x0  }
0x10a: {  	s7 =	sadd.s32 $0x3C80, s31;
	[sflag:s23] =	ssyncadd.s32 $0xFFFFC000  }
0x10b: {  	[spmem:s4] =	stream.indirect.scatter.add.f32 [tilespmem:s21], [sflag:$0x4], $0x80, s7, s20, $0xb8;
	[tilespmem:$0x1FC00] =	vst v63  }
0x10c: {  	_ =	swait.ge [sflag:s25], $0x4000  }
.Ltmp6:
0x10d: {  	s30 =	sadd.s32 $0x2, s30;
	[sflag:s25] =	ssyncset.done $0x0;
	(pc) =	sbr.rel @!p2 .LBB2_5-.Ltmp6, $4  }
0x10e: {  	s8 =	sadd.s32 $0xFFFFFF80, s29;
	s7 =	sand.u32 $0x6, s30;
	[sflag:s25] =	ssyncadd.s32 $0xFFFFC000  }
0x10f: {  	[tilespmem:s17], [sflag:$0x1] =	stream.indirect.gather [hbm4b:s1+s20], $0x80, s8, s20, $0xb8;
	[tilespmem:$0x1FC00] =	vst v63  }
0x110: {  	p1 =	sne.s32 s7, $0x0;
	s31 =	sshll.u32 s7, $0x7;
	_ =	swait.ge [sflag:s28], $0x4000  }
0x111: {  	s7 =	sshrl.u32 @!p1 s24, $0x2;
	[sflag:s28] =	ssyncset.done $0x0  }
.Ltmp7:
0x112: {  	_ = 	snop;
	(pc) =	sbr.rel .LBB2_6-.Ltmp7, $1  }
0x113: {  	_ =	sdelay $0x3  }
.LBB2_11:
0x114: {  	_ =	sfence.sel $0x180000  }
0x115: {  	[bflag:$0x0] =	sbarrier.arrive $0xFFFF  }
0x116: {  	_ =	strace $0x9000004D  }
0x117: {  	s0 =	stileid.u32;
	[bflag:$0x2] =	sbarrier.arrive $0xFFFF  }
0x118: {  	p0 =	sne.s32 s0, $0x0;
	s0 =	rddreg [dreg:$0x4]  }
0x119: {  	s0 =	sadd.s32 @!p0 $0x100000, s0  }
0x11a: {  	[sflag:s0] =	ssyncadd.tile.s32 @!p0 $0x1;
	_ =	shalt  }
.Lfunc_end2:
_tile_overlayer_lowered:
.L_overlay_start_2:
0x11b: {  	(tag) =	ssettag $0x2  }
0x11c: {  	s0 =	rddreg [dreg:$0x0];
	s2 =	stileid.u32  }
0x11d: {  	s1 =	rddreg [dreg:$0x1];
	p0 =	sne.s32 s2, $0x0  }
0x11e: {  	s3 =	rddreg [dreg:$0x2];
	[bflag:$0x3] =	sbarrier.arrive $0xFFFF;
	s2 =	simm.s32 @!p0 $0x1C05  }
0x11f: {  	[timem:s3], [sflag:s2] =	dma.local @!p0 [hbm:s0], s1  }
0x120: {  	s0 =	simm.s32 @!p0 $0x5  }
0x121: {  	_ =	swait.ge @!p0 [sflag:s0], s1  }
0x122: {  	s1 =	ssub.s32 @!p0 $0x0, s1;
	[sflag:s0] =	ssyncset.done @!p0 $0x0  }
0x123: {  	[sflag:s0] =	ssyncadd.s32 @!p0 s1  }
0x124: {  	[bflag:$0x3] =	sbarrier.arrive $0xFFFF  }
0x125: {  	_ =	shalt  }

// kernel: kernel.20.cloned.1.call-start
scs
__scs_entry_jumppad:
0x0: {  	(pc) =	sbr.rel $0x88, $3  }
0x1: {  	(tag) =	ssettag $0x0;
	lr =	simm.s32 $0x1  }
0x2: {  	[smem:$0x3F97] =	sst lr;
	_ =	strace $0xD0000000  }
0x3: {  	_ = 	snop  }
0x4: {  	_ = 	snop  }
0x5: {  	_ = 	snop  }
0x6: {  	_ = 	snop  }
0x7: {  	_ = 	snop  }
__scs_overlays_trampoline_lowered:
0x8: {  	[smem:$0x3FA6] =	sst s0  }
0x9: {  	[smem:$0x3FA7] =	sst s1  }
0xa: {  	[smem:$0x3FA8] =	sst s2  }
0xb: {  	[smem:$0x3FA9] =	sst s3  }
0xc: {  	[smem:$0x3FAA] =	sst s4  }
0xd: {  	[smem:$0x3FAB] =	sst s5  }
0xe: {  	[smem:$0x3FAC] =	sst s6  }
0xf: {  	[smem:$0x3FAD] =	sst s7  }
0x10: {  	[smem:$0x3FAE] =	sst s8  }
0x11: {  	[smem:$0x3FAF] =	sst s9;
	s0 =	simm.s32 @!p0 $0x0  }
0x12: {  	s1 =	sld [smem:$0x3F95];
	s0 =	simm.s32 @p0 $0x1  }
0x13: {  	[smem:$0x3FB0] =	sst s0;
	s0 =	simm.s32 @!p1 $0x0  }
0x14: {  	s2 =	sld [smem:$0x3F94];
	s0 =	simm.s32 @p1 $0x1  }
0x15: {  	[smem:$0x3FB1] =	sst s0;
	s0 =	simm.s32 @!p2 $0x0  }
0x16: {  	s3 =	sld [smem:$0x3FDB];
	s0 =	simm.s32 @p2 $0x1  }
0x17: {  	s4 =	simm.s32 $0x1BF5;
	[smem:$0x3FB3] =	sst s0  }
0x18: {  	s0 =	sld [smem:$0x3F96];
	_ =	swait.ge [sflag:s4], $0x0  }
0x19: {  	s7 =	sld [smem:$0x3F97]  }
0x1a: {  	s8 =	sadd.s32 $0xFFFFE003, lr  }
0x1b: {  	s9 =	sadd.s32 $0xFFFFFEF7, lr;
	s5 =	simm.s32 $0xFFFFFFFF;
	p2 =	slt.u32 s8, $0xFFFFF086  }
0x1c: {  	p1 =	slt.u32 s9, $0xF7A;
	s5 =	simm.s32 @!p2 $0x0  }
0x1d: {  	s5 =	simm.s32 @p1 $0x1;
	p0 =	seq.s32 s7, s2  }
0x1e: {  	s7 =	smul.u32 @!p0 $0xF7A, s2;
	p2 =	seq.s32 @!p0 s5, $0x0  }
0x1f: {  	s9 =	smul.u32 $0xF7A, s1;
	s8 =	simm.s32 @!p0 $0x1BF5;
	p2 =	por !p2, p0  }
0x20: {  	[sflag:s8] =	ssyncset.s32 @!p0 $0xFFFFF086;
	s6 =	sadd.s32 @!p0 s3, s7;
	s7 =	simm.s32 @!p0 $0x108  }
0x21: {  	s3 =	sadd.s32 s3, s9;
	s6 =	sadd.s32 @!p0 $0x88, s6;
	s7 =	simm.s32 @p2 $0x1082  }
0x22: {  	[simem:s7], [sflag:s8] =	dma.local @!p0 [hbm:s6], $0xF7A  }
0x23: {  	s9 =	sor.u32 $0xD0000000, s2;
	s6 =	simm.s32 $0x108;
	_ =	swait.ge @!p0 [sflag:s8], $0x0  }
0x24: {  	s3 =	sadd.s32 $0x88, s3;
	s6 =	simm.s32 @!p1 $0x1082;
	[sflag:s4] =	ssyncset.s32 $0xFFFFF086  }
0x25: {  	[simem:s6], [sflag:s4] =	dma.local [hbm:s3], $0xF7A  }
0x26: {  	[smem:$0x3F97] =	sst s1;
	(tag) =	ssettag s2;
	_ =	strace s9  }
0x27: {  	s1 =	sld [smem:$0x3FA7]  }
0x28: {  	s2 =	sld [smem:$0x3FA8]  }
0x29: {  	s4 =	sld [smem:$0x3FAA]  }
0x2a: {  	p0 =	seq.s32 s5, $0x0;
	s5 =	sld [smem:$0x3FAB]  }
0x2b: {  	s6 =	sld [smem:$0x3FAC]  }
0x2c: {  	s7 =	sld [smem:$0x3FAD]  }
0x2d: {  	s3 =	simm.s32 $0x108;
	s8 =	sld [smem:$0x3FAE]  }
0x2e: {  	s3 =	simm.s32 @!p0 $0x1082;
	s9 =	sld [smem:$0x3FAF]  }
0x2f: {  	lr =	sadd.s32 s0, s3;
	s0 =	sld [smem:$0x3FA6]  }
0x30: {  	s3 =	sld [smem:$0x3FA9]  }
0x31: {  	[smem:$0x3FB2] =	sst s10  }
0x32: {  	s10 =	sld [smem:$0x3FB0];
	_ =	sdelay $0x3  }
0x33: {  	p0 =	seq.s32 s10, $0x1;
	s10 =	sld [smem:$0x3FB2];
	_ =	sdelay $0x3  }
0x34: {  	[smem:$0x3FB2] =	sst s10  }
0x35: {  	s10 =	sld [smem:$0x3FB1];
	_ =	sdelay $0x3  }
0x36: {  	p1 =	seq.s32 s10, $0x1;
	s10 =	sld [smem:$0x3FB2];
	_ =	sdelay $0x3  }
0x37: {  	[smem:$0x3FB2] =	sst s10  }
0x38: {  	s10 =	sld [smem:$0x3FB3]  }
0x39: {  	_ = 	snop;
	(pc) =	sbr.ind lr, $3  }
0x3a: {  	_ = 	snop  }
0x3b: {  	_ = 	snop  }
0x3c: {  	p2 =	seq.s32 s10, $0x1;
	s10 =	sld [smem:$0x3FB2]  }
0x3d: {  	_ =	shalt  }
0x3e: {  	_ =	shalt  }
0x3f: {  	_ =	shalt  }
0x40: {  	_ =	shalt  }
0x41: {  	_ =	shalt  }
0x42: {  	_ =	shalt  }
0x43: {  	_ =	shalt  }
0x44: {  	_ =	shalt  }
0x45: {  	_ =	shalt  }
0x46: {  	_ =	shalt  }
0x47: {  	_ =	shalt  }
0x48: {  	_ =	shalt  }
0x49: {  	_ =	shalt  }
0x4a: {  	_ =	shalt  }
0x4b: {  	_ =	shalt  }
0x4c: {  	_ =	shalt  }
0x4d: {  	_ =	shalt  }
0x4e: {  	_ =	shalt  }
0x4f: {  	_ =	shalt  }
0x50: {  	_ =	shalt  }
0x51: {  	_ =	shalt  }
0x52: {  	_ =	shalt  }
0x53: {  	_ =	shalt  }
0x54: {  	_ =	shalt  }
0x55: {  	_ =	shalt  }
0x56: {  	_ =	shalt  }
0x57: {  	_ =	shalt  }
0x58: {  	_ =	shalt  }
0x59: {  	_ =	shalt  }
0x5a: {  	_ =	shalt  }
0x5b: {  	_ =	shalt  }
0x5c: {  	_ =	shalt  }
0x5d: {  	_ =	shalt  }
0x5e: {  	_ =	shalt  }
0x5f: {  	_ =	shalt  }
0x60: {  	_ =	shalt  }
0x61: {  	_ =	shalt  }
0x62: {  	_ =	shalt  }
0x63: {  	_ =	shalt  }
0x64: {  	_ =	shalt  }
0x65: {  	_ =	shalt  }
0x66: {  	_ =	shalt  }
0x67: {  	_ =	shalt  }
0x68: {  	_ =	shalt  }
0x69: {  	_ =	shalt  }
0x6a: {  	_ =	shalt  }
0x6b: {  	_ =	shalt  }
0x6c: {  	_ =	shalt  }
0x6d: {  	_ =	shalt  }
0x6e: {  	_ =	shalt  }
0x6f: {  	_ =	shalt  }
0x70: {  	_ =	shalt  }
0x71: {  	_ =	shalt  }
0x72: {  	_ =	shalt  }
0x73: {  	_ =	shalt  }
0x74: {  	_ =	shalt  }
0x75: {  	_ =	shalt  }
0x76: {  	_ =	shalt  }
0x77: {  	_ =	shalt  }
0x78: {  	_ =	shalt  }
0x79: {  	_ =	shalt  }
0x7a: {  	_ =	shalt  }
0x7b: {  	_ =	shalt  }
0x7c: {  	_ =	shalt  }
0x7d: {  	_ =	shalt  }
0x7e: {  	_ =	shalt  }
0x7f: {  	_ =	shalt  }
0x80: {  	_ =	shalt  }
0x81: {  	_ =	shalt  }
0x82: {  	_ =	shalt  }
0x83: {  	_ =	shalt  }
0x84: {  	_ =	shalt  }
0x85: {  	_ =	shalt  }
0x86: {  	_ =	shalt  }
0x87: {  	_ =	shalt  }
.Lfunc_end0:
.L_simem_size_0:
called_computation.3_lowered:
.L_overlay_start_0:
0x88: {  	s2 =	sld [smem:$0x3FD9]  }
0x89: {  	s3 =	sld [smem:$0x3FFE];
	_ =	sdelay $0x1  }
0x8a: {  	s1 =	srdreg.scid  }
0x8b: {  	s0 =	sand.u32 $0x1, s1  }
0x8c: {  	s14 =	sshll.u32 s0, $0xA;
	s2 =	sadd.s32 s3, s2  }
0x8d: {  	s2 =	sadd.s32 s2, s14  }
0x8e: {  	[smem:$0x3FBE] =	sst s2  }
0x8f: {  	_ = 	snop  }
0x90: {  	s2 =	sld [smem:$0x3FD0];
	_ =	sdelay $0x2  }
0x91: {  	s15 =	simm.s32 $0xB;
	s4 =	simm.s32 $0x10  }
0x92: {  	[smem:s4], [sflag:s15] =	dma.local [hbm:s2], $0x1  }
0x93: {  	_ =	swait.eq [sflag:s15], $0x1  }
0x94: {  	[sflag:s15] =	ssyncset.done $0x0  }
0x95: {  	s16 =	sld [smem:$0x10];
	[sflag:s15] =	ssyncadd.s32 $0xFFFFFFFF  }
0x96: {  	s17 =	sld [smem:$0x11];
	(tm) =	ssettm $0x1  }
0x97: {  	s18 =	sld [smem:$0x3FFB];
	_ =	sdelay $0x3  }
0x98: {  	_ =	strace s18  }
0x99: {  	s4 =	sld [smem:$0x3FFC];
	_ =	sdelay $0x3  }
0x9a: {  	_ =	strace s4  }
0x9b: {  	s4 =	sld [smem:$0x3FFD];
	_ =	sdelay $0x3  }
0x9c: {  	_ =	strace s4  }
0x9d: {  	_ =	strace $0x8FFFFFFF  }
0x9e: {  	s19 =	sld [smem:$0x3FDB];
	_ =	sdelay $0x1  }
0x9f: {  	s5 =	simm.s32 $_scs_section_size  }
0xa0: {  	s6 =	simm.s32 $_size__tile_overlayer_lowered;
	s7 =	simm.s32 $_tile_overlayer_lowered  }
0xa1: {  	s22 =	simm.s32 $0x1BFF;
	s21 =	sshll.u32 s7, $0x1;
	s4 =	sadd.s32 s5, s19  }
0xa2: {  	s8 =	simm.s32 $0x0;
	s20 =	sshll.u32 s6, $0x1;
	s6 =	sadd.s32 s21, s4  }
0xa3: {  	[timem:s8], [sflag:s22] =	dma.local [hbm:s6], s20  }
0xa4: {  	_ =	swait.ge [sflag:s22], s20  }
0xa5: {  	s5 =	ssub.s32 $0x0, s20;
	[sflag:s22] =	ssyncset.done $0x0  }
0xa6: {  	[sflag:s22] =	ssyncadd.s32 s5;
	_ =	sdelay $0x1  }
0xa7: {  	s23 =	simm.s32 $0x1B8B  }
0xa8: {  	_ =	swait.ge [sflag:s23], $0x1  }
0xa9: {  	[sflag:s23] =	ssyncset.done $0x0  }
0xaa: {  	s25 =	simm.s32 $0x1B8E;
	s24 =	sld [smem:$0x3FFE];
	[sflag:s23] =	ssyncadd.s32 $0xFFFFFFFF  }
0xab: {  	s26 =	simm.s32 $execute0_lowered;
	[smem:$0x3FD2] =	sst s25  }
0xac: {  	s6 =	sshll.u32 s26, $0x1;
	_ =	strace $0x8000004F;
	[dreg:$0x1] =	wrdreg $0xFFFFFFFF  }
0xad: {  	s28 =	simm.s32 $_size_execute0_lowered;
	s4 =	sadd.s32 s4, s6;
	[dreg:$0x0] =	wrdreg $0x0  }
0xae: {  	s6 =	sshll.u32 s28, $0x1;
	[dreg:$0x2] =	wrdreg s4  }
0xaf: {  	[dreg:$0x3] =	wrdreg s6  }
0xb0: {  	[dreg:$0x4] =	wrdreg $0xC0  }
0xb1: {  	_ =	task [dreg:s8], $0x5FFFF  }
0xb2: {  	[dreg:$0x1] =	wrdreg $0xFFFFFFFF  }
0xb3: {  	[dreg:$0x0] =	wrdreg $0x60  }
0xb4: {  	[dreg:$0x2] =	wrdreg s16  }
0xb5: {  	[dreg:$0x3] =	wrdreg s24  }
0xb6: {  	[dreg:$0x4] =	wrdreg s17  }
0xb7: {  	[dreg:$0x5] =	wrdreg $0xC0000  }
0xb8: {  	[dreg:$0x6] =	wrdreg $0x9  }
0xb9: {  	_ =	task.clear_ibuf [dreg:s8], $0x7FFFF;
	_ =	strace $0x9000004F  }
0xba: {  	s29 =	simm.s32 $0x9;
	_ =	strace $0x80000051  }
0xbb: {  	_ =	swait.ge [sflag:s29], $0x1  }
0xbc: {  	[sflag:s29] =	ssyncadd.s32 $0xFFFFFFFF  }
0xbd: {  	_ =	strace $0x90000051  }
0xbe: {  	_ =	sfence  }
0xbf: {  	s30 =	sld [smem:$0x0];
	_ =	sdelay $0x2  }
0xc0: {  	s31 =	sshll.u32 s1, $0xD;
	s1 =	sshrl.u32 s1, $0x2  }
0xc1: {  	s3 =	sand.u32 $0x4000, s31;
	s1 =	sadd.s32 s1, s30  }
0xc2: {  	s0 =	sor.u32 s3, s0;
	s1 =	sshll.u32 s1, $0x11  }
0xc3: {  	s0 =	sor.u32 s1, s0  }
0xc4: {  	s0 =	sadd.s32 $0x8F2B, s0  }
0xc5: {  	[sflag:s0] =	ssyncadd.remote.s32 $0x1  }
0xc6: {  	_ =	sfence.sel $0xFFFF  }
0xc7: {  	[dreg:$0x0] =	wrdreg $0xFFFFFFFF;
	(pc) =	sbr.abs _section_cstart, $3  }
0xc8: {  	[dreg:$0x1] =	wrdreg $0xFFFFFFFF  }
0xc9: {  	_ =	task.clear_ibuf [dreg:s8], $0x2FFFF;
	_ =	strace $0x9FFFFFFF  }
0xca: {  	(tm) =	ssettm $0x7FFFFFFF  }
0xcb: {  	_ =	shalt  }
tec
execute0_lowered:
.L_overlay_start_1:
0x0: {  	(tag) =	ssettag $0x1  }
0x1: {  	s1 =	rddreg [dreg:$0x0]  }
0x2: {  	s0 =	rddreg [dreg:$0x1]  }
0x3: {  	s2 =	srdreg.scid;
	s3 =	rddreg [dreg:$0x2]  }
0x4: {  	s9 =	stileid.u32;
	s4 =	rddreg [dreg:$0x3]  }
0x5: {  	s5 =	simm.s32 $0x0;
	s17 =	simm.s32 $0x4000;
	s18 =	simm.s32 $0x5  }
0x6: {  	s19 =	simm.s32 $0x3C00;
	s20 =	simm.s32 $0x80;
	s7 =	smul.u32 $0xA0, s9  }
0x7: {  	s21 =	simm.s32 $0x8000;
	s22 =	simm.s32 $0x1;
	s25 =	smul.u32 $0x13C00, s9  }
0x8: {  	s23 =	simm.s32 $0x2;
	s2 =	sand.u32 $0x1, s2;
	s9 =	smul.u32 $0x4F000, s9  }
0x9: {  	s28 =	simm.s32 $0x4;
	[smem:$0x7FF] =	sst s5;
	s6 =	smul.u32 $0x78, s2  }
0xa: {  	s8 =	smul.u32 $0x13C000, s2;
	_ =	strace $0x80000050;
	s26 =	ssub.s32 $0x2, s2  }
0xb: {  	p0 =	seq.s32 s2, $0x1;
	s9 =	sshrl.u32 s9, $0x2;
	s13 =	sshrl.u32 s26, $0x1  }
0xc: {  	s14 =	sadd.s32 s6, s7;
	s6 =	sadd.s32 s25, s8;
	s16 =	ssub.s32 s26, s13  }
0xd: {  	s13 =	sshrl.u32 s7, $0x3;
	s25 =	simm.s32 $0x3;
	s26 =	simm.s32 $0x0  }
0xe: {  	s12 =	sshll.u32 s14, $0x4;
	s10 =	sshrl.u32 s6, $0x3;
	s6 =	sadd.s32 s9, s4  }
.Ltmp0:
0xf: {  	s14 =	sshrl.u32 s14, $0x3;
	s16 =	smax.u32 s16, $0x1;
	(pc) =	sbr.rel .LBB2_1-.Ltmp0, $4  }
0x10: {  	s11 =	sadd.s32 s12, s0;
	s0 =	sadd.s32 s10, s0;
	s29 =	sadd.s32 $0x4000, s6  }
0x11: {  	s30 =	sadd.s32 $0x8000, s6;
	s31 =	sadd.s32 $0xC000, s6;
	[dreg:$0x5] =	wrdreg s29  }
0x12: {  	s10 =	sadd.s32 $0x10000, s6;
	s12 =	sadd.s32 s3, s12;
	[dreg:$0x6] =	wrdreg s30  }
0x13: {  	v0 =	vimm.f32 $0.0e+00;
	[dreg:$0x7] =	wrdreg s31;
	s11 =	sadd.s32 $0x3E00, s11;
	s15 =	sadd.s32 $0xE400, s0  }
.LBB2_6:
0x14: {  	s2 =	sadd.s32 @!p1 s13, s7  }
0x15: {  	s7 =	simm.s32 @!p1 $0x5;
	[sflag:s28] =	ssyncadd.s32 $0xFFFFC000;
	s2 =	sshll.u32 @!p1 s2, $0x7  }
0x16: {  	[tilespmem:s21], [sflag:$0x2] =	stream.indirect.gather [hbm4b:s1+s20], $0x80, s0, s20, $0xb8;
	[tilespmem:$0x1FC00] =	vst v63  }
0x17: {  	s8 =	simm.s32 @!p1 $0x3C00;
	s0 =	sadd.s32 @!p1 s3, s2;
	s2 =	simm.s32 @!p1 $0x0  }
0x18: {  	[tilespmem:s8], [sflag:$0x5] =	stream.linear.gather @!p1 [hbm4b:s0+s2], $0x400, $0x38;
	[tilespmem:$0x1FC00] =	vst v63  }
0x19: {  	_ =	swait.ge @!p1 [sflag:s7], $0x400  }
0x1a: {  	[sflag:s7] =	ssyncset.done @!p1 $0x0  }
0x1b: {  	[sflag:s7] =	ssyncadd.s32 @!p1 $0xFFFFFC00  }
0x1c: {  	_ =	swait.ge [sflag:s22], $0x4000  }
0x1d: {  	[sflag:s22] =	ssyncset.done $0x0  }
0x1e: {  	s7 =	sor.u32 $0x3C00, s31;
	[sflag:s22] =	ssyncadd.s32 $0xFFFFC000  }
0x1f: {  	[spmem:s4] =	stream.indirect.scatter.add.f32 [tilespmem:s17], [sflag:$0x3], $0x80, s7, s20, $0xb8;
	[tilespmem:$0x1FC00] =	vst v63  }
0x20: {  	_ =	swait.ge [sflag:s23], $0x4000  }
0x21: {  	[sflag:s23] =	ssyncset.done $0x0  }
0x22: {  	s8 =	sadd.s32 $0x3C80, s31;
	[sflag:s23] =	ssyncadd.s32 $0xFFFFC000  }
0x23: {  	[spmem:s4] =	stream.indirect.scatter.add.f32 [tilespmem:s21], [sflag:$0x4], $0x80, s8, s20, $0xb8;
	[tilespmem:$0x1FC00] =	vst v63  }
0x24: {  	_ =	swait.ge [sflag:s25], $0x4000  }
0x25: {  	s9 =	sadd.s32 $0x100, s29;
	[sflag:s25] =	ssyncset.done $0x0  }
0x26: {  	s24 =	sadd.s32 $0xFFFFFF80, s9;
	[sflag:s25] =	ssyncadd.s32 $0xFFFFC000  }
0x27: {  	[tilespmem:s17], [sflag:$0x1] =	stream.indirect.gather [hbm4b:s1+s20], $0x80, s24, s20, $0xb8;
	[tilespmem:$0x1FC00] =	vst v63  }
0x28: {  	_ =	swait.ge [sflag:s28], $0x4000  }
0x29: {  	[sflag:s28] =	ssyncset.done $0x0  }
0x2a: {  	[sflag:s28] =	ssyncadd.s32 $0xFFFFC000  }
0x2b: {  	[tilespmem:s21], [sflag:$0x2] =	stream.indirect.gather [hbm4b:s1+s20], $0x80, s9, s20, $0xb8;
	[tilespmem:$0x1FC00] =	vst v63  }
0x2c: {  	_ =	swait.ge [sflag:s22], $0x4000  }
0x2d: {  	[sflag:s22] =	ssyncset.done $0x0  }
0x2e: {  	s29 =	simm.s32 $0x3F00;
	[sflag:s22] =	ssyncadd.s32 $0xFFFFC000  }
0x2f: {  	[spmem:s4] =	stream.indirect.scatter.add.f32 [tilespmem:s17], [sflag:$0x3], $0x80, s29, s20, $0xb8;
	[tilespmem:$0x1FC00] =	vst v63  }
0x30: {  	_ =	swait.ge [sflag:s23], $0x4000  }
0x31: {  	[sflag:s23] =	ssyncset.done $0x0  }
0x32: {  	s30 =	simm.s32 $0x3F80;
	[sflag:s23] =	ssyncadd.s32 $0xFFFFC000  }
0x33: {  	[spmem:s4] =	stream.indirect.scatter.add.f32 [tilespmem:s21], [sflag:$0x4], $0x80, s30, s20, $0xb8;
	[tilespmem:$0x1FC00] =	vst v63  }
0x34: {  	_ =	swait.ge [sflag:s25], $0x4000  }
0x35: {  	[sflag:s25] =	ssyncset.done $0x0  }
0x36: {  	s31 =	simm.s32 $0x3B80;
	[sflag:s25] =	ssyncadd.s32 $0xFFFFC000  }
0x37: {  	[tilespmem:s17], [sflag:$0x1] =	stream.indirect.gather [hbm4b:s1+s20], $0x80, s31, s20, $0xb8;
	[tilespmem:$0x1FC00] =	vst v63  }
0x38: {  	_ =	swait.ge [sflag:s28], $0x4000  }
0x39: {  	[sflag:s28] =	ssyncset.done $0x0  }
0x3a: {  	[sflag:s28] =	ssyncadd.s32 $0xFFFFC000  }
0x3b: {  	[tilespmem:s21], [sflag:$0x2] =	stream.indirect.gather [hbm4b:s1+s20], $0x80, s31, s20, $0xb8;
	[tilespmem:$0x1FC00] =	vst v63  }
.LBB2_10:
0x3c: {  	_ =	swait.ge [sflag:s22], $0x4000  }
0x3d: {  	[sflag:s22] =	ssyncset.done $0x0  }
0x3e: {  	[sflag:s22] =	ssyncadd.s32 $0xFFFFC000  }
0x3f: {  	s0 =	stileid.u32;
	_ =	swait.ge [sflag:s23], $0x4000  }
0x40: {  	s2 =	sshrl.u32 s6, $0x3;
	s26 =	sadd.s32 $0x1, s26;
	[sflag:s23] =	ssyncset.done $0x0  }
0x41: {  	s0 =	sshll.u32 s0, $0x6;
	p1 =	sne.s32 s26, s16;
	[sflag:s23] =	ssyncadd.s32 $0xFFFFC000  }
.Ltmp1:
0x42: {  	s0 =	sor.u32 $0x1C05, s0;
	[bflag:$0x0] =	sbarrier.arrive $0xFFFF;
	(pc) =	sbr.rel @!p1 .LBB2_11-.Ltmp1, $4  }
0x43: {  	[hbm:s15], [sflag:s0] =	dma.local [spmem:s2], $0x2780  }
0x44: {  	_ =	swait.ge [sflag:s18], $0x2780  }
0x45: {  	[sflag:s18] =	ssyncset.done $0x0  }
0x46: {  	[sflag:s18] =	ssyncadd.s32 $0xFFFFD880  }
.LBB2_1:
0x47: {  	s0 =	simm.s32 $0x0;
	s2 =	simm.s32 $0x200  }
.LBB2_2:
0x48: {  	p1 =	sne.s32 s2, $0xFE00;
	[tilespmem:s0+$0x4070] =	vst v0  }
0x49: {  	[tilespmem:s0+$0x4000] =	vst v0  }
0x4a: {  	[tilespmem:s0+$0x4010] =	vst v0  }
.Ltmp2:
0x4b: {  	[tilespmem:s0+$0x4020] =	vst v0;
	(pc) =	sbr.rel @p1 .LBB2_2-.Ltmp2, $4  }
0x4c: {  	[tilespmem:s0+$0x4030] =	vst v0  }
0x4d: {  	[tilespmem:s0+$0x4040] =	vst v0  }
0x4e: {  	[tilespmem:s0+$0x4050] =	vst v0  }
0x4f: {  	[tilespmem:s0+$0x4060] =	vst v0;
	s0 =	sshra.s32 s2, $0x2;
	s2 =	sadd.s32 $0x200, s2  }
0x50: {  	[tilespmem:s0+$0x4070] =	vst v0  }
0x51: {  	[tilespmem:s0+$0x4000] =	vst v0  }
0x52: {  	[tilespmem:s0+$0x4010] =	vst v0  }
0x53: {  	[tilespmem:s0+$0x4020] =	vst v0  }
0x54: {  	[tilespmem:s0+$0x4030] =	vst v0  }
0x55: {  	[tilespmem:s0+$0x4040] =	vst v0  }
0x56: {  	[tilespmem:s0+$0x4050] =	vst v0  }
0x57: {  	[tilespmem:s0+$0x4060] =	vst v0  }
0x58: {  	[spmem:s6] =	stream.linear.scatter [tilespmem:s17], [sflag:$0x5], $0x4000, $0x38;
	[tilespmem:$0x1FC00] =	vst v63  }
0x59: {  	_ =	swait.ge [sflag:s18], $0x4000  }
0x5a: {  	[sflag:s18] =	ssyncset.done $0x0  }
0x5b: {  	s29 =	rddreg [dreg:$0x5];
	[sflag:s18] =	ssyncadd.s32 $0xFFFFC000  }
0x5c: {  	[spmem:s29] =	stream.linear.scatter [tilespmem:s17], [sflag:$0x5], $0x4000, $0x38;
	[tilespmem:$0x1FC00] =	vst v63  }
0x5d: {  	_ =	swait.ge [sflag:s18], $0x4000  }
0x5e: {  	[sflag:s18] =	ssyncset.done $0x0  }
0x5f: {  	s30 =	rddreg [dreg:$0x6];
	[sflag:s18] =	ssyncadd.s32 $0xFFFFC000  }
0x60: {  	[spmem:s30] =	stream.linear.scatter [tilespmem:s17], [sflag:$0x5], $0x4000, $0x38;
	[tilespmem:$0x1FC00] =	vst v63  }
0x61: {  	_ =	swait.ge [sflag:s18], $0x4000  }
0x62: {  	[sflag:s18] =	ssyncset.done $0x0  }
0x63: {  	s31 =	rddreg [dreg:$0x7];
	[sflag:s18] =	ssyncadd.s32 $0xFFFFC000  }
0x64: {  	[spmem:s31] =	stream.linear.scatter [tilespmem:s17], [sflag:$0x5], $0x4000, $0x38;
	[tilespmem:$0x1FC00] =	vst v63  }
0x65: {  	_ =	swait.ge [sflag:s18], $0x4000  }
0x66: {  	[sflag:s18] =	ssyncset.done $0x0  }
0x67: {  	[sflag:s18] =	ssyncadd.s32 $0xFFFFC000  }
0x68: {  	[spmem:s10] =	stream.linear.scatter [tilespmem:s17], [sflag:$0x5], $0x3C00, $0x38;
	[tilespmem:$0x1FC00] =	vst v63  }
0x69: {  	_ =	swait.ge [sflag:s18], $0x3C00  }
0x6a: {  	[sflag:s18] =	ssyncset.done $0x0  }
0x6b: {  	[sflag:s18] =	ssyncadd.s32 $0xFFFFC400  }
0x6c: {  	[bflag:$0x0] =	sbarrier.arrive $0xFFFF  }
0x6d: {  	[tilespmem:s5], [sflag:$0x5] =	stream.linear.gather [hbm4b:s11+s5], $0x3C00, $0x38;
	[tilespmem:$0x1FC00] =	vst v63  }
0x6e: {  	_ =	swait.ge [sflag:s18], $0x3C00  }
0x6f: {  	[sflag:s18] =	ssyncset.done $0x0  }
0x70: {  	[sflag:s18] =	ssyncadd.s32 $0xFFFFC400  }
0x71: {  	[tilespmem:s19], [sflag:$0x5] =	stream.linear.gather [hbm4b:s12+s5], $0x400, $0x38;
	[tilespmem:$0x1FC00] =	vst v63  }
0x72: {  	_ =	swait.ge [sflag:s18], $0x400  }
0x73: {  	[sflag:s18] =	ssyncset.done $0x0  }
0x74: {  	[sflag:s18] =	ssyncadd.s32 $0xFFFFFC00  }
0x75: {  	[tilespmem:s17], [sflag:$0x1] =	stream.indirect.gather [hbm4b:s1+s20], $0x80, s5, s20, $0xb8;
	[tilespmem:$0x1FC00] =	vst v63  }
0x76: {  	_ = 	snop  }
0x77: {  	[tilespmem:s21], [sflag:$0x2] =	stream.indirect.gather [hbm4b:s1+s20], $0x80, s20, s20, $0xb8;
	[tilespmem:$0x1FC00] =	vst v63  }
0x78: {  	_ =	swait.ge [sflag:s22], $0x4000  }
0x79: {  	[sflag:s22] =	ssyncset.done $0x0  }
.Ltmp3:
0x7a: {  	[sflag:s22] =	ssyncadd.s32 $0xFFFFC000;
	(pc) =	sbr.rel @!p0 .LBB2_4-.Ltmp3, $4  }
0x7b: {  	[spmem:s4] =	stream.indirect.scatter.add.f32 [tilespmem:s17], [sflag:$0x3], $0x80, s19, s20, $0xb8;
	[tilespmem:$0x1FC00] =	vst v63  }
0x7c: {  	_ =	swait.ge [sflag:s23], $0x4000  }
0x7d: {  	[sflag:s23] =	ssyncset.done $0x0  }
0x7e: {  	s0 =	simm.s32 $0x3C80;
	[sflag:s23] =	ssyncadd.s32 $0xFFFFC000  }
0x7f: {  	[spmem:s4] =	stream.indirect.scatter.add.f32 [tilespmem:s21], [sflag:$0x4], $0x80, s0, s20, $0xb8;
	[tilespmem:$0x1FC00] =	vst v63  }
0x80: {  	_ =	swait.ge [sflag:s25], $0x4000  }
0x81: {  	[sflag:s25] =	ssyncset.done $0x0  }
0x82: {  	s24 =	simm.s32 $0x100;
	[sflag:s25] =	ssyncadd.s32 $0xFFFFC000  }
0x83: {  	[tilespmem:s17], [sflag:$0x1] =	stream.indirect.gather [hbm4b:s1+s20], $0x80, s24, s20, $0xb8;
	[tilespmem:$0x1FC00] =	vst v63  }
0x84: {  	s7 =	simm.s32 $0x2;
	_ =	swait.ge [sflag:s28], $0x4000  }
0x85: {  	s0 =	sand.u32 $0x6, s7;
	[sflag:s28] =	ssyncset.done $0x0  }
0x86: {  	s2 =	simm.s32 $0x180;
	p1 =	sne.s32 s0, $0x0;
	[sflag:s28] =	ssyncadd.s32 $0xFFFFC000  }
0x87: {  	[tilespmem:s21], [sflag:$0x2] =	stream.indirect.gather [hbm4b:s1+s20], $0x80, s2, s20, $0xb8;
	[tilespmem:$0x1FC00] =	vst v63  }
0x88: {  	s2 =	sadd.s32 @!p1 $0x0, s14  }
0x89: {  	s2 =	sshll.u32 @!p1 s2, $0x7  }
0x8a: {  	s7 =	simm.s32 @!p1 $0x0;
	s2 =	sand.u32 @!p1 $0x1FFFFF80, s2  }
0x8b: {  	s8 =	simm.s32 @!p1 $0x3C00;
	s9 =	simm.s32 @!p1 $0x5;
	s2 =	sadd.s32 @!p1 s3, s2  }
0x8c: {  	[tilespmem:s8], [sflag:$0x5] =	stream.linear.gather @!p1 [hbm4b:s2+s7], $0x400, $0x38;
	[tilespmem:$0x1FC00] =	vst v63  }
0x8d: {  	_ =	swait.ge @!p1 [sflag:s9], $0x400  }
0x8e: {  	[sflag:s9] =	ssyncset.done @!p1 $0x0  }
0x8f: {  	[sflag:s9] =	ssyncadd.s32 @!p1 $0xFFFFFC00  }
0x90: {  	_ =	swait.ge [sflag:s22], $0x4000  }
0x91: {  	s0 =	sshll.u32 s0, $0x7;
	[sflag:s22] =	ssyncset.done $0x0  }
0x92: {  	s8 =	sor.u32 $0x3C00, s0;
	[sflag:s22] =	ssyncadd.s32 $0xFFFFC000  }
0x93: {  	[spmem:s4] =	stream.indirect.scatter.add.f32 [tilespmem:s17], [sflag:$0x3], $0x80, s8, s20, $0xb8;
	[tilespmem:$0x1FC00] =	vst v63  }
0x94: {  	_ =	swait.ge [sflag:s23], $0x4000  }
0x95: {  	s29 =	simm.s32 $0x280;
	s31 =	simm.s32 $0x3;
	[sflag:s23] =	ssyncset.done $0x0  }
0x96: {  	s2 =	simm.s32 $0x4;
	s0 =	sadd.s32 $0x3C80, s0;
	[sflag:s23] =	ssyncadd.s32 $0xFFFFC000  }
0x97: {  	[spmem:s4] =	stream.indirect.scatter.add.f32 [tilespmem:s21], [sflag:$0x4], $0x80, s0, s20, $0xb8;
	[tilespmem:$0x1FC00] =	vst v63  }
0x98: {  	s24 =	simm.s32 $0x200;
	s9 =	sand.u32 $0x6, s2;
	_ =	swait.ge [sflag:s25], $0x4000  }
0x99: {  	p1 =	sne.s32 s9, $0x0;
	s30 =	sshll.u32 s9, $0x7;
	[sflag:s25] =	ssyncset.done $0x0  }
0x9a: {  	s7 =	sadd.s32 @!p1 $0x0, s14;
	s0 =	simm.s32 $0x280;
	[sflag:s25] =	ssyncadd.s32 $0xFFFFC000  }
.LBB2_8:
0x9b: {  	s7 =	sshll.u32 @!p1 s7, $0x7  }
0x9c: {  	s29 =	sadd.s32 $0x100, s29;
	s8 =	smov.u32 s31;
	s31 =	sadd.s32 $0x1, s31  }
0x9d: {  	[tilespmem:s17], [sflag:$0x1] =	stream.indirect.gather [hbm4b:s1+s20], $0x80, s24, s20, $0xb8;
	[tilespmem:$0x1FC00] =	vst v63  }
0x9e: {  	p2 =	sne.s32 s31, $0x13;
	s7 =	sand.u32 @!p1 $0x1FFFFF80, s7;
	_ =	swait.ge [sflag:s28], $0x4000  }
0x9f: {  	s7 =	sadd.s32 @!p1 s3, s7;
	[sflag:s28] =	ssyncset.done $0x0  }
0xa0: {  	[sflag:s28] =	ssyncadd.s32 $0xFFFFC000  }
0xa1: {  	[tilespmem:s21], [sflag:$0x2] =	stream.indirect.gather [hbm4b:s1+s20], $0x80, s0, s20, $0xb8;
	[tilespmem:$0x1FC00] =	vst v63  }
0xa2: {  	s9 =	simm.s32 @!p1 $0x3C00;
	s24 =	simm.s32 @!p1 $0x5;
	s0 =	simm.s32 @!p1 $0x0  }
0xa3: {  	[tilespmem:s9], [sflag:$0x5] =	stream.linear.gather @!p1 [hbm4b:s7+s0], $0x400, $0x38;
	[tilespmem:$0x1FC00] =	vst v63  }
0xa4: {  	s0 =	smov.u32 s29;
	_ =	swait.ge @!p1 [sflag:s24], $0x400  }
0xa5: {  	[sflag:s24] =	ssyncset.done @!p1 $0x0  }
0xa6: {  	[sflag:s24] =	ssyncadd.s32 @!p1 $0xFFFFFC00  }
0xa7: {  	_ =	swait.ge [sflag:s22], $0x4000  }
0xa8: {  	[sflag:s22] =	ssyncset.done $0x0  }
0xa9: {  	s7 =	sor.u32 $0x3C00, s30;
	[sflag:s22] =	ssyncadd.s32 $0xFFFFC000  }
0xaa: {  	[spmem:s4] =	stream.indirect.scatter.add.f32 [tilespmem:s17], [sflag:$0x3], $0x80, s7, s20, $0xb8;
	[tilespmem:$0x1FC00] =	vst v63  }
0xab: {  	s2 =	sadd.s32 $0x2, s2;
	_ =	swait.ge [sflag:s23], $0x4000  }
0xac: {  	s9 =	sadd.s32 $0x3C80, s30;
	s24 =	sadd.s32 $0xFFFFFF80, s29;
	[sflag:s23] =	ssyncset.done $0x0  }
.Ltmp4:
0xad: {  	s7 =	sand.u32 $0x6, s2;
	[sflag:s23] =	ssyncadd.s32 $0xFFFFC000;
	(pc) =	sbr.rel @p2 .LBB2_8-.Ltmp4, $4  }
0xae: {  	[spmem:s4] =	stream.indirect.scatter.add.f32 [tilespmem:s21], [sflag:$0x4], $0x80, s9, s20, $0xb8;
	[tilespmem:$0x1FC00] =	vst v63  }
0xaf: {  	p1 =	sne.s32 s7, $0x0;
	s30 =	sshll.u32 s7, $0x7;
	_ =	swait.ge [sflag:s25], $0x4000  }
0xb0: {  	s7 =	sshrl.u32 @!p1 s8, $0x2;
	[sflag:s25] =	ssyncset.done $0x0  }
0xb1: {  	s7 =	sadd.s32 @!p1 s14, s7;
	[sflag:s25] =	ssyncadd.s32 $0xFFFFC000  }
0xb2: {  	[tilespmem:s17], [sflag:$0x1] =	stream.indirect.gather [hbm4b:s1+s20], $0x80, s24, s20, $0xb8;
	[tilespmem:$0x1FC00] =	vst v63  }
0xb3: {  	_ =	swait.ge [sflag:s28], $0x4000  }
0xb4: {  	s2 =	sshll.u32 @!p1 s7, $0x7;
	[sflag:s28] =	ssyncset.done $0x0  }
0xb5: {  	s7 =	simm.s32 @!p1 $0x3C00;
	s2 =	sand.u32 @!p1 $0x1FFFFF80, s2;
	[sflag:s28] =	ssyncadd.s32 $0xFFFFC000  }
0xb6: {  	[tilespmem:s21], [sflag:$0x2] =	stream.indirect.gather [hbm4b:s1+s20], $0x80, s0, s20, $0xb8;
	[tilespmem:$0x1FC00] =	vst v63  }
0xb7: {  	s8 =	simm.s32 @!p1 $0x5;
	s2 =	sadd.s32 @!p1 s3, s2;
	s0 =	simm.s32 @!p1 $0x0  }
0xb8: {  	[tilespmem:s7], [sflag:$0x5] =	stream.linear.gather @!p1 [hbm4b:s2+s0], $0x400, $0x38;
	[tilespmem:$0x1FC00] =	vst v63  }
0xb9: {  	_ =	swait.ge @!p1 [sflag:s8], $0x400  }
0xba: {  	[sflag:s8] =	ssyncset.done @!p1 $0x0  }
0xbb: {  	[sflag:s8] =	ssyncadd.s32 @!p1 $0xFFFFFC00  }
0xbc: {  	_ =	swait.ge [sflag:s22], $0x4000  }
0xbd: {  	[sflag:s22] =	ssyncset.done $0x0  }
0xbe: {  	s7 =	sor.u32 $0x3C00, s30;
	[sflag:s22] =	ssyncadd.s32 $0xFFFFC000  }
0xbf: {  	[spmem:s4] =	stream.indirect.scatter.add.f32 [tilespmem:s17], [sflag:$0x3], $0x80, s7, s20, $0xb8;
	[tilespmem:$0x1FC00] =	vst v63  }
0xc0: {  	_ =	swait.ge [sflag:s23], $0x4000  }
0xc1: {  	[sflag:s23] =	ssyncset.done $0x0  }
0xc2: {  	s8 =	sadd.s32 $0x3C80, s30;
	[sflag:s23] =	ssyncadd.s32 $0xFFFFC000  }
0xc3: {  	[spmem:s4] =	stream.indirect.scatter.add.f32 [tilespmem:s21], [sflag:$0x4], $0x80, s8, s20, $0xb8;
	[tilespmem:$0x1FC00] =	vst v63  }
0xc4: {  	_ =	swait.ge [sflag:s25], $0x4000  }
0xc5: {  	s9 =	sadd.s32 $0x100, s29;
	[sflag:s25] =	ssyncset.done $0x0  }
0xc6: {  	s24 =	sadd.s32 $0xFFFFFF80, s9;
	[sflag:s25] =	ssyncadd.s32 $0xFFFFC000  }
0xc7: {  	[tilespmem:s17], [sflag:$0x1] =	stream.indirect.gather [hbm4b:s1+s20], $0x80, s24, s20, $0xb8;
	[tilespmem:$0x1FC00] =	vst v63  }
0xc8: {  	_ =	swait.ge [sflag:s28], $0x4000  }
0xc9: {  	[sflag:s28] =	ssyncset.done $0x0  }
0xca: {  	[sflag:s28] =	ssyncadd.s32 $0xFFFFC000  }
0xcb: {  	[tilespmem:s21], [sflag:$0x2] =	stream.indirect.gather [hbm4b:s1+s20], $0x80, s9, s20, $0xb8;
	[tilespmem:$0x1FC00] =	vst v63  }
0xcc: {  	_ =	swait.ge [sflag:s22], $0x4000  }
0xcd: {  	[sflag:s22] =	ssyncset.done $0x0  }
0xce: {  	s29 =	simm.s32 $0x3F00;
	[sflag:s22] =	ssyncadd.s32 $0xFFFFC000  }
0xcf: {  	[spmem:s4] =	stream.indirect.scatter.add.f32 [tilespmem:s17], [sflag:$0x3], $0x80, s29, s20, $0xb8;
	[tilespmem:$0x1FC00] =	vst v63  }
0xd0: {  	_ =	swait.ge [sflag:s23], $0x4000  }
0xd1: {  	[sflag:s23] =	ssyncset.done $0x0  }
0xd2: {  	s30 =	simm.s32 $0x3F80;
	[sflag:s23] =	ssyncadd.s32 $0xFFFFC000  }
0xd3: {  	[spmem:s4] =	stream.indirect.scatter.add.f32 [tilespmem:s21], [sflag:$0x4], $0x80, s30, s20, $0xb8;
	[tilespmem:$0x1FC00] =	vst v63  }
0xd4: {  	_ =	swait.ge [sflag:s25], $0x4000  }
0xd5: {  	[sflag:s25] =	ssyncset.done $0x0  }
0xd6: {  	s31 =	simm.s32 $0x1380;
	[sflag:s25] =	ssyncadd.s32 $0xFFFFC000  }
0xd7: {  	[tilespmem:s17], [sflag:$0x1] =	stream.indirect.gather [hbm4b:s1+s20], $0x80, s31, s20, $0xb8;
	[tilespmem:$0x1FC00] =	vst v63  }
.Ltmp5:
0xd8: {  	_ = 	snop;
	(pc) =	sbr.rel .LBB2_10-.Ltmp5, $4  }
0xd9: {  	_ =	swait.ge [sflag:s28], $0x4000  }
0xda: {  	[sflag:s28] =	ssyncset.done $0x0  }
0xdb: {  	[sflag:s28] =	ssyncadd.s32 $0xFFFFC000  }
0xdc: {  	[tilespmem:s21], [sflag:$0x2] =	stream.indirect.gather [hbm4b:s1+s20], $0x80, s31, s20, $0xb8;
	[tilespmem:$0x1FC00] =	vst v63  }
.LBB2_4:
0xdd: {  	[spmem:s4] =	stream.indirect.scatter.add.f32 [tilespmem:s21], [sflag:$0x4], $0x80, s0, s20, $0xb8;
	[tilespmem:$0x1FC00] =	vst v63  }
0xde: {  	_ =	swait.ge [sflag:s25], $0x4000  }
0xdf: {  	[sflag:s25] =	ssyncset.done $0x0  }
0xe0: {  	s24 =	simm.s32 $0x100;
	[sflag:s25] =	ssyncadd.s32 $0xFFFFC000  }
0xe1: {  	[tilespmem:s17], [sflag:$0x1] =	stream.indirect.gather [hbm4b:s1+s20], $0x80, s24, s20, $0xb8;
	[tilespmem:$0x1FC00] =	vst v63  }
0xe2: {  	s7 =	simm.s32 $0x2;
	_ =	swait.ge [sflag:s28], $0x4000  }
0xe3: {  	s0 =	sand.u32 $0x6, s7;
	[sflag:s28] =	ssyncset.done $0x0  }
0xe4: {  	s2 =	simm.s32 $0x180;
	p1 =	sne.s32 s0, $0x0;
	[sflag:s28] =	ssyncadd.s32 $0xFFFFC000  }
0xe5: {  	[tilespmem:s21], [sflag:$0x2] =	stream.indirect.gather [hbm4b:s1+s20], $0x80, s2, s20, $0xb8;
	[tilespmem:$0x1FC00] =	vst v63  }
0xe6: {  	s2 =	sadd.s32 @!p1 $0x0, s13  }
0xe7: {  	s7 =	simm.s32 @!p1 $0x5;
	s2 =	sshll.u32 @!p1 s2, $0x7  }
0xe8: {  	s30 =	simm.s32 @!p1 $0x3C00;
	s24 =	simm.s32 @!p1 $0x0;
	s2 =	sadd.s32 @!p1 s3, s2  }
0xe9: {  	[tilespmem:s30], [sflag:$0x5] =	stream.linear.gather @!p1 [hbm4b:s2+s24], $0x400, $0x38;
	[tilespmem:$0x1FC00] =	vst v63  }
0xea: {  	_ =	swait.ge @!p1 [sflag:s7], $0x400  }
0xeb: {  	[sflag:s7] =	ssyncset.done @!p1 $0x0  }
0xec: {  	[sflag:s7] =	ssyncadd.s32 @!p1 $0xFFFFFC00  }
0xed: {  	_ =	swait.ge [sflag:s22], $0x4000  }
0xee: {  	s0 =	sshll.u32 s0, $0x7;
	[sflag:s22] =	ssyncset.done $0x0  }
0xef: {  	s8 =	sor.u32 $0x3C00, s0;
	[sflag:s22] =	ssyncadd.s32 $0xFFFFC000  }
0xf0: {  	[spmem:s4] =	stream.indirect.scatter.add.f32 [tilespmem:s17], [sflag:$0x3], $0x80, s8, s20, $0xb8;
	[tilespmem:$0x1FC00] =	vst v63  }
0xf1: {  	_ =	swait.ge [sflag:s23], $0x4000  }
0xf2: {  	[sflag:s23] =	ssyncset.done $0x0  }
0xf3: {  	s0 =	sadd.s32 $0x3C80, s0;
	[sflag:s23] =	ssyncadd.s32 $0xFFFFC000  }
0xf4: {  	[spmem:s4] =	stream.indirect.scatter.add.f32 [tilespmem:s21], [sflag:$0x4], $0x80, s0, s20, $0xb8;
	[tilespmem:$0x1FC00] =	vst v63  }
0xf5: {  	s29 =	simm.s32 $0x280;
	_ =	swait.ge [sflag:s25], $0x4000  }
0xf6: {  	s2 =	simm.s32 $0x3;
	s30 =	simm.s32 $0x4;
	[sflag:s25] =	ssyncset.done $0x0  }
0xf7: {  	s24 =	simm.s32 $0x200;
	s9 =	sand.u32 $0x6, s30;
	[sflag:s25] =	ssyncadd.s32 $0xFFFFC000  }
0xf8: {  	[tilespmem:s17], [sflag:$0x1] =	stream.indirect.gather [hbm4b:s1+s20], $0x80, s24, s20, $0xb8;
	[tilespmem:$0x1FC00] =	vst v63  }
0xf9: {  	s31 =	sshll.u32 s9, $0x7;
	p1 =	sne.s32 s9, $0x0;
	_ =	swait.ge [sflag:s28], $0x4000  }
0xfa: {  	s7 =	simm.s32 @!p1 $0x0;
	s0 =	simm.s32 $0x280;
	[sflag:s28] =	ssyncset.done $0x0  }
.LBB2_5:
0xfb: {  	s7 =	sadd.s32 @!p1 s13, s7  }
0xfc: {  	s29 =	sadd.s32 $0x100, s29;
	s24 =	smov.u32 s2;
	s2 =	sadd.s32 $0x1, s2  }
0xfd: {  	s8 =	simm.s32 @!p1 $0x5;
	s7 =	sshll.u32 @!p1 s7, $0x7;
	[sflag:s28] =	ssyncadd.s32 $0xFFFFC000  }
0xfe: {  	[tilespmem:s21], [sflag:$0x2] =	stream.indirect.gather [hbm4b:s1+s20], $0x80, s0, s20, $0xb8;
	[tilespmem:$0x1FC00] =	vst v63  }
0xff: {  	s9 =	simm.s32 @!p1 $0x3C00;
	s0 =	sadd.s32 @!p1 s3, s7;
	s7 =	simm.s32 @!p1 $0x0  }
0x100: {  	[tilespmem:s9], [sflag:$0x5] =	stream.linear.gather @!p1 [hbm4b:s0+s7], $0x400, $0x38;
	[tilespmem:$0x1FC00] =	vst v63  }
0x101: {  	p2 =	seq.s32 s2, $0x3B;
	s0 =	smov.u32 s29;
	_ =	swait.ge @!p1 [sflag:s8], $0x400  }
0x102: {  	[sflag:s8] =	ssyncset.done @!p1 $0x0  }
0x103: {  	[sflag:s8] =	ssyncadd.s32 @!p1 $0xFFFFFC00  }
0x104: {  	_ =	swait.ge [sflag:s22], $0x4000  }
0x105: {  	[sflag:s22] =	ssyncset.done $0x0  }
0x106: {  	s7 =	sor.u32 $0x3C00, s31;
	[sflag:s22] =	ssyncadd.s32 $0xFFFFC000  }
0x107: {  	[spmem:s4] =	stream.indirect.scatter.add.f32 [tilespmem:s17], [sflag:$0x3], $0x80, s7, s20, $0xb8;
	[tilespmem:$0x1FC00] =	vst v63  }
0x108: {  	_ =	swait.ge [sflag:s23], $0x4000  }
0x109: {  	[sflag:s23] =	ssyncset.done $0x0  }
0x10a: {  	s7 =	sadd.s32 $0x3C80, s31;
	[sflag:s23] =	ssyncadd.s32 $0xFFFFC000  }
0x10b: {  	[spmem:s4] =	stream.indirect.scatter.add.f32 [tilespmem:s21], [sflag:$0x4], $0x80, s7, s20, $0xb8;
	[tilespmem:$0x1FC00] =	vst v63  }
0x10c: {  	_ =	swait.ge [sflag:s25], $0x4000  }
.Ltmp6:
0x10d: {  	s30 =	sadd.s32 $0x2, s30;
	[sflag:s25] =	ssyncset.done $0x0;
	(pc) =	sbr.rel @!p2 .LBB2_5-.Ltmp6, $4  }
0x10e: {  	s8 =	sadd.s32 $0xFFFFFF80, s29;
	s7 =	sand.u32 $0x6, s30;
	[sflag:s25] =	ssyncadd.s32 $0xFFFFC000  }
0x10f: {  	[tilespmem:s17], [sflag:$0x1] =	stream.indirect.gather [hbm4b:s1+s20], $0x80, s8, s20, $0xb8;
	[tilespmem:$0x1FC00] =	vst v63  }
0x110: {  	p1 =	sne.s32 s7, $0x0;
	s31 =	sshll.u32 s7, $0x7;
	_ =	swait.ge [sflag:s28], $0x4000  }
0x111: {  	s7 =	sshrl.u32 @!p1 s24, $0x2;
	[sflag:s28] =	ssyncset.done $0x0  }
.Ltmp7:
0x112: {  	_ = 	snop;
	(pc) =	sbr.rel .LBB2_6-.Ltmp7, $1  }
0x113: {  	_ =	sdelay $0x3  }
.LBB2_11:
0x114: {  	_ =	sfence.sel $0x180000  }
0x115: {  	[bflag:$0x0] =	sbarrier.arrive $0xFFFF  }
0x116: {  	_ =	strace $0x90000050  }
0x117: {  	s0 =	stileid.u32;
	[bflag:$0x2] =	sbarrier.arrive $0xFFFF  }
0x118: {  	p0 =	sne.s32 s0, $0x0;
	s0 =	rddreg [dreg:$0x4]  }
0x119: {  	s0 =	sadd.s32 @!p0 $0x100000, s0  }
0x11a: {  	[sflag:s0] =	ssyncadd.tile.s32 @!p0 $0x1;
	_ =	shalt  }
.Lfunc_end2:
_tile_overlayer_lowered:
.L_overlay_start_2:
0x11b: {  	(tag) =	ssettag $0x2  }
0x11c: {  	s0 =	rddreg [dreg:$0x0];
	s2 =	stileid.u32  }
0x11d: {  	s1 =	rddreg [dreg:$0x1];
	p0 =	sne.s32 s2, $0x0  }
0x11e: {  	s3 =	rddreg [dreg:$0x2];
	[bflag:$0x3] =	sbarrier.arrive $0xFFFF;
	s2 =	simm.s32 @!p0 $0x1C05  }
0x11f: {  	[timem:s3], [sflag:s2] =	dma.local @!p0 [hbm:s0], s1  }
0x120: {  	s0 =	simm.s32 @!p0 $0x5  }
0x121: {  	_ =	swait.ge @!p0 [sflag:s0], s1  }
0x122: {  	s1 =	ssub.s32 @!p0 $0x0, s1;
	[sflag:s0] =	ssyncset.done @!p0 $0x0  }
0x123: {  	[sflag:s0] =	ssyncadd.s32 @!p0 s1  }
0x124: {  	[bflag:$0x3] =	sbarrier.arrive $0xFFFF  }
0x125: {  	_ =	shalt  }

// kernel: kernel.23.cloned.1.call-start
scs
__scs_entry_jumppad:
0x0: {  	(pc) =	sbr.rel $0x88, $3  }
0x1: {  	(tag) =	ssettag $0x0;
	lr =	simm.s32 $0x1  }
0x2: {  	[smem:$0x3F97] =	sst lr;
	_ =	strace $0xD0000000  }
0x3: {  	_ = 	snop  }
0x4: {  	_ = 	snop  }
0x5: {  	_ = 	snop  }
0x6: {  	_ = 	snop  }
0x7: {  	_ = 	snop  }
__scs_overlays_trampoline_lowered:
0x8: {  	[smem:$0x3FA6] =	sst s0  }
0x9: {  	[smem:$0x3FA7] =	sst s1  }
0xa: {  	[smem:$0x3FA8] =	sst s2  }
0xb: {  	[smem:$0x3FA9] =	sst s3  }
0xc: {  	[smem:$0x3FAA] =	sst s4  }
0xd: {  	[smem:$0x3FAB] =	sst s5  }
0xe: {  	[smem:$0x3FAC] =	sst s6  }
0xf: {  	[smem:$0x3FAD] =	sst s7  }
0x10: {  	[smem:$0x3FAE] =	sst s8  }
0x11: {  	[smem:$0x3FAF] =	sst s9;
	s0 =	simm.s32 @!p0 $0x0  }
0x12: {  	s1 =	sld [smem:$0x3F95];
	s0 =	simm.s32 @p0 $0x1  }
0x13: {  	[smem:$0x3FB0] =	sst s0;
	s0 =	simm.s32 @!p1 $0x0  }
0x14: {  	s2 =	sld [smem:$0x3F94];
	s0 =	simm.s32 @p1 $0x1  }
0x15: {  	[smem:$0x3FB1] =	sst s0;
	s0 =	simm.s32 @!p2 $0x0  }
0x16: {  	s3 =	sld [smem:$0x3FDB];
	s0 =	simm.s32 @p2 $0x1  }
0x17: {  	s4 =	simm.s32 $0x1BF5;
	[smem:$0x3FB3] =	sst s0  }
0x18: {  	s0 =	sld [smem:$0x3F96];
	_ =	swait.ge [sflag:s4], $0x0  }
0x19: {  	s7 =	sld [smem:$0x3F97]  }
0x1a: {  	s8 =	sadd.s32 $0xFFFFE003, lr  }
0x1b: {  	s9 =	sadd.s32 $0xFFFFFEF7, lr;
	s5 =	simm.s32 $0xFFFFFFFF;
	p2 =	slt.u32 s8, $0xFFFFF086  }
0x1c: {  	p1 =	slt.u32 s9, $0xF7A;
	s5 =	simm.s32 @!p2 $0x0  }
0x1d: {  	s5 =	simm.s32 @p1 $0x1;
	p0 =	seq.s32 s7, s2  }
0x1e: {  	s7 =	smul.u32 @!p0 $0xF7A, s2;
	p2 =	seq.s32 @!p0 s5, $0x0  }
0x1f: {  	s9 =	smul.u32 $0xF7A, s1;
	s8 =	simm.s32 @!p0 $0x1BF5;
	p2 =	por !p2, p0  }
0x20: {  	[sflag:s8] =	ssyncset.s32 @!p0 $0xFFFFF086;
	s6 =	sadd.s32 @!p0 s3, s7;
	s7 =	simm.s32 @!p0 $0x108  }
0x21: {  	s3 =	sadd.s32 s3, s9;
	s6 =	sadd.s32 @!p0 $0x88, s6;
	s7 =	simm.s32 @p2 $0x1082  }
0x22: {  	[simem:s7], [sflag:s8] =	dma.local @!p0 [hbm:s6], $0xF7A  }
0x23: {  	s9 =	sor.u32 $0xD0000000, s2;
	s6 =	simm.s32 $0x108;
	_ =	swait.ge @!p0 [sflag:s8], $0x0  }
0x24: {  	s3 =	sadd.s32 $0x88, s3;
	s6 =	simm.s32 @!p1 $0x1082;
	[sflag:s4] =	ssyncset.s32 $0xFFFFF086  }
0x25: {  	[simem:s6], [sflag:s4] =	dma.local [hbm:s3], $0xF7A  }
0x26: {  	[smem:$0x3F97] =	sst s1;
	(tag) =	ssettag s2;
	_ =	strace s9  }
0x27: {  	s1 =	sld [smem:$0x3FA7]  }
0x28: {  	s2 =	sld [smem:$0x3FA8]  }
0x29: {  	s4 =	sld [smem:$0x3FAA]  }
0x2a: {  	p0 =	seq.s32 s5, $0x0;
	s5 =	sld [smem:$0x3FAB]  }
0x2b: {  	s6 =	sld [smem:$0x3FAC]  }
0x2c: {  	s7 =	sld [smem:$0x3FAD]  }
0x2d: {  	s3 =	simm.s32 $0x108;
	s8 =	sld [smem:$0x3FAE]  }
0x2e: {  	s3 =	simm.s32 @!p0 $0x1082;
	s9 =	sld [smem:$0x3FAF]  }
0x2f: {  	lr =	sadd.s32 s0, s3;
	s0 =	sld [smem:$0x3FA6]  }
0x30: {  	s3 =	sld [smem:$0x3FA9]  }
0x31: {  	[smem:$0x3FB2] =	sst s10  }
0x32: {  	s10 =	sld [smem:$0x3FB0];
	_ =	sdelay $0x3  }
0x33: {  	p0 =	seq.s32 s10, $0x1;
	s10 =	sld [smem:$0x3FB2];
	_ =	sdelay $0x3  }
0x34: {  	[smem:$0x3FB2] =	sst s10  }
0x35: {  	s10 =	sld [smem:$0x3FB1];
	_ =	sdelay $0x3  }
0x36: {  	p1 =	seq.s32 s10, $0x1;
	s10 =	sld [smem:$0x3FB2];
	_ =	sdelay $0x3  }
0x37: {  	[smem:$0x3FB2] =	sst s10  }
0x38: {  	s10 =	sld [smem:$0x3FB3]  }
0x39: {  	_ = 	snop;
	(pc) =	sbr.ind lr, $3  }
0x3a: {  	_ = 	snop  }
0x3b: {  	_ = 	snop  }
0x3c: {  	p2 =	seq.s32 s10, $0x1;
	s10 =	sld [smem:$0x3FB2]  }
0x3d: {  	_ =	shalt  }
0x3e: {  	_ =	shalt  }
0x3f: {  	_ =	shalt  }
0x40: {  	_ =	shalt  }
0x41: {  	_ =	shalt  }
0x42: {  	_ =	shalt  }
0x43: {  	_ =	shalt  }
0x44: {  	_ =	shalt  }
0x45: {  	_ =	shalt  }
0x46: {  	_ =	shalt  }
0x47: {  	_ =	shalt  }
0x48: {  	_ =	shalt  }
0x49: {  	_ =	shalt  }
0x4a: {  	_ =	shalt  }
0x4b: {  	_ =	shalt  }
0x4c: {  	_ =	shalt  }
0x4d: {  	_ =	shalt  }
0x4e: {  	_ =	shalt  }
0x4f: {  	_ =	shalt  }
0x50: {  	_ =	shalt  }
0x51: {  	_ =	shalt  }
0x52: {  	_ =	shalt  }
0x53: {  	_ =	shalt  }
0x54: {  	_ =	shalt  }
0x55: {  	_ =	shalt  }
0x56: {  	_ =	shalt  }
0x57: {  	_ =	shalt  }
0x58: {  	_ =	shalt  }
0x59: {  	_ =	shalt  }
0x5a: {  	_ =	shalt  }
0x5b: {  	_ =	shalt  }
0x5c: {  	_ =	shalt  }
0x5d: {  	_ =	shalt  }
0x5e: {  	_ =	shalt  }
0x5f: {  	_ =	shalt  }
0x60: {  	_ =	shalt  }
0x61: {  	_ =	shalt  }
0x62: {  	_ =	shalt  }
0x63: {  	_ =	shalt  }
0x64: {  	_ =	shalt  }
0x65: {  	_ =	shalt  }
0x66: {  	_ =	shalt  }
0x67: {  	_ =	shalt  }
0x68: {  	_ =	shalt  }
0x69: {  	_ =	shalt  }
0x6a: {  	_ =	shalt  }
0x6b: {  	_ =	shalt  }
0x6c: {  	_ =	shalt  }
0x6d: {  	_ =	shalt  }
0x6e: {  	_ =	shalt  }
0x6f: {  	_ =	shalt  }
0x70: {  	_ =	shalt  }
0x71: {  	_ =	shalt  }
0x72: {  	_ =	shalt  }
0x73: {  	_ =	shalt  }
0x74: {  	_ =	shalt  }
0x75: {  	_ =	shalt  }
0x76: {  	_ =	shalt  }
0x77: {  	_ =	shalt  }
0x78: {  	_ =	shalt  }
0x79: {  	_ =	shalt  }
0x7a: {  	_ =	shalt  }
0x7b: {  	_ =	shalt  }
0x7c: {  	_ =	shalt  }
0x7d: {  	_ =	shalt  }
0x7e: {  	_ =	shalt  }
0x7f: {  	_ =	shalt  }
0x80: {  	_ =	shalt  }
0x81: {  	_ =	shalt  }
0x82: {  	_ =	shalt  }
0x83: {  	_ =	shalt  }
0x84: {  	_ =	shalt  }
0x85: {  	_ =	shalt  }
0x86: {  	_ =	shalt  }
0x87: {  	_ =	shalt  }
.Lfunc_end0:
.L_simem_size_0:
called_computation.4_lowered:
.L_overlay_start_0:
0x88: {  	s2 =	sld [smem:$0x3FD9]  }
0x89: {  	s3 =	sld [smem:$0x3FFE];
	_ =	sdelay $0x1  }
0x8a: {  	s1 =	srdreg.scid  }
0x8b: {  	s0 =	sand.u32 $0x1, s1  }
0x8c: {  	s14 =	sshll.u32 s0, $0xA;
	s2 =	sadd.s32 s3, s2  }
0x8d: {  	s2 =	sadd.s32 s2, s14  }
0x8e: {  	[smem:$0x3FBE] =	sst s2  }
0x8f: {  	_ = 	snop  }
0x90: {  	s2 =	sld [smem:$0x3FD0];
	_ =	sdelay $0x2  }
0x91: {  	s15 =	simm.s32 $0xB;
	s4 =	simm.s32 $0x10  }
0x92: {  	[smem:s4], [sflag:s15] =	dma.local [hbm:s2], $0x1  }
0x93: {  	_ =	swait.eq [sflag:s15], $0x1  }
0x94: {  	[sflag:s15] =	ssyncset.done $0x0  }
0x95: {  	[sflag:s15] =	ssyncadd.s32 $0xFFFFFFFF  }
0x96: {  	s16 =	sld [smem:$0x11];
	(tm) =	ssettm $0x1  }
0x97: {  	s17 =	sld [smem:$0x3FFB];
	_ =	sdelay $0x3  }
0x98: {  	_ =	strace s17  }
0x99: {  	s3 =	sld [smem:$0x3FFC];
	_ =	sdelay $0x3  }
0x9a: {  	_ =	strace s3  }
0x9b: {  	s3 =	sld [smem:$0x3FFD];
	_ =	sdelay $0x3  }
0x9c: {  	_ =	strace s3  }
0x9d: {  	_ =	strace $0x8FFFFFFF  }
0x9e: {  	s18 =	sld [smem:$0x3FDB];
	_ =	sdelay $0x1  }
0x9f: {  	s19 =	simm.s32 $_scs_section_size  }
0xa0: {  	s5 =	simm.s32 $_size__tile_overlayer_lowered;
	s6 =	simm.s32 $_tile_overlayer_lowered  }
0xa1: {  	s22 =	simm.s32 $0x1BFF;
	s21 =	sshll.u32 s6, $0x1;
	s3 =	sadd.s32 s19, s18  }
0xa2: {  	s7 =	simm.s32 $0x0;
	s20 =	sshll.u32 s5, $0x1;
	s5 =	sadd.s32 s21, s3  }
0xa3: {  	[timem:s7], [sflag:s22] =	dma.local [hbm:s5], s20  }
0xa4: {  	_ =	swait.ge [sflag:s22], s20  }
0xa5: {  	s4 =	ssub.s32 $0x0, s20;
	[sflag:s22] =	ssyncset.done $0x0  }
0xa6: {  	[sflag:s22] =	ssyncadd.s32 s4;
	_ =	sdelay $0x1  }
0xa7: {  	s23 =	simm.s32 $0x1B8B  }
0xa8: {  	_ =	swait.ge [sflag:s23], $0x1  }
0xa9: {  	[sflag:s23] =	ssyncset.done $0x0  }
0xaa: {  	s25 =	simm.s32 $0x1B8E;
	s24 =	sld [smem:$0x3FFE];
	[sflag:s23] =	ssyncadd.s32 $0xFFFFFFFF  }
0xab: {  	s26 =	simm.s32 $execute0_lowered;
	[smem:$0x3FD2] =	sst s25  }
0xac: {  	s5 =	sshll.u32 s26, $0x1;
	_ =	strace $0x80000052;
	[dreg:$0x1] =	wrdreg $0xFFFFFFFF  }
0xad: {  	s28 =	simm.s32 $_size_execute0_lowered;
	s3 =	sadd.s32 s3, s5;
	[dreg:$0x0] =	wrdreg $0x0  }
0xae: {  	s5 =	sshll.u32 s28, $0x1;
	[dreg:$0x2] =	wrdreg s3  }
0xaf: {  	[dreg:$0x3] =	wrdreg s5  }
0xb0: {  	[dreg:$0x4] =	wrdreg $0xC0  }
0xb1: {  	_ =	task [dreg:s7], $0x5FFFF  }
0xb2: {  	[dreg:$0x1] =	wrdreg $0xFFFFFFFF  }
0xb3: {  	[dreg:$0x0] =	wrdreg $0x60  }
0xb4: {  	[dreg:$0x2] =	wrdreg s24  }
0xb5: {  	[dreg:$0x3] =	wrdreg s16  }
0xb6: {  	[dreg:$0x4] =	wrdreg $0xC0000  }
0xb7: {  	[dreg:$0x5] =	wrdreg $0x9  }
0xb8: {  	_ =	task.clear_ibuf [dreg:s7], $0x6FFFF;
	_ =	strace $0x90000052  }
0xb9: {  	s29 =	simm.s32 $0x9;
	_ =	strace $0x80000054  }
0xba: {  	_ =	swait.ge [sflag:s29], $0x1  }
0xbb: {  	[sflag:s29] =	ssyncadd.s32 $0xFFFFFFFF  }
0xbc: {  	_ =	strace $0x90000054  }
0xbd: {  	_ =	sfence  }
0xbe: {  	s30 =	sld [smem:$0x0];
	_ =	sdelay $0x2  }
0xbf: {  	s31 =	sshll.u32 s1, $0xD;
	s1 =	sshrl.u32 s1, $0x2  }
0xc0: {  	s3 =	sand.u32 $0x4000, s31;
	s1 =	sadd.s32 s1, s30  }
0xc1: {  	s0 =	sor.u32 s3, s0;
	s1 =	sshll.u32 s1, $0x11  }
0xc2: {  	s0 =	sor.u32 s1, s0  }
0xc3: {  	s0 =	sadd.s32 $0x8F2B, s0  }
0xc4: {  	[sflag:s0] =	ssyncadd.remote.s32 $0x1  }
0xc5: {  	_ =	sfence.sel $0xFFFF  }
0xc6: {  	[dreg:$0x0] =	wrdreg $0xFFFFFFFF;
	(pc) =	sbr.abs _section_cstart, $3  }
0xc7: {  	[dreg:$0x1] =	wrdreg $0xFFFFFFFF  }
0xc8: {  	_ =	task.clear_ibuf [dreg:s7], $0x2FFFF;
	_ =	strace $0x9FFFFFFF  }
0xc9: {  	(tm) =	ssettm $0x7FFFFFFF  }
tec
execute0_lowered:
.L_overlay_start_1:
0x0: {  	(tag) =	ssettag $0x1  }
0x1: {  	s0 =	rddreg [dreg:$0x0]  }
0x2: {  	s1 =	srdreg.scid;
	s2 =	rddreg [dreg:$0x1]  }
0x3: {  	s9 =	stileid.u32;
	s3 =	rddreg [dreg:$0x2];
	s4 =	simm.s32 $0x0  }
0x4: {  	s17 =	simm.s32 $0x4000;
	s18 =	simm.s32 $0x5;
	s19 =	simm.s32 $0x3C00  }
0x5: {  	s20 =	simm.s32 $0x80;
	s21 =	simm.s32 $0x8000;
	s7 =	smul.u32 $0xA0, s9  }
0x6: {  	s22 =	simm.s32 $0x1;
	s23 =	simm.s32 $0x2;
	s8 =	smul.u32 $0x13C00, s9  }
0x7: {  	s25 =	simm.s32 $0x3;
	s1 =	sand.u32 $0x1, s1;
	s9 =	smul.u32 $0x4F000, s9  }
0x8: {  	s28 =	simm.s32 $0x4;
	[smem:$0x7FF] =	sst s4;
	s5 =	smul.u32 $0x78, s1  }
0x9: {  	s6 =	smul.u32 $0x13C000, s1;
	_ =	strace $0x80000053;
	s26 =	ssub.s32 $0x2, s1  }
0xa: {  	p0 =	seq.s32 s1, $0x1;
	s9 =	sshrl.u32 s9, $0x2;
	s13 =	sshrl.u32 s26, $0x1  }
0xb: {  	s14 =	sadd.s32 s5, s7;
	s5 =	sadd.s32 $0xE400, s0;
	s6 =	sadd.s32 s8, s6  }
0xc: {  	s16 =	ssub.s32 s26, s13;
	s13 =	sshrl.u32 s7, $0x3;
	s26 =	simm.s32 $0x0  }
0xd: {  	s12 =	sshll.u32 s14, $0x4;
	s10 =	sshrl.u32 s6, $0x3;
	s6 =	sadd.s32 s9, s3  }
.Ltmp0:
0xe: {  	s14 =	sshrl.u32 s14, $0x3;
	s16 =	smax.u32 s16, $0x1;
	(pc) =	sbr.rel .LBB2_1-.Ltmp0, $4  }
0xf: {  	s11 =	sadd.s32 s12, s0;
	s0 =	sadd.s32 s10, s0;
	s29 =	sadd.s32 $0x4000, s6  }
0x10: {  	s30 =	sadd.s32 $0x8000, s6;
	s31 =	sadd.s32 $0xC000, s6;
	[dreg:$0x4] =	wrdreg s29  }
0x11: {  	s10 =	sadd.s32 $0x10000, s6;
	s12 =	sadd.s32 s2, s12;
	[dreg:$0x5] =	wrdreg s30  }
0x12: {  	v0 =	vimm.f32 $0.0e+00;
	[dreg:$0x6] =	wrdreg s31;
	s11 =	sadd.s32 $0x3E00, s11;
	s15 =	sadd.s32 $0xAD400, s0  }
.LBB2_6:
0x13: {  	s0 =	sadd.s32 @!p1 s13, s7  }
0x14: {  	s7 =	simm.s32 @!p1 $0x5;
	[sflag:s28] =	ssyncadd.s32 $0xFFFFC000;
	s0 =	sshll.u32 @!p1 s0, $0x7  }
0x15: {  	[tilespmem:s21], [sflag:$0x2] =	stream.indirect.gather [hbm4b:s5+s20], $0x80, s1, s20, $0xb8;
	[tilespmem:$0x1FC00] =	vst v63  }
0x16: {  	s8 =	simm.s32 @!p1 $0x3C00;
	s1 =	simm.s32 @!p1 $0x0;
	s0 =	sadd.s32 @!p1 s2, s0  }
0x17: {  	[tilespmem:s8], [sflag:$0x5] =	stream.linear.gather @!p1 [hbm4b:s0+s1], $0x400, $0x38;
	[tilespmem:$0x1FC00] =	vst v63  }
0x18: {  	_ =	swait.ge @!p1 [sflag:s7], $0x400  }
0x19: {  	[sflag:s7] =	ssyncset.done @!p1 $0x0  }
0x1a: {  	[sflag:s7] =	ssyncadd.s32 @!p1 $0xFFFFFC00  }
0x1b: {  	_ =	swait.ge [sflag:s22], $0x4000  }
0x1c: {  	[sflag:s22] =	ssyncset.done $0x0  }
0x1d: {  	s7 =	sor.u32 $0x3C00, s31;
	[sflag:s22] =	ssyncadd.s32 $0xFFFFC000  }
0x1e: {  	[spmem:s3] =	stream.indirect.scatter.add.f32 [tilespmem:s17], [sflag:$0x3], $0x80, s7, s20, $0xb8;
	[tilespmem:$0x1FC00] =	vst v63  }
0x1f: {  	_ =	swait.ge [sflag:s23], $0x4000  }
0x20: {  	[sflag:s23] =	ssyncset.done $0x0  }
0x21: {  	s8 =	sadd.s32 $0x3C80, s31;
	[sflag:s23] =	ssyncadd.s32 $0xFFFFC000  }
0x22: {  	[spmem:s3] =	stream.indirect.scatter.add.f32 [tilespmem:s21], [sflag:$0x4], $0x80, s8, s20, $0xb8;
	[tilespmem:$0x1FC00] =	vst v63  }
0x23: {  	_ =	swait.ge [sflag:s25], $0x4000  }
0x24: {  	s9 =	sadd.s32 $0x100, s29;
	[sflag:s25] =	ssyncset.done $0x0  }
0x25: {  	s24 =	sadd.s32 $0xFFFFFF80, s9;
	[sflag:s25] =	ssyncadd.s32 $0xFFFFC000  }
0x26: {  	[tilespmem:s17], [sflag:$0x1] =	stream.indirect.gather [hbm4b:s5+s20], $0x80, s24, s20, $0xb8;
	[tilespmem:$0x1FC00] =	vst v63  }
0x27: {  	_ =	swait.ge [sflag:s28], $0x4000  }
0x28: {  	[sflag:s28] =	ssyncset.done $0x0  }
0x29: {  	[sflag:s28] =	ssyncadd.s32 $0xFFFFC000  }
0x2a: {  	[tilespmem:s21], [sflag:$0x2] =	stream.indirect.gather [hbm4b:s5+s20], $0x80, s9, s20, $0xb8;
	[tilespmem:$0x1FC00] =	vst v63  }
0x2b: {  	_ =	swait.ge [sflag:s22], $0x4000  }
0x2c: {  	[sflag:s22] =	ssyncset.done $0x0  }
0x2d: {  	s29 =	simm.s32 $0x3F00;
	[sflag:s22] =	ssyncadd.s32 $0xFFFFC000  }
0x2e: {  	[spmem:s3] =	stream.indirect.scatter.add.f32 [tilespmem:s17], [sflag:$0x3], $0x80, s29, s20, $0xb8;
	[tilespmem:$0x1FC00] =	vst v63  }
0x2f: {  	_ =	swait.ge [sflag:s23], $0x4000  }
0x30: {  	[sflag:s23] =	ssyncset.done $0x0  }
0x31: {  	s30 =	simm.s32 $0x3F80;
	[sflag:s23] =	ssyncadd.s32 $0xFFFFC000  }
0x32: {  	[spmem:s3] =	stream.indirect.scatter.add.f32 [tilespmem:s21], [sflag:$0x4], $0x80, s30, s20, $0xb8;
	[tilespmem:$0x1FC00] =	vst v63  }
0x33: {  	_ =	swait.ge [sflag:s25], $0x4000  }
0x34: {  	[sflag:s25] =	ssyncset.done $0x0  }
0x35: {  	s31 =	simm.s32 $0x3B80;
	[sflag:s25] =	ssyncadd.s32 $0xFFFFC000  }
0x36: {  	[tilespmem:s17], [sflag:$0x1] =	stream.indirect.gather [hbm4b:s5+s20], $0x80, s31, s20, $0xb8;
	[tilespmem:$0x1FC00] =	vst v63  }
0x37: {  	_ =	swait.ge [sflag:s28], $0x4000  }
0x38: {  	[sflag:s28] =	ssyncset.done $0x0  }
0x39: {  	[sflag:s28] =	ssyncadd.s32 $0xFFFFC000  }
0x3a: {  	[tilespmem:s21], [sflag:$0x2] =	stream.indirect.gather [hbm4b:s5+s20], $0x80, s31, s20, $0xb8;
	[tilespmem:$0x1FC00] =	vst v63  }
.LBB2_10:
0x3b: {  	_ =	swait.ge [sflag:s22], $0x4000  }
0x3c: {  	[sflag:s22] =	ssyncset.done $0x0  }
0x3d: {  	[sflag:s22] =	ssyncadd.s32 $0xFFFFC000  }
0x3e: {  	s0 =	stileid.u32;
	_ =	swait.ge [sflag:s23], $0x4000  }
0x3f: {  	s1 =	sshrl.u32 s6, $0x3;
	s26 =	sadd.s32 $0x1, s26;
	[sflag:s23] =	ssyncset.done $0x0  }
0x40: {  	s0 =	sshll.u32 s0, $0x6;
	p1 =	sne.s32 s26, s16;
	[sflag:s23] =	ssyncadd.s32 $0xFFFFC000  }
.Ltmp1:
0x41: {  	s0 =	sor.u32 $0x1C05, s0;
	[bflag:$0x0] =	sbarrier.arrive $0xFFFF;
	(pc) =	sbr.rel @!p1 .LBB2_11-.Ltmp1, $4  }
0x42: {  	[hbm:s15], [sflag:s0] =	dma.local [spmem:s1], $0x2780  }
0x43: {  	_ =	swait.ge [sflag:s18], $0x2780  }
0x44: {  	[sflag:s18] =	ssyncset.done $0x0  }
0x45: {  	[sflag:s18] =	ssyncadd.s32 $0xFFFFD880  }
.LBB2_1:
0x46: {  	s0 =	simm.s32 $0x0;
	s1 =	simm.s32 $0x200  }
.LBB2_2:
0x47: {  	p1 =	sne.s32 s1, $0xFE00;
	[tilespmem:s0+$0x4070] =	vst v0  }
0x48: {  	[tilespmem:s0+$0x4000] =	vst v0  }
0x49: {  	[tilespmem:s0+$0x4010] =	vst v0  }
.Ltmp2:
0x4a: {  	[tilespmem:s0+$0x4020] =	vst v0;
	(pc) =	sbr.rel @p1 .LBB2_2-.Ltmp2, $4  }
0x4b: {  	[tilespmem:s0+$0x4030] =	vst v0  }
0x4c: {  	[tilespmem:s0+$0x4040] =	vst v0  }
0x4d: {  	[tilespmem:s0+$0x4050] =	vst v0  }
0x4e: {  	[tilespmem:s0+$0x4060] =	vst v0;
	s0 =	sshra.s32 s1, $0x2;
	s1 =	sadd.s32 $0x200, s1  }
0x4f: {  	[tilespmem:s0+$0x4070] =	vst v0  }
0x50: {  	[tilespmem:s0+$0x4000] =	vst v0  }
0x51: {  	[tilespmem:s0+$0x4010] =	vst v0  }
0x52: {  	[tilespmem:s0+$0x4020] =	vst v0  }
0x53: {  	[tilespmem:s0+$0x4030] =	vst v0  }
0x54: {  	[tilespmem:s0+$0x4040] =	vst v0  }
0x55: {  	[tilespmem:s0+$0x4050] =	vst v0  }
0x56: {  	[tilespmem:s0+$0x4060] =	vst v0  }
0x57: {  	[spmem:s6] =	stream.linear.scatter [tilespmem:s17], [sflag:$0x5], $0x4000, $0x38;
	[tilespmem:$0x1FC00] =	vst v63  }
0x58: {  	_ =	swait.ge [sflag:s18], $0x4000  }
0x59: {  	[sflag:s18] =	ssyncset.done $0x0  }
0x5a: {  	s29 =	rddreg [dreg:$0x4];
	[sflag:s18] =	ssyncadd.s32 $0xFFFFC000  }
0x5b: {  	[spmem:s29] =	stream.linear.scatter [tilespmem:s17], [sflag:$0x5], $0x4000, $0x38;
	[tilespmem:$0x1FC00] =	vst v63  }
0x5c: {  	_ =	swait.ge [sflag:s18], $0x4000  }
0x5d: {  	[sflag:s18] =	ssyncset.done $0x0  }
0x5e: {  	s30 =	rddreg [dreg:$0x5];
	[sflag:s18] =	ssyncadd.s32 $0xFFFFC000  }
0x5f: {  	[spmem:s30] =	stream.linear.scatter [tilespmem:s17], [sflag:$0x5], $0x4000, $0x38;
	[tilespmem:$0x1FC00] =	vst v63  }
0x60: {  	_ =	swait.ge [sflag:s18], $0x4000  }
0x61: {  	[sflag:s18] =	ssyncset.done $0x0  }
0x62: {  	s31 =	rddreg [dreg:$0x6];
	[sflag:s18] =	ssyncadd.s32 $0xFFFFC000  }
0x63: {  	[spmem:s31] =	stream.linear.scatter [tilespmem:s17], [sflag:$0x5], $0x4000, $0x38;
	[tilespmem:$0x1FC00] =	vst v63  }
0x64: {  	_ =	swait.ge [sflag:s18], $0x4000  }
0x65: {  	[sflag:s18] =	ssyncset.done $0x0  }
0x66: {  	[sflag:s18] =	ssyncadd.s32 $0xFFFFC000  }
0x67: {  	[spmem:s10] =	stream.linear.scatter [tilespmem:s17], [sflag:$0x5], $0x3C00, $0x38;
	[tilespmem:$0x1FC00] =	vst v63  }
0x68: {  	_ =	swait.ge [sflag:s18], $0x3C00  }
0x69: {  	[sflag:s18] =	ssyncset.done $0x0  }
0x6a: {  	[sflag:s18] =	ssyncadd.s32 $0xFFFFC400  }
0x6b: {  	[bflag:$0x0] =	sbarrier.arrive $0xFFFF  }
0x6c: {  	[tilespmem:s4], [sflag:$0x5] =	stream.linear.gather [hbm4b:s11+s4], $0x3C00, $0x38;
	[tilespmem:$0x1FC00] =	vst v63  }
0x6d: {  	_ =	swait.ge [sflag:s18], $0x3C00  }
0x6e: {  	[sflag:s18] =	ssyncset.done $0x0  }
0x6f: {  	[sflag:s18] =	ssyncadd.s32 $0xFFFFC400  }
0x70: {  	[tilespmem:s19], [sflag:$0x5] =	stream.linear.gather [hbm4b:s12+s4], $0x400, $0x38;
	[tilespmem:$0x1FC00] =	vst v63  }
0x71: {  	_ =	swait.ge [sflag:s18], $0x400  }
0x72: {  	[sflag:s18] =	ssyncset.done $0x0  }
0x73: {  	[sflag:s18] =	ssyncadd.s32 $0xFFFFFC00  }
0x74: {  	[tilespmem:s17], [sflag:$0x1] =	stream.indirect.gather [hbm4b:s5+s20], $0x80, s4, s20, $0xb8;
	[tilespmem:$0x1FC00] =	vst v63  }
0x75: {  	_ = 	snop  }
0x76: {  	[tilespmem:s21], [sflag:$0x2] =	stream.indirect.gather [hbm4b:s5+s20], $0x80, s20, s20, $0xb8;
	[tilespmem:$0x1FC00] =	vst v63  }
0x77: {  	_ =	swait.ge [sflag:s22], $0x4000  }
0x78: {  	[sflag:s22] =	ssyncset.done $0x0  }
.Ltmp3:
0x79: {  	[sflag:s22] =	ssyncadd.s32 $0xFFFFC000;
	(pc) =	sbr.rel @!p0 .LBB2_4-.Ltmp3, $4  }
0x7a: {  	[spmem:s3] =	stream.indirect.scatter.add.f32 [tilespmem:s17], [sflag:$0x3], $0x80, s19, s20, $0xb8;
	[tilespmem:$0x1FC00] =	vst v63  }
0x7b: {  	_ =	swait.ge [sflag:s23], $0x4000  }
0x7c: {  	[sflag:s23] =	ssyncset.done $0x0  }
0x7d: {  	s0 =	simm.s32 $0x3C80;
	[sflag:s23] =	ssyncadd.s32 $0xFFFFC000  }
0x7e: {  	[spmem:s3] =	stream.indirect.scatter.add.f32 [tilespmem:s21], [sflag:$0x4], $0x80, s0, s20, $0xb8;
	[tilespmem:$0x1FC00] =	vst v63  }
0x7f: {  	_ =	swait.ge [sflag:s25], $0x4000  }
0x80: {  	[sflag:s25] =	ssyncset.done $0x0  }
0x81: {  	s24 =	simm.s32 $0x100;
	[sflag:s25] =	ssyncadd.s32 $0xFFFFC000  }
0x82: {  	[tilespmem:s17], [sflag:$0x1] =	stream.indirect.gather [hbm4b:s5+s20], $0x80, s24, s20, $0xb8;
	[tilespmem:$0x1FC00] =	vst v63  }
0x83: {  	s7 =	simm.s32 $0x2;
	_ =	swait.ge [sflag:s28], $0x4000  }
0x84: {  	s0 =	sand.u32 $0x6, s7;
	[sflag:s28] =	ssyncset.done $0x0  }
0x85: {  	s1 =	simm.s32 $0x180;
	p1 =	sne.s32 s0, $0x0;
	[sflag:s28] =	ssyncadd.s32 $0xFFFFC000  }
0x86: {  	[tilespmem:s21], [sflag:$0x2] =	stream.indirect.gather [hbm4b:s5+s20], $0x80, s1, s20, $0xb8;
	[tilespmem:$0x1FC00] =	vst v63  }
0x87: {  	s1 =	sadd.s32 @!p1 $0x0, s14  }
0x88: {  	s1 =	sshll.u32 @!p1 s1, $0x7  }
0x89: {  	s7 =	simm.s32 @!p1 $0x0;
	s1 =	sand.u32 @!p1 $0x1FFFFF80, s1  }
0x8a: {  	s8 =	simm.s32 @!p1 $0x3C00;
	s9 =	simm.s32 @!p1 $0x5;
	s1 =	sadd.s32 @!p1 s2, s1  }
0x8b: {  	[tilespmem:s8], [sflag:$0x5] =	stream.linear.gather @!p1 [hbm4b:s1+s7], $0x400, $0x38;
	[tilespmem:$0x1FC00] =	vst v63  }
0x8c: {  	_ =	swait.ge @!p1 [sflag:s9], $0x400  }
0x8d: {  	[sflag:s9] =	ssyncset.done @!p1 $0x0  }
0x8e: {  	[sflag:s9] =	ssyncadd.s32 @!p1 $0xFFFFFC00  }
0x8f: {  	_ =	swait.ge [sflag:s22], $0x4000  }
0x90: {  	s8 =	sshll.u32 s0, $0x7;
	[sflag:s22] =	ssyncset.done $0x0  }
0x91: {  	s0 =	sor.u32 $0x3C00, s8;
	[sflag:s22] =	ssyncadd.s32 $0xFFFFC000  }
0x92: {  	[spmem:s3] =	stream.indirect.scatter.add.f32 [tilespmem:s17], [sflag:$0x3], $0x80, s0, s20, $0xb8;
	[tilespmem:$0x1FC00] =	vst v63  }
0x93: {  	_ =	swait.ge [sflag:s23], $0x4000  }
0x94: {  	s29 =	simm.s32 $0x280;
	s31 =	simm.s32 $0x3;
	[sflag:s23] =	ssyncset.done $0x0  }
0x95: {  	s1 =	sadd.s32 $0x3C80, s8;
	s0 =	simm.s32 $0x4;
	[sflag:s23] =	ssyncadd.s32 $0xFFFFC000  }
0x96: {  	[spmem:s3] =	stream.indirect.scatter.add.f32 [tilespmem:s21], [sflag:$0x4], $0x80, s1, s20, $0xb8;
	[tilespmem:$0x1FC00] =	vst v63  }
0x97: {  	s24 =	simm.s32 $0x200;
	s9 =	sand.u32 $0x6, s0;
	_ =	swait.ge [sflag:s25], $0x4000  }
0x98: {  	p1 =	sne.s32 s9, $0x0;
	s30 =	sshll.u32 s9, $0x7;
	[sflag:s25] =	ssyncset.done $0x0  }
0x99: {  	s7 =	sadd.s32 @!p1 $0x0, s14;
	s1 =	simm.s32 $0x280;
	[sflag:s25] =	ssyncadd.s32 $0xFFFFC000  }
.LBB2_8:
0x9a: {  	s7 =	sshll.u32 @!p1 s7, $0x7  }
0x9b: {  	s29 =	sadd.s32 $0x100, s29;
	s8 =	smov.u32 s31;
	s31 =	sadd.s32 $0x1, s31  }
0x9c: {  	[tilespmem:s17], [sflag:$0x1] =	stream.indirect.gather [hbm4b:s5+s20], $0x80, s24, s20, $0xb8;
	[tilespmem:$0x1FC00] =	vst v63  }
0x9d: {  	p2 =	sne.s32 s31, $0x13;
	s7 =	sand.u32 @!p1 $0x1FFFFF80, s7;
	_ =	swait.ge [sflag:s28], $0x4000  }
0x9e: {  	s7 =	sadd.s32 @!p1 s2, s7;
	[sflag:s28] =	ssyncset.done $0x0  }
0x9f: {  	[sflag:s28] =	ssyncadd.s32 $0xFFFFC000  }
0xa0: {  	[tilespmem:s21], [sflag:$0x2] =	stream.indirect.gather [hbm4b:s5+s20], $0x80, s1, s20, $0xb8;
	[tilespmem:$0x1FC00] =	vst v63  }
0xa1: {  	s9 =	simm.s32 @!p1 $0x3C00;
	s24 =	simm.s32 @!p1 $0x5;
	s1 =	simm.s32 @!p1 $0x0  }
0xa2: {  	[tilespmem:s9], [sflag:$0x5] =	stream.linear.gather @!p1 [hbm4b:s7+s1], $0x400, $0x38;
	[tilespmem:$0x1FC00] =	vst v63  }
0xa3: {  	s1 =	smov.u32 s29;
	_ =	swait.ge @!p1 [sflag:s24], $0x400  }
0xa4: {  	[sflag:s24] =	ssyncset.done @!p1 $0x0  }
0xa5: {  	[sflag:s24] =	ssyncadd.s32 @!p1 $0xFFFFFC00  }
0xa6: {  	_ =	swait.ge [sflag:s22], $0x4000  }
0xa7: {  	[sflag:s22] =	ssyncset.done $0x0  }
0xa8: {  	s7 =	sor.u32 $0x3C00, s30;
	[sflag:s22] =	ssyncadd.s32 $0xFFFFC000  }
0xa9: {  	[spmem:s3] =	stream.indirect.scatter.add.f32 [tilespmem:s17], [sflag:$0x3], $0x80, s7, s20, $0xb8;
	[tilespmem:$0x1FC00] =	vst v63  }
0xaa: {  	s0 =	sadd.s32 $0x2, s0;
	_ =	swait.ge [sflag:s23], $0x4000  }
0xab: {  	s9 =	sadd.s32 $0x3C80, s30;
	s24 =	sadd.s32 $0xFFFFFF80, s29;
	[sflag:s23] =	ssyncset.done $0x0  }
.Ltmp4:
0xac: {  	s7 =	sand.u32 $0x6, s0;
	[sflag:s23] =	ssyncadd.s32 $0xFFFFC000;
	(pc) =	sbr.rel @p2 .LBB2_8-.Ltmp4, $4  }
0xad: {  	[spmem:s3] =	stream.indirect.scatter.add.f32 [tilespmem:s21], [sflag:$0x4], $0x80, s9, s20, $0xb8;
	[tilespmem:$0x1FC00] =	vst v63  }
0xae: {  	p1 =	sne.s32 s7, $0x0;
	s30 =	sshll.u32 s7, $0x7;
	_ =	swait.ge [sflag:s25], $0x4000  }
0xaf: {  	s7 =	sshrl.u32 @!p1 s8, $0x2;
	[sflag:s25] =	ssyncset.done $0x0  }
0xb0: {  	s7 =	sadd.s32 @!p1 s14, s7;
	[sflag:s25] =	ssyncadd.s32 $0xFFFFC000  }
0xb1: {  	[tilespmem:s17], [sflag:$0x1] =	stream.indirect.gather [hbm4b:s5+s20], $0x80, s24, s20, $0xb8;
	[tilespmem:$0x1FC00] =	vst v63  }
0xb2: {  	_ =	swait.ge [sflag:s28], $0x4000  }
0xb3: {  	s0 =	sshll.u32 @!p1 s7, $0x7;
	[sflag:s28] =	ssyncset.done $0x0  }
0xb4: {  	s7 =	simm.s32 @!p1 $0x3C00;
	s0 =	sand.u32 @!p1 $0x1FFFFF80, s0;
	[sflag:s28] =	ssyncadd.s32 $0xFFFFC000  }
0xb5: {  	[tilespmem:s21], [sflag:$0x2] =	stream.indirect.gather [hbm4b:s5+s20], $0x80, s1, s20, $0xb8;
	[tilespmem:$0x1FC00] =	vst v63  }
0xb6: {  	s8 =	simm.s32 @!p1 $0x5;
	s0 =	sadd.s32 @!p1 s2, s0;
	s1 =	simm.s32 @!p1 $0x0  }
0xb7: {  	[tilespmem:s7], [sflag:$0x5] =	stream.linear.gather @!p1 [hbm4b:s0+s1], $0x400, $0x38;
	[tilespmem:$0x1FC00] =	vst v63  }
0xb8: {  	_ =	swait.ge @!p1 [sflag:s8], $0x400  }
0xb9: {  	[sflag:s8] =	ssyncset.done @!p1 $0x0  }
0xba: {  	[sflag:s8] =	ssyncadd.s32 @!p1 $0xFFFFFC00  }
0xbb: {  	_ =	swait.ge [sflag:s22], $0x4000  }
0xbc: {  	[sflag:s22] =	ssyncset.done $0x0  }
0xbd: {  	s7 =	sor.u32 $0x3C00, s30;
	[sflag:s22] =	ssyncadd.s32 $0xFFFFC000  }
0xbe: {  	[spmem:s3] =	stream.indirect.scatter.add.f32 [tilespmem:s17], [sflag:$0x3], $0x80, s7, s20, $0xb8;
	[tilespmem:$0x1FC00] =	vst v63  }
0xbf: {  	_ =	swait.ge [sflag:s23], $0x4000  }
0xc0: {  	[sflag:s23] =	ssyncset.done $0x0  }
0xc1: {  	s8 =	sadd.s32 $0x3C80, s30;
	[sflag:s23] =	ssyncadd.s32 $0xFFFFC000  }
0xc2: {  	[spmem:s3] =	stream.indirect.scatter.add.f32 [tilespmem:s21], [sflag:$0x4], $0x80, s8, s20, $0xb8;
	[tilespmem:$0x1FC00] =	vst v63  }
0xc3: {  	_ =	swait.ge [sflag:s25], $0x4000  }
0xc4: {  	s9 =	sadd.s32 $0x100, s29;
	[sflag:s25] =	ssyncset.done $0x0  }
0xc5: {  	s24 =	sadd.s32 $0xFFFFFF80, s9;
	[sflag:s25] =	ssyncadd.s32 $0xFFFFC000  }
0xc6: {  	[tilespmem:s17], [sflag:$0x1] =	stream.indirect.gather [hbm4b:s5+s20], $0x80, s24, s20, $0xb8;
	[tilespmem:$0x1FC00] =	vst v63  }
0xc7: {  	_ =	swait.ge [sflag:s28], $0x4000  }
0xc8: {  	[sflag:s28] =	ssyncset.done $0x0  }
0xc9: {  	[sflag:s28] =	ssyncadd.s32 $0xFFFFC000  }
0xca: {  	[tilespmem:s21], [sflag:$0x2] =	stream.indirect.gather [hbm4b:s5+s20], $0x80, s9, s20, $0xb8;
	[tilespmem:$0x1FC00] =	vst v63  }
0xcb: {  	_ =	swait.ge [sflag:s22], $0x4000  }
0xcc: {  	[sflag:s22] =	ssyncset.done $0x0  }
0xcd: {  	s29 =	simm.s32 $0x3F00;
	[sflag:s22] =	ssyncadd.s32 $0xFFFFC000  }
0xce: {  	[spmem:s3] =	stream.indirect.scatter.add.f32 [tilespmem:s17], [sflag:$0x3], $0x80, s29, s20, $0xb8;
	[tilespmem:$0x1FC00] =	vst v63  }
0xcf: {  	_ =	swait.ge [sflag:s23], $0x4000  }
0xd0: {  	[sflag:s23] =	ssyncset.done $0x0  }
0xd1: {  	s30 =	simm.s32 $0x3F80;
	[sflag:s23] =	ssyncadd.s32 $0xFFFFC000  }
0xd2: {  	[spmem:s3] =	stream.indirect.scatter.add.f32 [tilespmem:s21], [sflag:$0x4], $0x80, s30, s20, $0xb8;
	[tilespmem:$0x1FC00] =	vst v63  }
0xd3: {  	_ =	swait.ge [sflag:s25], $0x4000  }
0xd4: {  	[sflag:s25] =	ssyncset.done $0x0  }
0xd5: {  	s31 =	simm.s32 $0x1380;
	[sflag:s25] =	ssyncadd.s32 $0xFFFFC000  }
0xd6: {  	[tilespmem:s17], [sflag:$0x1] =	stream.indirect.gather [hbm4b:s5+s20], $0x80, s31, s20, $0xb8;
	[tilespmem:$0x1FC00] =	vst v63  }
.Ltmp5:
0xd7: {  	_ = 	snop;
	(pc) =	sbr.rel .LBB2_10-.Ltmp5, $4  }
0xd8: {  	_ =	swait.ge [sflag:s28], $0x4000  }
0xd9: {  	[sflag:s28] =	ssyncset.done $0x0  }
0xda: {  	[sflag:s28] =	ssyncadd.s32 $0xFFFFC000  }
0xdb: {  	[tilespmem:s21], [sflag:$0x2] =	stream.indirect.gather [hbm4b:s5+s20], $0x80, s31, s20, $0xb8;
	[tilespmem:$0x1FC00] =	vst v63  }
.LBB2_4:
0xdc: {  	[spmem:s3] =	stream.indirect.scatter.add.f32 [tilespmem:s21], [sflag:$0x4], $0x80, s0, s20, $0xb8;
	[tilespmem:$0x1FC00] =	vst v63  }
0xdd: {  	_ =	swait.ge [sflag:s25], $0x4000  }
0xde: {  	[sflag:s25] =	ssyncset.done $0x0  }
0xdf: {  	s24 =	simm.s32 $0x100;
	[sflag:s25] =	ssyncadd.s32 $0xFFFFC000  }
0xe0: {  	[tilespmem:s17], [sflag:$0x1] =	stream.indirect.gather [hbm4b:s5+s20], $0x80, s24, s20, $0xb8;
	[tilespmem:$0x1FC00] =	vst v63  }
0xe1: {  	s7 =	simm.s32 $0x2;
	_ =	swait.ge [sflag:s28], $0x4000  }
0xe2: {  	s0 =	sand.u32 $0x6, s7;
	[sflag:s28] =	ssyncset.done $0x0  }
0xe3: {  	s1 =	simm.s32 $0x180;
	p1 =	sne.s32 s0, $0x0;
	[sflag:s28] =	ssyncadd.s32 $0xFFFFC000  }
0xe4: {  	[tilespmem:s21], [sflag:$0x2] =	stream.indirect.gather [hbm4b:s5+s20], $0x80, s1, s20, $0xb8;
	[tilespmem:$0x1FC00] =	vst v63  }
0xe5: {  	s1 =	sadd.s32 @!p1 $0x0, s13  }
0xe6: {  	s7 =	simm.s32 @!p1 $0x5;
	s1 =	sshll.u32 @!p1 s1, $0x7  }
0xe7: {  	s30 =	simm.s32 @!p1 $0x3C00;
	s24 =	simm.s32 @!p1 $0x0;
	s1 =	sadd.s32 @!p1 s2, s1  }
0xe8: {  	[tilespmem:s30], [sflag:$0x5] =	stream.linear.gather @!p1 [hbm4b:s1+s24], $0x400, $0x38;
	[tilespmem:$0x1FC00] =	vst v63  }
0xe9: {  	_ =	swait.ge @!p1 [sflag:s7], $0x400  }
0xea: {  	[sflag:s7] =	ssyncset.done @!p1 $0x0  }
0xeb: {  	[sflag:s7] =	ssyncadd.s32 @!p1 $0xFFFFFC00  }
0xec: {  	_ =	swait.ge [sflag:s22], $0x4000  }
0xed: {  	s0 =	sshll.u32 s0, $0x7;
	[sflag:s22] =	ssyncset.done $0x0  }
0xee: {  	s8 =	sor.u32 $0x3C00, s0;
	[sflag:s22] =	ssyncadd.s32 $0xFFFFC000  }
0xef: {  	[spmem:s3] =	stream.indirect.scatter.add.f32 [tilespmem:s17], [sflag:$0x3], $0x80, s8, s20, $0xb8;
	[tilespmem:$0x1FC00] =	vst v63  }
0xf0: {  	_ =	swait.ge [sflag:s23], $0x4000  }
0xf1: {  	[sflag:s23] =	ssyncset.done $0x0  }
0xf2: {  	s0 =	sadd.s32 $0x3C80, s0;
	[sflag:s23] =	ssyncadd.s32 $0xFFFFC000  }
0xf3: {  	[spmem:s3] =	stream.indirect.scatter.add.f32 [tilespmem:s21], [sflag:$0x4], $0x80, s0, s20, $0xb8;
	[tilespmem:$0x1FC00] =	vst v63  }
0xf4: {  	s29 =	simm.s32 $0x280;
	_ =	swait.ge [sflag:s25], $0x4000  }
0xf5: {  	s30 =	simm.s32 $0x4;
	s24 =	simm.s32 $0x200;
	[sflag:s25] =	ssyncset.done $0x0  }
0xf6: {  	s1 =	simm.s32 $0x280;
	s9 =	sand.u32 $0x6, s30;
	[sflag:s25] =	ssyncadd.s32 $0xFFFFC000  }
0xf7: {  	[tilespmem:s17], [sflag:$0x1] =	stream.indirect.gather [hbm4b:s5+s20], $0x80, s24, s20, $0xb8;
	[tilespmem:$0x1FC00] =	vst v63  }
0xf8: {  	s31 =	sshll.u32 s9, $0x7;
	p1 =	sne.s32 s9, $0x0;
	_ =	swait.ge [sflag:s28], $0x4000  }
0xf9: {  	s7 =	simm.s32 @!p1 $0x0;
	s0 =	simm.s32 $0x3;
	[sflag:s28] =	ssyncset.done $0x0  }
.LBB2_5:
0xfa: {  	s7 =	sadd.s32 @!p1 s13, s7  }
0xfb: {  	s29 =	sadd.s32 $0x100, s29;
	s24 =	smov.u32 s0;
	s0 =	sadd.s32 $0x1, s0  }
0xfc: {  	s8 =	simm.s32 @!p1 $0x5;
	s7 =	sshll.u32 @!p1 s7, $0x7;
	[sflag:s28] =	ssyncadd.s32 $0xFFFFC000  }
0xfd: {  	[tilespmem:s21], [sflag:$0x2] =	stream.indirect.gather [hbm4b:s5+s20], $0x80, s1, s20, $0xb8;
	[tilespmem:$0x1FC00] =	vst v63  }
0xfe: {  	s9 =	simm.s32 @!p1 $0x3C00;
	s1 =	sadd.s32 @!p1 s2, s7;
	s7 =	simm.s32 @!p1 $0x0  }
0xff: {  	[tilespmem:s9], [sflag:$0x5] =	stream.linear.gather @!p1 [hbm4b:s1+s7], $0x400, $0x38;
	[tilespmem:$0x1FC00] =	vst v63  }
0x100: {  	p2 =	seq.s32 s0, $0x3B;
	s1 =	smov.u32 s29;
	_ =	swait.ge @!p1 [sflag:s8], $0x400  }
0x101: {  	[sflag:s8] =	ssyncset.done @!p1 $0x0  }
0x102: {  	[sflag:s8] =	ssyncadd.s32 @!p1 $0xFFFFFC00  }
0x103: {  	_ =	swait.ge [sflag:s22], $0x4000  }
0x104: {  	[sflag:s22] =	ssyncset.done $0x0  }
0x105: {  	s7 =	sor.u32 $0x3C00, s31;
	[sflag:s22] =	ssyncadd.s32 $0xFFFFC000  }
0x106: {  	[spmem:s3] =	stream.indirect.scatter.add.f32 [tilespmem:s17], [sflag:$0x3], $0x80, s7, s20, $0xb8;
	[tilespmem:$0x1FC00] =	vst v63  }
0x107: {  	_ =	swait.ge [sflag:s23], $0x4000  }
0x108: {  	[sflag:s23] =	ssyncset.done $0x0  }
0x109: {  	s7 =	sadd.s32 $0x3C80, s31;
	[sflag:s23] =	ssyncadd.s32 $0xFFFFC000  }
0x10a: {  	[spmem:s3] =	stream.indirect.scatter.add.f32 [tilespmem:s21], [sflag:$0x4], $0x80, s7, s20, $0xb8;
	[tilespmem:$0x1FC00] =	vst v63  }
0x10b: {  	_ =	swait.ge [sflag:s25], $0x4000  }
.Ltmp6:
0x10c: {  	s30 =	sadd.s32 $0x2, s30;
	[sflag:s25] =	ssyncset.done $0x0;
	(pc) =	sbr.rel @!p2 .LBB2_5-.Ltmp6, $4  }
0x10d: {  	s8 =	sadd.s32 $0xFFFFFF80, s29;
	s7 =	sand.u32 $0x6, s30;
	[sflag:s25] =	ssyncadd.s32 $0xFFFFC000  }
0x10e: {  	[tilespmem:s17], [sflag:$0x1] =	stream.indirect.gather [hbm4b:s5+s20], $0x80, s8, s20, $0xb8;
	[tilespmem:$0x1FC00] =	vst v63  }
0x10f: {  	p1 =	sne.s32 s7, $0x0;
	s31 =	sshll.u32 s7, $0x7;
	_ =	swait.ge [sflag:s28], $0x4000  }
0x110: {  	s7 =	sshrl.u32 @!p1 s24, $0x2;
	[sflag:s28] =	ssyncset.done $0x0  }
.Ltmp7:
0x111: {  	_ = 	snop;
	(pc) =	sbr.rel .LBB2_6-.Ltmp7, $1  }
0x112: {  	_ =	sdelay $0x3  }
.LBB2_11:
0x113: {  	_ =	sfence.sel $0x180000  }
0x114: {  	[bflag:$0x0] =	sbarrier.arrive $0xFFFF  }
0x115: {  	_ =	strace $0x90000053  }
0x116: {  	s0 =	stileid.u32;
	[bflag:$0x2] =	sbarrier.arrive $0xFFFF  }
0x117: {  	p0 =	sne.s32 s0, $0x0;
	s0 =	rddreg [dreg:$0x3]  }
0x118: {  	s0 =	sadd.s32 @!p0 $0x100000, s0  }
0x119: {  	[sflag:s0] =	ssyncadd.tile.s32 @!p0 $0x1;
	_ =	shalt  }
.Lfunc_end2:
_tile_overlayer_lowered:
.L_overlay_start_2:
0x11a: {  	(tag) =	ssettag $0x2  }
0x11b: {  	s0 =	rddreg [dreg:$0x0];
	s2 =	stileid.u32  }
0x11c: {  	s1 =	rddreg [dreg:$0x1];
	p0 =	sne.s32 s2, $0x0  }
0x11d: {  	s3 =	rddreg [dreg:$0x2];
	[bflag:$0x3] =	sbarrier.arrive $0xFFFF;
	s2 =	simm.s32 @!p0 $0x1C05  }
0x11e: {  	[timem:s3], [sflag:s2] =	dma.local @!p0 [hbm:s0], s1  }
0x11f: {  	s0 =	simm.s32 @!p0 $0x5  }
0x120: {  	_ =	swait.ge @!p0 [sflag:s0], s1  }
0x121: {  	s1 =	ssub.s32 @!p0 $0x0, s1;
	[sflag:s0] =	ssyncset.done @!p0 $0x0  }
0x122: {  	[sflag:s0] =	ssyncadd.s32 @!p0 s1  }
0x123: {  	[bflag:$0x3] =	sbarrier.arrive $0xFFFF  }
0x124: {  	_ =	shalt  }

</sc_bundles>
